<compile_context>
chip_gen: v7x
topology: tpu7x:2x2x1
jax: 0.10.2.dev20260603
libtpu: 0.0.44.dev20260713+nightly
codegen_flags: <defaults>
</compile_context>

<pallas_src>
import functools

import jax
import jax.numpy as jnp
from jax import lax
from jax.experimental import pallas as pl
from jax.experimental.pallas import tpu as pltpu
from jax.experimental.pallas import tpu_sc as plsc

N = 10000
NP = 10112
E = 320000
CH = 128
NCHUNK = 2560
EP = NCHUNK * CH
KB = 16
NBLK = NCHUNK // KB
NSUB = 16
NCORE = 2
RPT = NP // NSUB
BN = 632
GRID = NP // BN


def _seg_sum(table, idx_src, idx_dst, width, es):
    nblk = NBLK // (NCORE * NSUB) if es else NBLK // NSUB
    out_type = jax.ShapeDtypeStruct((NCORE * NP, width), jnp.float32)
    NBUF = 2
    scratch = [
        pltpu.VMEM((KB, CH), jnp.int32),
        pltpu.VMEM((KB, CH), jnp.int32),
    ] + [pltpu.VMEM((CH, width), jnp.float32) for _ in range(NBUF)] + [
        pltpu.VMEM_SHARED((NP, width), jnp.float32),
    ] + [pltpu.SemaphoreType.DMA for _ in range(NBUF)]

    mesh = plsc.VectorSubcoreMesh(core_axis_name="c", subcore_axis_name="s",
                                  num_cores=NCORE, num_subcores=NSUB)

    def body(table_r, src_r, dst_r, zw_r, out_r, src_v, dst_v, *rest):
        rows = rest[:NBUF]
        acc = rest[NBUF]
        sems = rest[NBUF + 1:]
        c = lax.axis_index("c")
        s = lax.axis_index("s")
        pltpu.sync_copy(zw_r, acc.at[pl.ds(s * RPT, RPT)])
        if es:
            src_base = (s * NCORE + c) * nblk * KB
            dst_base = src_base
        else:
            src_base = c * NCHUNK + s * nblk * KB
            dst_base = s * nblk * KB
        plsc.subcore_barrier()

        @pl.loop(0, nblk)
        def _blk(b):
            srow = pl.multiple_of(src_base + b * KB, 8)
            drow = pl.multiple_of(dst_base + b * KB, 8)
            pltpu.sync_copy(src_r.at[pl.ds(srow, KB)], src_v)
            pltpu.sync_copy(dst_r.at[pl.ds(drow, KB)], dst_v)

            @pl.loop(0, KB // NBUF)
            def _grp(g):
                cps = [pltpu.async_copy(table_r.at[src_v.at[g * NBUF + k]],
                                        rows[k], sems[k])
                       for k in range(NBUF)]
                for k in range(NBUF):
                    cps[k].wait()
                    pltpu.sync_copy(rows[k], acc.at[dst_v.at[g * NBUF + k]],
                                    add=True)

        plsc.subcore_barrier()
        orow = pl.multiple_of(c * NP + s * RPT, 8)
        pltpu.sync_copy(acc.at[pl.ds(s * RPT, RPT)], out_r.at[pl.ds(orow, RPT)])

    k = pl.kernel(body, out_type=(out_type,), mesh=mesh,
                  scratch_types=scratch)
    zw = jnp.zeros((RPT, width), jnp.float32)
    out = k(table, idx_src, idx_dst, zw)[0]
    return out.reshape(NCORE, NP, width)


def _dot(a, b):
    return jnp.dot(a, b, preferred_element_type=jnp.float32)


def _tc1(aggp, x, Wl, bl, Wr):
    def body(aggp_r, x_r, wl_r, bl_r, wr_r, h_r, invc_r):
        cnt16 = aggp_r[1][:, :16]
        invc16 = 1.0 / jnp.maximum(cnt16, 1.0)
        mean = aggp_r[0] * invc16[:, :1]
        out = _dot(mean, wl_r[...]) + bl_r[...][None, :] + _dot(x_r[...], wr_r[...])
        out = jnp.maximum(out, 0.0)
        h_r[0] = out[:, :128]
        h_r[1] = out[:, 128:]
        invc_r[...] = invc16

    return pl.pallas_call(
        body,
        grid=(GRID,),
        in_specs=[
            pl.BlockSpec((2, BN, 128), lambda i: (0, i, 0)),
            pl.BlockSpec((BN, 128), lambda i: (i, 0)),
            pl.BlockSpec((128, 256), lambda i: (0, 0)),
            pl.BlockSpec((256,), lambda i: (0,)),
            pl.BlockSpec((128, 256), lambda i: (0, 0)),
        ],
        out_specs=[
            pl.BlockSpec((2, BN, 128), lambda i: (0, i, 0)),
            pl.BlockSpec((BN, 16), lambda i: (i, 0)),
        ],
        out_shape=[
            jax.ShapeDtypeStruct((2, NP, 128), jnp.float32),
            jax.ShapeDtypeStruct((NP, 16), jnp.float32),
        ],
    )(aggp, x, Wl, bl, Wr)


def _tc_mid(aggp, hp, invc, Wl, bl, Wr):
    def body(aggp_r, hp_r, invc_r, wl_r, bl_r, wr_r, h_r):
        iv = invc_r[:, :1]
        out = (_dot(aggp_r[0] * iv, wl_r[:128])
               + _dot(aggp_r[1] * iv, wl_r[128:])
               + bl_r[...][None, :]
               + _dot(hp_r[0], wr_r[:128])
               + _dot(hp_r[1], wr_r[128:]))
        out = jnp.maximum(out, 0.0)
        h_r[0] = out[:, :128]
        h_r[1] = out[:, 128:]

    return pl.pallas_call(
        body,
        grid=(GRID,),
        in_specs=[
            pl.BlockSpec((2, BN, 128), lambda i: (0, i, 0)),
            pl.BlockSpec((2, BN, 128), lambda i: (0, i, 0)),
            pl.BlockSpec((BN, 16), lambda i: (i, 0)),
            pl.BlockSpec((256, 256), lambda i: (0, 0)),
            pl.BlockSpec((256,), lambda i: (0,)),
            pl.BlockSpec((256, 256), lambda i: (0, 0)),
        ],
        out_specs=[pl.BlockSpec((2, BN, 128), lambda i: (0, i, 0))],
        out_shape=[jax.ShapeDtypeStruct((2, NP, 128), jnp.float32)],
    )(aggp, hp, invc, Wl, bl, Wr)[0]


def _tc3(aggp, hp, invc, Wl, bl, Wr, Wl4, bl4, Wr4):
    def body(aggp_r, hp_r, invc_r, wl_r, bl_r, wr_r, wl4_r, bl4_r, wr4_r,
             y_r, r_r):
        iv = invc_r[:, :1]
        h3 = (_dot(aggp_r[0] * iv, wl_r[:128])
              + _dot(aggp_r[1] * iv, wl_r[128:])
              + bl_r[...][None, :]
              + _dot(hp_r[0], wr_r[:128])
              + _dot(hp_r[1], wr_r[128:]))
        h3 = jnp.maximum(h3, 0.0)
        y_r[...] = _dot(h3, wl4_r[...])
        r_r[...] = _dot(h3, wr4_r[...]) + bl4_r[...][None, :]

    return pl.pallas_call(
        body,
        grid=(GRID,),
        in_specs=[
            pl.BlockSpec((2, BN, 128), lambda i: (0, i, 0)),
            pl.BlockSpec((2, BN, 128), lambda i: (0, i, 0)),
            pl.BlockSpec((BN, 16), lambda i: (i, 0)),
            pl.BlockSpec((256, 256), lambda i: (0, 0)),
            pl.BlockSpec((256,), lambda i: (0,)),
            pl.BlockSpec((256, 256), lambda i: (0, 0)),
            pl.BlockSpec((256, 128), lambda i: (0, 0)),
            pl.BlockSpec((128,), lambda i: (0,)),
            pl.BlockSpec((256, 128), lambda i: (0, 0)),
        ],
        out_specs=[
            pl.BlockSpec((BN, 128), lambda i: (i, 0)),
            pl.BlockSpec((BN, 128), lambda i: (i, 0)),
        ],
        out_shape=[
            jax.ShapeDtypeStruct((NP, 128), jnp.float32),
            jax.ShapeDtypeStruct((NP, 128), jnp.float32),
        ],
    )(aggp, hp, invc, Wl, bl, Wr, Wl4, bl4, Wr4)


def _tc4(aggp, r, invc):
    def body(aggp_r, r_r, invc_r, out_r):
        out_r[...] = (aggp_r[0] + aggp_r[1]) * invc_r[:, :1] + r_r[...]

    return pl.pallas_call(
        body,
        grid=(GRID,),
        in_specs=[
            pl.BlockSpec((2, BN, 128), lambda i: (0, i, 0)),
            pl.BlockSpec((BN, 128), lambda i: (i, 0)),
            pl.BlockSpec((BN, 16), lambda i: (i, 0)),
        ],
        out_specs=[pl.BlockSpec((BN, 128), lambda i: (i, 0))],
        out_shape=[jax.ShapeDtypeStruct((NP, 128), jnp.float32)],
    )(aggp, r, invc)[0]


def kernel(x, edge_index, Wl1, bl1, Wr1, Wl2, bl2, Wr2, Wl3, bl3, Wr3,
           Wl4, bl4, Wr4):
    src = edge_index[0]
    dst = edge_index[1]
    src2d = jnp.full((EP,), N, jnp.int32).at[:E].set(src).reshape(NCHUNK, CH)
    dst2d = jnp.full((EP,), N, jnp.int32).at[:E].set(dst).reshape(NCHUNK, CH)
    src_fs = jnp.concatenate([src2d, src2d + NP], axis=0)
    xp = jnp.zeros((NP, 128), jnp.float32).at[:N].set(x)
    x1 = jnp.concatenate([xp, jnp.ones((NP, 128), jnp.float32)], axis=0)

    aggp = _seg_sum(x1, src_fs, dst2d, 128, es=False)
    h1, invc = _tc1(aggp, xp, Wl1, bl1, Wr1)
    agg2 = _seg_sum(h1.reshape(NCORE * NP, 128), src_fs, dst2d, 128, es=False)
    h2 = _tc_mid(agg2, h1, invc, Wl2, bl2, Wr2)
    agg3 = _seg_sum(h2.reshape(NCORE * NP, 128), src_fs, dst2d, 128, es=False)
    y, r = _tc3(agg3, h2, invc, Wl3, bl3, Wr3, Wl4, bl4, Wr4)
    agg4 = _seg_sum(y, src2d, dst2d, 128, es=True)
    out = _tc4(agg4, r, invc)
    return out[:N]

# --- scband reference (transcript-rebuilt; emitter-appended) ---
"""Pipeline reference for scband-graph-sagenew-11081015623738 (READ-ONLY COPY).

The authoritative reference and input builder live on the scoring server;
editing this copy changes nothing except your own understanding.
"""

import jax, jax.numpy as jnp
import numpy as np

N = 10000
E = 320000
D_IN = 128
D_OUT = 128
H = 2 * D_OUT  # 256


def _init_lin(key, fan_in, fan_out):
    return jax.random.normal(key, (fan_in, fan_out), dtype=jnp.float32) * (1.0 / np.sqrt(fan_in))


def setup_inputs(seed: int = 0) -> dict:
    key = jax.random.key(seed)
    ks = jax.random.split(key, 16)
    x = jax.random.normal(ks[0], (N, D_IN), dtype=jnp.float32)
    edge_index = jax.random.randint(ks[1], (2, E), 0, N, dtype=jnp.int32)
    # SAGEConv params: lin_l (neighbors, with bias), lin_r (root, no bias)
    # conv1: 128 -> 256, conv2: 256 -> 256, conv3: 256 -> 256, conv4: 256 -> 128
    params = {}
    dims = [(D_IN, H), (H, H), (H, H), (H, D_OUT)]
    k_idx = 2
    for i, (fi, fo) in enumerate(dims, start=1):
        params[f"Wl{i}"] = _init_lin(ks[k_idx], fi, fo); k_idx += 1
        params[f"bl{i}"] = jnp.zeros((fo,), dtype=jnp.float32)
        params[f"Wr{i}"] = _init_lin(ks[k_idx], fi, fo); k_idx += 1
    return {"x": x, "edge_index": edge_index, **params}


def _sage_conv(x, edge_index, Wl, bl, Wr):
    src = edge_index[0]
    dst = edge_index[1]
    n = x.shape[0]
    agg = jax.ops.segment_sum(x[src], dst, num_segments=n)
    cnt = jax.ops.segment_sum(jnp.ones((src.shape[0],), dtype=x.dtype), dst, num_segments=n)
    mean = agg / jnp.maximum(cnt, 1.0)[:, None]
    return mean @ Wl + bl + x @ Wr


def reference(x, edge_index, Wl1, bl1, Wr1, Wl2, bl2, Wr2, Wl3, bl3, Wr3, Wl4, bl4, Wr4):
    h = jax.nn.relu(_sage_conv(x, edge_index, Wl1, bl1, Wr1))
    # dropout is identity in eval mode
    h = jax.nn.relu(_sage_conv(h, edge_index, Wl2, bl2, Wr2))
    h = jax.nn.relu(_sage_conv(h, edge_index, Wl3, bl3, Wr3))
    out = _sage_conv(h, edge_index, Wl4, bl4, Wr4)
    return out

if __name__ == "__main__":
    import jax
    _d = setup_inputs()
    print(jax.jit(kernel)(*tuple(_d.values())))

</pallas_src>

<mosaic_0001>
#map = affine_map<(d0, d1) -> (0, 0)>
module attributes {stable_mosaic.version = 14 : i64} {
  func.func @body(%arg0: i32, %arg1: i32, %arg2: memref<20224x128xf32, #tpu.memory_space<hbm>>, %arg3: memref<5120x128xi32, #tpu.memory_space<hbm>>, %arg4: memref<2560x128xi32, #tpu.memory_space<hbm>>, %arg5: memref<632x128xf32, #tpu.memory_space<hbm>>, %arg6: memref<20224x128xf32, #tpu.memory_space<hbm>>, %arg7: memref<16x128xi32, #tpu.memory_space<vmem>>, %arg8: memref<16x128xi32, #tpu.memory_space<vmem>>, %arg9: memref<128x128xf32, #tpu.memory_space<vmem>>, %arg10: memref<128x128xf32, #tpu.memory_space<vmem>>, %arg11: memref<10112x128xf32, #tpu.memory_space<vmem_shared>>, %arg12: memref<!tpu.dma_semaphore, #tpu.memory_space<semaphore_mem>>, %arg13: memref<!tpu.dma_semaphore, #tpu.memory_space<semaphore_mem>>) attributes {dimension_semantics = [#tpu.dimension_semantics<core_parallel>, #tpu.dimension_semantics<subcore_parallel>], iteration_bounds = array<i64: 2, 16>, scalar_prefetch = 0 : i64, scratch_operands = 7 : i64, tpu.core_type = #tpu.core_type<sc_vector_subcore>, window_params = [{transform_indices = #map}, {transform_indices = #map}, {transform_indices = #map}, {transform_indices = #map}, {transform_indices = #map}]} {
    %mul3A = arith.constant 632 : i32
    %mul3A_0 = arith.muli %arg1, %mul3A : i32
    "tpu.region"() ({
      %run_scoped3A = tpu.sem_alloc : memref<!tpu.dma_semaphore, #tpu.memory_space<semaphore_mem>>
      %dma_start3A = arith.constant 0 : i32
      %dma_start3A_23 = tpu.memref_slice %arg11[%mul3A_0, %dma_start3A] : memref<10112x128xf32, #tpu.memory_space<vmem_shared>> -> memref<632x128xf32, #tpu.memory_space<vmem_shared>>
      tpu.enqueue_dma source(%arg5 : memref<632x128xf32, #tpu.memory_space<hbm>>) target(%dma_start3A_23 : memref<632x128xf32, #tpu.memory_space<vmem_shared>>) target_semaphore(%run_scoped3A : memref<!tpu.dma_semaphore, #tpu.memory_space<semaphore_mem>>)
      %dma_wait3A = arith.constant 0 : i32
      %dma_wait3A_24 = tpu.memref_slice %arg11[%mul3A_0, %dma_wait3A] : memref<10112x128xf32, #tpu.memory_space<vmem_shared>> -> memref<632x128xf32, #tpu.memory_space<vmem_shared>>
      tpu.wait_dma2 semaphore(%run_scoped3A : memref<!tpu.dma_semaphore, #tpu.memory_space<semaphore_mem>>) src(%arg5 : memref<632x128xf32, #tpu.memory_space<hbm>>) dst(%dma_wait3A_24 : memref<632x128xf32, #tpu.memory_space<vmem_shared>>)
      tpu.yield
    }) : () -> ()
    %mul3A_1 = arith.constant 2560 : i32
    %mul3A_2 = arith.muli %arg0, %mul3A_1 : i32
    %mul3A_3 = arith.constant 10 : i32
    %mul3A_4 = arith.muli %arg1, %mul3A_3 : i32
    %mul3A_5 = arith.constant 16 : i32
    %mul3A_6 = arith.muli %mul3A_4, %mul3A_5 : i32
    %add3A = arith.addi %mul3A_2, %mul3A_6 : i32
    %mul3A_7 = arith.constant 10 : i32
    %mul3A_8 = arith.muli %arg1, %mul3A_7 : i32
    %mul3A_9 = arith.constant 16 : i32
    %mul3A_10 = arith.muli %mul3A_8, %mul3A_9 : i32
    %barrier3A = arith.constant 0 : index
    tpu.barrier barrier_id(%barrier3A)
    %scan3A = arith.constant 0 : i32
    %scan3A_11 = arith.constant 10 : i32
    %scan3A_12 = arith.addi %scan3A, %scan3A_11 : i32
    %scan3A_13 = arith.constant 1 : i32
    scf.for %scan3A_23 = %scan3A to %scan3A_12 step %scan3A_13  : i32 {
      %mul3A_24 = arith.constant 1 : i32
      %mul3A_25 = arith.muli %scan3A_23, %mul3A_24 : i32
      %add3A_26 = arith.constant 0 : i32
      %add3A_27 = arith.addi %add3A_26, %mul3A_25 : i32
      %mul3A_28 = arith.constant 16 : i32
      %mul3A_29 = arith.muli %add3A_27, %mul3A_28 : i32
      %add3A_30 = arith.addi %add3A, %mul3A_29 : i32
      %multiple_of3A_31 = tpu.assume_multiple %add3A_30, 8 : i32
      %mul3A_32 = arith.constant 16 : i32
      %mul3A_33 = arith.muli %add3A_27, %mul3A_32 : i32
      %add3A_34 = arith.addi %mul3A_10, %mul3A_33 : i32
      %multiple_of3A_35 = tpu.assume_multiple %add3A_34, 8 : i32
      "tpu.region"() ({
        %run_scoped3A = tpu.sem_alloc : memref<!tpu.dma_semaphore, #tpu.memory_space<semaphore_mem>>
        %dma_start3A = arith.constant 0 : i32
        %dma_start3A_41 = tpu.memref_slice %arg3[%multiple_of3A_31, %dma_start3A] : memref<5120x128xi32, #tpu.memory_space<hbm>> -> memref<16x128xi32, #tpu.memory_space<hbm>>
        %dma_start3A_42 = arith.constant 0 : i32
        %dma_start3A_43 = tpu.memref_slice %arg3[%multiple_of3A_31, %dma_start3A_42] : memref<5120x128xi32, #tpu.memory_space<hbm>> -> memref<16x128xi32, #tpu.memory_space<hbm>>
        tpu.enqueue_dma source(%dma_start3A_43 : memref<16x128xi32, #tpu.memory_space<hbm>>) target(%arg7 : memref<16x128xi32, #tpu.memory_space<vmem>>) target_semaphore(%run_scoped3A : memref<!tpu.dma_semaphore, #tpu.memory_space<semaphore_mem>>)
        %dma_wait3A = arith.constant 0 : i32
        %dma_wait3A_44 = tpu.memref_slice %arg3[%multiple_of3A_31, %dma_wait3A] : memref<5120x128xi32, #tpu.memory_space<hbm>> -> memref<16x128xi32, #tpu.memory_space<hbm>>
        %dma_wait3A_45 = arith.constant 0 : i32
        %dma_wait3A_46 = tpu.memref_slice %arg3[%multiple_of3A_31, %dma_wait3A_45] : memref<5120x128xi32, #tpu.memory_space<hbm>> -> memref<16x128xi32, #tpu.memory_space<hbm>>
        tpu.wait_dma2 semaphore(%run_scoped3A : memref<!tpu.dma_semaphore, #tpu.memory_space<semaphore_mem>>) src(%dma_wait3A_46 : memref<16x128xi32, #tpu.memory_space<hbm>>) dst(%arg7 : memref<16x128xi32, #tpu.memory_space<vmem>>)
        tpu.yield
      }) : () -> ()
      "tpu.region"() ({
        %run_scoped3A = tpu.sem_alloc : memref<!tpu.dma_semaphore, #tpu.memory_space<semaphore_mem>>
        %dma_start3A = arith.constant 0 : i32
        %dma_start3A_41 = tpu.memref_slice %arg4[%multiple_of3A_35, %dma_start3A] : memref<2560x128xi32, #tpu.memory_space<hbm>> -> memref<16x128xi32, #tpu.memory_space<hbm>>
        %dma_start3A_42 = arith.constant 0 : i32
        %dma_start3A_43 = tpu.memref_slice %arg4[%multiple_of3A_35, %dma_start3A_42] : memref<2560x128xi32, #tpu.memory_space<hbm>> -> memref<16x128xi32, #tpu.memory_space<hbm>>
        tpu.enqueue_dma source(%dma_start3A_43 : memref<16x128xi32, #tpu.memory_space<hbm>>) target(%arg8 : memref<16x128xi32, #tpu.memory_space<vmem>>) target_semaphore(%run_scoped3A : memref<!tpu.dma_semaphore, #tpu.memory_space<semaphore_mem>>)
        %dma_wait3A = arith.constant 0 : i32
        %dma_wait3A_44 = tpu.memref_slice %arg4[%multiple_of3A_35, %dma_wait3A] : memref<2560x128xi32, #tpu.memory_space<hbm>> -> memref<16x128xi32, #tpu.memory_space<hbm>>
        %dma_wait3A_45 = arith.constant 0 : i32
        %dma_wait3A_46 = tpu.memref_slice %arg4[%multiple_of3A_35, %dma_wait3A_45] : memref<2560x128xi32, #tpu.memory_space<hbm>> -> memref<16x128xi32, #tpu.memory_space<hbm>>
        tpu.wait_dma2 semaphore(%run_scoped3A : memref<!tpu.dma_semaphore, #tpu.memory_space<semaphore_mem>>) src(%dma_wait3A_46 : memref<16x128xi32, #tpu.memory_space<hbm>>) dst(%arg8 : memref<16x128xi32, #tpu.memory_space<vmem>>)
        tpu.yield
      }) : () -> ()
      %scan3A_36 = arith.constant 0 : i32
      %scan3A_37 = arith.constant 8 : i32
      %scan3A_38 = arith.addi %scan3A_36, %scan3A_37 : i32
      %scan3A_39 = arith.constant 1 : i32
      scf.for %scan3A_41 = %scan3A_36 to %scan3A_38 step %scan3A_39  : i32 {
        %mul3A_42 = arith.constant 1 : i32
        %mul3A_43 = arith.muli %scan3A_41, %mul3A_42 : i32
        %add3A_44 = arith.constant 0 : i32
        %add3A_45 = arith.addi %add3A_44, %mul3A_43 : i32
        %mul3A_46 = arith.constant 2 : i32
        %mul3A_47 = arith.muli %add3A_45, %mul3A_46 : i32
        %add3A_48 = arith.constant 0 : i32
        %add3A_49 = arith.addi %mul3A_47, %add3A_48 : i32
        %dma_start3A = arith.constant 0 : i32
        %dma_start3A_50 = tpu.memref_slice %arg7[%add3A_49, %dma_start3A] : memref<16x128xi32, #tpu.memory_space<vmem>> -> memref<1x128xi32, #tpu.memory_space<vmem>>
        %dma_start3A_51 = tpu.memref_squeeze %dma_start3A_50 : memref<1x128xi32, #tpu.memory_space<vmem>> -> memref<128xi32, #tpu.memory_space<vmem>>
        %dma_start3A_52 = arith.constant 0 : i32
        %dma_start3A_53 = arith.constant 0 : i32
        %dma_start3A_54 = tpu.memref_slice %arg2[%dma_start3A_52, %dma_start3A_53] : memref<20224x128xf32, #tpu.memory_space<hbm>> -> memref<20224x128xf32, #tpu.memory_space<hbm>>
        tpu.enqueue_indirect_dma source(%dma_start3A_54 : memref<20224x128xf32, #tpu.memory_space<hbm>>) target(%arg9 : memref<128x128xf32, #tpu.memory_space<vmem>>) offsets(%dma_start3A_51 : memref<128xi32, #tpu.memory_space<vmem>>) semaphore(%arg12 : memref<!tpu.dma_semaphore, #tpu.memory_space<semaphore_mem>>)
        %mul3A_55 = arith.constant 2 : i32
        %mul3A_56 = arith.muli %add3A_45, %mul3A_55 : i32
        %add3A_57 = arith.constant 1 : i32
        %add3A_58 = arith.addi %mul3A_56, %add3A_57 : i32
        %dma_start3A_59 = arith.constant 0 : i32
        %dma_start3A_60 = tpu.memref_slice %arg7[%add3A_58, %dma_start3A_59] : memref<16x128xi32, #tpu.memory_space<vmem>> -> memref<1x128xi32, #tpu.memory_space<vmem>>
        %dma_start3A_61 = tpu.memref_squeeze %dma_start3A_60 : memref<1x128xi32, #tpu.memory_space<vmem>> -> memref<128xi32, #tpu.memory_space<vmem>>
        %dma_start3A_62 = arith.constant 0 : i32
        %dma_start3A_63 = arith.constant 0 : i32
        %dma_start3A_64 = tpu.memref_slice %arg2[%dma_start3A_62, %dma_start3A_63] : memref<20224x128xf32, #tpu.memory_space<hbm>> -> memref<20224x128xf32, #tpu.memory_space<hbm>>
        tpu.enqueue_indirect_dma source(%dma_start3A_64 : memref<20224x128xf32, #tpu.memory_space<hbm>>) target(%arg10 : memref<128x128xf32, #tpu.memory_space<vmem>>) offsets(%dma_start3A_61 : memref<128xi32, #tpu.memory_space<vmem>>) semaphore(%arg13 : memref<!tpu.dma_semaphore, #tpu.memory_space<semaphore_mem>>)
        %dma_wait3A = arith.constant 0 : i32
        %dma_wait3A_65 = tpu.memref_slice %arg7[%add3A_49, %dma_wait3A] : memref<16x128xi32, #tpu.memory_space<vmem>> -> memref<1x128xi32, #tpu.memory_space<vmem>>
        %dma_wait3A_66 = tpu.memref_squeeze %dma_wait3A_65 : memref<1x128xi32, #tpu.memory_space<vmem>> -> memref<128xi32, #tpu.memory_space<vmem>>
        %dma_wait3A_67 = arith.constant 0 : i32
        %dma_wait3A_68 = arith.constant 0 : i32
        %dma_wait3A_69 = tpu.memref_slice %arg2[%dma_wait3A_67, %dma_wait3A_68] : memref<20224x128xf32, #tpu.memory_space<hbm>> -> memref<20224x128xf32, #tpu.memory_space<hbm>>
        tpu.wait_indirect_dma semaphore(%arg12 : memref<!tpu.dma_semaphore, #tpu.memory_space<semaphore_mem>>) src(%dma_wait3A_69 : memref<20224x128xf32, #tpu.memory_space<hbm>>) dst(%arg9 : memref<128x128xf32, #tpu.memory_space<vmem>>)
        %mul3A_70 = arith.constant 2 : i32
        %mul3A_71 = arith.muli %add3A_45, %mul3A_70 : i32
        %add3A_72 = arith.constant 0 : i32
        %add3A_73 = arith.addi %mul3A_71, %add3A_72 : i32
        "tpu.region"() ({
          %run_scoped3A = tpu.sem_alloc : memref<!tpu.dma_semaphore, #tpu.memory_space<semaphore_mem>>
          %dma_start3A_84 = arith.constant 0 : i32
          %dma_start3A_85 = tpu.memref_slice %arg8[%add3A_73, %dma_start3A_84] : memref<16x128xi32, #tpu.memory_space<vmem>> -> memref<1x128xi32, #tpu.memory_space<vmem>>
          %dma_start3A_86 = tpu.memref_squeeze %dma_start3A_85 : memref<1x128xi32, #tpu.memory_space<vmem>> -> memref<128xi32, #tpu.memory_space<vmem>>
          %dma_start3A_87 = arith.constant 0 : i32
          %dma_start3A_88 = arith.constant 0 : i32
          %dma_start3A_89 = tpu.memref_slice %arg11[%dma_start3A_87, %dma_start3A_88] : memref<10112x128xf32, #tpu.memory_space<vmem_shared>> -> memref<10112x128xf32, #tpu.memory_space<vmem_shared>>
          tpu.enqueue_indirect_dma source(%arg9 : memref<128x128xf32, #tpu.memory_space<vmem>>) target(%dma_start3A_89 : memref<10112x128xf32, #tpu.memory_space<vmem_shared>>) offsets(%dma_start3A_86 : memref<128xi32, #tpu.memory_space<vmem>>) semaphore(%run_scoped3A : memref<!tpu.dma_semaphore, #tpu.memory_space<semaphore_mem>>) {add = true}
          %dma_wait3A_90 = arith.constant 0 : i32
          %dma_wait3A_91 = tpu.memref_slice %arg8[%add3A_73, %dma_wait3A_90] : memref<16x128xi32, #tpu.memory_space<vmem>> -> memref<1x128xi32, #tpu.memory_space<vmem>>
          %dma_wait3A_92 = tpu.memref_squeeze %dma_wait3A_91 : memref<1x128xi32, #tpu.memory_space<vmem>> -> memref<128xi32, #tpu.memory_space<vmem>>
          %dma_wait3A_93 = arith.constant 0 : i32
          %dma_wait3A_94 = arith.constant 0 : i32
          %dma_wait3A_95 = tpu.memref_slice %arg11[%dma_wait3A_93, %dma_wait3A_94] : memref<10112x128xf32, #tpu.memory_space<vmem_shared>> -> memref<10112x128xf32, #tpu.memory_space<vmem_shared>>
          tpu.wait_indirect_dma semaphore(%run_scoped3A : memref<!tpu.dma_semaphore, #tpu.memory_space<semaphore_mem>>) src(%arg9 : memref<128x128xf32, #tpu.memory_space<vmem>>) dst(%dma_wait3A_95 : memref<10112x128xf32, #tpu.memory_space<vmem_shared>>)
          tpu.yield
        }) : () -> ()
        %dma_wait3A_74 = arith.constant 0 : i32
        %dma_wait3A_75 = tpu.memref_slice %arg7[%add3A_58, %dma_wait3A_74] : memref<16x128xi32, #tpu.memory_space<vmem>> -> memref<1x128xi32, #tpu.memory_space<vmem>>
        %dma_wait3A_76 = tpu.memref_squeeze %dma_wait3A_75 : memref<1x128xi32, #tpu.memory_space<vmem>> -> memref<128xi32, #tpu.memory_space<vmem>>
        %dma_wait3A_77 = arith.constant 0 : i32
        %dma_wait3A_78 = arith.constant 0 : i32
        %dma_wait3A_79 = tpu.memref_slice %arg2[%dma_wait3A_77, %dma_wait3A_78] : memref<20224x128xf32, #tpu.memory_space<hbm>> -> memref<20224x128xf32, #tpu.memory_space<hbm>>
        tpu.wait_indirect_dma semaphore(%arg13 : memref<!tpu.dma_semaphore, #tpu.memory_space<semaphore_mem>>) src(%dma_wait3A_79 : memref<20224x128xf32, #tpu.memory_space<hbm>>) dst(%arg10 : memref<128x128xf32, #tpu.memory_space<vmem>>)
        %mul3A_80 = arith.constant 2 : i32
        %mul3A_81 = arith.muli %add3A_45, %mul3A_80 : i32
        %add3A_82 = arith.constant 1 : i32
        %add3A_83 = arith.addi %mul3A_81, %add3A_82 : i32
        "tpu.region"() ({
          %run_scoped3A = tpu.sem_alloc : memref<!tpu.dma_semaphore, #tpu.memory_space<semaphore_mem>>
          %dma_start3A_84 = arith.constant 0 : i32
          %dma_start3A_85 = tpu.memref_slice %arg8[%add3A_83, %dma_start3A_84] : memref<16x128xi32, #tpu.memory_space<vmem>> -> memref<1x128xi32, #tpu.memory_space<vmem>>
          %dma_start3A_86 = tpu.memref_squeeze %dma_start3A_85 : memref<1x128xi32, #tpu.memory_space<vmem>> -> memref<128xi32, #tpu.memory_space<vmem>>
          %dma_start3A_87 = arith.constant 0 : i32
          %dma_start3A_88 = arith.constant 0 : i32
          %dma_start3A_89 = tpu.memref_slice %arg11[%dma_start3A_87, %dma_start3A_88] : memref<10112x128xf32, #tpu.memory_space<vmem_shared>> -> memref<10112x128xf32, #tpu.memory_space<vmem_shared>>
          tpu.enqueue_indirect_dma source(%arg10 : memref<128x128xf32, #tpu.memory_space<vmem>>) target(%dma_start3A_89 : memref<10112x128xf32, #tpu.memory_space<vmem_shared>>) offsets(%dma_start3A_86 : memref<128xi32, #tpu.memory_space<vmem>>) semaphore(%run_scoped3A : memref<!tpu.dma_semaphore, #tpu.memory_space<semaphore_mem>>) {add = true}
          %dma_wait3A_90 = arith.constant 0 : i32
          %dma_wait3A_91 = tpu.memref_slice %arg8[%add3A_83, %dma_wait3A_90] : memref<16x128xi32, #tpu.memory_space<vmem>> -> memref<1x128xi32, #tpu.memory_space<vmem>>
          %dma_wait3A_92 = tpu.memref_squeeze %dma_wait3A_91 : memref<1x128xi32, #tpu.memory_space<vmem>> -> memref<128xi32, #tpu.memory_space<vmem>>
          %dma_wait3A_93 = arith.constant 0 : i32
          %dma_wait3A_94 = arith.constant 0 : i32
          %dma_wait3A_95 = tpu.memref_slice %arg11[%dma_wait3A_93, %dma_wait3A_94] : memref<10112x128xf32, #tpu.memory_space<vmem_shared>> -> memref<10112x128xf32, #tpu.memory_space<vmem_shared>>
          tpu.wait_indirect_dma semaphore(%run_scoped3A : memref<!tpu.dma_semaphore, #tpu.memory_space<semaphore_mem>>) src(%arg10 : memref<128x128xf32, #tpu.memory_space<vmem>>) dst(%dma_wait3A_95 : memref<10112x128xf32, #tpu.memory_space<vmem_shared>>)
          tpu.yield
        }) : () -> ()
      }
      %scan3A_40 = arith.constant 8 : i32
    }
    %scan3A_14 = arith.constant 10 : i32
    %barrier3A_15 = arith.constant 0 : index
    tpu.barrier barrier_id(%barrier3A_15)
    %mul3A_16 = arith.constant 10112 : i32
    %mul3A_17 = arith.muli %arg0, %mul3A_16 : i32
    %mul3A_18 = arith.constant 632 : i32
    %mul3A_19 = arith.muli %arg1, %mul3A_18 : i32
    %add3A_20 = arith.addi %mul3A_17, %mul3A_19 : i32
    %multiple_of3A = tpu.assume_multiple %add3A_20, 8 : i32
    %mul3A_21 = arith.constant 632 : i32
    %mul3A_22 = arith.muli %arg1, %mul3A_21 : i32
    "tpu.region"() ({
      %run_scoped3A = tpu.sem_alloc : memref<!tpu.dma_semaphore, #tpu.memory_space<semaphore_mem>>
      %dma_start3A = arith.constant 0 : i32
      %dma_start3A_23 = tpu.memref_slice %arg6[%multiple_of3A, %dma_start3A] : memref<20224x128xf32, #tpu.memory_space<hbm>> -> memref<632x128xf32, #tpu.memory_space<hbm>>
      %dma_start3A_24 = arith.constant 0 : i32
      %dma_start3A_25 = tpu.memref_slice %arg11[%mul3A_22, %dma_start3A_24] : memref<10112x128xf32, #tpu.memory_space<vmem_shared>> -> memref<632x128xf32, #tpu.memory_space<vmem_shared>>
      tpu.enqueue_dma source(%dma_start3A_25 : memref<632x128xf32, #tpu.memory_space<vmem_shared>>) target(%dma_start3A_23 : memref<632x128xf32, #tpu.memory_space<hbm>>) target_semaphore(%run_scoped3A : memref<!tpu.dma_semaphore, #tpu.memory_space<semaphore_mem>>)
      %dma_wait3A = arith.constant 0 : i32
      %dma_wait3A_26 = tpu.memref_slice %arg6[%multiple_of3A, %dma_wait3A] : memref<20224x128xf32, #tpu.memory_space<hbm>> -> memref<632x128xf32, #tpu.memory_space<hbm>>
      %dma_wait3A_27 = arith.constant 0 : i32
      %dma_wait3A_28 = tpu.memref_slice %arg11[%mul3A_22, %dma_wait3A_27] : memref<10112x128xf32, #tpu.memory_space<vmem_shared>> -> memref<632x128xf32, #tpu.memory_space<vmem_shared>>
      tpu.wait_dma2 semaphore(%run_scoped3A : memref<!tpu.dma_semaphore, #tpu.memory_space<semaphore_mem>>) src(%dma_wait3A_28 : memref<632x128xf32, #tpu.memory_space<vmem_shared>>) dst(%dma_wait3A_26 : memref<632x128xf32, #tpu.memory_space<hbm>>)
      tpu.yield
    }) : () -> ()
    return
  }
}

#map = affine_map<(d0, d1) -> (0, 0)>
module attributes {stable_mosaic.version = 14 : i64} {
  func.func @body(%arg0: i32, %arg1: i32, %arg2: memref<10112x128xf32, #tpu.memory_space<hbm>>, %arg3: memref<2560x128xi32, #tpu.memory_space<hbm>>, %arg4: memref<2560x128xi32, #tpu.memory_space<hbm>>, %arg5: memref<632x128xf32, #tpu.memory_space<hbm>>, %arg6: memref<20224x128xf32, #tpu.memory_space<hbm>>, %arg7: memref<16x128xi32, #tpu.memory_space<vmem>>, %arg8: memref<16x128xi32, #tpu.memory_space<vmem>>, %arg9: memref<128x128xf32, #tpu.memory_space<vmem>>, %arg10: memref<128x128xf32, #tpu.memory_space<vmem>>, %arg11: memref<10112x128xf32, #tpu.memory_space<vmem_shared>>, %arg12: memref<!tpu.dma_semaphore, #tpu.memory_space<semaphore_mem>>, %arg13: memref<!tpu.dma_semaphore, #tpu.memory_space<semaphore_mem>>) attributes {dimension_semantics = [#tpu.dimension_semantics<core_parallel>, #tpu.dimension_semantics<subcore_parallel>], iteration_bounds = array<i64: 2, 16>, scalar_prefetch = 0 : i64, scratch_operands = 7 : i64, tpu.core_type = #tpu.core_type<sc_vector_subcore>, window_params = [{transform_indices = #map}, {transform_indices = #map}, {transform_indices = #map}, {transform_indices = #map}, {transform_indices = #map}]} {
    %mul3A = arith.constant 632 : i32
    %mul3A_0 = arith.muli %arg1, %mul3A : i32
    "tpu.region"() ({
      %run_scoped3A = tpu.sem_alloc : memref<!tpu.dma_semaphore, #tpu.memory_space<semaphore_mem>>
      %dma_start3A = arith.constant 0 : i32
      %dma_start3A_19 = tpu.memref_slice %arg11[%mul3A_0, %dma_start3A] : memref<10112x128xf32, #tpu.memory_space<vmem_shared>> -> memref<632x128xf32, #tpu.memory_space<vmem_shared>>
      tpu.enqueue_dma source(%arg5 : memref<632x128xf32, #tpu.memory_space<hbm>>) target(%dma_start3A_19 : memref<632x128xf32, #tpu.memory_space<vmem_shared>>) target_semaphore(%run_scoped3A : memref<!tpu.dma_semaphore, #tpu.memory_space<semaphore_mem>>)
      %dma_wait3A = arith.constant 0 : i32
      %dma_wait3A_20 = tpu.memref_slice %arg11[%mul3A_0, %dma_wait3A] : memref<10112x128xf32, #tpu.memory_space<vmem_shared>> -> memref<632x128xf32, #tpu.memory_space<vmem_shared>>
      tpu.wait_dma2 semaphore(%run_scoped3A : memref<!tpu.dma_semaphore, #tpu.memory_space<semaphore_mem>>) src(%arg5 : memref<632x128xf32, #tpu.memory_space<hbm>>) dst(%dma_wait3A_20 : memref<632x128xf32, #tpu.memory_space<vmem_shared>>)
      tpu.yield
    }) : () -> ()
    %mul3A_1 = arith.constant 2 : i32
    %mul3A_2 = arith.muli %arg1, %mul3A_1 : i32
    %add3A = arith.addi %mul3A_2, %arg0 : i32
    %mul3A_3 = arith.constant 5 : i32
    %mul3A_4 = arith.muli %add3A, %mul3A_3 : i32
    %mul3A_5 = arith.constant 16 : i32
    %mul3A_6 = arith.muli %mul3A_4, %mul3A_5 : i32
    %barrier3A = arith.constant 0 : index
    tpu.barrier barrier_id(%barrier3A)
    %scan3A = arith.constant 0 : i32
    %scan3A_7 = arith.constant 5 : i32
    %scan3A_8 = arith.addi %scan3A, %scan3A_7 : i32
    %scan3A_9 = arith.constant 1 : i32
    scf.for %scan3A_19 = %scan3A to %scan3A_8 step %scan3A_9  : i32 {
      %mul3A_20 = arith.constant 1 : i32
      %mul3A_21 = arith.muli %scan3A_19, %mul3A_20 : i32
      %add3A_22 = arith.constant 0 : i32
      %add3A_23 = arith.addi %add3A_22, %mul3A_21 : i32
      %mul3A_24 = arith.constant 16 : i32
      %mul3A_25 = arith.muli %add3A_23, %mul3A_24 : i32
      %add3A_26 = arith.addi %mul3A_6, %mul3A_25 : i32
      %multiple_of3A_27 = tpu.assume_multiple %add3A_26, 8 : i32
      %mul3A_28 = arith.constant 16 : i32
      %mul3A_29 = arith.muli %add3A_23, %mul3A_28 : i32
      %add3A_30 = arith.addi %mul3A_6, %mul3A_29 : i32
      %multiple_of3A_31 = tpu.assume_multiple %add3A_30, 8 : i32
      "tpu.region"() ({
        %run_scoped3A = tpu.sem_alloc : memref<!tpu.dma_semaphore, #tpu.memory_space<semaphore_mem>>
        %dma_start3A = arith.constant 0 : i32
        %dma_start3A_37 = tpu.memref_slice %arg3[%multiple_of3A_27, %dma_start3A] : memref<2560x128xi32, #tpu.memory_space<hbm>> -> memref<16x128xi32, #tpu.memory_space<hbm>>
        %dma_start3A_38 = arith.constant 0 : i32
        %dma_start3A_39 = tpu.memref_slice %arg3[%multiple_of3A_27, %dma_start3A_38] : memref<2560x128xi32, #tpu.memory_space<hbm>> -> memref<16x128xi32, #tpu.memory_space<hbm>>
        tpu.enqueue_dma source(%dma_start3A_39 : memref<16x128xi32, #tpu.memory_space<hbm>>) target(%arg7 : memref<16x128xi32, #tpu.memory_space<vmem>>) target_semaphore(%run_scoped3A : memref<!tpu.dma_semaphore, #tpu.memory_space<semaphore_mem>>)
        %dma_wait3A = arith.constant 0 : i32
        %dma_wait3A_40 = tpu.memref_slice %arg3[%multiple_of3A_27, %dma_wait3A] : memref<2560x128xi32, #tpu.memory_space<hbm>> -> memref<16x128xi32, #tpu.memory_space<hbm>>
        %dma_wait3A_41 = arith.constant 0 : i32
        %dma_wait3A_42 = tpu.memref_slice %arg3[%multiple_of3A_27, %dma_wait3A_41] : memref<2560x128xi32, #tpu.memory_space<hbm>> -> memref<16x128xi32, #tpu.memory_space<hbm>>
        tpu.wait_dma2 semaphore(%run_scoped3A : memref<!tpu.dma_semaphore, #tpu.memory_space<semaphore_mem>>) src(%dma_wait3A_42 : memref<16x128xi32, #tpu.memory_space<hbm>>) dst(%arg7 : memref<16x128xi32, #tpu.memory_space<vmem>>)
        tpu.yield
      }) : () -> ()
      "tpu.region"() ({
        %run_scoped3A = tpu.sem_alloc : memref<!tpu.dma_semaphore, #tpu.memory_space<semaphore_mem>>
        %dma_start3A = arith.constant 0 : i32
        %dma_start3A_37 = tpu.memref_slice %arg4[%multiple_of3A_31, %dma_start3A] : memref<2560x128xi32, #tpu.memory_space<hbm>> -> memref<16x128xi32, #tpu.memory_space<hbm>>
        %dma_start3A_38 = arith.constant 0 : i32
        %dma_start3A_39 = tpu.memref_slice %arg4[%multiple_of3A_31, %dma_start3A_38] : memref<2560x128xi32, #tpu.memory_space<hbm>> -> memref<16x128xi32, #tpu.memory_space<hbm>>
        tpu.enqueue_dma source(%dma_start3A_39 : memref<16x128xi32, #tpu.memory_space<hbm>>) target(%arg8 : memref<16x128xi32, #tpu.memory_space<vmem>>) target_semaphore(%run_scoped3A : memref<!tpu.dma_semaphore, #tpu.memory_space<semaphore_mem>>)
        %dma_wait3A = arith.constant 0 : i32
        %dma_wait3A_40 = tpu.memref_slice %arg4[%multiple_of3A_31, %dma_wait3A] : memref<2560x128xi32, #tpu.memory_space<hbm>> -> memref<16x128xi32, #tpu.memory_space<hbm>>
        %dma_wait3A_41 = arith.constant 0 : i32
        %dma_wait3A_42 = tpu.memref_slice %arg4[%multiple_of3A_31, %dma_wait3A_41] : memref<2560x128xi32, #tpu.memory_space<hbm>> -> memref<16x128xi32, #tpu.memory_space<hbm>>
        tpu.wait_dma2 semaphore(%run_scoped3A : memref<!tpu.dma_semaphore, #tpu.memory_space<semaphore_mem>>) src(%dma_wait3A_42 : memref<16x128xi32, #tpu.memory_space<hbm>>) dst(%arg8 : memref<16x128xi32, #tpu.memory_space<vmem>>)
        tpu.yield
      }) : () -> ()
      %scan3A_32 = arith.constant 0 : i32
      %scan3A_33 = arith.constant 8 : i32
      %scan3A_34 = arith.addi %scan3A_32, %scan3A_33 : i32
      %scan3A_35 = arith.constant 1 : i32
      scf.for %scan3A_37 = %scan3A_32 to %scan3A_34 step %scan3A_35  : i32 {
        %mul3A_38 = arith.constant 1 : i32
        %mul3A_39 = arith.muli %scan3A_37, %mul3A_38 : i32
        %add3A_40 = arith.constant 0 : i32
        %add3A_41 = arith.addi %add3A_40, %mul3A_39 : i32
        %mul3A_42 = arith.constant 2 : i32
        %mul3A_43 = arith.muli %add3A_41, %mul3A_42 : i32
        %add3A_44 = arith.constant 0 : i32
        %add3A_45 = arith.addi %mul3A_43, %add3A_44 : i32
        %dma_start3A = arith.constant 0 : i32
        %dma_start3A_46 = tpu.memref_slice %arg7[%add3A_45, %dma_start3A] : memref<16x128xi32, #tpu.memory_space<vmem>> -> memref<1x128xi32, #tpu.memory_space<vmem>>
        %dma_start3A_47 = tpu.memref_squeeze %dma_start3A_46 : memref<1x128xi32, #tpu.memory_space<vmem>> -> memref<128xi32, #tpu.memory_space<vmem>>
        %dma_start3A_48 = arith.constant 0 : i32
        %dma_start3A_49 = arith.constant 0 : i32
        %dma_start3A_50 = tpu.memref_slice %arg2[%dma_start3A_48, %dma_start3A_49] : memref<10112x128xf32, #tpu.memory_space<hbm>> -> memref<10112x128xf32, #tpu.memory_space<hbm>>
        tpu.enqueue_indirect_dma source(%dma_start3A_50 : memref<10112x128xf32, #tpu.memory_space<hbm>>) target(%arg9 : memref<128x128xf32, #tpu.memory_space<vmem>>) offsets(%dma_start3A_47 : memref<128xi32, #tpu.memory_space<vmem>>) semaphore(%arg12 : memref<!tpu.dma_semaphore, #tpu.memory_space<semaphore_mem>>)
        %mul3A_51 = arith.constant 2 : i32
        %mul3A_52 = arith.muli %add3A_41, %mul3A_51 : i32
        %add3A_53 = arith.constant 1 : i32
        %add3A_54 = arith.addi %mul3A_52, %add3A_53 : i32
        %dma_start3A_55 = arith.constant 0 : i32
        %dma_start3A_56 = tpu.memref_slice %arg7[%add3A_54, %dma_start3A_55] : memref<16x128xi32, #tpu.memory_space<vmem>> -> memref<1x128xi32, #tpu.memory_space<vmem>>
        %dma_start3A_57 = tpu.memref_squeeze %dma_start3A_56 : memref<1x128xi32, #tpu.memory_space<vmem>> -> memref<128xi32, #tpu.memory_space<vmem>>
        %dma_start3A_58 = arith.constant 0 : i32
        %dma_start3A_59 = arith.constant 0 : i32
        %dma_start3A_60 = tpu.memref_slice %arg2[%dma_start3A_58, %dma_start3A_59] : memref<10112x128xf32, #tpu.memory_space<hbm>> -> memref<10112x128xf32, #tpu.memory_space<hbm>>
        tpu.enqueue_indirect_dma source(%dma_start3A_60 : memref<10112x128xf32, #tpu.memory_space<hbm>>) target(%arg10 : memref<128x128xf32, #tpu.memory_space<vmem>>) offsets(%dma_start3A_57 : memref<128xi32, #tpu.memory_space<vmem>>) semaphore(%arg13 : memref<!tpu.dma_semaphore, #tpu.memory_space<semaphore_mem>>)
        %dma_wait3A = arith.constant 0 : i32
        %dma_wait3A_61 = tpu.memref_slice %arg7[%add3A_45, %dma_wait3A] : memref<16x128xi32, #tpu.memory_space<vmem>> -> memref<1x128xi32, #tpu.memory_space<vmem>>
        %dma_wait3A_62 = tpu.memref_squeeze %dma_wait3A_61 : memref<1x128xi32, #tpu.memory_space<vmem>> -> memref<128xi32, #tpu.memory_space<vmem>>
        %dma_wait3A_63 = arith.constant 0 : i32
        %dma_wait3A_64 = arith.constant 0 : i32
        %dma_wait3A_65 = tpu.memref_slice %arg2[%dma_wait3A_63, %dma_wait3A_64] : memref<10112x128xf32, #tpu.memory_space<hbm>> -> memref<10112x128xf32, #tpu.memory_space<hbm>>
        tpu.wait_indirect_dma semaphore(%arg12 : memref<!tpu.dma_semaphore, #tpu.memory_space<semaphore_mem>>) src(%dma_wait3A_65 : memref<10112x128xf32, #tpu.memory_space<hbm>>) dst(%arg9 : memref<128x128xf32, #tpu.memory_space<vmem>>)
        %mul3A_66 = arith.constant 2 : i32
        %mul3A_67 = arith.muli %add3A_41, %mul3A_66 : i32
        %add3A_68 = arith.constant 0 : i32
        %add3A_69 = arith.addi %mul3A_67, %add3A_68 : i32
        "tpu.region"() ({
          %run_scoped3A = tpu.sem_alloc : memref<!tpu.dma_semaphore, #tpu.memory_space<semaphore_mem>>
          %dma_start3A_80 = arith.constant 0 : i32
          %dma_start3A_81 = tpu.memref_slice %arg8[%add3A_69, %dma_start3A_80] : memref<16x128xi32, #tpu.memory_space<vmem>> -> memref<1x128xi32, #tpu.memory_space<vmem>>
          %dma_start3A_82 = tpu.memref_squeeze %dma_start3A_81 : memref<1x128xi32, #tpu.memory_space<vmem>> -> memref<128xi32, #tpu.memory_space<vmem>>
          %dma_start3A_83 = arith.constant 0 : i32
          %dma_start3A_84 = arith.constant 0 : i32
          %dma_start3A_85 = tpu.memref_slice %arg11[%dma_start3A_83, %dma_start3A_84] : memref<10112x128xf32, #tpu.memory_space<vmem_shared>> -> memref<10112x128xf32, #tpu.memory_space<vmem_shared>>
          tpu.enqueue_indirect_dma source(%arg9 : memref<128x128xf32, #tpu.memory_space<vmem>>) target(%dma_start3A_85 : memref<10112x128xf32, #tpu.memory_space<vmem_shared>>) offsets(%dma_start3A_82 : memref<128xi32, #tpu.memory_space<vmem>>) semaphore(%run_scoped3A : memref<!tpu.dma_semaphore, #tpu.memory_space<semaphore_mem>>) {add = true}
          %dma_wait3A_86 = arith.constant 0 : i32
          %dma_wait3A_87 = tpu.memref_slice %arg8[%add3A_69, %dma_wait3A_86] : memref<16x128xi32, #tpu.memory_space<vmem>> -> memref<1x128xi32, #tpu.memory_space<vmem>>
          %dma_wait3A_88 = tpu.memref_squeeze %dma_wait3A_87 : memref<1x128xi32, #tpu.memory_space<vmem>> -> memref<128xi32, #tpu.memory_space<vmem>>
          %dma_wait3A_89 = arith.constant 0 : i32
          %dma_wait3A_90 = arith.constant 0 : i32
          %dma_wait3A_91 = tpu.memref_slice %arg11[%dma_wait3A_89, %dma_wait3A_90] : memref<10112x128xf32, #tpu.memory_space<vmem_shared>> -> memref<10112x128xf32, #tpu.memory_space<vmem_shared>>
          tpu.wait_indirect_dma semaphore(%run_scoped3A : memref<!tpu.dma_semaphore, #tpu.memory_space<semaphore_mem>>) src(%arg9 : memref<128x128xf32, #tpu.memory_space<vmem>>) dst(%dma_wait3A_91 : memref<10112x128xf32, #tpu.memory_space<vmem_shared>>)
          tpu.yield
        }) : () -> ()
        %dma_wait3A_70 = arith.constant 0 : i32
        %dma_wait3A_71 = tpu.memref_slice %arg7[%add3A_54, %dma_wait3A_70] : memref<16x128xi32, #tpu.memory_space<vmem>> -> memref<1x128xi32, #tpu.memory_space<vmem>>
        %dma_wait3A_72 = tpu.memref_squeeze %dma_wait3A_71 : memref<1x128xi32, #tpu.memory_space<vmem>> -> memref<128xi32, #tpu.memory_space<vmem>>
        %dma_wait3A_73 = arith.constant 0 : i32
        %dma_wait3A_74 = arith.constant 0 : i32
        %dma_wait3A_75 = tpu.memref_slice %arg2[%dma_wait3A_73, %dma_wait3A_74] : memref<10112x128xf32, #tpu.memory_space<hbm>> -> memref<10112x128xf32, #tpu.memory_space<hbm>>
        tpu.wait_indirect_dma semaphore(%arg13 : memref<!tpu.dma_semaphore, #tpu.memory_space<semaphore_mem>>) src(%dma_wait3A_75 : memref<10112x128xf32, #tpu.memory_space<hbm>>) dst(%arg10 : memref<128x128xf32, #tpu.memory_space<vmem>>)
        %mul3A_76 = arith.constant 2 : i32
        %mul3A_77 = arith.muli %add3A_41, %mul3A_76 : i32
        %add3A_78 = arith.constant 1 : i32
        %add3A_79 = arith.addi %mul3A_77, %add3A_78 : i32
        "tpu.region"() ({
          %run_scoped3A = tpu.sem_alloc : memref<!tpu.dma_semaphore, #tpu.memory_space<semaphore_mem>>
          %dma_start3A_80 = arith.constant 0 : i32
          %dma_start3A_81 = tpu.memref_slice %arg8[%add3A_79, %dma_start3A_80] : memref<16x128xi32, #tpu.memory_space<vmem>> -> memref<1x128xi32, #tpu.memory_space<vmem>>
          %dma_start3A_82 = tpu.memref_squeeze %dma_start3A_81 : memref<1x128xi32, #tpu.memory_space<vmem>> -> memref<128xi32, #tpu.memory_space<vmem>>
          %dma_start3A_83 = arith.constant 0 : i32
          %dma_start3A_84 = arith.constant 0 : i32
          %dma_start3A_85 = tpu.memref_slice %arg11[%dma_start3A_83, %dma_start3A_84] : memref<10112x128xf32, #tpu.memory_space<vmem_shared>> -> memref<10112x128xf32, #tpu.memory_space<vmem_shared>>
          tpu.enqueue_indirect_dma source(%arg10 : memref<128x128xf32, #tpu.memory_space<vmem>>) target(%dma_start3A_85 : memref<10112x128xf32, #tpu.memory_space<vmem_shared>>) offsets(%dma_start3A_82 : memref<128xi32, #tpu.memory_space<vmem>>) semaphore(%run_scoped3A : memref<!tpu.dma_semaphore, #tpu.memory_space<semaphore_mem>>) {add = true}
          %dma_wait3A_86 = arith.constant 0 : i32
          %dma_wait3A_87 = tpu.memref_slice %arg8[%add3A_79, %dma_wait3A_86] : memref<16x128xi32, #tpu.memory_space<vmem>> -> memref<1x128xi32, #tpu.memory_space<vmem>>
          %dma_wait3A_88 = tpu.memref_squeeze %dma_wait3A_87 : memref<1x128xi32, #tpu.memory_space<vmem>> -> memref<128xi32, #tpu.memory_space<vmem>>
          %dma_wait3A_89 = arith.constant 0 : i32
          %dma_wait3A_90 = arith.constant 0 : i32
          %dma_wait3A_91 = tpu.memref_slice %arg11[%dma_wait3A_89, %dma_wait3A_90] : memref<10112x128xf32, #tpu.memory_space<vmem_shared>> -> memref<10112x128xf32, #tpu.memory_space<vmem_shared>>
          tpu.wait_indirect_dma semaphore(%run_scoped3A : memref<!tpu.dma_semaphore, #tpu.memory_space<semaphore_mem>>) src(%arg10 : memref<128x128xf32, #tpu.memory_space<vmem>>) dst(%dma_wait3A_91 : memref<10112x128xf32, #tpu.memory_space<vmem_shared>>)
          tpu.yield
        }) : () -> ()
      }
      %scan3A_36 = arith.constant 8 : i32
    }
    %scan3A_10 = arith.constant 5 : i32
    %barrier3A_11 = arith.constant 0 : index
    tpu.barrier barrier_id(%barrier3A_11)
    %mul3A_12 = arith.constant 10112 : i32
    %mul3A_13 = arith.muli %arg0, %mul3A_12 : i32
    %mul3A_14 = arith.constant 632 : i32
    %mul3A_15 = arith.muli %arg1, %mul3A_14 : i32
    %add3A_16 = arith.addi %mul3A_13, %mul3A_15 : i32
    %multiple_of3A = tpu.assume_multiple %add3A_16, 8 : i32
    %mul3A_17 = arith.constant 632 : i32
    %mul3A_18 = arith.muli %arg1, %mul3A_17 : i32
    "tpu.region"() ({
      %run_scoped3A = tpu.sem_alloc : memref<!tpu.dma_semaphore, #tpu.memory_space<semaphore_mem>>
      %dma_start3A = arith.constant 0 : i32
      %dma_start3A_19 = tpu.memref_slice %arg6[%multiple_of3A, %dma_start3A] : memref<20224x128xf32, #tpu.memory_space<hbm>> -> memref<632x128xf32, #tpu.memory_space<hbm>>
      %dma_start3A_20 = arith.constant 0 : i32
      %dma_start3A_21 = tpu.memref_slice %arg11[%mul3A_18, %dma_start3A_20] : memref<10112x128xf32, #tpu.memory_space<vmem_shared>> -> memref<632x128xf32, #tpu.memory_space<vmem_shared>>
      tpu.enqueue_dma source(%dma_start3A_21 : memref<632x128xf32, #tpu.memory_space<vmem_shared>>) target(%dma_start3A_19 : memref<632x128xf32, #tpu.memory_space<hbm>>) target_semaphore(%run_scoped3A : memref<!tpu.dma_semaphore, #tpu.memory_space<semaphore_mem>>)
      %dma_wait3A = arith.constant 0 : i32
      %dma_wait3A_22 = tpu.memref_slice %arg6[%multiple_of3A, %dma_wait3A] : memref<20224x128xf32, #tpu.memory_space<hbm>> -> memref<632x128xf32, #tpu.memory_space<hbm>>
      %dma_wait3A_23 = arith.constant 0 : i32
      %dma_wait3A_24 = tpu.memref_slice %arg11[%mul3A_18, %dma_wait3A_23] : memref<10112x128xf32, #tpu.memory_space<vmem_shared>> -> memref<632x128xf32, #tpu.memory_space<vmem_shared>>
      tpu.wait_dma2 semaphore(%run_scoped3A : memref<!tpu.dma_semaphore, #tpu.memory_space<semaphore_mem>>) src(%dma_wait3A_24 : memref<632x128xf32, #tpu.memory_space<vmem_shared>>) dst(%dma_wait3A_22 : memref<632x128xf32, #tpu.memory_space<hbm>>)
      tpu.yield
    }) : () -> ()
    return
  }
}

#map = affine_map<(d0, d1) -> (0, 0)>
module attributes {stable_mosaic.version = 14 : i64} {
  func.func @body(%arg0: i32, %arg1: i32, %arg2: memref<20224x128xf32, #tpu.memory_space<hbm>>, %arg3: memref<5120x128xi32, #tpu.memory_space<hbm>>, %arg4: memref<2560x128xi32, #tpu.memory_space<hbm>>, %arg5: memref<632x128xf32, #tpu.memory_space<hbm>>, %arg6: memref<20224x128xf32, #tpu.memory_space<hbm>>, %arg7: memref<16x128xi32, #tpu.memory_space<vmem>>, %arg8: memref<16x128xi32, #tpu.memory_space<vmem>>, %arg9: memref<128x128xf32, #tpu.memory_space<vmem>>, %arg10: memref<128x128xf32, #tpu.memory_space<vmem>>, %arg11: memref<10112x128xf32, #tpu.memory_space<vmem_shared>>, %arg12: memref<!tpu.dma_semaphore, #tpu.memory_space<semaphore_mem>>, %arg13: memref<!tpu.dma_semaphore, #tpu.memory_space<semaphore_mem>>) attributes {dimension_semantics = [#tpu.dimension_semantics<core_parallel>, #tpu.dimension_semantics<subcore_parallel>], iteration_bounds = array<i64: 2, 16>, scalar_prefetch = 0 : i64, scratch_operands = 7 : i64, tpu.core_type = #tpu.core_type<sc_vector_subcore>, window_params = [{transform_indices = #map}, {transform_indices = #map}, {transform_indices = #map}, {transform_indices = #map}, {transform_indices = #map}]} {
    %mul3A = arith.constant 632 : i32
    %mul3A_0 = arith.muli %arg1, %mul3A : i32
    "tpu.region"() ({
      %run_scoped3A = tpu.sem_alloc : memref<!tpu.dma_semaphore, #tpu.memory_space<semaphore_mem>>
      %dma_start3A = arith.constant 0 : i32
      %dma_start3A_23 = tpu.memref_slice %arg11[%mul3A_0, %dma_start3A] : memref<10112x128xf32, #tpu.memory_space<vmem_shared>> -> memref<632x128xf32, #tpu.memory_space<vmem_shared>>
      tpu.enqueue_dma source(%arg5 : memref<632x128xf32, #tpu.memory_space<hbm>>) target(%dma_start3A_23 : memref<632x128xf32, #tpu.memory_space<vmem_shared>>) target_semaphore(%run_scoped3A : memref<!tpu.dma_semaphore, #tpu.memory_space<semaphore_mem>>)
      %dma_wait3A = arith.constant 0 : i32
      %dma_wait3A_24 = tpu.memref_slice %arg11[%mul3A_0, %dma_wait3A] : memref<10112x128xf32, #tpu.memory_space<vmem_shared>> -> memref<632x128xf32, #tpu.memory_space<vmem_shared>>
      tpu.wait_dma2 semaphore(%run_scoped3A : memref<!tpu.dma_semaphore, #tpu.memory_space<semaphore_mem>>) src(%arg5 : memref<632x128xf32, #tpu.memory_space<hbm>>) dst(%dma_wait3A_24 : memref<632x128xf32, #tpu.memory_space<vmem_shared>>)
      tpu.yield
    }) : () -> ()
    %mul3A_1 = arith.constant 2560 : i32
    %mul3A_2 = arith.muli %arg0, %mul3A_1 : i32
    %mul3A_3 = arith.constant 10 : i32
    %mul3A_4 = arith.muli %arg1, %mul3A_3 : i32
    %mul3A_5 = arith.constant 16 : i32
    %mul3A_6 = arith.muli %mul3A_4, %mul3A_5 : i32
    %add3A = arith.addi %mul3A_2, %mul3A_6 : i32
    %mul3A_7 = arith.constant 10 : i32
    %mul3A_8 = arith.muli %arg1, %mul3A_7 : i32
    %mul3A_9 = arith.constant 16 : i32
    %mul3A_10 = arith.muli %mul3A_8, %mul3A_9 : i32
    %barrier3A = arith.constant 0 : index
    tpu.barrier barrier_id(%barrier3A)
    %scan3A = arith.constant 0 : i32
    %scan3A_11 = arith.constant 10 : i32
    %scan3A_12 = arith.addi %scan3A, %scan3A_11 : i32
    %scan3A_13 = arith.constant 1 : i32
    scf.for %scan3A_23 = %scan3A to %scan3A_12 step %scan3A_13  : i32 {
      %mul3A_24 = arith.constant 1 : i32
      %mul3A_25 = arith.muli %scan3A_23, %mul3A_24 : i32
      %add3A_26 = arith.constant 0 : i32
      %add3A_27 = arith.addi %add3A_26, %mul3A_25 : i32
      %mul3A_28 = arith.constant 16 : i32
      %mul3A_29 = arith.muli %add3A_27, %mul3A_28 : i32
      %add3A_30 = arith.addi %add3A, %mul3A_29 : i32
      %multiple_of3A_31 = tpu.assume_multiple %add3A_30, 8 : i32
      %mul3A_32 = arith.constant 16 : i32
      %mul3A_33 = arith.muli %add3A_27, %mul3A_32 : i32
      %add3A_34 = arith.addi %mul3A_10, %mul3A_33 : i32
      %multiple_of3A_35 = tpu.assume_multiple %add3A_34, 8 : i32
      "tpu.region"() ({
        %run_scoped3A = tpu.sem_alloc : memref<!tpu.dma_semaphore, #tpu.memory_space<semaphore_mem>>
        %dma_start3A = arith.constant 0 : i32
        %dma_start3A_41 = tpu.memref_slice %arg3[%multiple_of3A_31, %dma_start3A] : memref<5120x128xi32, #tpu.memory_space<hbm>> -> memref<16x128xi32, #tpu.memory_space<hbm>>
        %dma_start3A_42 = arith.constant 0 : i32
        %dma_start3A_43 = tpu.memref_slice %arg3[%multiple_of3A_31, %dma_start3A_42] : memref<5120x128xi32, #tpu.memory_space<hbm>> -> memref<16x128xi32, #tpu.memory_space<hbm>>
        tpu.enqueue_dma source(%dma_start3A_43 : memref<16x128xi32, #tpu.memory_space<hbm>>) target(%arg7 : memref<16x128xi32, #tpu.memory_space<vmem>>) target_semaphore(%run_scoped3A : memref<!tpu.dma_semaphore, #tpu.memory_space<semaphore_mem>>)
        %dma_wait3A = arith.constant 0 : i32
        %dma_wait3A_44 = tpu.memref_slice %arg3[%multiple_of3A_31, %dma_wait3A] : memref<5120x128xi32, #tpu.memory_space<hbm>> -> memref<16x128xi32, #tpu.memory_space<hbm>>
        %dma_wait3A_45 = arith.constant 0 : i32
        %dma_wait3A_46 = tpu.memref_slice %arg3[%multiple_of3A_31, %dma_wait3A_45] : memref<5120x128xi32, #tpu.memory_space<hbm>> -> memref<16x128xi32, #tpu.memory_space<hbm>>
        tpu.wait_dma2 semaphore(%run_scoped3A : memref<!tpu.dma_semaphore, #tpu.memory_space<semaphore_mem>>) src(%dma_wait3A_46 : memref<16x128xi32, #tpu.memory_space<hbm>>) dst(%arg7 : memref<16x128xi32, #tpu.memory_space<vmem>>)
        tpu.yield
      }) : () -> ()
      "tpu.region"() ({
        %run_scoped3A = tpu.sem_alloc : memref<!tpu.dma_semaphore, #tpu.memory_space<semaphore_mem>>
        %dma_start3A = arith.constant 0 : i32
        %dma_start3A_41 = tpu.memref_slice %arg4[%multiple_of3A_35, %dma_start3A] : memref<2560x128xi32, #tpu.memory_space<hbm>> -> memref<16x128xi32, #tpu.memory_space<hbm>>
        %dma_start3A_42 = arith.constant 0 : i32
        %dma_start3A_43 = tpu.memref_slice %arg4[%multiple_of3A_35, %dma_start3A_42] : memref<2560x128xi32, #tpu.memory_space<hbm>> -> memref<16x128xi32, #tpu.memory_space<hbm>>
        tpu.enqueue_dma source(%dma_start3A_43 : memref<16x128xi32, #tpu.memory_space<hbm>>) target(%arg8 : memref<16x128xi32, #tpu.memory_space<vmem>>) target_semaphore(%run_scoped3A : memref<!tpu.dma_semaphore, #tpu.memory_space<semaphore_mem>>)
        %dma_wait3A = arith.constant 0 : i32
        %dma_wait3A_44 = tpu.memref_slice %arg4[%multiple_of3A_35, %dma_wait3A] : memref<2560x128xi32, #tpu.memory_space<hbm>> -> memref<16x128xi32, #tpu.memory_space<hbm>>
        %dma_wait3A_45 = arith.constant 0 : i32
        %dma_wait3A_46 = tpu.memref_slice %arg4[%multiple_of3A_35, %dma_wait3A_45] : memref<2560x128xi32, #tpu.memory_space<hbm>> -> memref<16x128xi32, #tpu.memory_space<hbm>>
        tpu.wait_dma2 semaphore(%run_scoped3A : memref<!tpu.dma_semaphore, #tpu.memory_space<semaphore_mem>>) src(%dma_wait3A_46 : memref<16x128xi32, #tpu.memory_space<hbm>>) dst(%arg8 : memref<16x128xi32, #tpu.memory_space<vmem>>)
        tpu.yield
      }) : () -> ()
      %scan3A_36 = arith.constant 0 : i32
      %scan3A_37 = arith.constant 8 : i32
      %scan3A_38 = arith.addi %scan3A_36, %scan3A_37 : i32
      %scan3A_39 = arith.constant 1 : i32
      scf.for %scan3A_41 = %scan3A_36 to %scan3A_38 step %scan3A_39  : i32 {
        %mul3A_42 = arith.constant 1 : i32
        %mul3A_43 = arith.muli %scan3A_41, %mul3A_42 : i32
        %add3A_44 = arith.constant 0 : i32
        %add3A_45 = arith.addi %add3A_44, %mul3A_43 : i32
        %mul3A_46 = arith.constant 2 : i32
        %mul3A_47 = arith.muli %add3A_45, %mul3A_46 : i32
        %add3A_48 = arith.constant 0 : i32
        %add3A_49 = arith.addi %mul3A_47, %add3A_48 : i32
        %dma_start3A = arith.constant 0 : i32
        %dma_start3A_50 = tpu.memref_slice %arg7[%add3A_49, %dma_start3A] : memref<16x128xi32, #tpu.memory_space<vmem>> -> memref<1x128xi32, #tpu.memory_space<vmem>>
        %dma_start3A_51 = tpu.memref_squeeze %dma_start3A_50 : memref<1x128xi32, #tpu.memory_space<vmem>> -> memref<128xi32, #tpu.memory_space<vmem>>
        %dma_start3A_52 = arith.constant 0 : i32
        %dma_start3A_53 = arith.constant 0 : i32
        %dma_start3A_54 = tpu.memref_slice %arg2[%dma_start3A_52, %dma_start3A_53] : memref<20224x128xf32, #tpu.memory_space<hbm>> -> memref<20224x128xf32, #tpu.memory_space<hbm>>
        tpu.enqueue_indirect_dma source(%dma_start3A_54 : memref<20224x128xf32, #tpu.memory_space<hbm>>) target(%arg9 : memref<128x128xf32, #tpu.memory_space<vmem>>) offsets(%dma_start3A_51 : memref<128xi32, #tpu.memory_space<vmem>>) semaphore(%arg12 : memref<!tpu.dma_semaphore, #tpu.memory_space<semaphore_mem>>)
        %mul3A_55 = arith.constant 2 : i32
        %mul3A_56 = arith.muli %add3A_45, %mul3A_55 : i32
        %add3A_57 = arith.constant 1 : i32
        %add3A_58 = arith.addi %mul3A_56, %add3A_57 : i32
        %dma_start3A_59 = arith.constant 0 : i32
        %dma_start3A_60 = tpu.memref_slice %arg7[%add3A_58, %dma_start3A_59] : memref<16x128xi32, #tpu.memory_space<vmem>> -> memref<1x128xi32, #tpu.memory_space<vmem>>
        %dma_start3A_61 = tpu.memref_squeeze %dma_start3A_60 : memref<1x128xi32, #tpu.memory_space<vmem>> -> memref<128xi32, #tpu.memory_space<vmem>>
        %dma_start3A_62 = arith.constant 0 : i32
        %dma_start3A_63 = arith.constant 0 : i32
        %dma_start3A_64 = tpu.memref_slice %arg2[%dma_start3A_62, %dma_start3A_63] : memref<20224x128xf32, #tpu.memory_space<hbm>> -> memref<20224x128xf32, #tpu.memory_space<hbm>>
        tpu.enqueue_indirect_dma source(%dma_start3A_64 : memref<20224x128xf32, #tpu.memory_space<hbm>>) target(%arg10 : memref<128x128xf32, #tpu.memory_space<vmem>>) offsets(%dma_start3A_61 : memref<128xi32, #tpu.memory_space<vmem>>) semaphore(%arg13 : memref<!tpu.dma_semaphore, #tpu.memory_space<semaphore_mem>>)
        %dma_wait3A = arith.constant 0 : i32
        %dma_wait3A_65 = tpu.memref_slice %arg7[%add3A_49, %dma_wait3A] : memref<16x128xi32, #tpu.memory_space<vmem>> -> memref<1x128xi32, #tpu.memory_space<vmem>>
        %dma_wait3A_66 = tpu.memref_squeeze %dma_wait3A_65 : memref<1x128xi32, #tpu.memory_space<vmem>> -> memref<128xi32, #tpu.memory_space<vmem>>
        %dma_wait3A_67 = arith.constant 0 : i32
        %dma_wait3A_68 = arith.constant 0 : i32
        %dma_wait3A_69 = tpu.memref_slice %arg2[%dma_wait3A_67, %dma_wait3A_68] : memref<20224x128xf32, #tpu.memory_space<hbm>> -> memref<20224x128xf32, #tpu.memory_space<hbm>>
        tpu.wait_indirect_dma semaphore(%arg12 : memref<!tpu.dma_semaphore, #tpu.memory_space<semaphore_mem>>) src(%dma_wait3A_69 : memref<20224x128xf32, #tpu.memory_space<hbm>>) dst(%arg9 : memref<128x128xf32, #tpu.memory_space<vmem>>)
        %mul3A_70 = arith.constant 2 : i32
        %mul3A_71 = arith.muli %add3A_45, %mul3A_70 : i32
        %add3A_72 = arith.constant 0 : i32
        %add3A_73 = arith.addi %mul3A_71, %add3A_72 : i32
        "tpu.region"() ({
          %run_scoped3A = tpu.sem_alloc : memref<!tpu.dma_semaphore, #tpu.memory_space<semaphore_mem>>
          %dma_start3A_84 = arith.constant 0 : i32
          %dma_start3A_85 = tpu.memref_slice %arg8[%add3A_73, %dma_start3A_84] : memref<16x128xi32, #tpu.memory_space<vmem>> -> memref<1x128xi32, #tpu.memory_space<vmem>>
          %dma_start3A_86 = tpu.memref_squeeze %dma_start3A_85 : memref<1x128xi32, #tpu.memory_space<vmem>> -> memref<128xi32, #tpu.memory_space<vmem>>
          %dma_start3A_87 = arith.constant 0 : i32
          %dma_start3A_88 = arith.constant 0 : i32
          %dma_start3A_89 = tpu.memref_slice %arg11[%dma_start3A_87, %dma_start3A_88] : memref<10112x128xf32, #tpu.memory_space<vmem_shared>> -> memref<10112x128xf32, #tpu.memory_space<vmem_shared>>
          tpu.enqueue_indirect_dma source(%arg9 : memref<128x128xf32, #tpu.memory_space<vmem>>) target(%dma_start3A_89 : memref<10112x128xf32, #tpu.memory_space<vmem_shared>>) offsets(%dma_start3A_86 : memref<128xi32, #tpu.memory_space<vmem>>) semaphore(%run_scoped3A : memref<!tpu.dma_semaphore, #tpu.memory_space<semaphore_mem>>) {add = true}
          %dma_wait3A_90 = arith.constant 0 : i32
          %dma_wait3A_91 = tpu.memref_slice %arg8[%add3A_73, %dma_wait3A_90] : memref<16x128xi32, #tpu.memory_space<vmem>> -> memref<1x128xi32, #tpu.memory_space<vmem>>
          %dma_wait3A_92 = tpu.memref_squeeze %dma_wait3A_91 : memref<1x128xi32, #tpu.memory_space<vmem>> -> memref<128xi32, #tpu.memory_space<vmem>>
          %dma_wait3A_93 = arith.constant 0 : i32
          %dma_wait3A_94 = arith.constant 0 : i32
          %dma_wait3A_95 = tpu.memref_slice %arg11[%dma_wait3A_93, %dma_wait3A_94] : memref<10112x128xf32, #tpu.memory_space<vmem_shared>> -> memref<10112x128xf32, #tpu.memory_space<vmem_shared>>
          tpu.wait_indirect_dma semaphore(%run_scoped3A : memref<!tpu.dma_semaphore, #tpu.memory_space<semaphore_mem>>) src(%arg9 : memref<128x128xf32, #tpu.memory_space<vmem>>) dst(%dma_wait3A_95 : memref<10112x128xf32, #tpu.memory_space<vmem_shared>>)
          tpu.yield
        }) : () -> ()
        %dma_wait3A_74 = arith.constant 0 : i32
        %dma_wait3A_75 = tpu.memref_slice %arg7[%add3A_58, %dma_wait3A_74] : memref<16x128xi32, #tpu.memory_space<vmem>> -> memref<1x128xi32, #tpu.memory_space<vmem>>
        %dma_wait3A_76 = tpu.memref_squeeze %dma_wait3A_75 : memref<1x128xi32, #tpu.memory_space<vmem>> -> memref<128xi32, #tpu.memory_space<vmem>>
        %dma_wait3A_77 = arith.constant 0 : i32
        %dma_wait3A_78 = arith.constant 0 : i32
        %dma_wait3A_79 = tpu.memref_slice %arg2[%dma_wait3A_77, %dma_wait3A_78] : memref<20224x128xf32, #tpu.memory_space<hbm>> -> memref<20224x128xf32, #tpu.memory_space<hbm>>
        tpu.wait_indirect_dma semaphore(%arg13 : memref<!tpu.dma_semaphore, #tpu.memory_space<semaphore_mem>>) src(%dma_wait3A_79 : memref<20224x128xf32, #tpu.memory_space<hbm>>) dst(%arg10 : memref<128x128xf32, #tpu.memory_space<vmem>>)
        %mul3A_80 = arith.constant 2 : i32
        %mul3A_81 = arith.muli %add3A_45, %mul3A_80 : i32
        %add3A_82 = arith.constant 1 : i32
        %add3A_83 = arith.addi %mul3A_81, %add3A_82 : i32
        "tpu.region"() ({
          %run_scoped3A = tpu.sem_alloc : memref<!tpu.dma_semaphore, #tpu.memory_space<semaphore_mem>>
          %dma_start3A_84 = arith.constant 0 : i32
          %dma_start3A_85 = tpu.memref_slice %arg8[%add3A_83, %dma_start3A_84] : memref<16x128xi32, #tpu.memory_space<vmem>> -> memref<1x128xi32, #tpu.memory_space<vmem>>
          %dma_start3A_86 = tpu.memref_squeeze %dma_start3A_85 : memref<1x128xi32, #tpu.memory_space<vmem>> -> memref<128xi32, #tpu.memory_space<vmem>>
          %dma_start3A_87 = arith.constant 0 : i32
          %dma_start3A_88 = arith.constant 0 : i32
          %dma_start3A_89 = tpu.memref_slice %arg11[%dma_start3A_87, %dma_start3A_88] : memref<10112x128xf32, #tpu.memory_space<vmem_shared>> -> memref<10112x128xf32, #tpu.memory_space<vmem_shared>>
          tpu.enqueue_indirect_dma source(%arg10 : memref<128x128xf32, #tpu.memory_space<vmem>>) target(%dma_start3A_89 : memref<10112x128xf32, #tpu.memory_space<vmem_shared>>) offsets(%dma_start3A_86 : memref<128xi32, #tpu.memory_space<vmem>>) semaphore(%run_scoped3A : memref<!tpu.dma_semaphore, #tpu.memory_space<semaphore_mem>>) {add = true}
          %dma_wait3A_90 = arith.constant 0 : i32
          %dma_wait3A_91 = tpu.memref_slice %arg8[%add3A_83, %dma_wait3A_90] : memref<16x128xi32, #tpu.memory_space<vmem>> -> memref<1x128xi32, #tpu.memory_space<vmem>>
          %dma_wait3A_92 = tpu.memref_squeeze %dma_wait3A_91 : memref<1x128xi32, #tpu.memory_space<vmem>> -> memref<128xi32, #tpu.memory_space<vmem>>
          %dma_wait3A_93 = arith.constant 0 : i32
          %dma_wait3A_94 = arith.constant 0 : i32
          %dma_wait3A_95 = tpu.memref_slice %arg11[%dma_wait3A_93, %dma_wait3A_94] : memref<10112x128xf32, #tpu.memory_space<vmem_shared>> -> memref<10112x128xf32, #tpu.memory_space<vmem_shared>>
          tpu.wait_indirect_dma semaphore(%run_scoped3A : memref<!tpu.dma_semaphore, #tpu.memory_space<semaphore_mem>>) src(%arg10 : memref<128x128xf32, #tpu.memory_space<vmem>>) dst(%dma_wait3A_95 : memref<10112x128xf32, #tpu.memory_space<vmem_shared>>)
          tpu.yield
        }) : () -> ()
      }
      %scan3A_40 = arith.constant 8 : i32
    }
    %scan3A_14 = arith.constant 10 : i32
    %barrier3A_15 = arith.constant 0 : index
    tpu.barrier barrier_id(%barrier3A_15)
    %mul3A_16 = arith.constant 10112 : i32
    %mul3A_17 = arith.muli %arg0, %mul3A_16 : i32
    %mul3A_18 = arith.constant 632 : i32
    %mul3A_19 = arith.muli %arg1, %mul3A_18 : i32
    %add3A_20 = arith.addi %mul3A_17, %mul3A_19 : i32
    %multiple_of3A = tpu.assume_multiple %add3A_20, 8 : i32
    %mul3A_21 = arith.constant 632 : i32
    %mul3A_22 = arith.muli %arg1, %mul3A_21 : i32
    "tpu.region"() ({
      %run_scoped3A = tpu.sem_alloc : memref<!tpu.dma_semaphore, #tpu.memory_space<semaphore_mem>>
      %dma_start3A = arith.constant 0 : i32
      %dma_start3A_23 = tpu.memref_slice %arg6[%multiple_of3A, %dma_start3A] : memref<20224x128xf32, #tpu.memory_space<hbm>> -> memref<632x128xf32, #tpu.memory_space<hbm>>
      %dma_start3A_24 = arith.constant 0 : i32
      %dma_start3A_25 = tpu.memref_slice %arg11[%mul3A_22, %dma_start3A_24] : memref<10112x128xf32, #tpu.memory_space<vmem_shared>> -> memref<632x128xf32, #tpu.memory_space<vmem_shared>>
      tpu.enqueue_dma source(%dma_start3A_25 : memref<632x128xf32, #tpu.memory_space<vmem_shared>>) target(%dma_start3A_23 : memref<632x128xf32, #tpu.memory_space<hbm>>) target_semaphore(%run_scoped3A : memref<!tpu.dma_semaphore, #tpu.memory_space<semaphore_mem>>)
      %dma_wait3A = arith.constant 0 : i32
      %dma_wait3A_26 = tpu.memref_slice %arg6[%multiple_of3A, %dma_wait3A] : memref<20224x128xf32, #tpu.memory_space<hbm>> -> memref<632x128xf32, #tpu.memory_space<hbm>>
      %dma_wait3A_27 = arith.constant 0 : i32
      %dma_wait3A_28 = tpu.memref_slice %arg11[%mul3A_22, %dma_wait3A_27] : memref<10112x128xf32, #tpu.memory_space<vmem_shared>> -> memref<632x128xf32, #tpu.memory_space<vmem_shared>>
      tpu.wait_dma2 semaphore(%run_scoped3A : memref<!tpu.dma_semaphore, #tpu.memory_space<semaphore_mem>>) src(%dma_wait3A_28 : memref<632x128xf32, #tpu.memory_space<vmem_shared>>) dst(%dma_wait3A_26 : memref<632x128xf32, #tpu.memory_space<hbm>>)
      tpu.yield
    }) : () -> ()
    return
  }
}

#map = affine_map<(d0, d1) -> (0, 0)>
module attributes {stable_mosaic.version = 14 : i64} {
  func.func @body(%arg0: i32, %arg1: i32, %arg2: memref<20224x128xf32, #tpu.memory_space<hbm>>, %arg3: memref<5120x128xi32, #tpu.memory_space<hbm>>, %arg4: memref<2560x128xi32, #tpu.memory_space<hbm>>, %arg5: memref<632x128xf32, #tpu.memory_space<hbm>>, %arg6: memref<20224x128xf32, #tpu.memory_space<hbm>>, %arg7: memref<16x128xi32, #tpu.memory_space<vmem>>, %arg8: memref<16x128xi32, #tpu.memory_space<vmem>>, %arg9: memref<128x128xf32, #tpu.memory_space<vmem>>, %arg10: memref<128x128xf32, #tpu.memory_space<vmem>>, %arg11: memref<10112x128xf32, #tpu.memory_space<vmem_shared>>, %arg12: memref<!tpu.dma_semaphore, #tpu.memory_space<semaphore_mem>>, %arg13: memref<!tpu.dma_semaphore, #tpu.memory_space<semaphore_mem>>) attributes {dimension_semantics = [#tpu.dimension_semantics<core_parallel>, #tpu.dimension_semantics<subcore_parallel>], iteration_bounds = array<i64: 2, 16>, scalar_prefetch = 0 : i64, scratch_operands = 7 : i64, tpu.core_type = #tpu.core_type<sc_vector_subcore>, window_params = [{transform_indices = #map}, {transform_indices = #map}, {transform_indices = #map}, {transform_indices = #map}, {transform_indices = #map}]} {
    %mul3A = arith.constant 632 : i32
    %mul3A_0 = arith.muli %arg1, %mul3A : i32
    "tpu.region"() ({
      %run_scoped3A = tpu.sem_alloc : memref<!tpu.dma_semaphore, #tpu.memory_space<semaphore_mem>>
      %dma_start3A = arith.constant 0 : i32
      %dma_start3A_23 = tpu.memref_slice %arg11[%mul3A_0, %dma_start3A] : memref<10112x128xf32, #tpu.memory_space<vmem_shared>> -> memref<632x128xf32, #tpu.memory_space<vmem_shared>>
      tpu.enqueue_dma source(%arg5 : memref<632x128xf32, #tpu.memory_space<hbm>>) target(%dma_start3A_23 : memref<632x128xf32, #tpu.memory_space<vmem_shared>>) target_semaphore(%run_scoped3A : memref<!tpu.dma_semaphore, #tpu.memory_space<semaphore_mem>>)
      %dma_wait3A = arith.constant 0 : i32
      %dma_wait3A_24 = tpu.memref_slice %arg11[%mul3A_0, %dma_wait3A] : memref<10112x128xf32, #tpu.memory_space<vmem_shared>> -> memref<632x128xf32, #tpu.memory_space<vmem_shared>>
      tpu.wait_dma2 semaphore(%run_scoped3A : memref<!tpu.dma_semaphore, #tpu.memory_space<semaphore_mem>>) src(%arg5 : memref<632x128xf32, #tpu.memory_space<hbm>>) dst(%dma_wait3A_24 : memref<632x128xf32, #tpu.memory_space<vmem_shared>>)
      tpu.yield
    }) : () -> ()
    %mul3A_1 = arith.constant 2560 : i32
    %mul3A_2 = arith.muli %arg0, %mul3A_1 : i32
    %mul3A_3 = arith.constant 10 : i32
    %mul3A_4 = arith.muli %arg1, %mul3A_3 : i32
    %mul3A_5 = arith.constant 16 : i32
    %mul3A_6 = arith.muli %mul3A_4, %mul3A_5 : i32
    %add3A = arith.addi %mul3A_2, %mul3A_6 : i32
    %mul3A_7 = arith.constant 10 : i32
    %mul3A_8 = arith.muli %arg1, %mul3A_7 : i32
    %mul3A_9 = arith.constant 16 : i32
    %mul3A_10 = arith.muli %mul3A_8, %mul3A_9 : i32
    %barrier3A = arith.constant 0 : index
    tpu.barrier barrier_id(%barrier3A)
    %scan3A = arith.constant 0 : i32
    %scan3A_11 = arith.constant 10 : i32
    %scan3A_12 = arith.addi %scan3A, %scan3A_11 : i32
    %scan3A_13 = arith.constant 1 : i32
    scf.for %scan3A_23 = %scan3A to %scan3A_12 step %scan3A_13  : i32 {
      %mul3A_24 = arith.constant 1 : i32
      %mul3A_25 = arith.muli %scan3A_23, %mul3A_24 : i32
      %add3A_26 = arith.constant 0 : i32
      %add3A_27 = arith.addi %add3A_26, %mul3A_25 : i32
      %mul3A_28 = arith.constant 16 : i32
      %mul3A_29 = arith.muli %add3A_27, %mul3A_28 : i32
      %add3A_30 = arith.addi %add3A, %mul3A_29 : i32
      %multiple_of3A_31 = tpu.assume_multiple %add3A_30, 8 : i32
      %mul3A_32 = arith.constant 16 : i32
      %mul3A_33 = arith.muli %add3A_27, %mul3A_32 : i32
      %add3A_34 = arith.addi %mul3A_10, %mul3A_33 : i32
      %multiple_of3A_35 = tpu.assume_multiple %add3A_34, 8 : i32
      "tpu.region"() ({
        %run_scoped3A = tpu.sem_alloc : memref<!tpu.dma_semaphore, #tpu.memory_space<semaphore_mem>>
        %dma_start3A = arith.constant 0 : i32
        %dma_start3A_41 = tpu.memref_slice %arg3[%multiple_of3A_31, %dma_start3A] : memref<5120x128xi32, #tpu.memory_space<hbm>> -> memref<16x128xi32, #tpu.memory_space<hbm>>
        %dma_start3A_42 = arith.constant 0 : i32
        %dma_start3A_43 = tpu.memref_slice %arg3[%multiple_of3A_31, %dma_start3A_42] : memref<5120x128xi32, #tpu.memory_space<hbm>> -> memref<16x128xi32, #tpu.memory_space<hbm>>
        tpu.enqueue_dma source(%dma_start3A_43 : memref<16x128xi32, #tpu.memory_space<hbm>>) target(%arg7 : memref<16x128xi32, #tpu.memory_space<vmem>>) target_semaphore(%run_scoped3A : memref<!tpu.dma_semaphore, #tpu.memory_space<semaphore_mem>>)
        %dma_wait3A = arith.constant 0 : i32
        %dma_wait3A_44 = tpu.memref_slice %arg3[%multiple_of3A_31, %dma_wait3A] : memref<5120x128xi32, #tpu.memory_space<hbm>> -> memref<16x128xi32, #tpu.memory_space<hbm>>
        %dma_wait3A_45 = arith.constant 0 : i32
        %dma_wait3A_46 = tpu.memref_slice %arg3[%multiple_of3A_31, %dma_wait3A_45] : memref<5120x128xi32, #tpu.memory_space<hbm>> -> memref<16x128xi32, #tpu.memory_space<hbm>>
        tpu.wait_dma2 semaphore(%run_scoped3A : memref<!tpu.dma_semaphore, #tpu.memory_space<semaphore_mem>>) src(%dma_wait3A_46 : memref<16x128xi32, #tpu.memory_space<hbm>>) dst(%arg7 : memref<16x128xi32, #tpu.memory_space<vmem>>)
        tpu.yield
      }) : () -> ()
      "tpu.region"() ({
        %run_scoped3A = tpu.sem_alloc : memref<!tpu.dma_semaphore, #tpu.memory_space<semaphore_mem>>
        %dma_start3A = arith.constant 0 : i32
        %dma_start3A_41 = tpu.memref_slice %arg4[%multiple_of3A_35, %dma_start3A] : memref<2560x128xi32, #tpu.memory_space<hbm>> -> memref<16x128xi32, #tpu.memory_space<hbm>>
        %dma_start3A_42 = arith.constant 0 : i32
        %dma_start3A_43 = tpu.memref_slice %arg4[%multiple_of3A_35, %dma_start3A_42] : memref<2560x128xi32, #tpu.memory_space<hbm>> -> memref<16x128xi32, #tpu.memory_space<hbm>>
        tpu.enqueue_dma source(%dma_start3A_43 : memref<16x128xi32, #tpu.memory_space<hbm>>) target(%arg8 : memref<16x128xi32, #tpu.memory_space<vmem>>) target_semaphore(%run_scoped3A : memref<!tpu.dma_semaphore, #tpu.memory_space<semaphore_mem>>)
        %dma_wait3A = arith.constant 0 : i32
        %dma_wait3A_44 = tpu.memref_slice %arg4[%multiple_of3A_35, %dma_wait3A] : memref<2560x128xi32, #tpu.memory_space<hbm>> -> memref<16x128xi32, #tpu.memory_space<hbm>>
        %dma_wait3A_45 = arith.constant 0 : i32
        %dma_wait3A_46 = tpu.memref_slice %arg4[%multiple_of3A_35, %dma_wait3A_45] : memref<2560x128xi32, #tpu.memory_space<hbm>> -> memref<16x128xi32, #tpu.memory_space<hbm>>
        tpu.wait_dma2 semaphore(%run_scoped3A : memref<!tpu.dma_semaphore, #tpu.memory_space<semaphore_mem>>) src(%dma_wait3A_46 : memref<16x128xi32, #tpu.memory_space<hbm>>) dst(%arg8 : memref<16x128xi32, #tpu.memory_space<vmem>>)
        tpu.yield
      }) : () -> ()
      %scan3A_36 = arith.constant 0 : i32
      %scan3A_37 = arith.constant 8 : i32
      %scan3A_38 = arith.addi %scan3A_36, %scan3A_37 : i32
      %scan3A_39 = arith.constant 1 : i32
      scf.for %scan3A_41 = %scan3A_36 to %scan3A_38 step %scan3A_39  : i32 {
        %mul3A_42 = arith.constant 1 : i32
        %mul3A_43 = arith.muli %scan3A_41, %mul3A_42 : i32
        %add3A_44 = arith.constant 0 : i32
        %add3A_45 = arith.addi %add3A_44, %mul3A_43 : i32
        %mul3A_46 = arith.constant 2 : i32
        %mul3A_47 = arith.muli %add3A_45, %mul3A_46 : i32
        %add3A_48 = arith.constant 0 : i32
        %add3A_49 = arith.addi %mul3A_47, %add3A_48 : i32
        %dma_start3A = arith.constant 0 : i32
        %dma_start3A_50 = tpu.memref_slice %arg7[%add3A_49, %dma_start3A] : memref<16x128xi32, #tpu.memory_space<vmem>> -> memref<1x128xi32, #tpu.memory_space<vmem>>
        %dma_start3A_51 = tpu.memref_squeeze %dma_start3A_50 : memref<1x128xi32, #tpu.memory_space<vmem>> -> memref<128xi32, #tpu.memory_space<vmem>>
        %dma_start3A_52 = arith.constant 0 : i32
        %dma_start3A_53 = arith.constant 0 : i32
        %dma_start3A_54 = tpu.memref_slice %arg2[%dma_start3A_52, %dma_start3A_53] : memref<20224x128xf32, #tpu.memory_space<hbm>> -> memref<20224x128xf32, #tpu.memory_space<hbm>>
        tpu.enqueue_indirect_dma source(%dma_start3A_54 : memref<20224x128xf32, #tpu.memory_space<hbm>>) target(%arg9 : memref<128x128xf32, #tpu.memory_space<vmem>>) offsets(%dma_start3A_51 : memref<128xi32, #tpu.memory_space<vmem>>) semaphore(%arg12 : memref<!tpu.dma_semaphore, #tpu.memory_space<semaphore_mem>>)
        %mul3A_55 = arith.constant 2 : i32
        %mul3A_56 = arith.muli %add3A_45, %mul3A_55 : i32
        %add3A_57 = arith.constant 1 : i32
        %add3A_58 = arith.addi %mul3A_56, %add3A_57 : i32
        %dma_start3A_59 = arith.constant 0 : i32
        %dma_start3A_60 = tpu.memref_slice %arg7[%add3A_58, %dma_start3A_59] : memref<16x128xi32, #tpu.memory_space<vmem>> -> memref<1x128xi32, #tpu.memory_space<vmem>>
        %dma_start3A_61 = tpu.memref_squeeze %dma_start3A_60 : memref<1x128xi32, #tpu.memory_space<vmem>> -> memref<128xi32, #tpu.memory_space<vmem>>
        %dma_start3A_62 = arith.constant 0 : i32
        %dma_start3A_63 = arith.constant 0 : i32
        %dma_start3A_64 = tpu.memref_slice %arg2[%dma_start3A_62, %dma_start3A_63] : memref<20224x128xf32, #tpu.memory_space<hbm>> -> memref<20224x128xf32, #tpu.memory_space<hbm>>
        tpu.enqueue_indirect_dma source(%dma_start3A_64 : memref<20224x128xf32, #tpu.memory_space<hbm>>) target(%arg10 : memref<128x128xf32, #tpu.memory_space<vmem>>) offsets(%dma_start3A_61 : memref<128xi32, #tpu.memory_space<vmem>>) semaphore(%arg13 : memref<!tpu.dma_semaphore, #tpu.memory_space<semaphore_mem>>)
        %dma_wait3A = arith.constant 0 : i32
        %dma_wait3A_65 = tpu.memref_slice %arg7[%add3A_49, %dma_wait3A] : memref<16x128xi32, #tpu.memory_space<vmem>> -> memref<1x128xi32, #tpu.memory_space<vmem>>
        %dma_wait3A_66 = tpu.memref_squeeze %dma_wait3A_65 : memref<1x128xi32, #tpu.memory_space<vmem>> -> memref<128xi32, #tpu.memory_space<vmem>>
        %dma_wait3A_67 = arith.constant 0 : i32
        %dma_wait3A_68 = arith.constant 0 : i32
        %dma_wait3A_69 = tpu.memref_slice %arg2[%dma_wait3A_67, %dma_wait3A_68] : memref<20224x128xf32, #tpu.memory_space<hbm>> -> memref<20224x128xf32, #tpu.memory_space<hbm>>
        tpu.wait_indirect_dma semaphore(%arg12 : memref<!tpu.dma_semaphore, #tpu.memory_space<semaphore_mem>>) src(%dma_wait3A_69 : memref<20224x128xf32, #tpu.memory_space<hbm>>) dst(%arg9 : memref<128x128xf32, #tpu.memory_space<vmem>>)
        %mul3A_70 = arith.constant 2 : i32
        %mul3A_71 = arith.muli %add3A_45, %mul3A_70 : i32
        %add3A_72 = arith.constant 0 : i32
        %add3A_73 = arith.addi %mul3A_71, %add3A_72 : i32
        "tpu.region"() ({
          %run_scoped3A = tpu.sem_alloc : memref<!tpu.dma_semaphore, #tpu.memory_space<semaphore_mem>>
          %dma_start3A_84 = arith.constant 0 : i32
          %dma_start3A_85 = tpu.memref_slice %arg8[%add3A_73, %dma_start3A_84] : memref<16x128xi32, #tpu.memory_space<vmem>> -> memref<1x128xi32, #tpu.memory_space<vmem>>
          %dma_start3A_86 = tpu.memref_squeeze %dma_start3A_85 : memref<1x128xi32, #tpu.memory_space<vmem>> -> memref<128xi32, #tpu.memory_space<vmem>>
          %dma_start3A_87 = arith.constant 0 : i32
          %dma_start3A_88 = arith.constant 0 : i32
          %dma_start3A_89 = tpu.memref_slice %arg11[%dma_start3A_87, %dma_start3A_88] : memref<10112x128xf32, #tpu.memory_space<vmem_shared>> -> memref<10112x128xf32, #tpu.memory_space<vmem_shared>>
          tpu.enqueue_indirect_dma source(%arg9 : memref<128x128xf32, #tpu.memory_space<vmem>>) target(%dma_start3A_89 : memref<10112x128xf32, #tpu.memory_space<vmem_shared>>) offsets(%dma_start3A_86 : memref<128xi32, #tpu.memory_space<vmem>>) semaphore(%run_scoped3A : memref<!tpu.dma_semaphore, #tpu.memory_space<semaphore_mem>>) {add = true}
          %dma_wait3A_90 = arith.constant 0 : i32
          %dma_wait3A_91 = tpu.memref_slice %arg8[%add3A_73, %dma_wait3A_90] : memref<16x128xi32, #tpu.memory_space<vmem>> -> memref<1x128xi32, #tpu.memory_space<vmem>>
          %dma_wait3A_92 = tpu.memref_squeeze %dma_wait3A_91 : memref<1x128xi32, #tpu.memory_space<vmem>> -> memref<128xi32, #tpu.memory_space<vmem>>
          %dma_wait3A_93 = arith.constant 0 : i32
          %dma_wait3A_94 = arith.constant 0 : i32
          %dma_wait3A_95 = tpu.memref_slice %arg11[%dma_wait3A_93, %dma_wait3A_94] : memref<10112x128xf32, #tpu.memory_space<vmem_shared>> -> memref<10112x128xf32, #tpu.memory_space<vmem_shared>>
          tpu.wait_indirect_dma semaphore(%run_scoped3A : memref<!tpu.dma_semaphore, #tpu.memory_space<semaphore_mem>>) src(%arg9 : memref<128x128xf32, #tpu.memory_space<vmem>>) dst(%dma_wait3A_95 : memref<10112x128xf32, #tpu.memory_space<vmem_shared>>)
          tpu.yield
        }) : () -> ()
        %dma_wait3A_74 = arith.constant 0 : i32
        %dma_wait3A_75 = tpu.memref_slice %arg7[%add3A_58, %dma_wait3A_74] : memref<16x128xi32, #tpu.memory_space<vmem>> -> memref<1x128xi32, #tpu.memory_space<vmem>>
        %dma_wait3A_76 = tpu.memref_squeeze %dma_wait3A_75 : memref<1x128xi32, #tpu.memory_space<vmem>> -> memref<128xi32, #tpu.memory_space<vmem>>
        %dma_wait3A_77 = arith.constant 0 : i32
        %dma_wait3A_78 = arith.constant 0 : i32
        %dma_wait3A_79 = tpu.memref_slice %arg2[%dma_wait3A_77, %dma_wait3A_78] : memref<20224x128xf32, #tpu.memory_space<hbm>> -> memref<20224x128xf32, #tpu.memory_space<hbm>>
        tpu.wait_indirect_dma semaphore(%arg13 : memref<!tpu.dma_semaphore, #tpu.memory_space<semaphore_mem>>) src(%dma_wait3A_79 : memref<20224x128xf32, #tpu.memory_space<hbm>>) dst(%arg10 : memref<128x128xf32, #tpu.memory_space<vmem>>)
        %mul3A_80 = arith.constant 2 : i32
        %mul3A_81 = arith.muli %add3A_45, %mul3A_80 : i32
        %add3A_82 = arith.constant 1 : i32
        %add3A_83 = arith.addi %mul3A_81, %add3A_82 : i32
        "tpu.region"() ({
          %run_scoped3A = tpu.sem_alloc : memref<!tpu.dma_semaphore, #tpu.memory_space<semaphore_mem>>
          %dma_start3A_84 = arith.constant 0 : i32
          %dma_start3A_85 = tpu.memref_slice %arg8[%add3A_83, %dma_start3A_84] : memref<16x128xi32, #tpu.memory_space<vmem>> -> memref<1x128xi32, #tpu.memory_space<vmem>>
          %dma_start3A_86 = tpu.memref_squeeze %dma_start3A_85 : memref<1x128xi32, #tpu.memory_space<vmem>> -> memref<128xi32, #tpu.memory_space<vmem>>
          %dma_start3A_87 = arith.constant 0 : i32
          %dma_start3A_88 = arith.constant 0 : i32
          %dma_start3A_89 = tpu.memref_slice %arg11[%dma_start3A_87, %dma_start3A_88] : memref<10112x128xf32, #tpu.memory_space<vmem_shared>> -> memref<10112x128xf32, #tpu.memory_space<vmem_shared>>
          tpu.enqueue_indirect_dma source(%arg10 : memref<128x128xf32, #tpu.memory_space<vmem>>) target(%dma_start3A_89 : memref<10112x128xf32, #tpu.memory_space<vmem_shared>>) offsets(%dma_start3A_86 : memref<128xi32, #tpu.memory_space<vmem>>) semaphore(%run_scoped3A : memref<!tpu.dma_semaphore, #tpu.memory_space<semaphore_mem>>) {add = true}
          %dma_wait3A_90 = arith.constant 0 : i32
          %dma_wait3A_91 = tpu.memref_slice %arg8[%add3A_83, %dma_wait3A_90] : memref<16x128xi32, #tpu.memory_space<vmem>> -> memref<1x128xi32, #tpu.memory_space<vmem>>
          %dma_wait3A_92 = tpu.memref_squeeze %dma_wait3A_91 : memref<1x128xi32, #tpu.memory_space<vmem>> -> memref<128xi32, #tpu.memory_space<vmem>>
          %dma_wait3A_93 = arith.constant 0 : i32
          %dma_wait3A_94 = arith.constant 0 : i32
          %dma_wait3A_95 = tpu.memref_slice %arg11[%dma_wait3A_93, %dma_wait3A_94] : memref<10112x128xf32, #tpu.memory_space<vmem_shared>> -> memref<10112x128xf32, #tpu.memory_space<vmem_shared>>
          tpu.wait_indirect_dma semaphore(%run_scoped3A : memref<!tpu.dma_semaphore, #tpu.memory_space<semaphore_mem>>) src(%arg10 : memref<128x128xf32, #tpu.memory_space<vmem>>) dst(%dma_wait3A_95 : memref<10112x128xf32, #tpu.memory_space<vmem_shared>>)
          tpu.yield
        }) : () -> ()
      }
      %scan3A_40 = arith.constant 8 : i32
    }
    %scan3A_14 = arith.constant 10 : i32
    %barrier3A_15 = arith.constant 0 : index
    tpu.barrier barrier_id(%barrier3A_15)
    %mul3A_16 = arith.constant 10112 : i32
    %mul3A_17 = arith.muli %arg0, %mul3A_16 : i32
    %mul3A_18 = arith.constant 632 : i32
    %mul3A_19 = arith.muli %arg1, %mul3A_18 : i32
    %add3A_20 = arith.addi %mul3A_17, %mul3A_19 : i32
    %multiple_of3A = tpu.assume_multiple %add3A_20, 8 : i32
    %mul3A_21 = arith.constant 632 : i32
    %mul3A_22 = arith.muli %arg1, %mul3A_21 : i32
    "tpu.region"() ({
      %run_scoped3A = tpu.sem_alloc : memref<!tpu.dma_semaphore, #tpu.memory_space<semaphore_mem>>
      %dma_start3A = arith.constant 0 : i32
      %dma_start3A_23 = tpu.memref_slice %arg6[%multiple_of3A, %dma_start3A] : memref<20224x128xf32, #tpu.memory_space<hbm>> -> memref<632x128xf32, #tpu.memory_space<hbm>>
      %dma_start3A_24 = arith.constant 0 : i32
      %dma_start3A_25 = tpu.memref_slice %arg11[%mul3A_22, %dma_start3A_24] : memref<10112x128xf32, #tpu.memory_space<vmem_shared>> -> memref<632x128xf32, #tpu.memory_space<vmem_shared>>
      tpu.enqueue_dma source(%dma_start3A_25 : memref<632x128xf32, #tpu.memory_space<vmem_shared>>) target(%dma_start3A_23 : memref<632x128xf32, #tpu.memory_space<hbm>>) target_semaphore(%run_scoped3A : memref<!tpu.dma_semaphore, #tpu.memory_space<semaphore_mem>>)
      %dma_wait3A = arith.constant 0 : i32
      %dma_wait3A_26 = tpu.memref_slice %arg6[%multiple_of3A, %dma_wait3A] : memref<20224x128xf32, #tpu.memory_space<hbm>> -> memref<632x128xf32, #tpu.memory_space<hbm>>
      %dma_wait3A_27 = arith.constant 0 : i32
      %dma_wait3A_28 = tpu.memref_slice %arg11[%mul3A_22, %dma_wait3A_27] : memref<10112x128xf32, #tpu.memory_space<vmem_shared>> -> memref<632x128xf32, #tpu.memory_space<vmem_shared>>
      tpu.wait_dma2 semaphore(%run_scoped3A : memref<!tpu.dma_semaphore, #tpu.memory_space<semaphore_mem>>) src(%dma_wait3A_28 : memref<632x128xf32, #tpu.memory_space<vmem_shared>>) dst(%dma_wait3A_26 : memref<632x128xf32, #tpu.memory_space<hbm>>)
      tpu.yield
    }) : () -> ()
    return
  }
}

module attributes {stable_mosaic.version = 14 : i64} {
  func.func @body(%arg0: i32, %arg1: memref<2x632x128xf32, #tpu.memory_space<vmem>>, %arg2: memref<632x128xf32, #tpu.memory_space<vmem>>, %arg3: memref<128x256xf32, #tpu.memory_space<vmem>>, %arg4: memref<256xf32, #tpu.memory_space<vmem>>, %arg5: memref<128x256xf32, #tpu.memory_space<vmem>>, %arg6: memref<2x632x128xf32, #tpu.memory_space<vmem>>, %arg7: memref<632x16xf32, #tpu.memory_space<vmem>>) attributes {dimension_semantics = [#tpu.dimension_semantics<arbitrary>], iteration_bounds = array<i64: 16>, scalar_prefetch = 0 : i64, scratch_operands = 0 : i64, tpu.core_type = #tpu.core_type<tc>, window_params = [{transform_indices = @transform_0, window_bounds = array<i64: 2, 632, 128>}, {transform_indices = @transform_1, window_bounds = array<i64: 632, 128>}, {pipeline_mode = #tpu.pipeline_mode<synchronous>, transform_indices = @transform_2, window_bounds = array<i64: 128, 256>}, {pipeline_mode = #tpu.pipeline_mode<synchronous>, transform_indices = @transform_3, window_bounds = array<i64: 256>}, {pipeline_mode = #tpu.pipeline_mode<synchronous>, transform_indices = @transform_4, window_bounds = array<i64: 128, 256>}, {transform_indices = @transform_5, window_bounds = array<i64: 2, 632, 128>}, {transform_indices = @transform_6, window_bounds = array<i64: 632, 16>}]} {
    %get3A = arith.constant 1 : index
    %get3A_0 = arith.constant 0 : index
    %get3A_1 = arith.constant 0 : index
    %get3A_2 = vector.load %arg1[%get3A, %get3A_0, %get3A_1] : memref<2x632x128xf32, #tpu.memory_space<vmem>>, vector<1x632x128xf32>
    %get3A_3 = vector.shape_cast %get3A_2 : vector<1x632x128xf32> to vector<632x128xf32>
    %slice3A = vector.extract_strided_slice %get3A_3 {offsets = [0, 0], sizes = [632, 16], strides = [1, 1]} : vector<632x128xf32> to vector<632x16xf32>
    %max3A = arith.constant 1.000000e+00 : f32
    %max3A_4 = vector.broadcast %max3A : f32 to vector<632x16xf32>
    %max3A_5 = arith.maximumf %slice3A, %max3A_4 : vector<632x16xf32>
    %div3A = arith.constant 1.000000e+00 : f32
    %div3A_6 = vector.broadcast %div3A : f32 to vector<632x16xf32>
    %div3A_7 = arith.divf %div3A_6, %max3A_5 : vector<632x16xf32>
    %get3A_8 = arith.constant 0 : index
    %get3A_9 = arith.constant 0 : index
    %get3A_10 = arith.constant 0 : index
    %get3A_11 = vector.load %arg1[%get3A_8, %get3A_9, %get3A_10] : memref<2x632x128xf32, #tpu.memory_space<vmem>>, vector<1x632x128xf32>
    %get3A_12 = vector.shape_cast %get3A_11 : vector<1x632x128xf32> to vector<632x128xf32>
    %slice3A_13 = vector.extract_strided_slice %div3A_7 {offsets = [0, 0], sizes = [632, 1], strides = [1, 1]} : vector<632x16xf32> to vector<632x1xf32>
    %mul3A = vector.broadcast %slice3A_13 : vector<632x1xf32> to vector<632x128xf32>
    %mul3A_14 = arith.mulf %get3A_12, %mul3A : vector<632x128xf32>
    %get3A_15 = arith.constant 0 : index
    %get3A_16 = arith.constant 0 : index
    %get3A_17 = vector.load %arg3[%get3A_15, %get3A_16] : memref<128x256xf32, #tpu.memory_space<vmem>>, vector<128x256xf32>
    %dot_general3A = arith.constant dense<0.000000e+00> : vector<632x256xf32>
    %dot_general3A_18 = tpu.matmul %mul3A_14, %get3A_17, %dot_general3A {dimension_numbers = #tpu.dot_dimension_numbers<[1], [0], [0], [1], [0, 0, 1, 1], [], []>, transpose_lhs_hint = false} : vector<632x128xf32>, vector<128x256xf32>, vector<632x256xf32> -> vector<632x256xf32>
    %get3A_19 = arith.constant 0 : index
    %get3A_20 = vector.load %arg4[%get3A_19] : memref<256xf32, #tpu.memory_space<vmem>>, vector<256xf32>
    %broadcast_in_dim3A = vector.shape_cast %get3A_20 : vector<256xf32> to vector<1x256xf32>
    %add3A = vector.broadcast %broadcast_in_dim3A : vector<1x256xf32> to vector<632x256xf32>
    %add3A_21 = arith.addf %dot_general3A_18, %add3A : vector<632x256xf32>
    %get3A_22 = arith.constant 0 : index
    %get3A_23 = arith.constant 0 : index
    %get3A_24 = vector.load %arg2[%get3A_22, %get3A_23] : memref<632x128xf32, #tpu.memory_space<vmem>>, vector<632x128xf32>
    %get3A_25 = arith.constant 0 : index
    %get3A_26 = arith.constant 0 : index
    %get3A_27 = vector.load %arg5[%get3A_25, %get3A_26] : memref<128x256xf32, #tpu.memory_space<vmem>>, vector<128x256xf32>
    %dot_general3A_28 = arith.constant dense<0.000000e+00> : vector<632x256xf32>
    %dot_general3A_29 = tpu.matmul %get3A_24, %get3A_27, %dot_general3A_28 {dimension_numbers = #tpu.dot_dimension_numbers<[1], [0], [0], [1], [0, 0, 1, 1], [], []>, transpose_lhs_hint = false} : vector<632x128xf32>, vector<128x256xf32>, vector<632x256xf32> -> vector<632x256xf32>
    %add3A_30 = arith.addf %add3A_21, %dot_general3A_29 : vector<632x256xf32>
    %max3A_31 = arith.constant 0.000000e+00 : f32
    %max3A_32 = vector.broadcast %max3A_31 : f32 to vector<632x256xf32>
    %max3A_33 = arith.maximumf %add3A_30, %max3A_32 : vector<632x256xf32>
    %slice3A_34 = vector.extract_strided_slice %max3A_33 {offsets = [0, 0], sizes = [632, 128], strides = [1, 1]} : vector<632x256xf32> to vector<632x128xf32>
    %swap3A = arith.constant 0 : index
    %swap3A_35 = arith.constant 0 : index
    %swap3A_36 = arith.constant 0 : index
    %swap3A_37 = vector.load %arg6[%swap3A, %swap3A_35, %swap3A_36] : memref<2x632x128xf32, #tpu.memory_space<vmem>>, vector<1x632x128xf32>
    %swap3A_38 = vector.shape_cast %swap3A_37 : vector<1x632x128xf32> to vector<632x128xf32>
    %swap3A_39 = vector.shape_cast %slice3A_34 : vector<632x128xf32> to vector<1x632x128xf32>
    tpu.vector_store %arg6[%swap3A, %swap3A_35, %swap3A_36], %swap3A_39 {strides = array<i32>} : memref<2x632x128xf32, #tpu.memory_space<vmem>>, vector<1x632x128xf32>,
    %slice3A_40 = vector.extract_strided_slice %max3A_33 {offsets = [0, 128], sizes = [632, 128], strides = [1, 1]} : vector<632x256xf32> to vector<632x128xf32>
    %swap3A_41 = arith.constant 1 : index
    %swap3A_42 = arith.constant 0 : index
    %swap3A_43 = arith.constant 0 : index
    %swap3A_44 = vector.load %arg6[%swap3A_41, %swap3A_42, %swap3A_43] : memref<2x632x128xf32, #tpu.memory_space<vmem>>, vector<1x632x128xf32>
    %swap3A_45 = vector.shape_cast %swap3A_44 : vector<1x632x128xf32> to vector<632x128xf32>
    %swap3A_46 = vector.shape_cast %slice3A_40 : vector<632x128xf32> to vector<1x632x128xf32>
    tpu.vector_store %arg6[%swap3A_41, %swap3A_42, %swap3A_43], %swap3A_46 {strides = array<i32>} : memref<2x632x128xf32, #tpu.memory_space<vmem>>, vector<1x632x128xf32>,
    %swap3A_47 = arith.constant 0 : index
    %swap3A_48 = arith.constant 0 : index
    %swap3A_49 = vector.load %arg7[%swap3A_47, %swap3A_48] : memref<632x16xf32, #tpu.memory_space<vmem>>, vector<632x16xf32>
    tpu.vector_store %arg7[%swap3A_47, %swap3A_48], %div3A_7 {strides = array<i32>} : memref<632x16xf32, #tpu.memory_space<vmem>>, vector<632x16xf32>,
    return
  }
  func.func @transform_0(%arg0: i32) -> (i32, i32, i32) {
    %c0_i32 = arith.constant 0 : i32
    %c0_i32_0 = arith.constant 0 : i32
    %c0_i32_1 = arith.constant 0 : i32
    return %c0_i32, %arg0, %c0_i32_0 : i32, i32, i32
  }
  func.func @transform_1(%arg0: i32) -> (i32, i32) {
    %c0_i32 = arith.constant 0 : i32
    %c0_i32_0 = arith.constant 0 : i32
    return %arg0, %c0_i32 : i32, i32
  }
  func.func @transform_2(%arg0: i32) -> (i32, i32) {
    %c0_i32 = arith.constant 0 : i32
    %c0_i32_0 = arith.constant 0 : i32
    %c0_i32_1 = arith.constant 0 : i32
    return %c0_i32, %c0_i32_0 : i32, i32
  }
  func.func @transform_3(%arg0: i32) -> i32 {
    %c0_i32 = arith.constant 0 : i32
    %c0_i32_0 = arith.constant 0 : i32
    return %c0_i32 : i32
  }
  func.func @transform_4(%arg0: i32) -> (i32, i32) {
    %c0_i32 = arith.constant 0 : i32
    %c0_i32_0 = arith.constant 0 : i32
    %c0_i32_1 = arith.constant 0 : i32
    return %c0_i32, %c0_i32_0 : i32, i32
  }
  func.func @transform_5(%arg0: i32) -> (i32, i32, i32) {
    %c0_i32 = arith.constant 0 : i32
    %c0_i32_0 = arith.constant 0 : i32
    %c0_i32_1 = arith.constant 0 : i32
    return %c0_i32, %arg0, %c0_i32_0 : i32, i32, i32
  }
  func.func @transform_6(%arg0: i32) -> (i32, i32) {
    %c0_i32 = arith.constant 0 : i32
    %c0_i32_0 = arith.constant 0 : i32
    return %arg0, %c0_i32 : i32, i32
  }
}

module attributes {stable_mosaic.version = 14 : i64} {
  func.func @body(%arg0: i32, %arg1: memref<2x632x128xf32, #tpu.memory_space<vmem>>, %arg2: memref<2x632x128xf32, #tpu.memory_space<vmem>>, %arg3: memref<632x16xf32, #tpu.memory_space<vmem>>, %arg4: memref<256x256xf32, #tpu.memory_space<vmem>>, %arg5: memref<256xf32, #tpu.memory_space<vmem>>, %arg6: memref<256x256xf32, #tpu.memory_space<vmem>>, %arg7: memref<2x632x128xf32, #tpu.memory_space<vmem>>) attributes {dimension_semantics = [#tpu.dimension_semantics<arbitrary>], iteration_bounds = array<i64: 16>, scalar_prefetch = 0 : i64, scratch_operands = 0 : i64, tpu.core_type = #tpu.core_type<tc>, window_params = [{transform_indices = @transform_0, window_bounds = array<i64: 2, 632, 128>}, {transform_indices = @transform_1, window_bounds = array<i64: 2, 632, 128>}, {transform_indices = @transform_2, window_bounds = array<i64: 632, 16>}, {pipeline_mode = #tpu.pipeline_mode<synchronous>, transform_indices = @transform_3, window_bounds = array<i64: 256, 256>}, {pipeline_mode = #tpu.pipeline_mode<synchronous>, transform_indices = @transform_4, window_bounds = array<i64: 256>}, {pipeline_mode = #tpu.pipeline_mode<synchronous>, transform_indices = @transform_5, window_bounds = array<i64: 256, 256>}, {transform_indices = @transform_6, window_bounds = array<i64: 2, 632, 128>}]} {
    %get3A = arith.constant 0 : index
    %get3A_0 = arith.constant 0 : index
    %get3A_1 = vector.load %arg3[%get3A, %get3A_0] : memref<632x16xf32, #tpu.memory_space<vmem>>, vector<632x1xf32>
    %get3A_2 = arith.constant 0 : index
    %get3A_3 = arith.constant 0 : index
    %get3A_4 = arith.constant 0 : index
    %get3A_5 = vector.load %arg1[%get3A_2, %get3A_3, %get3A_4] : memref<2x632x128xf32, #tpu.memory_space<vmem>>, vector<1x632x128xf32>
    %get3A_6 = vector.shape_cast %get3A_5 : vector<1x632x128xf32> to vector<632x128xf32>
    %mul3A = vector.broadcast %get3A_1 : vector<632x1xf32> to vector<632x128xf32>
    %mul3A_7 = arith.mulf %get3A_6, %mul3A : vector<632x128xf32>
    %get3A_8 = arith.constant 0 : index
    %get3A_9 = arith.constant 0 : index
    %get3A_10 = vector.load %arg4[%get3A_8, %get3A_9] : memref<256x256xf32, #tpu.memory_space<vmem>>, vector<128x256xf32>
    %dot_general3A = arith.constant dense<0.000000e+00> : vector<632x256xf32>
    %dot_general3A_11 = tpu.matmul %mul3A_7, %get3A_10, %dot_general3A {dimension_numbers = #tpu.dot_dimension_numbers<[1], [0], [0], [1], [0, 0, 1, 1], [], []>, transpose_lhs_hint = false} : vector<632x128xf32>, vector<128x256xf32>, vector<632x256xf32> -> vector<632x256xf32>
    %get3A_12 = arith.constant 1 : index
    %get3A_13 = arith.constant 0 : index
    %get3A_14 = arith.constant 0 : index
    %get3A_15 = vector.load %arg1[%get3A_12, %get3A_13, %get3A_14] : memref<2x632x128xf32, #tpu.memory_space<vmem>>, vector<1x632x128xf32>
    %get3A_16 = vector.shape_cast %get3A_15 : vector<1x632x128xf32> to vector<632x128xf32>
    %mul3A_17 = vector.broadcast %get3A_1 : vector<632x1xf32> to vector<632x128xf32>
    %mul3A_18 = arith.mulf %get3A_16, %mul3A_17 : vector<632x128xf32>
    %get3A_19 = arith.constant 128 : index
    %get3A_20 = arith.constant 0 : index
    %get3A_21 = vector.load %arg4[%get3A_19, %get3A_20] : memref<256x256xf32, #tpu.memory_space<vmem>>, vector<128x256xf32>
    %dot_general3A_22 = arith.constant dense<0.000000e+00> : vector<632x256xf32>
    %dot_general3A_23 = tpu.matmul %mul3A_18, %get3A_21, %dot_general3A_22 {dimension_numbers = #tpu.dot_dimension_numbers<[1], [0], [0], [1], [0, 0, 1, 1], [], []>, transpose_lhs_hint = false} : vector<632x128xf32>, vector<128x256xf32>, vector<632x256xf32> -> vector<632x256xf32>
    %add3A = arith.addf %dot_general3A_11, %dot_general3A_23 : vector<632x256xf32>
    %get3A_24 = arith.constant 0 : index
    %get3A_25 = vector.load %arg5[%get3A_24] : memref<256xf32, #tpu.memory_space<vmem>>, vector<256xf32>
    %broadcast_in_dim3A = vector.shape_cast %get3A_25 : vector<256xf32> to vector<1x256xf32>
    %add3A_26 = vector.broadcast %broadcast_in_dim3A : vector<1x256xf32> to vector<632x256xf32>
    %add3A_27 = arith.addf %add3A, %add3A_26 : vector<632x256xf32>
    %get3A_28 = arith.constant 0 : index
    %get3A_29 = arith.constant 0 : index
    %get3A_30 = arith.constant 0 : index
    %get3A_31 = vector.load %arg2[%get3A_28, %get3A_29, %get3A_30] : memref<2x632x128xf32, #tpu.memory_space<vmem>>, vector<1x632x128xf32>
    %get3A_32 = vector.shape_cast %get3A_31 : vector<1x632x128xf32> to vector<632x128xf32>
    %get3A_33 = arith.constant 0 : index
    %get3A_34 = arith.constant 0 : index
    %get3A_35 = vector.load %arg6[%get3A_33, %get3A_34] : memref<256x256xf32, #tpu.memory_space<vmem>>, vector<128x256xf32>
    %dot_general3A_36 = arith.constant dense<0.000000e+00> : vector<632x256xf32>
    %dot_general3A_37 = tpu.matmul %get3A_32, %get3A_35, %dot_general3A_36 {dimension_numbers = #tpu.dot_dimension_numbers<[1], [0], [0], [1], [0, 0, 1, 1], [], []>, transpose_lhs_hint = false} : vector<632x128xf32>, vector<128x256xf32>, vector<632x256xf32> -> vector<632x256xf32>
    %add3A_38 = arith.addf %add3A_27, %dot_general3A_37 : vector<632x256xf32>
    %get3A_39 = arith.constant 1 : index
    %get3A_40 = arith.constant 0 : index
    %get3A_41 = arith.constant 0 : index
    %get3A_42 = vector.load %arg2[%get3A_39, %get3A_40, %get3A_41] : memref<2x632x128xf32, #tpu.memory_space<vmem>>, vector<1x632x128xf32>
    %get3A_43 = vector.shape_cast %get3A_42 : vector<1x632x128xf32> to vector<632x128xf32>
    %get3A_44 = arith.constant 128 : index
    %get3A_45 = arith.constant 0 : index
    %get3A_46 = vector.load %arg6[%get3A_44, %get3A_45] : memref<256x256xf32, #tpu.memory_space<vmem>>, vector<128x256xf32>
    %dot_general3A_47 = arith.constant dense<0.000000e+00> : vector<632x256xf32>
    %dot_general3A_48 = tpu.matmul %get3A_43, %get3A_46, %dot_general3A_47 {dimension_numbers = #tpu.dot_dimension_numbers<[1], [0], [0], [1], [0, 0, 1, 1], [], []>, transpose_lhs_hint = false} : vector<632x128xf32>, vector<128x256xf32>, vector<632x256xf32> -> vector<632x256xf32>
    %add3A_49 = arith.addf %add3A_38, %dot_general3A_48 : vector<632x256xf32>
    %max3A = arith.constant 0.000000e+00 : f32
    %max3A_50 = vector.broadcast %max3A : f32 to vector<632x256xf32>
    %max3A_51 = arith.maximumf %add3A_49, %max3A_50 : vector<632x256xf32>
    %slice3A = vector.extract_strided_slice %max3A_51 {offsets = [0, 0], sizes = [632, 128], strides = [1, 1]} : vector<632x256xf32> to vector<632x128xf32>
    %swap3A = arith.constant 0 : index
    %swap3A_52 = arith.constant 0 : index
    %swap3A_53 = arith.constant 0 : index
    %swap3A_54 = vector.load %arg7[%swap3A, %swap3A_52, %swap3A_53] : memref<2x632x128xf32, #tpu.memory_space<vmem>>, vector<1x632x128xf32>
    %swap3A_55 = vector.shape_cast %swap3A_54 : vector<1x632x128xf32> to vector<632x128xf32>
    %swap3A_56 = vector.shape_cast %slice3A : vector<632x128xf32> to vector<1x632x128xf32>
    tpu.vector_store %arg7[%swap3A, %swap3A_52, %swap3A_53], %swap3A_56 {strides = array<i32>} : memref<2x632x128xf32, #tpu.memory_space<vmem>>, vector<1x632x128xf32>,
    %slice3A_57 = vector.extract_strided_slice %max3A_51 {offsets = [0, 128], sizes = [632, 128], strides = [1, 1]} : vector<632x256xf32> to vector<632x128xf32>
    %swap3A_58 = arith.constant 1 : index
    %swap3A_59 = arith.constant 0 : index
    %swap3A_60 = arith.constant 0 : index
    %swap3A_61 = vector.load %arg7[%swap3A_58, %swap3A_59, %swap3A_60] : memref<2x632x128xf32, #tpu.memory_space<vmem>>, vector<1x632x128xf32>
    %swap3A_62 = vector.shape_cast %swap3A_61 : vector<1x632x128xf32> to vector<632x128xf32>
    %swap3A_63 = vector.shape_cast %slice3A_57 : vector<632x128xf32> to vector<1x632x128xf32>
    tpu.vector_store %arg7[%swap3A_58, %swap3A_59, %swap3A_60], %swap3A_63 {strides = array<i32>} : memref<2x632x128xf32, #tpu.memory_space<vmem>>, vector<1x632x128xf32>,
    return
  }
  func.func @transform_0(%arg0: i32) -> (i32, i32, i32) {
    %c0_i32 = arith.constant 0 : i32
    %c0_i32_0 = arith.constant 0 : i32
    %c0_i32_1 = arith.constant 0 : i32
    return %c0_i32, %arg0, %c0_i32_0 : i32, i32, i32
  }
  func.func @transform_1(%arg0: i32) -> (i32, i32, i32) {
    %c0_i32 = arith.constant 0 : i32
    %c0_i32_0 = arith.constant 0 : i32
    %c0_i32_1 = arith.constant 0 : i32
    return %c0_i32, %arg0, %c0_i32_0 : i32, i32, i32
  }
  func.func @transform_2(%arg0: i32) -> (i32, i32) {
    %c0_i32 = arith.constant 0 : i32
    %c0_i32_0 = arith.constant 0 : i32
    return %arg0, %c0_i32 : i32, i32
  }
  func.func @transform_3(%arg0: i32) -> (i32, i32) {
    %c0_i32 = arith.constant 0 : i32
    %c0_i32_0 = arith.constant 0 : i32
    %c0_i32_1 = arith.constant 0 : i32
    return %c0_i32, %c0_i32_0 : i32, i32
  }
  func.func @transform_4(%arg0: i32) -> i32 {
    %c0_i32 = arith.constant 0 : i32
    %c0_i32_0 = arith.constant 0 : i32
    return %c0_i32 : i32
  }
  func.func @transform_5(%arg0: i32) -> (i32, i32) {
    %c0_i32 = arith.constant 0 : i32
    %c0_i32_0 = arith.constant 0 : i32
    %c0_i32_1 = arith.constant 0 : i32
    return %c0_i32, %c0_i32_0 : i32, i32
  }
  func.func @transform_6(%arg0: i32) -> (i32, i32, i32) {
    %c0_i32 = arith.constant 0 : i32
    %c0_i32_0 = arith.constant 0 : i32
    %c0_i32_1 = arith.constant 0 : i32
    return %c0_i32, %arg0, %c0_i32_0 : i32, i32, i32
  }
}

module attributes {stable_mosaic.version = 14 : i64} {
  func.func @body(%arg0: i32, %arg1: memref<2x632x128xf32, #tpu.memory_space<vmem>>, %arg2: memref<2x632x128xf32, #tpu.memory_space<vmem>>, %arg3: memref<632x16xf32, #tpu.memory_space<vmem>>, %arg4: memref<256x256xf32, #tpu.memory_space<vmem>>, %arg5: memref<256xf32, #tpu.memory_space<vmem>>, %arg6: memref<256x256xf32, #tpu.memory_space<vmem>>, %arg7: memref<256x128xf32, #tpu.memory_space<vmem>>, %arg8: memref<128xf32, #tpu.memory_space<vmem>>, %arg9: memref<256x128xf32, #tpu.memory_space<vmem>>, %arg10: memref<632x128xf32, #tpu.memory_space<vmem>>, %arg11: memref<632x128xf32, #tpu.memory_space<vmem>>) attributes {dimension_semantics = [#tpu.dimension_semantics<arbitrary>], iteration_bounds = array<i64: 16>, scalar_prefetch = 0 : i64, scratch_operands = 0 : i64, tpu.core_type = #tpu.core_type<tc>, window_params = [{transform_indices = @transform_0, window_bounds = array<i64: 2, 632, 128>}, {transform_indices = @transform_1, window_bounds = array<i64: 2, 632, 128>}, {transform_indices = @transform_2, window_bounds = array<i64: 632, 16>}, {pipeline_mode = #tpu.pipeline_mode<synchronous>, transform_indices = @transform_3, window_bounds = array<i64: 256, 256>}, {pipeline_mode = #tpu.pipeline_mode<synchronous>, transform_indices = @transform_4, window_bounds = array<i64: 256>}, {pipeline_mode = #tpu.pipeline_mode<synchronous>, transform_indices = @transform_5, window_bounds = array<i64: 256, 256>}, {pipeline_mode = #tpu.pipeline_mode<synchronous>, transform_indices = @transform_6, window_bounds = array<i64: 256, 128>}, {pipeline_mode = #tpu.pipeline_mode<synchronous>, transform_indices = @transform_7, window_bounds = array<i64: 128>}, {pipeline_mode = #tpu.pipeline_mode<synchronous>, transform_indices = @transform_8, window_bounds = array<i64: 256, 128>}, {transform_indices = @transform_9, window_bounds = array<i64: 632, 128>}, {transform_indices = @transform_10, window_bounds = array<i64: 632, 128>}]} {
    %get3A = arith.constant 0 : index
    %get3A_0 = arith.constant 0 : index
    %get3A_1 = vector.load %arg3[%get3A, %get3A_0] : memref<632x16xf32, #tpu.memory_space<vmem>>, vector<632x1xf32>
    %get3A_2 = arith.constant 0 : index
    %get3A_3 = arith.constant 0 : index
    %get3A_4 = arith.constant 0 : index
    %get3A_5 = vector.load %arg1[%get3A_2, %get3A_3, %get3A_4] : memref<2x632x128xf32, #tpu.memory_space<vmem>>, vector<1x632x128xf32>
    %get3A_6 = vector.shape_cast %get3A_5 : vector<1x632x128xf32> to vector<632x128xf32>
    %mul3A = vector.broadcast %get3A_1 : vector<632x1xf32> to vector<632x128xf32>
    %mul3A_7 = arith.mulf %get3A_6, %mul3A : vector<632x128xf32>
    %get3A_8 = arith.constant 0 : index
    %get3A_9 = arith.constant 0 : index
    %get3A_10 = vector.load %arg4[%get3A_8, %get3A_9] : memref<256x256xf32, #tpu.memory_space<vmem>>, vector<128x256xf32>
    %dot_general3A = arith.constant dense<0.000000e+00> : vector<632x256xf32>
    %dot_general3A_11 = tpu.matmul %mul3A_7, %get3A_10, %dot_general3A {dimension_numbers = #tpu.dot_dimension_numbers<[1], [0], [0], [1], [0, 0, 1, 1], [], []>, transpose_lhs_hint = false} : vector<632x128xf32>, vector<128x256xf32>, vector<632x256xf32> -> vector<632x256xf32>
    %get3A_12 = arith.constant 1 : index
    %get3A_13 = arith.constant 0 : index
    %get3A_14 = arith.constant 0 : index
    %get3A_15 = vector.load %arg1[%get3A_12, %get3A_13, %get3A_14] : memref<2x632x128xf32, #tpu.memory_space<vmem>>, vector<1x632x128xf32>
    %get3A_16 = vector.shape_cast %get3A_15 : vector<1x632x128xf32> to vector<632x128xf32>
    %mul3A_17 = vector.broadcast %get3A_1 : vector<632x1xf32> to vector<632x128xf32>
    %mul3A_18 = arith.mulf %get3A_16, %mul3A_17 : vector<632x128xf32>
    %get3A_19 = arith.constant 128 : index
    %get3A_20 = arith.constant 0 : index
    %get3A_21 = vector.load %arg4[%get3A_19, %get3A_20] : memref<256x256xf32, #tpu.memory_space<vmem>>, vector<128x256xf32>
    %dot_general3A_22 = arith.constant dense<0.000000e+00> : vector<632x256xf32>
    %dot_general3A_23 = tpu.matmul %mul3A_18, %get3A_21, %dot_general3A_22 {dimension_numbers = #tpu.dot_dimension_numbers<[1], [0], [0], [1], [0, 0, 1, 1], [], []>, transpose_lhs_hint = false} : vector<632x128xf32>, vector<128x256xf32>, vector<632x256xf32> -> vector<632x256xf32>
    %add3A = arith.addf %dot_general3A_11, %dot_general3A_23 : vector<632x256xf32>
    %get3A_24 = arith.constant 0 : index
    %get3A_25 = vector.load %arg5[%get3A_24] : memref<256xf32, #tpu.memory_space<vmem>>, vector<256xf32>
    %broadcast_in_dim3A = vector.shape_cast %get3A_25 : vector<256xf32> to vector<1x256xf32>
    %add3A_26 = vector.broadcast %broadcast_in_dim3A : vector<1x256xf32> to vector<632x256xf32>
    %add3A_27 = arith.addf %add3A, %add3A_26 : vector<632x256xf32>
    %get3A_28 = arith.constant 0 : index
    %get3A_29 = arith.constant 0 : index
    %get3A_30 = arith.constant 0 : index
    %get3A_31 = vector.load %arg2[%get3A_28, %get3A_29, %get3A_30] : memref<2x632x128xf32, #tpu.memory_space<vmem>>, vector<1x632x128xf32>
    %get3A_32 = vector.shape_cast %get3A_31 : vector<1x632x128xf32> to vector<632x128xf32>
    %get3A_33 = arith.constant 0 : index
    %get3A_34 = arith.constant 0 : index
    %get3A_35 = vector.load %arg6[%get3A_33, %get3A_34] : memref<256x256xf32, #tpu.memory_space<vmem>>, vector<128x256xf32>
    %dot_general3A_36 = arith.constant dense<0.000000e+00> : vector<632x256xf32>
    %dot_general3A_37 = tpu.matmul %get3A_32, %get3A_35, %dot_general3A_36 {dimension_numbers = #tpu.dot_dimension_numbers<[1], [0], [0], [1], [0, 0, 1, 1], [], []>, transpose_lhs_hint = false} : vector<632x128xf32>, vector<128x256xf32>, vector<632x256xf32> -> vector<632x256xf32>
    %add3A_38 = arith.addf %add3A_27, %dot_general3A_37 : vector<632x256xf32>
    %get3A_39 = arith.constant 1 : index
    %get3A_40 = arith.constant 0 : index
    %get3A_41 = arith.constant 0 : index
    %get3A_42 = vector.load %arg2[%get3A_39, %get3A_40, %get3A_41] : memref<2x632x128xf32, #tpu.memory_space<vmem>>, vector<1x632x128xf32>
    %get3A_43 = vector.shape_cast %get3A_42 : vector<1x632x128xf32> to vector<632x128xf32>
    %get3A_44 = arith.constant 128 : index
    %get3A_45 = arith.constant 0 : index
    %get3A_46 = vector.load %arg6[%get3A_44, %get3A_45] : memref<256x256xf32, #tpu.memory_space<vmem>>, vector<128x256xf32>
    %dot_general3A_47 = arith.constant dense<0.000000e+00> : vector<632x256xf32>
    %dot_general3A_48 = tpu.matmul %get3A_43, %get3A_46, %dot_general3A_47 {dimension_numbers = #tpu.dot_dimension_numbers<[1], [0], [0], [1], [0, 0, 1, 1], [], []>, transpose_lhs_hint = false} : vector<632x128xf32>, vector<128x256xf32>, vector<632x256xf32> -> vector<632x256xf32>
    %add3A_49 = arith.addf %add3A_38, %dot_general3A_48 : vector<632x256xf32>
    %max3A = arith.constant 0.000000e+00 : f32
    %max3A_50 = vector.broadcast %max3A : f32 to vector<632x256xf32>
    %max3A_51 = arith.maximumf %add3A_49, %max3A_50 : vector<632x256xf32>
    %get3A_52 = arith.constant 0 : index
    %get3A_53 = arith.constant 0 : index
    %get3A_54 = vector.load %arg7[%get3A_52, %get3A_53] : memref<256x128xf32, #tpu.memory_space<vmem>>, vector<256x128xf32>
    %dot_general3A_55 = arith.constant dense<0.000000e+00> : vector<632x128xf32>
    %dot_general3A_56 = tpu.matmul %max3A_51, %get3A_54, %dot_general3A_55 {dimension_numbers = #tpu.dot_dimension_numbers<[1], [0], [0], [1], [0, 0, 1, 1], [], []>, transpose_lhs_hint = false} : vector<632x256xf32>, vector<256x128xf32>, vector<632x128xf32> -> vector<632x128xf32>
    %swap3A = arith.constant 0 : index
    %swap3A_57 = arith.constant 0 : index
    %swap3A_58 = vector.load %arg10[%swap3A, %swap3A_57] : memref<632x128xf32, #tpu.memory_space<vmem>>, vector<632x128xf32>
    tpu.vector_store %arg10[%swap3A, %swap3A_57], %dot_general3A_56 {strides = array<i32>} : memref<632x128xf32, #tpu.memory_space<vmem>>, vector<632x128xf32>,
    %get3A_59 = arith.constant 0 : index
    %get3A_60 = arith.constant 0 : index
    %get3A_61 = vector.load %arg9[%get3A_59, %get3A_60] : memref<256x128xf32, #tpu.memory_space<vmem>>, vector<256x128xf32>
    %dot_general3A_62 = arith.constant dense<0.000000e+00> : vector<632x128xf32>
    %dot_general3A_63 = tpu.matmul %max3A_51, %get3A_61, %dot_general3A_62 {dimension_numbers = #tpu.dot_dimension_numbers<[1], [0], [0], [1], [0, 0, 1, 1], [], []>, transpose_lhs_hint = false} : vector<632x256xf32>, vector<256x128xf32>, vector<632x128xf32> -> vector<632x128xf32>
    %get3A_64 = arith.constant 0 : index
    %get3A_65 = vector.load %arg8[%get3A_64] : memref<128xf32, #tpu.memory_space<vmem>>, vector<128xf32>
    %broadcast_in_dim3A_66 = vector.shape_cast %get3A_65 : vector<128xf32> to vector<1x128xf32>
    %add3A_67 = vector.broadcast %broadcast_in_dim3A_66 : vector<1x128xf32> to vector<632x128xf32>
    %add3A_68 = arith.addf %dot_general3A_63, %add3A_67 : vector<632x128xf32>
    %swap3A_69 = arith.constant 0 : index
    %swap3A_70 = arith.constant 0 : index
    %swap3A_71 = vector.load %arg11[%swap3A_69, %swap3A_70] : memref<632x128xf32, #tpu.memory_space<vmem>>, vector<632x128xf32>
    tpu.vector_store %arg11[%swap3A_69, %swap3A_70], %add3A_68 {strides = array<i32>} : memref<632x128xf32, #tpu.memory_space<vmem>>, vector<632x128xf32>,
    return
  }
  func.func @transform_0(%arg0: i32) -> (i32, i32, i32) {
    %c0_i32 = arith.constant 0 : i32
    %c0_i32_0 = arith.constant 0 : i32
    %c0_i32_1 = arith.constant 0 : i32
    return %c0_i32, %arg0, %c0_i32_0 : i32, i32, i32
  }
  func.func @transform_1(%arg0: i32) -> (i32, i32, i32) {
    %c0_i32 = arith.constant 0 : i32
    %c0_i32_0 = arith.constant 0 : i32
    %c0_i32_1 = arith.constant 0 : i32
    return %c0_i32, %arg0, %c0_i32_0 : i32, i32, i32
  }
  func.func @transform_2(%arg0: i32) -> (i32, i32) {
    %c0_i32 = arith.constant 0 : i32
    %c0_i32_0 = arith.constant 0 : i32
    return %arg0, %c0_i32 : i32, i32
  }
  func.func @transform_3(%arg0: i32) -> (i32, i32) {
    %c0_i32 = arith.constant 0 : i32
    %c0_i32_0 = arith.constant 0 : i32
    %c0_i32_1 = arith.constant 0 : i32
    return %c0_i32, %c0_i32_0 : i32, i32
  }
  func.func @transform_4(%arg0: i32) -> i32 {
    %c0_i32 = arith.constant 0 : i32
    %c0_i32_0 = arith.constant 0 : i32
    return %c0_i32 : i32
  }
  func.func @transform_5(%arg0: i32) -> (i32, i32) {
    %c0_i32 = arith.constant 0 : i32
    %c0_i32_0 = arith.constant 0 : i32
    %c0_i32_1 = arith.constant 0 : i32
    return %c0_i32, %c0_i32_0 : i32, i32
  }
  func.func @transform_6(%arg0: i32) -> (i32, i32) {
    %c0_i32 = arith.constant 0 : i32
    %c0_i32_0 = arith.constant 0 : i32
    %c0_i32_1 = arith.constant 0 : i32
    return %c0_i32, %c0_i32_0 : i32, i32
  }
  func.func @transform_7(%arg0: i32) -> i32 {
    %c0_i32 = arith.constant 0 : i32
    %c0_i32_0 = arith.constant 0 : i32
    return %c0_i32 : i32
  }
  func.func @transform_8(%arg0: i32) -> (i32, i32) {
    %c0_i32 = arith.constant 0 : i32
    %c0_i32_0 = arith.constant 0 : i32
    %c0_i32_1 = arith.constant 0 : i32
    return %c0_i32, %c0_i32_0 : i32, i32
  }
  func.func @transform_9(%arg0: i32) -> (i32, i32) {
    %c0_i32 = arith.constant 0 : i32
    %c0_i32_0 = arith.constant 0 : i32
    return %arg0, %c0_i32 : i32, i32
  }
  func.func @transform_10(%arg0: i32) -> (i32, i32) {
    %c0_i32 = arith.constant 0 : i32
    %c0_i32_0 = arith.constant 0 : i32
    return %arg0, %c0_i32 : i32, i32
  }
}

module attributes {stable_mosaic.version = 14 : i64} {
  func.func @body(%arg0: i32, %arg1: memref<2x632x128xf32, #tpu.memory_space<vmem>>, %arg2: memref<632x128xf32, #tpu.memory_space<vmem>>, %arg3: memref<632x16xf32, #tpu.memory_space<vmem>>, %arg4: memref<632x128xf32, #tpu.memory_space<vmem>>) attributes {dimension_semantics = [#tpu.dimension_semantics<arbitrary>], iteration_bounds = array<i64: 16>, scalar_prefetch = 0 : i64, scratch_operands = 0 : i64, tpu.core_type = #tpu.core_type<tc>, window_params = [{transform_indices = @transform_0, window_bounds = array<i64: 2, 632, 128>}, {transform_indices = @transform_1, window_bounds = array<i64: 632, 128>}, {transform_indices = @transform_2, window_bounds = array<i64: 632, 16>}, {transform_indices = @transform_3, window_bounds = array<i64: 632, 128>}]} {
    %get3A = arith.constant 0 : index
    %get3A_0 = arith.constant 0 : index
    %get3A_1 = arith.constant 0 : index
    %get3A_2 = vector.load %arg1[%get3A, %get3A_0, %get3A_1] : memref<2x632x128xf32, #tpu.memory_space<vmem>>, vector<1x632x128xf32>
    %get3A_3 = vector.shape_cast %get3A_2 : vector<1x632x128xf32> to vector<632x128xf32>
    %get3A_4 = arith.constant 1 : index
    %get3A_5 = arith.constant 0 : index
    %get3A_6 = arith.constant 0 : index
    %get3A_7 = vector.load %arg1[%get3A_4, %get3A_5, %get3A_6] : memref<2x632x128xf32, #tpu.memory_space<vmem>>, vector<1x632x128xf32>
    %get3A_8 = vector.shape_cast %get3A_7 : vector<1x632x128xf32> to vector<632x128xf32>
    %add3A = arith.addf %get3A_3, %get3A_8 : vector<632x128xf32>
    %get3A_9 = arith.constant 0 : index
    %get3A_10 = arith.constant 0 : index
    %get3A_11 = vector.load %arg3[%get3A_9, %get3A_10] : memref<632x16xf32, #tpu.memory_space<vmem>>, vector<632x1xf32>
    %mul3A = vector.broadcast %get3A_11 : vector<632x1xf32> to vector<632x128xf32>
    %mul3A_12 = arith.mulf %add3A, %mul3A : vector<632x128xf32>
    %get3A_13 = arith.constant 0 : index
    %get3A_14 = arith.constant 0 : index
    %get3A_15 = vector.load %arg2[%get3A_13, %get3A_14] : memref<632x128xf32, #tpu.memory_space<vmem>>, vector<632x128xf32>
    %add3A_16 = arith.addf %mul3A_12, %get3A_15 : vector<632x128xf32>
    %swap3A = arith.constant 0 : index
    %swap3A_17 = arith.constant 0 : index
    %swap3A_18 = vector.load %arg4[%swap3A, %swap3A_17] : memref<632x128xf32, #tpu.memory_space<vmem>>, vector<632x128xf32>
    tpu.vector_store %arg4[%swap3A, %swap3A_17], %add3A_16 {strides = array<i32>} : memref<632x128xf32, #tpu.memory_space<vmem>>, vector<632x128xf32>,
    return
  }
  func.func @transform_0(%arg0: i32) -> (i32, i32, i32) {
    %c0_i32 = arith.constant 0 : i32
    %c0_i32_0 = arith.constant 0 : i32
    %c0_i32_1 = arith.constant 0 : i32
    return %c0_i32, %arg0, %c0_i32_0 : i32, i32, i32
  }
  func.func @transform_1(%arg0: i32) -> (i32, i32) {
    %c0_i32 = arith.constant 0 : i32
    %c0_i32_0 = arith.constant 0 : i32
    return %arg0, %c0_i32 : i32, i32
  }
  func.func @transform_2(%arg0: i32) -> (i32, i32) {
    %c0_i32 = arith.constant 0 : i32
    %c0_i32_0 = arith.constant 0 : i32
    return %arg0, %c0_i32 : i32, i32
  }
  func.func @transform_3(%arg0: i32) -> (i32, i32) {
    %c0_i32 = arith.constant 0 : i32
    %c0_i32_0 = arith.constant 0 : i32
    return %arg0, %c0_i32 : i32, i32
  }
}

</mosaic_0001>

<sc_bundles>
// kernel: kernel.10.cloned.1.call-start
scs
__scs_entry_jumppad:
0x0: {  	(pc) =	sbr.rel $0x88, $3  }
0x1: {  	(tag) =	ssettag $0x0;
	lr =	simm.s32 $0x1  }
0x2: {  	[smem:$0x3F93] =	sst lr;
	_ =	strace $0xD0000000  }
0x3: {  	_ = 	snop  }
0x4: {  	_ = 	snop  }
0x5: {  	_ = 	snop  }
0x6: {  	_ = 	snop  }
0x7: {  	_ = 	snop  }
__scs_overlays_trampoline_lowered:
0x8: {  	[smem:$0x3FA2] =	sst s0  }
0x9: {  	[smem:$0x3FA3] =	sst s1  }
0xa: {  	[smem:$0x3FA4] =	sst s2  }
0xb: {  	[smem:$0x3FA5] =	sst s3  }
0xc: {  	[smem:$0x3FA6] =	sst s4  }
0xd: {  	[smem:$0x3FA7] =	sst s5  }
0xe: {  	[smem:$0x3FA8] =	sst s6  }
0xf: {  	[smem:$0x3FA9] =	sst s7  }
0x10: {  	[smem:$0x3FAA] =	sst s8  }
0x11: {  	[smem:$0x3FAB] =	sst s9;
	s0 =	simm.s32 @!p0 $0x0  }
0x12: {  	s1 =	sld [smem:$0x3F91];
	s0 =	simm.s32 @p0 $0x1  }
0x13: {  	[smem:$0x3FAC] =	sst s0;
	s0 =	simm.s32 @!p1 $0x0  }
0x14: {  	s2 =	sld [smem:$0x3F90];
	s0 =	simm.s32 @p1 $0x1  }
0x15: {  	[smem:$0x3FAD] =	sst s0;
	s0 =	simm.s32 @!p2 $0x0  }
0x16: {  	s3 =	sld [smem:$0x3FDB];
	s0 =	simm.s32 @p2 $0x1  }
0x17: {  	s4 =	simm.s32 $0x1BF5;
	[smem:$0x3FAF] =	sst s0  }
0x18: {  	s0 =	sld [smem:$0x3F92];
	_ =	swait.ge [sflag:s4], $0x0  }
0x19: {  	s7 =	sld [smem:$0x3F93]  }
0x1a: {  	s8 =	sadd.s32 $0xFFFFE003, lr  }
0x1b: {  	s9 =	sadd.s32 $0xFFFFFEF7, lr;
	s5 =	simm.s32 $0xFFFFFFFF;
	p2 =	slt.u32 s8, $0xFFFFF086  }
0x1c: {  	p1 =	slt.u32 s9, $0xF7A;
	s5 =	simm.s32 @!p2 $0x0  }
0x1d: {  	s5 =	simm.s32 @p1 $0x1;
	p0 =	seq.s32 s7, s2  }
0x1e: {  	s7 =	smul.u32 @!p0 $0xF7A, s2;
	p2 =	seq.s32 @!p0 s5, $0x0  }
0x1f: {  	s9 =	smul.u32 $0xF7A, s1;
	s8 =	simm.s32 @!p0 $0x1BF5;
	p2 =	por !p2, p0  }
0x20: {  	[sflag:s8] =	ssyncset.s32 @!p0 $0xFFFFF086;
	s6 =	sadd.s32 @!p0 s3, s7;
	s7 =	simm.s32 @!p0 $0x108  }
0x21: {  	s3 =	sadd.s32 s3, s9;
	s6 =	sadd.s32 @!p0 $0x88, s6;
	s7 =	simm.s32 @p2 $0x1082  }
0x22: {  	[simem:s7], [sflag:s8] =	dma.local @!p0 [hbm:s6], $0xF7A  }
0x23: {  	s9 =	sor.u32 $0xD0000000, s2;
	s6 =	simm.s32 $0x108;
	_ =	swait.ge @!p0 [sflag:s8], $0x0  }
0x24: {  	s3 =	sadd.s32 $0x88, s3;
	s6 =	simm.s32 @!p1 $0x1082;
	[sflag:s4] =	ssyncset.s32 $0xFFFFF086  }
0x25: {  	[simem:s6], [sflag:s4] =	dma.local [hbm:s3], $0xF7A  }
0x26: {  	[smem:$0x3F93] =	sst s1;
	(tag) =	ssettag s2;
	_ =	strace s9  }
0x27: {  	s1 =	sld [smem:$0x3FA3]  }
0x28: {  	s2 =	sld [smem:$0x3FA4]  }
0x29: {  	s4 =	sld [smem:$0x3FA6]  }
0x2a: {  	p0 =	seq.s32 s5, $0x0;
	s5 =	sld [smem:$0x3FA7]  }
0x2b: {  	s6 =	sld [smem:$0x3FA8]  }
0x2c: {  	s7 =	sld [smem:$0x3FA9]  }
0x2d: {  	s3 =	simm.s32 $0x108;
	s8 =	sld [smem:$0x3FAA]  }
0x2e: {  	s3 =	simm.s32 @!p0 $0x1082;
	s9 =	sld [smem:$0x3FAB]  }
0x2f: {  	lr =	sadd.s32 s0, s3;
	s0 =	sld [smem:$0x3FA2]  }
0x30: {  	s3 =	sld [smem:$0x3FA5]  }
0x31: {  	[smem:$0x3FAE] =	sst s10  }
0x32: {  	s10 =	sld [smem:$0x3FAC];
	_ =	sdelay $0x3  }
0x33: {  	p0 =	seq.s32 s10, $0x1;
	s10 =	sld [smem:$0x3FAE];
	_ =	sdelay $0x3  }
0x34: {  	[smem:$0x3FAE] =	sst s10  }
0x35: {  	s10 =	sld [smem:$0x3FAD];
	_ =	sdelay $0x3  }
0x36: {  	p1 =	seq.s32 s10, $0x1;
	s10 =	sld [smem:$0x3FAE];
	_ =	sdelay $0x3  }
0x37: {  	[smem:$0x3FAE] =	sst s10  }
0x38: {  	s10 =	sld [smem:$0x3FAF]  }
0x39: {  	_ = 	snop;
	(pc) =	sbr.ind lr, $3  }
0x3a: {  	_ = 	snop  }
0x3b: {  	_ = 	snop  }
0x3c: {  	p2 =	seq.s32 s10, $0x1;
	s10 =	sld [smem:$0x3FAE]  }
0x3d: {  	_ =	shalt  }
0x3e: {  	_ =	shalt  }
0x3f: {  	_ =	shalt  }
0x40: {  	_ =	shalt  }
0x41: {  	_ =	shalt  }
0x42: {  	_ =	shalt  }
0x43: {  	_ =	shalt  }
0x44: {  	_ =	shalt  }
0x45: {  	_ =	shalt  }
0x46: {  	_ =	shalt  }
0x47: {  	_ =	shalt  }
0x48: {  	_ =	shalt  }
0x49: {  	_ =	shalt  }
0x4a: {  	_ =	shalt  }
0x4b: {  	_ =	shalt  }
0x4c: {  	_ =	shalt  }
0x4d: {  	_ =	shalt  }
0x4e: {  	_ =	shalt  }
0x4f: {  	_ =	shalt  }
0x50: {  	_ =	shalt  }
0x51: {  	_ =	shalt  }
0x52: {  	_ =	shalt  }
0x53: {  	_ =	shalt  }
0x54: {  	_ =	shalt  }
0x55: {  	_ =	shalt  }
0x56: {  	_ =	shalt  }
0x57: {  	_ =	shalt  }
0x58: {  	_ =	shalt  }
0x59: {  	_ =	shalt  }
0x5a: {  	_ =	shalt  }
0x5b: {  	_ =	shalt  }
0x5c: {  	_ =	shalt  }
0x5d: {  	_ =	shalt  }
0x5e: {  	_ =	shalt  }
0x5f: {  	_ =	shalt  }
0x60: {  	_ =	shalt  }
0x61: {  	_ =	shalt  }
0x62: {  	_ =	shalt  }
0x63: {  	_ =	shalt  }
0x64: {  	_ =	shalt  }
0x65: {  	_ =	shalt  }
0x66: {  	_ =	shalt  }
0x67: {  	_ =	shalt  }
0x68: {  	_ =	shalt  }
0x69: {  	_ =	shalt  }
0x6a: {  	_ =	shalt  }
0x6b: {  	_ =	shalt  }
0x6c: {  	_ =	shalt  }
0x6d: {  	_ =	shalt  }
0x6e: {  	_ =	shalt  }
0x6f: {  	_ =	shalt  }
0x70: {  	_ =	shalt  }
0x71: {  	_ =	shalt  }
0x72: {  	_ =	shalt  }
0x73: {  	_ =	shalt  }
0x74: {  	_ =	shalt  }
0x75: {  	_ =	shalt  }
0x76: {  	_ =	shalt  }
0x77: {  	_ =	shalt  }
0x78: {  	_ =	shalt  }
0x79: {  	_ =	shalt  }
0x7a: {  	_ =	shalt  }
0x7b: {  	_ =	shalt  }
0x7c: {  	_ =	shalt  }
0x7d: {  	_ =	shalt  }
0x7e: {  	_ =	shalt  }
0x7f: {  	_ =	shalt  }
0x80: {  	_ =	shalt  }
0x81: {  	_ =	shalt  }
0x82: {  	_ =	shalt  }
0x83: {  	_ =	shalt  }
0x84: {  	_ =	shalt  }
0x85: {  	_ =	shalt  }
0x86: {  	_ =	shalt  }
0x87: {  	_ =	shalt  }
.Lfunc_end0:
.L_simem_size_0:
called_computation_lowered:
.L_overlay_start_0:
0x88: {  	s2 =	sld [smem:$0x3FD9]  }
0x89: {  	s3 =	sld [smem:$0x3FFE];
	_ =	sdelay $0x1  }
0x8a: {  	s1 =	srdreg.scid  }
0x8b: {  	s0 =	sand.u32 $0x1, s1  }
0x8c: {  	s17 =	sshll.u32 s0, $0xA;
	s2 =	sadd.s32 s3, s2  }
0x8d: {  	s2 =	sadd.s32 s2, s17  }
0x8e: {  	[smem:$0x3FBA] =	sst s2  }
0x8f: {  	_ = 	snop  }
0x90: {  	s2 =	sld [smem:$0x3FD0];
	(tm) =	ssettm $0x1  }
0x91: {  	s18 =	sld [smem:$0x3FFB];
	_ =	sdelay $0x3  }
0x92: {  	_ =	strace s18  }
0x93: {  	s3 =	sld [smem:$0x3FFC];
	_ =	sdelay $0x3  }
0x94: {  	_ =	strace s3  }
0x95: {  	s3 =	sld [smem:$0x3FFD];
	_ =	sdelay $0x3  }
0x96: {  	_ =	strace s3  }
0x97: {  	_ =	strace $0x8FFFFFFF  }
0x98: {  	s19 =	sld [smem:$0x3FDB];
	_ =	sdelay $0x1  }
0x99: {  	s4 =	simm.s32 $_scs_section_size  }
0x9a: {  	s5 =	simm.s32 $_size__tile_overlayer_lowered;
	s6 =	simm.s32 $_tile_overlayer_lowered  }
0x9b: {  	s22 =	simm.s32 $0x1BFF;
	s21 =	sshll.u32 s6, $0x1;
	s3 =	sadd.s32 s4, s19  }
0x9c: {  	s7 =	simm.s32 $0x0;
	s20 =	sshll.u32 s5, $0x1;
	s5 =	sadd.s32 s21, s3  }
0x9d: {  	[timem:s7], [sflag:s22] =	dma.local [hbm:s5], s20  }
0x9e: {  	_ =	swait.ge [sflag:s22], s20  }
0x9f: {  	s4 =	ssub.s32 $0x0, s20;
	[sflag:s22] =	ssyncset.done $0x0  }
0xa0: {  	[sflag:s22] =	ssyncadd.s32 s4;
	_ =	sdelay $0x1  }
0xa1: {  	s23 =	simm.s32 $0x1B8B  }
0xa2: {  	_ =	swait.ge [sflag:s23], $0x1  }
0xa3: {  	[sflag:s23] =	ssyncset.done $0x0  }
0xa4: {  	s25 =	simm.s32 $0x1B8E;
	s24 =	sld [smem:$0x3FFE];
	[sflag:s23] =	ssyncadd.s32 $0xFFFFFFFF  }
0xa5: {  	s26 =	simm.s32 $execute0_lowered;
	[smem:$0x3FD2] =	sst s25  }
0xa6: {  	s5 =	sshll.u32 s26, $0x1;
	_ =	strace $0x80000046;
	[dreg:$0x1] =	wrdreg $0xFFFFFFFF  }
0xa7: {  	s28 =	simm.s32 $_size_execute0_lowered;
	s3 =	sadd.s32 s3, s5;
	[dreg:$0x0] =	wrdreg $0x0  }
0xa8: {  	s5 =	sshll.u32 s28, $0x1;
	[dreg:$0x2] =	wrdreg s3  }
0xa9: {  	[dreg:$0x3] =	wrdreg s5  }
0xaa: {  	[dreg:$0x4] =	wrdreg $0xC0  }
0xab: {  	_ =	task [dreg:s7], $0x5FFFF  }
0xac: {  	[dreg:$0x1] =	wrdreg $0xFFFFFFFF  }
0xad: {  	[dreg:$0x0] =	wrdreg $0x60  }
0xae: {  	[dreg:$0x2] =	wrdreg s24  }
0xaf: {  	[dreg:$0x3] =	wrdreg s2  }
0xb0: {  	[dreg:$0x4] =	wrdreg $0x90000  }
0xb1: {  	[dreg:$0x5] =	wrdreg $0x9  }
0xb2: {  	_ =	task.clear_ibuf [dreg:s7], $0x6FFFF;
	_ =	strace $0x90000046  }
0xb3: {  	s29 =	simm.s32 $0x9;
	_ =	strace $0x80000048  }
0xb4: {  	_ =	swait.ge [sflag:s29], $0x1  }
0xb5: {  	[sflag:s29] =	ssyncadd.s32 $0xFFFFFFFF  }
0xb6: {  	_ =	strace $0x90000048  }
0xb7: {  	_ =	sfence  }
0xb8: {  	s30 =	sld [smem:$0x0];
	_ =	sdelay $0x2  }
0xb9: {  	s31 =	sshll.u32 s1, $0xD;
	s1 =	sshrl.u32 s1, $0x2  }
0xba: {  	s3 =	sand.u32 $0x4000, s31;
	s1 =	sadd.s32 s1, s30  }
0xbb: {  	s0 =	sor.u32 s3, s0;
	s1 =	sshll.u32 s1, $0x11  }
0xbc: {  	s0 =	sor.u32 s1, s0  }
0xbd: {  	s0 =	sadd.s32 $0x8F2B, s0  }
0xbe: {  	[sflag:s0] =	ssyncadd.remote.s32 $0x1  }
0xbf: {  	_ =	sfence.sel $0xFFFF  }
0xc0: {  	[dreg:$0x0] =	wrdreg $0xFFFFFFFF;
	(pc) =	sbr.abs _section_cstart, $3  }
0xc1: {  	[dreg:$0x1] =	wrdreg $0xFFFFFFFF  }
0xc2: {  	_ =	task.clear_ibuf [dreg:s7], $0x2FFFF;
	_ =	strace $0x9FFFFFFF  }
0xc3: {  	(tm) =	ssettm $0x7FFFFFFF  }
tec
execute0_lowered:
.L_overlay_start_1:
0x0: {  	(tag) =	ssettag $0x1  }
0x1: {  	s0 =	rddreg [dreg:$0x0]  }
0x2: {  	s1 =	rddreg [dreg:$0x1]  }
0x3: {  	s2 =	rddreg [dreg:$0x2];
	s11 =	stileid.u32  }
0x4: {  	s4 =	srdreg.scid;
	s3 =	simm.s32 $0x0;
	s13 =	simm.s32 $0x880  }
0x5: {  	s14 =	simm.s32 $0x100;
	s16 =	simm.s32 $0x180;
	s17 =	simm.s32 $0x900  }
0x6: {  	s18 =	simm.s32 $0x980;
	[smem:$0x7FF] =	sst s3;
	s12 =	sadd.s32 $0x66600, s0  }
0x7: {  	s20 =	simm.s32 $0x200;
	_ =	strace $0x80000047;
	[dreg:$0x12] =	wrdreg s12  }
0x8: {  	s21 =	simm.s32 $0x280;
	s22 =	simm.s32 $0xA00;
	[dreg:$0x6] =	wrdreg s13  }
0x9: {  	s23 =	simm.s32 $0xA80;
	s24 =	simm.s32 $0x300;
	[dreg:$0x7] =	wrdreg s14  }
0xa: {  	s28 =	simm.s32 $0x680;
	s29 =	simm.s32 $0xE00;
	[dreg:$0x8] =	wrdreg s16  }
0xb: {  	s30 =	simm.s32 $0xE80;
	s31 =	simm.s32 $0x700;
	[dreg:$0x9] =	wrdreg s17  }
0xc: {  	s5 =	smul.u32 $0xA00, s11;
	s6 =	sand.u32 $0x1, s4;
	[dreg:$0xa] =	wrdreg s18  }
0xd: {  	s7 =	smul.u32 $0x2780, s11;
	s4 =	sadd.s32 $0x17600, s0;
	[dreg:$0xb] =	wrdreg s20  }
0xe: {  	s26 =	smul.u32 $0x4F000, s11;
	s15 =	sshll.u32 s11, $0x6;
	[dreg:$0xc] =	wrdreg s21  }
0xf: {  	s11 =	simm.s32 $0x800;
	s8 =	smul.u32 $0x27800, s6;
	[dreg:$0xd] =	wrdreg s22  }
0x10: {  	s9 =	smul.u32 $0xA000, s6;
	s6 =	ssub.s32 $0x2, s6;
	[dreg:$0xe] =	wrdreg s23  }
0x11: {  	s13 =	simm.s32 $0x1000;
	[dreg:$0xf] =	wrdreg s24;
	s14 =	simm.s32 $0x5000  }
0x12: {  	s16 =	simm.s32 $0x2;
	s17 =	simm.s32 $0xB80;
	s18 =	simm.s32 $0x400  }
0x13: {  	s20 =	simm.s32 $0xC00;
	s21 =	simm.s32 $0xC80;
	s22 =	simm.s32 $0x500  }
0x14: {  	s23 =	simm.s32 $0x580;
	s24 =	simm.s32 $0xD00;
	s10 =	sadd.s32 s5, s0  }
0x15: {  	s25 =	sshrl.u32 s6, $0x1;
	s12 =	sshrl.u32 s26, $0x2;
	s26 =	simm.s32 $0xB00  }
0x16: {  	s7 =	sadd.s32 s7, s8;
	s1 =	sadd.s32 s9, s1;
	s9 =	ssub.s32 s6, s25  }
0x17: {  	s10 =	sadd.s32 $0x3600, s10;
	s6 =	sadd.s32 s12, s2;
	s12 =	simm.s32 $0x80  }
0x18: {  	s25 =	simm.s32 $0x380;
	[dreg:$0x11] =	wrdreg s26;
	s26 =	simm.s32 $0x600  }
0x19: {  	s0 =	sadd.s32 s7, s0;
	s1 =	sadd.s32 s5, s1;
	[dreg:$0x5] =	wrdreg s10  }
0x1a: {  	s7 =	sor.u32 $0x1C03, s15;
	s19 =	smax.u32 s9, $0x1;
	[dreg:$0x10] =	wrdreg s25  }
0x1b: {  	s8 =	sshrl.u32 s6, $0x3;
	s10 =	simm.s32 $0x3;
	[dreg:$0x4] =	wrdreg s1  }
0x1c: {  	s15 =	simm.s32 $0x1;
	s25 =	simm.s32 $0xD80;
	[dreg:$0x15] =	wrdreg s19  }
0x1d: {  	s5 =	simm.s32 $0xF80;
	s9 =	simm.s32 $0x0;
	[dreg:$0x13] =	wrdreg s7  }
0x1e: {  	s0 =	sadd.s32 $0x68E00, s0;
	s19 =	simm.s32 $0x480;
	[dreg:$0x16] =	wrdreg s8  }
0x1f: {  	s1 =	simm.s32 $0xF00;
	[dreg:$0x14] =	wrdreg s0;
	s0 =	simm.s32 $0x780  }
.LBB2_1:
0x20: {  	[dreg:$0x17] =	wrdreg s9  }
0x21: {  	s6 =	rddreg [dreg:$0x12]  }
0x22: {  	[spmem:s8], [sflag:s7] =	dma.local [hbm:s6], $0x2780  }
0x23: {  	_ =	swait.ge [sflag:s10], $0x2780  }
0x24: {  	[sflag:s10] =	ssyncset.done $0x0  }
0x25: {  	[sflag:s10] =	ssyncadd.s32 $0xFFFFD880  }
0x26: {  	[bflag:$0x0] =	sbarrier.arrive $0xFFFF  }
0x27: {  	s9 =	rddreg [dreg:$0x4]  }
0x28: {  	s6 =	sadd.s32 $0x0, s9  }
0x29: {  	[tilespmem:s3], [sflag:$0x3] =	stream.linear.gather [hbm4b:s6+s3], $0x800, $0x38;
	[tilespmem:$0x1CC00] =	vst v63  }
0x2a: {  	_ =	swait.ge [sflag:s10], $0x800  }
0x2b: {  	s7 =	rddreg [dreg:$0x5];
	[sflag:s10] =	ssyncset.done $0x0  }
0x2c: {  	[sflag:s10] =	ssyncadd.s32 $0xFFFFF800;
	s6 =	sadd.s32 $0x0, s7  }
0x2d: {  	[tilespmem:s11], [sflag:$0x3] =	stream.linear.gather [hbm4b:s6+s3], $0x800, $0x38;
	[tilespmem:$0x1CC00] =	vst v63  }
0x2e: {  	_ =	swait.ge [sflag:s10], $0x800  }
0x2f: {  	[sflag:s10] =	ssyncset.done $0x0  }
0x30: {  	[sflag:s10] =	ssyncadd.s32 $0xFFFFF800  }
0x31: {  	[tilespmem:s13], [sflag:$0x1] =	stream.indirect.gather [hbm4b:s4+s12], $0x80, s3, s12, $0xb8;
	[tilespmem:$0x1CC00] =	vst v63  }
0x32: {  	_ = 	snop  }
0x33: {  	[tilespmem:s14], [sflag:$0x2] =	stream.indirect.gather [hbm4b:s4+s12], $0x80, s12, s12, $0xb8;
	[tilespmem:$0x1CC00] =	vst v63  }
0x34: {  	_ =	swait.ge [sflag:s15], $0x4000  }
0x35: {  	[sflag:s15] =	ssyncset.done $0x0  }
0x36: {  	[sflag:s15] =	ssyncadd.s32 $0xFFFFC000  }
0x37: {  	[spmem:s2] =	stream.indirect.scatter.add.f32 [tilespmem:s13], [sflag:$0x3], $0x80, s11, s12, $0xb8;
	[tilespmem:$0x1CC00] =	vst v63  }
0x38: {  	_ =	swait.ge [sflag:s10], $0x4000  }
0x39: {  	[sflag:s10] =	ssyncset.done $0x0  }
0x3a: {  	[sflag:s10] =	ssyncadd.s32 $0xFFFFC000  }
0x3b: {  	_ =	swait.ge [sflag:s16], $0x4000  }
0x3c: {  	[sflag:s16] =	ssyncset.done $0x0  }
0x3d: {  	s8 =	rddreg [dreg:$0x6];
	[sflag:s16] =	ssyncadd.s32 $0xFFFFC000  }
0x3e: {  	[spmem:s2] =	stream.indirect.scatter.add.f32 [tilespmem:s14], [sflag:$0x3], $0x80, s8, s12, $0xb8;
	[tilespmem:$0x1CC00] =	vst v63  }
0x3f: {  	_ =	swait.ge [sflag:s10], $0x4000  }
0x40: {  	[sflag:s10] =	ssyncset.done $0x0  }
0x41: {  	s9 =	rddreg [dreg:$0x7];
	[sflag:s10] =	ssyncadd.s32 $0xFFFFC000  }
0x42: {  	[tilespmem:s13], [sflag:$0x1] =	stream.indirect.gather [hbm4b:s4+s12], $0x80, s9, s12, $0xb8;
	[tilespmem:$0x1CC00] =	vst v63  }
0x43: {  	s7 =	rddreg [dreg:$0x8]  }
0x44: {  	[tilespmem:s14], [sflag:$0x2] =	stream.indirect.gather [hbm4b:s4+s12], $0x80, s7, s12, $0xb8;
	[tilespmem:$0x1CC00] =	vst v63  }
0x45: {  	_ =	swait.ge [sflag:s15], $0x4000  }
0x46: {  	[sflag:s15] =	ssyncset.done $0x0  }
0x47: {  	s9 =	rddreg [dreg:$0x9];
	[sflag:s15] =	ssyncadd.s32 $0xFFFFC000  }
0x48: {  	[spmem:s2] =	stream.indirect.scatter.add.f32 [tilespmem:s13], [sflag:$0x3], $0x80, s9, s12, $0xb8;
	[tilespmem:$0x1CC00] =	vst v63  }
0x49: {  	_ =	swait.ge [sflag:s10], $0x4000  }
0x4a: {  	[sflag:s10] =	ssyncset.done $0x0  }
0x4b: {  	[sflag:s10] =	ssyncadd.s32 $0xFFFFC000  }
0x4c: {  	_ =	swait.ge [sflag:s16], $0x4000  }
0x4d: {  	[sflag:s16] =	ssyncset.done $0x0  }
0x4e: {  	s7 =	rddreg [dreg:$0xa];
	[sflag:s16] =	ssyncadd.s32 $0xFFFFC000  }
0x4f: {  	[spmem:s2] =	stream.indirect.scatter.add.f32 [tilespmem:s14], [sflag:$0x3], $0x80, s7, s12, $0xb8;
	[tilespmem:$0x1CC00] =	vst v63  }
0x50: {  	_ =	swait.ge [sflag:s10], $0x4000  }
0x51: {  	[sflag:s10] =	ssyncset.done $0x0  }
0x52: {  	s8 =	rddreg [dreg:$0xb];
	[sflag:s10] =	ssyncadd.s32 $0xFFFFC000  }
0x53: {  	[tilespmem:s13], [sflag:$0x1] =	stream.indirect.gather [hbm4b:s4+s12], $0x80, s8, s12, $0xb8;
	[tilespmem:$0x1CC00] =	vst v63  }
0x54: {  	s9 =	rddreg [dreg:$0xc]  }
0x55: {  	[tilespmem:s14], [sflag:$0x2] =	stream.indirect.gather [hbm4b:s4+s12], $0x80, s9, s12, $0xb8;
	[tilespmem:$0x1CC00] =	vst v63  }
0x56: {  	_ =	swait.ge [sflag:s15], $0x4000  }
0x57: {  	[sflag:s15] =	ssyncset.done $0x0  }
0x58: {  	s7 =	rddreg [dreg:$0xd];
	[sflag:s15] =	ssyncadd.s32 $0xFFFFC000  }
0x59: {  	[spmem:s2] =	stream.indirect.scatter.add.f32 [tilespmem:s13], [sflag:$0x3], $0x80, s7, s12, $0xb8;
	[tilespmem:$0x1CC00] =	vst v63  }
0x5a: {  	_ =	swait.ge [sflag:s10], $0x4000  }
0x5b: {  	[sflag:s10] =	ssyncset.done $0x0  }
0x5c: {  	[sflag:s10] =	ssyncadd.s32 $0xFFFFC000  }
0x5d: {  	_ =	swait.ge [sflag:s16], $0x4000  }
0x5e: {  	[sflag:s16] =	ssyncset.done $0x0  }
0x5f: {  	s8 =	rddreg [dreg:$0xe];
	[sflag:s16] =	ssyncadd.s32 $0xFFFFC000  }
0x60: {  	[spmem:s2] =	stream.indirect.scatter.add.f32 [tilespmem:s14], [sflag:$0x3], $0x80, s8, s12, $0xb8;
	[tilespmem:$0x1CC00] =	vst v63  }
0x61: {  	_ =	swait.ge [sflag:s10], $0x4000  }
0x62: {  	[sflag:s10] =	ssyncset.done $0x0  }
0x63: {  	s9 =	rddreg [dreg:$0xf];
	[sflag:s10] =	ssyncadd.s32 $0xFFFFC000  }
0x64: {  	[tilespmem:s13], [sflag:$0x1] =	stream.indirect.gather [hbm4b:s4+s12], $0x80, s9, s12, $0xb8;
	[tilespmem:$0x1CC00] =	vst v63  }
0x65: {  	s7 =	rddreg [dreg:$0x10]  }
0x66: {  	[tilespmem:s14], [sflag:$0x2] =	stream.indirect.gather [hbm4b:s4+s12], $0x80, s7, s12, $0xb8;
	[tilespmem:$0x1CC00] =	vst v63  }
0x67: {  	_ =	swait.ge [sflag:s15], $0x4000  }
0x68: {  	[sflag:s15] =	ssyncset.done $0x0  }
0x69: {  	s9 =	rddreg [dreg:$0x11];
	[sflag:s15] =	ssyncadd.s32 $0xFFFFC000  }
0x6a: {  	[spmem:s2] =	stream.indirect.scatter.add.f32 [tilespmem:s13], [sflag:$0x3], $0x80, s9, s12, $0xb8;
	[tilespmem:$0x1CC00] =	vst v63  }
0x6b: {  	_ =	swait.ge [sflag:s10], $0x4000  }
0x6c: {  	[sflag:s10] =	ssyncset.done $0x0  }
0x6d: {  	[sflag:s10] =	ssyncadd.s32 $0xFFFFC000  }
0x6e: {  	_ =	swait.ge [sflag:s16], $0x4000  }
0x6f: {  	[sflag:s16] =	ssyncset.done $0x0  }
0x70: {  	[sflag:s16] =	ssyncadd.s32 $0xFFFFC000  }
0x71: {  	[spmem:s2] =	stream.indirect.scatter.add.f32 [tilespmem:s14], [sflag:$0x3], $0x80, s17, s12, $0xb8;
	[tilespmem:$0x1CC00] =	vst v63  }
0x72: {  	_ =	swait.ge [sflag:s10], $0x4000  }
0x73: {  	[sflag:s10] =	ssyncset.done $0x0  }
0x74: {  	[sflag:s10] =	ssyncadd.s32 $0xFFFFC000  }
0x75: {  	[tilespmem:s13], [sflag:$0x1] =	stream.indirect.gather [hbm4b:s4+s12], $0x80, s18, s12, $0xb8;
	[tilespmem:$0x1CC00] =	vst v63  }
0x76: {  	_ = 	snop  }
0x77: {  	[tilespmem:s14], [sflag:$0x2] =	stream.indirect.gather [hbm4b:s4+s12], $0x80, s19, s12, $0xb8;
	[tilespmem:$0x1CC00] =	vst v63  }
0x78: {  	_ =	swait.ge [sflag:s15], $0x4000  }
0x79: {  	[sflag:s15] =	ssyncset.done $0x0  }
0x7a: {  	[sflag:s15] =	ssyncadd.s32 $0xFFFFC000  }
0x7b: {  	[spmem:s2] =	stream.indirect.scatter.add.f32 [tilespmem:s13], [sflag:$0x3], $0x80, s20, s12, $0xb8;
	[tilespmem:$0x1CC00] =	vst v63  }
0x7c: {  	_ =	swait.ge [sflag:s10], $0x4000  }
0x7d: {  	[sflag:s10] =	ssyncset.done $0x0  }
0x7e: {  	[sflag:s10] =	ssyncadd.s32 $0xFFFFC000  }
0x7f: {  	_ =	swait.ge [sflag:s16], $0x4000  }
0x80: {  	[sflag:s16] =	ssyncset.done $0x0  }
0x81: {  	[sflag:s16] =	ssyncadd.s32 $0xFFFFC000  }
0x82: {  	[spmem:s2] =	stream.indirect.scatter.add.f32 [tilespmem:s14], [sflag:$0x3], $0x80, s21, s12, $0xb8;
	[tilespmem:$0x1CC00] =	vst v63  }
0x83: {  	_ =	swait.ge [sflag:s10], $0x4000  }
0x84: {  	[sflag:s10] =	ssyncset.done $0x0  }
0x85: {  	[sflag:s10] =	ssyncadd.s32 $0xFFFFC000  }
0x86: {  	[tilespmem:s13], [sflag:$0x1] =	stream.indirect.gather [hbm4b:s4+s12], $0x80, s22, s12, $0xb8;
	[tilespmem:$0x1CC00] =	vst v63  }
0x87: {  	_ = 	snop  }
0x88: {  	[tilespmem:s14], [sflag:$0x2] =	stream.indirect.gather [hbm4b:s4+s12], $0x80, s23, s12, $0xb8;
	[tilespmem:$0x1CC00] =	vst v63  }
0x89: {  	_ =	swait.ge [sflag:s15], $0x4000  }
0x8a: {  	[sflag:s15] =	ssyncset.done $0x0  }
0x8b: {  	[sflag:s15] =	ssyncadd.s32 $0xFFFFC000  }
0x8c: {  	[spmem:s2] =	stream.indirect.scatter.add.f32 [tilespmem:s13], [sflag:$0x3], $0x80, s24, s12, $0xb8;
	[tilespmem:$0x1CC00] =	vst v63  }
0x8d: {  	_ =	swait.ge [sflag:s10], $0x4000  }
0x8e: {  	[sflag:s10] =	ssyncset.done $0x0  }
0x8f: {  	[sflag:s10] =	ssyncadd.s32 $0xFFFFC000  }
0x90: {  	_ =	swait.ge [sflag:s16], $0x4000  }
0x91: {  	[sflag:s16] =	ssyncset.done $0x0  }
0x92: {  	[sflag:s16] =	ssyncadd.s32 $0xFFFFC000  }
0x93: {  	[spmem:s2] =	stream.indirect.scatter.add.f32 [tilespmem:s14], [sflag:$0x3], $0x80, s25, s12, $0xb8;
	[tilespmem:$0x1CC00] =	vst v63  }
0x94: {  	_ =	swait.ge [sflag:s10], $0x4000  }
0x95: {  	[sflag:s10] =	ssyncset.done $0x0  }
0x96: {  	[sflag:s10] =	ssyncadd.s32 $0xFFFFC000  }
0x97: {  	[tilespmem:s13], [sflag:$0x1] =	stream.indirect.gather [hbm4b:s4+s12], $0x80, s26, s12, $0xb8;
	[tilespmem:$0x1CC00] =	vst v63  }
0x98: {  	_ = 	snop  }
0x99: {  	[tilespmem:s14], [sflag:$0x2] =	stream.indirect.gather [hbm4b:s4+s12], $0x80, s28, s12, $0xb8;
	[tilespmem:$0x1CC00] =	vst v63  }
0x9a: {  	_ =	swait.ge [sflag:s15], $0x4000  }
0x9b: {  	[sflag:s15] =	ssyncset.done $0x0  }
0x9c: {  	[sflag:s15] =	ssyncadd.s32 $0xFFFFC000  }
0x9d: {  	[spmem:s2] =	stream.indirect.scatter.add.f32 [tilespmem:s13], [sflag:$0x3], $0x80, s29, s12, $0xb8;
	[tilespmem:$0x1CC00] =	vst v63  }
0x9e: {  	_ =	swait.ge [sflag:s10], $0x4000  }
0x9f: {  	[sflag:s10] =	ssyncset.done $0x0  }
0xa0: {  	[sflag:s10] =	ssyncadd.s32 $0xFFFFC000  }
0xa1: {  	_ =	swait.ge [sflag:s16], $0x4000  }
0xa2: {  	[sflag:s16] =	ssyncset.done $0x0  }
0xa3: {  	[sflag:s16] =	ssyncadd.s32 $0xFFFFC000  }
0xa4: {  	[spmem:s2] =	stream.indirect.scatter.add.f32 [tilespmem:s14], [sflag:$0x3], $0x80, s30, s12, $0xb8;
	[tilespmem:$0x1CC00] =	vst v63  }
0xa5: {  	_ =	swait.ge [sflag:s10], $0x4000  }
0xa6: {  	[sflag:s10] =	ssyncset.done $0x0  }
0xa7: {  	[sflag:s10] =	ssyncadd.s32 $0xFFFFC000  }
0xa8: {  	[tilespmem:s13], [sflag:$0x1] =	stream.indirect.gather [hbm4b:s4+s12], $0x80, s31, s12, $0xb8;
	[tilespmem:$0x1CC00] =	vst v63  }
0xa9: {  	_ = 	snop  }
0xaa: {  	[tilespmem:s14], [sflag:$0x2] =	stream.indirect.gather [hbm4b:s4+s12], $0x80, s0, s12, $0xb8;
	[tilespmem:$0x1CC00] =	vst v63  }
0xab: {  	_ =	swait.ge [sflag:s15], $0x4000  }
0xac: {  	[sflag:s15] =	ssyncset.done $0x0  }
0xad: {  	[sflag:s15] =	ssyncadd.s32 $0xFFFFC000  }
0xae: {  	[spmem:s2] =	stream.indirect.scatter.add.f32 [tilespmem:s13], [sflag:$0x3], $0x80, s1, s12, $0xb8;
	[tilespmem:$0x1CC00] =	vst v63  }
0xaf: {  	_ =	swait.ge [sflag:s10], $0x4000  }
0xb0: {  	[sflag:s10] =	ssyncset.done $0x0  }
0xb1: {  	[sflag:s10] =	ssyncadd.s32 $0xFFFFC000  }
0xb2: {  	_ =	swait.ge [sflag:s16], $0x4000  }
0xb3: {  	[sflag:s16] =	ssyncset.done $0x0  }
0xb4: {  	[sflag:s16] =	ssyncadd.s32 $0xFFFFC000  }
0xb5: {  	[spmem:s2] =	stream.indirect.scatter.add.f32 [tilespmem:s14], [sflag:$0x3], $0x80, s5, s12, $0xb8;
	[tilespmem:$0x1CC00] =	vst v63  }
0xb6: {  	s6 =	simm.s32 $0x200;
	_ =	swait.ge [sflag:s10], $0x4000  }
0xb7: {  	s8 =	simm.s32 $0x100;
	s9 =	rddreg [dreg:$0x4];
	[sflag:s10] =	ssyncset.done $0x0  }
.LBB2_2:
0xb8: {  	[sflag:s10] =	ssyncadd.s32 $0xFFFFC000;
	s9 =	sadd.s32 s8, s9  }
0xb9: {  	[tilespmem:s3], [sflag:$0x3] =	stream.linear.gather [hbm4b:s9+s3], $0x800, $0x38;
	[tilespmem:$0x1CC00] =	vst v63  }
0xba: {  	_ =	swait.ge [sflag:s10], $0x800  }
0xbb: {  	s9 =	rddreg [dreg:$0x5];
	[sflag:s10] =	ssyncset.done $0x0  }
0xbc: {  	[sflag:s10] =	ssyncadd.s32 $0xFFFFF800;
	s9 =	sadd.s32 s8, s9  }
0xbd: {  	[tilespmem:s11], [sflag:$0x3] =	stream.linear.gather [hbm4b:s9+s3], $0x800, $0x38;
	[tilespmem:$0x1CC00] =	vst v63  }
0xbe: {  	_ =	swait.ge [sflag:s10], $0x800  }
0xbf: {  	[sflag:s10] =	ssyncset.done $0x0  }
0xc0: {  	[sflag:s10] =	ssyncadd.s32 $0xFFFFF800  }
0xc1: {  	[tilespmem:s13], [sflag:$0x1] =	stream.indirect.gather [hbm4b:s4+s12], $0x80, s3, s12, $0xb8;
	[tilespmem:$0x1CC00] =	vst v63  }
0xc2: {  	_ = 	snop  }
0xc3: {  	[tilespmem:s14], [sflag:$0x2] =	stream.indirect.gather [hbm4b:s4+s12], $0x80, s12, s12, $0xb8;
	[tilespmem:$0x1CC00] =	vst v63  }
0xc4: {  	_ =	swait.ge [sflag:s15], $0x4000  }
0xc5: {  	[sflag:s15] =	ssyncset.done $0x0  }
0xc6: {  	[sflag:s15] =	ssyncadd.s32 $0xFFFFC000  }
0xc7: {  	[spmem:s2] =	stream.indirect.scatter.add.f32 [tilespmem:s13], [sflag:$0x3], $0x80, s11, s12, $0xb8;
	[tilespmem:$0x1CC00] =	vst v63  }
0xc8: {  	_ =	swait.ge [sflag:s10], $0x4000  }
0xc9: {  	[sflag:s10] =	ssyncset.done $0x0  }
0xca: {  	[sflag:s10] =	ssyncadd.s32 $0xFFFFC000  }
0xcb: {  	_ =	swait.ge [sflag:s16], $0x4000  }
0xcc: {  	[sflag:s16] =	ssyncset.done $0x0  }
0xcd: {  	s9 =	rddreg [dreg:$0x6];
	[sflag:s16] =	ssyncadd.s32 $0xFFFFC000  }
0xce: {  	[spmem:s2] =	stream.indirect.scatter.add.f32 [tilespmem:s14], [sflag:$0x3], $0x80, s9, s12, $0xb8;
	[tilespmem:$0x1CC00] =	vst v63  }
0xcf: {  	_ =	swait.ge [sflag:s10], $0x4000  }
0xd0: {  	s7 =	smov.u32 s6;
	[sflag:s10] =	ssyncset.done $0x0  }
0xd1: {  	s8 =	smov.u32 s7;
	s7 =	rddreg [dreg:$0x7];
	[sflag:s10] =	ssyncadd.s32 $0xFFFFC000  }
0xd2: {  	[tilespmem:s13], [sflag:$0x1] =	stream.indirect.gather [hbm4b:s4+s12], $0x80, s7, s12, $0xb8;
	[tilespmem:$0x1CC00] =	vst v63  }
0xd3: {  	s9 =	rddreg [dreg:$0x8]  }
0xd4: {  	[tilespmem:s14], [sflag:$0x2] =	stream.indirect.gather [hbm4b:s4+s12], $0x80, s9, s12, $0xb8;
	[tilespmem:$0x1CC00] =	vst v63  }
0xd5: {  	_ =	swait.ge [sflag:s15], $0x4000  }
0xd6: {  	[sflag:s15] =	ssyncset.done $0x0  }
0xd7: {  	s9 =	rddreg [dreg:$0x9];
	[sflag:s15] =	ssyncadd.s32 $0xFFFFC000  }
0xd8: {  	[spmem:s2] =	stream.indirect.scatter.add.f32 [tilespmem:s13], [sflag:$0x3], $0x80, s9, s12, $0xb8;
	[tilespmem:$0x1CC00] =	vst v63  }
0xd9: {  	_ =	swait.ge [sflag:s10], $0x4000  }
0xda: {  	[sflag:s10] =	ssyncset.done $0x0  }
0xdb: {  	[sflag:s10] =	ssyncadd.s32 $0xFFFFC000  }
0xdc: {  	_ =	swait.ge [sflag:s16], $0x4000  }
0xdd: {  	[sflag:s16] =	ssyncset.done $0x0  }
0xde: {  	s9 =	rddreg [dreg:$0xa];
	[sflag:s16] =	ssyncadd.s32 $0xFFFFC000  }
0xdf: {  	[spmem:s2] =	stream.indirect.scatter.add.f32 [tilespmem:s14], [sflag:$0x3], $0x80, s9, s12, $0xb8;
	[tilespmem:$0x1CC00] =	vst v63  }
0xe0: {  	_ =	swait.ge [sflag:s10], $0x4000  }
0xe1: {  	[sflag:s10] =	ssyncset.done $0x0  }
0xe2: {  	s7 =	rddreg [dreg:$0xb];
	[sflag:s10] =	ssyncadd.s32 $0xFFFFC000  }
0xe3: {  	[tilespmem:s13], [sflag:$0x1] =	stream.indirect.gather [hbm4b:s4+s12], $0x80, s7, s12, $0xb8;
	[tilespmem:$0x1CC00] =	vst v63  }
0xe4: {  	s9 =	rddreg [dreg:$0xc]  }
0xe5: {  	[tilespmem:s14], [sflag:$0x2] =	stream.indirect.gather [hbm4b:s4+s12], $0x80, s9, s12, $0xb8;
	[tilespmem:$0x1CC00] =	vst v63  }
0xe6: {  	_ =	swait.ge [sflag:s15], $0x4000  }
0xe7: {  	[sflag:s15] =	ssyncset.done $0x0  }
0xe8: {  	s9 =	rddreg [dreg:$0xd];
	[sflag:s15] =	ssyncadd.s32 $0xFFFFC000  }
0xe9: {  	[spmem:s2] =	stream.indirect.scatter.add.f32 [tilespmem:s13], [sflag:$0x3], $0x80, s9, s12, $0xb8;
	[tilespmem:$0x1CC00] =	vst v63  }
0xea: {  	_ =	swait.ge [sflag:s10], $0x4000  }
0xeb: {  	[sflag:s10] =	ssyncset.done $0x0  }
0xec: {  	[sflag:s10] =	ssyncadd.s32 $0xFFFFC000  }
0xed: {  	_ =	swait.ge [sflag:s16], $0x4000  }
0xee: {  	[sflag:s16] =	ssyncset.done $0x0  }
0xef: {  	s9 =	rddreg [dreg:$0xe];
	[sflag:s16] =	ssyncadd.s32 $0xFFFFC000  }
0xf0: {  	[spmem:s2] =	stream.indirect.scatter.add.f32 [tilespmem:s14], [sflag:$0x3], $0x80, s9, s12, $0xb8;
	[tilespmem:$0x1CC00] =	vst v63  }
0xf1: {  	_ =	swait.ge [sflag:s10], $0x4000  }
0xf2: {  	[sflag:s10] =	ssyncset.done $0x0  }
0xf3: {  	s7 =	rddreg [dreg:$0xf];
	[sflag:s10] =	ssyncadd.s32 $0xFFFFC000  }
0xf4: {  	[tilespmem:s13], [sflag:$0x1] =	stream.indirect.gather [hbm4b:s4+s12], $0x80, s7, s12, $0xb8;
	[tilespmem:$0x1CC00] =	vst v63  }
0xf5: {  	s9 =	rddreg [dreg:$0x10]  }
0xf6: {  	[tilespmem:s14], [sflag:$0x2] =	stream.indirect.gather [hbm4b:s4+s12], $0x80, s9, s12, $0xb8;
	[tilespmem:$0x1CC00] =	vst v63  }
0xf7: {  	_ =	swait.ge [sflag:s15], $0x4000  }
0xf8: {  	[sflag:s15] =	ssyncset.done $0x0  }
0xf9: {  	s9 =	rddreg [dreg:$0x11];
	[sflag:s15] =	ssyncadd.s32 $0xFFFFC000  }
0xfa: {  	[spmem:s2] =	stream.indirect.scatter.add.f32 [tilespmem:s13], [sflag:$0x3], $0x80, s9, s12, $0xb8;
	[tilespmem:$0x1CC00] =	vst v63  }
0xfb: {  	_ =	swait.ge [sflag:s10], $0x4000  }
0xfc: {  	[sflag:s10] =	ssyncset.done $0x0  }
0xfd: {  	[sflag:s10] =	ssyncadd.s32 $0xFFFFC000  }
0xfe: {  	_ =	swait.ge [sflag:s16], $0x4000  }
0xff: {  	[sflag:s16] =	ssyncset.done $0x0  }
0x100: {  	[sflag:s16] =	ssyncadd.s32 $0xFFFFC000  }
0x101: {  	[spmem:s2] =	stream.indirect.scatter.add.f32 [tilespmem:s14], [sflag:$0x3], $0x80, s17, s12, $0xb8;
	[tilespmem:$0x1CC00] =	vst v63  }
0x102: {  	_ =	swait.ge [sflag:s10], $0x4000  }
0x103: {  	[sflag:s10] =	ssyncset.done $0x0  }
0x104: {  	[sflag:s10] =	ssyncadd.s32 $0xFFFFC000  }
0x105: {  	[tilespmem:s13], [sflag:$0x1] =	stream.indirect.gather [hbm4b:s4+s12], $0x80, s18, s12, $0xb8;
	[tilespmem:$0x1CC00] =	vst v63  }
0x106: {  	_ = 	snop  }
0x107: {  	[tilespmem:s14], [sflag:$0x2] =	stream.indirect.gather [hbm4b:s4+s12], $0x80, s19, s12, $0xb8;
	[tilespmem:$0x1CC00] =	vst v63  }
0x108: {  	_ =	swait.ge [sflag:s15], $0x4000  }
0x109: {  	[sflag:s15] =	ssyncset.done $0x0  }
0x10a: {  	[sflag:s15] =	ssyncadd.s32 $0xFFFFC000  }
0x10b: {  	[spmem:s2] =	stream.indirect.scatter.add.f32 [tilespmem:s13], [sflag:$0x3], $0x80, s20, s12, $0xb8;
	[tilespmem:$0x1CC00] =	vst v63  }
0x10c: {  	_ =	swait.ge [sflag:s10], $0x4000  }
0x10d: {  	[sflag:s10] =	ssyncset.done $0x0  }
0x10e: {  	[sflag:s10] =	ssyncadd.s32 $0xFFFFC000  }
0x10f: {  	_ =	swait.ge [sflag:s16], $0x4000  }
0x110: {  	[sflag:s16] =	ssyncset.done $0x0  }
0x111: {  	[sflag:s16] =	ssyncadd.s32 $0xFFFFC000  }
0x112: {  	[spmem:s2] =	stream.indirect.scatter.add.f32 [tilespmem:s14], [sflag:$0x3], $0x80, s21, s12, $0xb8;
	[tilespmem:$0x1CC00] =	vst v63  }
0x113: {  	_ =	swait.ge [sflag:s10], $0x4000  }
0x114: {  	[sflag:s10] =	ssyncset.done $0x0  }
0x115: {  	[sflag:s10] =	ssyncadd.s32 $0xFFFFC000  }
0x116: {  	[tilespmem:s13], [sflag:$0x1] =	stream.indirect.gather [hbm4b:s4+s12], $0x80, s22, s12, $0xb8;
	[tilespmem:$0x1CC00] =	vst v63  }
0x117: {  	_ = 	snop  }
0x118: {  	[tilespmem:s14], [sflag:$0x2] =	stream.indirect.gather [hbm4b:s4+s12], $0x80, s23, s12, $0xb8;
	[tilespmem:$0x1CC00] =	vst v63  }
0x119: {  	_ =	swait.ge [sflag:s15], $0x4000  }
0x11a: {  	[sflag:s15] =	ssyncset.done $0x0  }
0x11b: {  	[sflag:s15] =	ssyncadd.s32 $0xFFFFC000  }
0x11c: {  	[spmem:s2] =	stream.indirect.scatter.add.f32 [tilespmem:s13], [sflag:$0x3], $0x80, s24, s12, $0xb8;
	[tilespmem:$0x1CC00] =	vst v63  }
0x11d: {  	_ =	swait.ge [sflag:s10], $0x4000  }
0x11e: {  	[sflag:s10] =	ssyncset.done $0x0  }
0x11f: {  	[sflag:s10] =	ssyncadd.s32 $0xFFFFC000  }
0x120: {  	_ =	swait.ge [sflag:s16], $0x4000  }
0x121: {  	[sflag:s16] =	ssyncset.done $0x0  }
0x122: {  	[sflag:s16] =	ssyncadd.s32 $0xFFFFC000  }
0x123: {  	[spmem:s2] =	stream.indirect.scatter.add.f32 [tilespmem:s14], [sflag:$0x3], $0x80, s25, s12, $0xb8;
	[tilespmem:$0x1CC00] =	vst v63  }
0x124: {  	_ =	swait.ge [sflag:s10], $0x4000  }
0x125: {  	[sflag:s10] =	ssyncset.done $0x0  }
0x126: {  	[sflag:s10] =	ssyncadd.s32 $0xFFFFC000  }
0x127: {  	[tilespmem:s13], [sflag:$0x1] =	stream.indirect.gather [hbm4b:s4+s12], $0x80, s26, s12, $0xb8;
	[tilespmem:$0x1CC00] =	vst v63  }
0x128: {  	_ = 	snop  }
0x129: {  	[tilespmem:s14], [sflag:$0x2] =	stream.indirect.gather [hbm4b:s4+s12], $0x80, s28, s12, $0xb8;
	[tilespmem:$0x1CC00] =	vst v63  }
0x12a: {  	_ =	swait.ge [sflag:s15], $0x4000  }
0x12b: {  	[sflag:s15] =	ssyncset.done $0x0  }
0x12c: {  	[sflag:s15] =	ssyncadd.s32 $0xFFFFC000  }
0x12d: {  	[spmem:s2] =	stream.indirect.scatter.add.f32 [tilespmem:s13], [sflag:$0x3], $0x80, s29, s12, $0xb8;
	[tilespmem:$0x1CC00] =	vst v63  }
0x12e: {  	_ =	swait.ge [sflag:s10], $0x4000  }
0x12f: {  	[sflag:s10] =	ssyncset.done $0x0  }
0x130: {  	[sflag:s10] =	ssyncadd.s32 $0xFFFFC000  }
0x131: {  	_ =	swait.ge [sflag:s16], $0x4000  }
0x132: {  	[sflag:s16] =	ssyncset.done $0x0  }
0x133: {  	[sflag:s16] =	ssyncadd.s32 $0xFFFFC000  }
0x134: {  	[spmem:s2] =	stream.indirect.scatter.add.f32 [tilespmem:s14], [sflag:$0x3], $0x80, s30, s12, $0xb8;
	[tilespmem:$0x1CC00] =	vst v63  }
0x135: {  	_ =	swait.ge [sflag:s10], $0x4000  }
0x136: {  	[sflag:s10] =	ssyncset.done $0x0  }
0x137: {  	[sflag:s10] =	ssyncadd.s32 $0xFFFFC000  }
0x138: {  	[tilespmem:s13], [sflag:$0x1] =	stream.indirect.gather [hbm4b:s4+s12], $0x80, s31, s12, $0xb8;
	[tilespmem:$0x1CC00] =	vst v63  }
0x139: {  	_ = 	snop  }
0x13a: {  	[tilespmem:s14], [sflag:$0x2] =	stream.indirect.gather [hbm4b:s4+s12], $0x80, s0, s12, $0xb8;
	[tilespmem:$0x1CC00] =	vst v63  }
0x13b: {  	_ =	swait.ge [sflag:s15], $0x4000  }
0x13c: {  	[sflag:s15] =	ssyncset.done $0x0  }
0x13d: {  	[sflag:s15] =	ssyncadd.s32 $0xFFFFC000  }
0x13e: {  	[spmem:s2] =	stream.indirect.scatter.add.f32 [tilespmem:s13], [sflag:$0x3], $0x80, s1, s12, $0xb8;
	[tilespmem:$0x1CC00] =	vst v63  }
0x13f: {  	_ =	swait.ge [sflag:s10], $0x4000  }
0x140: {  	[sflag:s10] =	ssyncset.done $0x0  }
0x141: {  	[sflag:s10] =	ssyncadd.s32 $0xFFFFC000  }
0x142: {  	p0 =	sne.s32 s6, $0x900;
	_ =	swait.ge [sflag:s16], $0x4000  }
.Ltmp0:
0x143: {  	[sflag:s16] =	ssyncset.done $0x0;
	(pc) =	sbr.rel @p0 .LBB2_2-.Ltmp0, $4  }
0x144: {  	[sflag:s16] =	ssyncadd.s32 $0xFFFFC000  }
0x145: {  	[spmem:s2] =	stream.indirect.scatter.add.f32 [tilespmem:s14], [sflag:$0x3], $0x80, s5, s12, $0xb8;
	[tilespmem:$0x1CC00] =	vst v63  }
0x146: {  	_ =	swait.ge [sflag:s10], $0x4000  }
0x147: {  	s6 =	sadd.s32 $0x100, s6;
	s9 =	rddreg [dreg:$0x4];
	[sflag:s10] =	ssyncset.done $0x0  }
0x148: {  	[sflag:s10] =	ssyncadd.s32 $0xFFFFC000;
	s6 =	sadd.s32 s8, s9  }
0x149: {  	[tilespmem:s3], [sflag:$0x3] =	stream.linear.gather [hbm4b:s6+s3], $0x800, $0x38;
	[tilespmem:$0x1CC00] =	vst v63  }
0x14a: {  	_ =	swait.ge [sflag:s10], $0x800  }
0x14b: {  	s7 =	rddreg [dreg:$0x5];
	[sflag:s10] =	ssyncset.done $0x0  }
0x14c: {  	[sflag:s10] =	ssyncadd.s32 $0xFFFFF800;
	s6 =	sadd.s32 s8, s7  }
0x14d: {  	[tilespmem:s11], [sflag:$0x3] =	stream.linear.gather [hbm4b:s6+s3], $0x800, $0x38;
	[tilespmem:$0x1CC00] =	vst v63  }
0x14e: {  	_ =	swait.ge [sflag:s10], $0x800  }
0x14f: {  	[sflag:s10] =	ssyncset.done $0x0  }
0x150: {  	[sflag:s10] =	ssyncadd.s32 $0xFFFFF800  }
0x151: {  	[tilespmem:s13], [sflag:$0x1] =	stream.indirect.gather [hbm4b:s4+s12], $0x80, s3, s12, $0xb8;
	[tilespmem:$0x1CC00] =	vst v63  }
0x152: {  	_ = 	snop  }
0x153: {  	[tilespmem:s14], [sflag:$0x2] =	stream.indirect.gather [hbm4b:s4+s12], $0x80, s12, s12, $0xb8;
	[tilespmem:$0x1CC00] =	vst v63  }
0x154: {  	_ =	swait.ge [sflag:s15], $0x4000  }
0x155: {  	[sflag:s15] =	ssyncset.done $0x0  }
0x156: {  	[sflag:s15] =	ssyncadd.s32 $0xFFFFC000  }
0x157: {  	[spmem:s2] =	stream.indirect.scatter.add.f32 [tilespmem:s13], [sflag:$0x3], $0x80, s11, s12, $0xb8;
	[tilespmem:$0x1CC00] =	vst v63  }
0x158: {  	_ =	swait.ge [sflag:s10], $0x4000  }
0x159: {  	[sflag:s10] =	ssyncset.done $0x0  }
0x15a: {  	[sflag:s10] =	ssyncadd.s32 $0xFFFFC000  }
0x15b: {  	_ =	swait.ge [sflag:s16], $0x4000  }
0x15c: {  	[sflag:s16] =	ssyncset.done $0x0  }
0x15d: {  	s8 =	rddreg [dreg:$0x6];
	[sflag:s16] =	ssyncadd.s32 $0xFFFFC000  }
0x15e: {  	[spmem:s2] =	stream.indirect.scatter.add.f32 [tilespmem:s14], [sflag:$0x3], $0x80, s8, s12, $0xb8;
	[tilespmem:$0x1CC00] =	vst v63  }
0x15f: {  	_ =	swait.ge [sflag:s10], $0x4000  }
0x160: {  	[sflag:s10] =	ssyncset.done $0x0  }
0x161: {  	s9 =	rddreg [dreg:$0x7];
	[sflag:s10] =	ssyncadd.s32 $0xFFFFC000  }
0x162: {  	[tilespmem:s13], [sflag:$0x1] =	stream.indirect.gather [hbm4b:s4+s12], $0x80, s9, s12, $0xb8;
	[tilespmem:$0x1CC00] =	vst v63  }
0x163: {  	s7 =	rddreg [dreg:$0x8]  }
0x164: {  	[tilespmem:s14], [sflag:$0x2] =	stream.indirect.gather [hbm4b:s4+s12], $0x80, s7, s12, $0xb8;
	[tilespmem:$0x1CC00] =	vst v63  }
0x165: {  	_ =	swait.ge [sflag:s15], $0x4000  }
0x166: {  	[sflag:s15] =	ssyncset.done $0x0  }
0x167: {  	s8 =	rddreg [dreg:$0x9];
	[sflag:s15] =	ssyncadd.s32 $0xFFFFC000  }
0x168: {  	[spmem:s2] =	stream.indirect.scatter.add.f32 [tilespmem:s13], [sflag:$0x3], $0x80, s8, s12, $0xb8;
	[tilespmem:$0x1CC00] =	vst v63  }
0x169: {  	_ =	swait.ge [sflag:s10], $0x4000  }
0x16a: {  	[sflag:s10] =	ssyncset.done $0x0  }
0x16b: {  	[sflag:s10] =	ssyncadd.s32 $0xFFFFC000  }
0x16c: {  	_ =	swait.ge [sflag:s16], $0x4000  }
0x16d: {  	[sflag:s16] =	ssyncset.done $0x0  }
0x16e: {  	s9 =	rddreg [dreg:$0xa];
	[sflag:s16] =	ssyncadd.s32 $0xFFFFC000  }
0x16f: {  	[spmem:s2] =	stream.indirect.scatter.add.f32 [tilespmem:s14], [sflag:$0x3], $0x80, s9, s12, $0xb8;
	[tilespmem:$0x1CC00] =	vst v63  }
0x170: {  	_ =	swait.ge [sflag:s10], $0x4000  }
0x171: {  	[sflag:s10] =	ssyncset.done $0x0  }
0x172: {  	s7 =	rddreg [dreg:$0xb];
	[sflag:s10] =	ssyncadd.s32 $0xFFFFC000  }
0x173: {  	[tilespmem:s13], [sflag:$0x1] =	stream.indirect.gather [hbm4b:s4+s12], $0x80, s7, s12, $0xb8;
	[tilespmem:$0x1CC00] =	vst v63  }
0x174: {  	s8 =	rddreg [dreg:$0xc]  }
0x175: {  	[tilespmem:s14], [sflag:$0x2] =	stream.indirect.gather [hbm4b:s4+s12], $0x80, s8, s12, $0xb8;
	[tilespmem:$0x1CC00] =	vst v63  }
0x176: {  	_ =	swait.ge [sflag:s15], $0x4000  }
0x177: {  	[sflag:s15] =	ssyncset.done $0x0  }
0x178: {  	s9 =	rddreg [dreg:$0xd];
	[sflag:s15] =	ssyncadd.s32 $0xFFFFC000  }
0x179: {  	[spmem:s2] =	stream.indirect.scatter.add.f32 [tilespmem:s13], [sflag:$0x3], $0x80, s9, s12, $0xb8;
	[tilespmem:$0x1CC00] =	vst v63  }
0x17a: {  	_ =	swait.ge [sflag:s10], $0x4000  }
0x17b: {  	[sflag:s10] =	ssyncset.done $0x0  }
0x17c: {  	[sflag:s10] =	ssyncadd.s32 $0xFFFFC000  }
0x17d: {  	_ =	swait.ge [sflag:s16], $0x4000  }
0x17e: {  	[sflag:s16] =	ssyncset.done $0x0  }
0x17f: {  	s7 =	rddreg [dreg:$0xe];
	[sflag:s16] =	ssyncadd.s32 $0xFFFFC000  }
0x180: {  	[spmem:s2] =	stream.indirect.scatter.add.f32 [tilespmem:s14], [sflag:$0x3], $0x80, s7, s12, $0xb8;
	[tilespmem:$0x1CC00] =	vst v63  }
0x181: {  	_ =	swait.ge [sflag:s10], $0x4000  }
0x182: {  	[sflag:s10] =	ssyncset.done $0x0  }
0x183: {  	s8 =	rddreg [dreg:$0xf];
	[sflag:s10] =	ssyncadd.s32 $0xFFFFC000  }
0x184: {  	[tilespmem:s13], [sflag:$0x1] =	stream.indirect.gather [hbm4b:s4+s12], $0x80, s8, s12, $0xb8;
	[tilespmem:$0x1CC00] =	vst v63  }
0x185: {  	s9 =	rddreg [dreg:$0x10]  }
0x186: {  	[tilespmem:s14], [sflag:$0x2] =	stream.indirect.gather [hbm4b:s4+s12], $0x80, s9, s12, $0xb8;
	[tilespmem:$0x1CC00] =	vst v63  }
0x187: {  	_ =	swait.ge [sflag:s15], $0x4000  }
0x188: {  	[sflag:s15] =	ssyncset.done $0x0  }
0x189: {  	s8 =	rddreg [dreg:$0x11];
	[sflag:s15] =	ssyncadd.s32 $0xFFFFC000  }
0x18a: {  	[spmem:s2] =	stream.indirect.scatter.add.f32 [tilespmem:s13], [sflag:$0x3], $0x80, s8, s12, $0xb8;
	[tilespmem:$0x1CC00] =	vst v63  }
0x18b: {  	_ =	swait.ge [sflag:s10], $0x4000  }
0x18c: {  	[sflag:s10] =	ssyncset.done $0x0  }
0x18d: {  	[sflag:s10] =	ssyncadd.s32 $0xFFFFC000  }
0x18e: {  	_ =	swait.ge [sflag:s16], $0x4000  }
0x18f: {  	[sflag:s16] =	ssyncset.done $0x0  }
0x190: {  	[sflag:s16] =	ssyncadd.s32 $0xFFFFC000  }
0x191: {  	[spmem:s2] =	stream.indirect.scatter.add.f32 [tilespmem:s14], [sflag:$0x3], $0x80, s17, s12, $0xb8;
	[tilespmem:$0x1CC00] =	vst v63  }
0x192: {  	_ =	swait.ge [sflag:s10], $0x4000  }
0x193: {  	[sflag:s10] =	ssyncset.done $0x0  }
0x194: {  	[sflag:s10] =	ssyncadd.s32 $0xFFFFC000  }
0x195: {  	[tilespmem:s13], [sflag:$0x1] =	stream.indirect.gather [hbm4b:s4+s12], $0x80, s18, s12, $0xb8;
	[tilespmem:$0x1CC00] =	vst v63  }
0x196: {  	_ = 	snop  }
0x197: {  	[tilespmem:s14], [sflag:$0x2] =	stream.indirect.gather [hbm4b:s4+s12], $0x80, s19, s12, $0xb8;
	[tilespmem:$0x1CC00] =	vst v63  }
0x198: {  	_ =	swait.ge [sflag:s15], $0x4000  }
0x199: {  	[sflag:s15] =	ssyncset.done $0x0  }
0x19a: {  	[sflag:s15] =	ssyncadd.s32 $0xFFFFC000  }
0x19b: {  	[spmem:s2] =	stream.indirect.scatter.add.f32 [tilespmem:s13], [sflag:$0x3], $0x80, s20, s12, $0xb8;
	[tilespmem:$0x1CC00] =	vst v63  }
0x19c: {  	_ =	swait.ge [sflag:s10], $0x4000  }
0x19d: {  	[sflag:s10] =	ssyncset.done $0x0  }
0x19e: {  	[sflag:s10] =	ssyncadd.s32 $0xFFFFC000  }
0x19f: {  	_ =	swait.ge [sflag:s16], $0x4000  }
0x1a0: {  	[sflag:s16] =	ssyncset.done $0x0  }
0x1a1: {  	[sflag:s16] =	ssyncadd.s32 $0xFFFFC000  }
0x1a2: {  	[spmem:s2] =	stream.indirect.scatter.add.f32 [tilespmem:s14], [sflag:$0x3], $0x80, s21, s12, $0xb8;
	[tilespmem:$0x1CC00] =	vst v63  }
0x1a3: {  	_ =	swait.ge [sflag:s10], $0x4000  }
0x1a4: {  	[sflag:s10] =	ssyncset.done $0x0  }
0x1a5: {  	[sflag:s10] =	ssyncadd.s32 $0xFFFFC000  }
0x1a6: {  	[tilespmem:s13], [sflag:$0x1] =	stream.indirect.gather [hbm4b:s4+s12], $0x80, s22, s12, $0xb8;
	[tilespmem:$0x1CC00] =	vst v63  }
0x1a7: {  	_ = 	snop  }
0x1a8: {  	[tilespmem:s14], [sflag:$0x2] =	stream.indirect.gather [hbm4b:s4+s12], $0x80, s23, s12, $0xb8;
	[tilespmem:$0x1CC00] =	vst v63  }
0x1a9: {  	_ =	swait.ge [sflag:s15], $0x4000  }
0x1aa: {  	[sflag:s15] =	ssyncset.done $0x0  }
0x1ab: {  	[sflag:s15] =	ssyncadd.s32 $0xFFFFC000  }
0x1ac: {  	[spmem:s2] =	stream.indirect.scatter.add.f32 [tilespmem:s13], [sflag:$0x3], $0x80, s24, s12, $0xb8;
	[tilespmem:$0x1CC00] =	vst v63  }
0x1ad: {  	_ =	swait.ge [sflag:s10], $0x4000  }
0x1ae: {  	[sflag:s10] =	ssyncset.done $0x0  }
0x1af: {  	[sflag:s10] =	ssyncadd.s32 $0xFFFFC000  }
0x1b0: {  	_ =	swait.ge [sflag:s16], $0x4000  }
0x1b1: {  	[sflag:s16] =	ssyncset.done $0x0  }
0x1b2: {  	[sflag:s16] =	ssyncadd.s32 $0xFFFFC000  }
0x1b3: {  	[spmem:s2] =	stream.indirect.scatter.add.f32 [tilespmem:s14], [sflag:$0x3], $0x80, s25, s12, $0xb8;
	[tilespmem:$0x1CC00] =	vst v63  }
0x1b4: {  	_ =	swait.ge [sflag:s10], $0x4000  }
0x1b5: {  	[sflag:s10] =	ssyncset.done $0x0  }
0x1b6: {  	[sflag:s10] =	ssyncadd.s32 $0xFFFFC000  }
0x1b7: {  	[tilespmem:s13], [sflag:$0x1] =	stream.indirect.gather [hbm4b:s4+s12], $0x80, s26, s12, $0xb8;
	[tilespmem:$0x1CC00] =	vst v63  }
0x1b8: {  	_ = 	snop  }
0x1b9: {  	[tilespmem:s14], [sflag:$0x2] =	stream.indirect.gather [hbm4b:s4+s12], $0x80, s28, s12, $0xb8;
	[tilespmem:$0x1CC00] =	vst v63  }
0x1ba: {  	_ =	swait.ge [sflag:s15], $0x4000  }
0x1bb: {  	[sflag:s15] =	ssyncset.done $0x0  }
0x1bc: {  	[sflag:s15] =	ssyncadd.s32 $0xFFFFC000  }
0x1bd: {  	[spmem:s2] =	stream.indirect.scatter.add.f32 [tilespmem:s13], [sflag:$0x3], $0x80, s29, s12, $0xb8;
	[tilespmem:$0x1CC00] =	vst v63  }
0x1be: {  	_ =	swait.ge [sflag:s10], $0x4000  }
0x1bf: {  	[sflag:s10] =	ssyncset.done $0x0  }
0x1c0: {  	[sflag:s10] =	ssyncadd.s32 $0xFFFFC000  }
0x1c1: {  	_ =	swait.ge [sflag:s16], $0x4000  }
0x1c2: {  	[sflag:s16] =	ssyncset.done $0x0  }
0x1c3: {  	[sflag:s16] =	ssyncadd.s32 $0xFFFFC000  }
0x1c4: {  	[spmem:s2] =	stream.indirect.scatter.add.f32 [tilespmem:s14], [sflag:$0x3], $0x80, s30, s12, $0xb8;
	[tilespmem:$0x1CC00] =	vst v63  }
0x1c5: {  	_ =	swait.ge [sflag:s10], $0x4000  }
0x1c6: {  	[sflag:s10] =	ssyncset.done $0x0  }
0x1c7: {  	[sflag:s10] =	ssyncadd.s32 $0xFFFFC000  }
0x1c8: {  	[tilespmem:s13], [sflag:$0x1] =	stream.indirect.gather [hbm4b:s4+s12], $0x80, s31, s12, $0xb8;
	[tilespmem:$0x1CC00] =	vst v63  }
0x1c9: {  	_ = 	snop  }
0x1ca: {  	[tilespmem:s14], [sflag:$0x2] =	stream.indirect.gather [hbm4b:s4+s12], $0x80, s0, s12, $0xb8;
	[tilespmem:$0x1CC00] =	vst v63  }
0x1cb: {  	_ =	swait.ge [sflag:s15], $0x4000  }
0x1cc: {  	[sflag:s15] =	ssyncset.done $0x0  }
0x1cd: {  	[sflag:s15] =	ssyncadd.s32 $0xFFFFC000  }
0x1ce: {  	[spmem:s2] =	stream.indirect.scatter.add.f32 [tilespmem:s13], [sflag:$0x3], $0x80, s1, s12, $0xb8;
	[tilespmem:$0x1CC00] =	vst v63  }
0x1cf: {  	_ =	swait.ge [sflag:s10], $0x4000  }
0x1d0: {  	[sflag:s10] =	ssyncset.done $0x0  }
0x1d1: {  	[sflag:s10] =	ssyncadd.s32 $0xFFFFC000  }
0x1d2: {  	_ =	swait.ge [sflag:s16], $0x4000  }
0x1d3: {  	[sflag:s16] =	ssyncset.done $0x0  }
0x1d4: {  	[sflag:s16] =	ssyncadd.s32 $0xFFFFC000  }
0x1d5: {  	[spmem:s2] =	stream.indirect.scatter.add.f32 [tilespmem:s14], [sflag:$0x3], $0x80, s5, s12, $0xb8;
	[tilespmem:$0x1CC00] =	vst v63  }
0x1d6: {  	_ =	swait.ge [sflag:s10], $0x4000  }
0x1d7: {  	[sflag:s10] =	ssyncset.done $0x0  }
0x1d8: {  	[sflag:s10] =	ssyncadd.s32 $0xFFFFC000  }
0x1d9: {  	[bflag:$0x0] =	sbarrier.arrive $0xFFFF  }
0x1da: {  	s7 =	rddreg [dreg:$0x13]  }
0x1db: {  	s9 =	rddreg [dreg:$0x14]  }
0x1dc: {  	s8 =	rddreg [dreg:$0x16]  }
0x1dd: {  	[hbm:s9], [sflag:s7] =	dma.local [spmem:s8], $0x2780  }
0x1de: {  	_ =	swait.ge [sflag:s10], $0x2780  }
0x1df: {  	s6 =	rddreg [dreg:$0x17]  }
0x1e0: {  	s9 =	sadd.s32 $0x1, s6;
	s6 =	rddreg [dreg:$0x15]  }
0x1e1: {  	p0 =	sne.s32 s9, s6  }
.Ltmp1:
0x1e2: {  	_ = 	snop;
	(pc) =	sbr.rel @p0 .LBB2_1-.Ltmp1, $3  }
0x1e3: {  	_ =	sdelay $0x1  }
0x1e4: {  	[sflag:s10] =	ssyncset.done $0x0  }
0x1e5: {  	[sflag:s10] =	ssyncadd.s32 $0xFFFFD880  }
0x1e6: {  	_ =	sfence.sel $0x180000  }
0x1e7: {  	[bflag:$0x0] =	sbarrier.arrive $0xFFFF  }
0x1e8: {  	_ =	strace $0x90000047  }
0x1e9: {  	s0 =	stileid.u32;
	[bflag:$0x2] =	sbarrier.arrive $0xFFFF  }
0x1ea: {  	p0 =	sne.s32 s0, $0x0;
	s0 =	rddreg [dreg:$0x3]  }
0x1eb: {  	s0 =	sadd.s32 @!p0 $0x100000, s0  }
0x1ec: {  	[sflag:s0] =	ssyncadd.tile.s32 @!p0 $0x1;
	_ =	shalt  }
.Lfunc_end2:
_tile_overlayer_lowered:
.L_overlay_start_2:
0x1ed: {  	(tag) =	ssettag $0x2  }
0x1ee: {  	s0 =	rddreg [dreg:$0x0];
	s2 =	stileid.u32  }
0x1ef: {  	s1 =	rddreg [dreg:$0x1];
	p0 =	sne.s32 s2, $0x0  }
0x1f0: {  	s3 =	rddreg [dreg:$0x2];
	[bflag:$0x3] =	sbarrier.arrive $0xFFFF;
	s2 =	simm.s32 @!p0 $0x1C03  }
0x1f1: {  	[timem:s3], [sflag:s2] =	dma.local @!p0 [hbm:s0], s1  }
0x1f2: {  	s0 =	simm.s32 @!p0 $0x3  }
0x1f3: {  	_ =	swait.ge @!p0 [sflag:s0], s1  }
0x1f4: {  	s1 =	ssub.s32 @!p0 $0x0, s1;
	[sflag:s0] =	ssyncset.done @!p0 $0x0  }
0x1f5: {  	[sflag:s0] =	ssyncadd.s32 @!p0 s1  }
0x1f6: {  	[bflag:$0x3] =	sbarrier.arrive $0xFFFF  }
0x1f7: {  	_ =	shalt  }

// kernel: kernel.13.cloned.1.call-start
scs
__scs_entry_jumppad:
0x0: {  	(pc) =	sbr.rel $0x88, $3  }
0x1: {  	(tag) =	ssettag $0x0;
	lr =	simm.s32 $0x1  }
0x2: {  	[smem:$0x3F93] =	sst lr;
	_ =	strace $0xD0000000  }
0x3: {  	_ = 	snop  }
0x4: {  	_ = 	snop  }
0x5: {  	_ = 	snop  }
0x6: {  	_ = 	snop  }
0x7: {  	_ = 	snop  }
__scs_overlays_trampoline_lowered:
0x8: {  	[smem:$0x3FA2] =	sst s0  }
0x9: {  	[smem:$0x3FA3] =	sst s1  }
0xa: {  	[smem:$0x3FA4] =	sst s2  }
0xb: {  	[smem:$0x3FA5] =	sst s3  }
0xc: {  	[smem:$0x3FA6] =	sst s4  }
0xd: {  	[smem:$0x3FA7] =	sst s5  }
0xe: {  	[smem:$0x3FA8] =	sst s6  }
0xf: {  	[smem:$0x3FA9] =	sst s7  }
0x10: {  	[smem:$0x3FAA] =	sst s8  }
0x11: {  	[smem:$0x3FAB] =	sst s9;
	s0 =	simm.s32 @!p0 $0x0  }
0x12: {  	s1 =	sld [smem:$0x3F91];
	s0 =	simm.s32 @p0 $0x1  }
0x13: {  	[smem:$0x3FAC] =	sst s0;
	s0 =	simm.s32 @!p1 $0x0  }
0x14: {  	s2 =	sld [smem:$0x3F90];
	s0 =	simm.s32 @p1 $0x1  }
0x15: {  	[smem:$0x3FAD] =	sst s0;
	s0 =	simm.s32 @!p2 $0x0  }
0x16: {  	s3 =	sld [smem:$0x3FDB];
	s0 =	simm.s32 @p2 $0x1  }
0x17: {  	s4 =	simm.s32 $0x1BF5;
	[smem:$0x3FAF] =	sst s0  }
0x18: {  	s0 =	sld [smem:$0x3F92];
	_ =	swait.ge [sflag:s4], $0x0  }
0x19: {  	s7 =	sld [smem:$0x3F93]  }
0x1a: {  	s8 =	sadd.s32 $0xFFFFE003, lr  }
0x1b: {  	s9 =	sadd.s32 $0xFFFFFEF7, lr;
	s5 =	simm.s32 $0xFFFFFFFF;
	p2 =	slt.u32 s8, $0xFFFFF086  }
0x1c: {  	p1 =	slt.u32 s9, $0xF7A;
	s5 =	simm.s32 @!p2 $0x0  }
0x1d: {  	s5 =	simm.s32 @p1 $0x1;
	p0 =	seq.s32 s7, s2  }
0x1e: {  	s7 =	smul.u32 @!p0 $0xF7A, s2;
	p2 =	seq.s32 @!p0 s5, $0x0  }
0x1f: {  	s9 =	smul.u32 $0xF7A, s1;
	s8 =	simm.s32 @!p0 $0x1BF5;
	p2 =	por !p2, p0  }
0x20: {  	[sflag:s8] =	ssyncset.s32 @!p0 $0xFFFFF086;
	s6 =	sadd.s32 @!p0 s3, s7;
	s7 =	simm.s32 @!p0 $0x108  }
0x21: {  	s3 =	sadd.s32 s3, s9;
	s6 =	sadd.s32 @!p0 $0x88, s6;
	s7 =	simm.s32 @p2 $0x1082  }
0x22: {  	[simem:s7], [sflag:s8] =	dma.local @!p0 [hbm:s6], $0xF7A  }
0x23: {  	s9 =	sor.u32 $0xD0000000, s2;
	s6 =	simm.s32 $0x108;
	_ =	swait.ge @!p0 [sflag:s8], $0x0  }
0x24: {  	s3 =	sadd.s32 $0x88, s3;
	s6 =	simm.s32 @!p1 $0x1082;
	[sflag:s4] =	ssyncset.s32 $0xFFFFF086  }
0x25: {  	[simem:s6], [sflag:s4] =	dma.local [hbm:s3], $0xF7A  }
0x26: {  	[smem:$0x3F93] =	sst s1;
	(tag) =	ssettag s2;
	_ =	strace s9  }
0x27: {  	s1 =	sld [smem:$0x3FA3]  }
0x28: {  	s2 =	sld [smem:$0x3FA4]  }
0x29: {  	s4 =	sld [smem:$0x3FA6]  }
0x2a: {  	p0 =	seq.s32 s5, $0x0;
	s5 =	sld [smem:$0x3FA7]  }
0x2b: {  	s6 =	sld [smem:$0x3FA8]  }
0x2c: {  	s7 =	sld [smem:$0x3FA9]  }
0x2d: {  	s3 =	simm.s32 $0x108;
	s8 =	sld [smem:$0x3FAA]  }
0x2e: {  	s3 =	simm.s32 @!p0 $0x1082;
	s9 =	sld [smem:$0x3FAB]  }
0x2f: {  	lr =	sadd.s32 s0, s3;
	s0 =	sld [smem:$0x3FA2]  }
0x30: {  	s3 =	sld [smem:$0x3FA5]  }
0x31: {  	[smem:$0x3FAE] =	sst s10  }
0x32: {  	s10 =	sld [smem:$0x3FAC];
	_ =	sdelay $0x3  }
0x33: {  	p0 =	seq.s32 s10, $0x1;
	s10 =	sld [smem:$0x3FAE];
	_ =	sdelay $0x3  }
0x34: {  	[smem:$0x3FAE] =	sst s10  }
0x35: {  	s10 =	sld [smem:$0x3FAD];
	_ =	sdelay $0x3  }
0x36: {  	p1 =	seq.s32 s10, $0x1;
	s10 =	sld [smem:$0x3FAE];
	_ =	sdelay $0x3  }
0x37: {  	[smem:$0x3FAE] =	sst s10  }
0x38: {  	s10 =	sld [smem:$0x3FAF]  }
0x39: {  	_ = 	snop;
	(pc) =	sbr.ind lr, $3  }
0x3a: {  	_ = 	snop  }
0x3b: {  	_ = 	snop  }
0x3c: {  	p2 =	seq.s32 s10, $0x1;
	s10 =	sld [smem:$0x3FAE]  }
0x3d: {  	_ =	shalt  }
0x3e: {  	_ =	shalt  }
0x3f: {  	_ =	shalt  }
0x40: {  	_ =	shalt  }
0x41: {  	_ =	shalt  }
0x42: {  	_ =	shalt  }
0x43: {  	_ =	shalt  }
0x44: {  	_ =	shalt  }
0x45: {  	_ =	shalt  }
0x46: {  	_ =	shalt  }
0x47: {  	_ =	shalt  }
0x48: {  	_ =	shalt  }
0x49: {  	_ =	shalt  }
0x4a: {  	_ =	shalt  }
0x4b: {  	_ =	shalt  }
0x4c: {  	_ =	shalt  }
0x4d: {  	_ =	shalt  }
0x4e: {  	_ =	shalt  }
0x4f: {  	_ =	shalt  }
0x50: {  	_ =	shalt  }
0x51: {  	_ =	shalt  }
0x52: {  	_ =	shalt  }
0x53: {  	_ =	shalt  }
0x54: {  	_ =	shalt  }
0x55: {  	_ =	shalt  }
0x56: {  	_ =	shalt  }
0x57: {  	_ =	shalt  }
0x58: {  	_ =	shalt  }
0x59: {  	_ =	shalt  }
0x5a: {  	_ =	shalt  }
0x5b: {  	_ =	shalt  }
0x5c: {  	_ =	shalt  }
0x5d: {  	_ =	shalt  }
0x5e: {  	_ =	shalt  }
0x5f: {  	_ =	shalt  }
0x60: {  	_ =	shalt  }
0x61: {  	_ =	shalt  }
0x62: {  	_ =	shalt  }
0x63: {  	_ =	shalt  }
0x64: {  	_ =	shalt  }
0x65: {  	_ =	shalt  }
0x66: {  	_ =	shalt  }
0x67: {  	_ =	shalt  }
0x68: {  	_ =	shalt  }
0x69: {  	_ =	shalt  }
0x6a: {  	_ =	shalt  }
0x6b: {  	_ =	shalt  }
0x6c: {  	_ =	shalt  }
0x6d: {  	_ =	shalt  }
0x6e: {  	_ =	shalt  }
0x6f: {  	_ =	shalt  }
0x70: {  	_ =	shalt  }
0x71: {  	_ =	shalt  }
0x72: {  	_ =	shalt  }
0x73: {  	_ =	shalt  }
0x74: {  	_ =	shalt  }
0x75: {  	_ =	shalt  }
0x76: {  	_ =	shalt  }
0x77: {  	_ =	shalt  }
0x78: {  	_ =	shalt  }
0x79: {  	_ =	shalt  }
0x7a: {  	_ =	shalt  }
0x7b: {  	_ =	shalt  }
0x7c: {  	_ =	shalt  }
0x7d: {  	_ =	shalt  }
0x7e: {  	_ =	shalt  }
0x7f: {  	_ =	shalt  }
0x80: {  	_ =	shalt  }
0x81: {  	_ =	shalt  }
0x82: {  	_ =	shalt  }
0x83: {  	_ =	shalt  }
0x84: {  	_ =	shalt  }
0x85: {  	_ =	shalt  }
0x86: {  	_ =	shalt  }
0x87: {  	_ =	shalt  }
.Lfunc_end0:
.L_simem_size_0:
called_computation.1_lowered:
.L_overlay_start_0:
0x88: {  	s2 =	sld [smem:$0x3FD9]  }
0x89: {  	s3 =	sld [smem:$0x3FFE];
	_ =	sdelay $0x1  }
0x8a: {  	s1 =	srdreg.scid  }
0x8b: {  	s0 =	sand.u32 $0x1, s1  }
0x8c: {  	s17 =	sshll.u32 s0, $0xA;
	s2 =	sadd.s32 s3, s2  }
0x8d: {  	s2 =	sadd.s32 s2, s17  }
0x8e: {  	[smem:$0x3FBA] =	sst s2  }
0x8f: {  	_ = 	snop  }
0x90: {  	s2 =	sld [smem:$0x3FD0];
	(tm) =	ssettm $0x1  }
0x91: {  	s18 =	sld [smem:$0x3FFB];
	_ =	sdelay $0x3  }
0x92: {  	_ =	strace s18  }
0x93: {  	s3 =	sld [smem:$0x3FFC];
	_ =	sdelay $0x3  }
0x94: {  	_ =	strace s3  }
0x95: {  	s3 =	sld [smem:$0x3FFD];
	_ =	sdelay $0x3  }
0x96: {  	_ =	strace s3  }
0x97: {  	_ =	strace $0x8FFFFFFF  }
0x98: {  	s19 =	sld [smem:$0x3FDB];
	_ =	sdelay $0x1  }
0x99: {  	s4 =	simm.s32 $_scs_section_size  }
0x9a: {  	s5 =	simm.s32 $_size__tile_overlayer_lowered;
	s6 =	simm.s32 $_tile_overlayer_lowered  }
0x9b: {  	s22 =	simm.s32 $0x1BFF;
	s21 =	sshll.u32 s6, $0x1;
	s3 =	sadd.s32 s4, s19  }
0x9c: {  	s7 =	simm.s32 $0x0;
	s20 =	sshll.u32 s5, $0x1;
	s5 =	sadd.s32 s21, s3  }
0x9d: {  	[timem:s7], [sflag:s22] =	dma.local [hbm:s5], s20  }
0x9e: {  	_ =	swait.ge [sflag:s22], s20  }
0x9f: {  	s4 =	ssub.s32 $0x0, s20;
	[sflag:s22] =	ssyncset.done $0x0  }
0xa0: {  	[sflag:s22] =	ssyncadd.s32 s4;
	_ =	sdelay $0x1  }
0xa1: {  	s23 =	simm.s32 $0x1B8B  }
0xa2: {  	_ =	swait.ge [sflag:s23], $0x1  }
0xa3: {  	[sflag:s23] =	ssyncset.done $0x0  }
0xa4: {  	s25 =	simm.s32 $0x1B8E;
	s24 =	sld [smem:$0x3FFE];
	[sflag:s23] =	ssyncadd.s32 $0xFFFFFFFF  }
0xa5: {  	s26 =	simm.s32 $execute0_lowered;
	[smem:$0x3FD2] =	sst s25  }
0xa6: {  	s5 =	sshll.u32 s26, $0x1;
	_ =	strace $0x80000049;
	[dreg:$0x1] =	wrdreg $0xFFFFFFFF  }
0xa7: {  	s28 =	simm.s32 $_size_execute0_lowered;
	s3 =	sadd.s32 s3, s5;
	[dreg:$0x0] =	wrdreg $0x0  }
0xa8: {  	s5 =	sshll.u32 s28, $0x1;
	[dreg:$0x2] =	wrdreg s3  }
0xa9: {  	[dreg:$0x3] =	wrdreg s5  }
0xaa: {  	[dreg:$0x4] =	wrdreg $0xC0  }
0xab: {  	_ =	task [dreg:s7], $0x5FFFF  }
0xac: {  	[dreg:$0x1] =	wrdreg $0xFFFFFFFF  }
0xad: {  	[dreg:$0x0] =	wrdreg $0x60  }
0xae: {  	[dreg:$0x2] =	wrdreg s24  }
0xaf: {  	[dreg:$0x3] =	wrdreg s2  }
0xb0: {  	[dreg:$0x4] =	wrdreg $0x90000  }
0xb1: {  	[dreg:$0x5] =	wrdreg $0x9  }
0xb2: {  	_ =	task.clear_ibuf [dreg:s7], $0x6FFFF;
	_ =	strace $0x90000049  }
0xb3: {  	s29 =	simm.s32 $0x9;
	_ =	strace $0x8000004B  }
0xb4: {  	_ =	swait.ge [sflag:s29], $0x1  }
0xb5: {  	[sflag:s29] =	ssyncadd.s32 $0xFFFFFFFF  }
0xb6: {  	_ =	strace $0x9000004B  }
0xb7: {  	_ =	sfence  }
0xb8: {  	s30 =	sld [smem:$0x0];
	_ =	sdelay $0x2  }
0xb9: {  	s31 =	sshll.u32 s1, $0xD;
	s1 =	sshrl.u32 s1, $0x2  }
0xba: {  	s3 =	sand.u32 $0x4000, s31;
	s1 =	sadd.s32 s1, s30  }
0xbb: {  	s0 =	sor.u32 s3, s0;
	s1 =	sshll.u32 s1, $0x11  }
0xbc: {  	s0 =	sor.u32 s1, s0  }
0xbd: {  	s0 =	sadd.s32 $0x8F2B, s0  }
0xbe: {  	[sflag:s0] =	ssyncadd.remote.s32 $0x1  }
0xbf: {  	_ =	sfence.sel $0xFFFF  }
0xc0: {  	[dreg:$0x0] =	wrdreg $0xFFFFFFFF;
	(pc) =	sbr.abs _section_cstart, $3  }
0xc1: {  	[dreg:$0x1] =	wrdreg $0xFFFFFFFF  }
0xc2: {  	_ =	task.clear_ibuf [dreg:s7], $0x2FFFF;
	_ =	strace $0x9FFFFFFF  }
0xc3: {  	(tm) =	ssettm $0x7FFFFFFF  }
tec
execute0_lowered:
.L_overlay_start_1:
0x0: {  	(tag) =	ssettag $0x1  }
0x1: {  	s0 =	rddreg [dreg:$0x0]  }
0x2: {  	s1 =	rddreg [dreg:$0x1]  }
0x3: {  	s2 =	rddreg [dreg:$0x2];
	s11 =	stileid.u32  }
0x4: {  	s4 =	srdreg.scid;
	s3 =	simm.s32 $0x0;
	s13 =	simm.s32 $0x880  }
0x5: {  	s14 =	simm.s32 $0x100;
	s16 =	simm.s32 $0x180;
	s17 =	simm.s32 $0x900  }
0x6: {  	s18 =	simm.s32 $0x980;
	[smem:$0x7FF] =	sst s3;
	s12 =	sadd.s32 $0x66600, s0  }
0x7: {  	s20 =	simm.s32 $0x200;
	_ =	strace $0x8000004A;
	[dreg:$0x12] =	wrdreg s12  }
0x8: {  	s21 =	simm.s32 $0x280;
	s22 =	simm.s32 $0xA00;
	[dreg:$0x6] =	wrdreg s13  }
0x9: {  	s23 =	simm.s32 $0xA80;
	s24 =	simm.s32 $0x300;
	[dreg:$0x7] =	wrdreg s14  }
0xa: {  	s28 =	simm.s32 $0x680;
	s29 =	simm.s32 $0xE00;
	[dreg:$0x8] =	wrdreg s16  }
0xb: {  	s30 =	simm.s32 $0xE80;
	s31 =	simm.s32 $0x700;
	[dreg:$0x9] =	wrdreg s17  }
0xc: {  	s5 =	smul.u32 $0xA00, s11;
	s6 =	sand.u32 $0x1, s4;
	[dreg:$0xa] =	wrdreg s18  }
0xd: {  	s7 =	smul.u32 $0x2780, s11;
	s4 =	sadd.s32 $0x17600, s0;
	[dreg:$0xb] =	wrdreg s20  }
0xe: {  	s26 =	smul.u32 $0x4F000, s11;
	s15 =	sshll.u32 s11, $0x6;
	[dreg:$0xc] =	wrdreg s21  }
0xf: {  	s11 =	simm.s32 $0x800;
	s8 =	smul.u32 $0x27800, s6;
	[dreg:$0xd] =	wrdreg s22  }
0x10: {  	s9 =	smul.u32 $0xA000, s6;
	s6 =	ssub.s32 $0x2, s6;
	[dreg:$0xe] =	wrdreg s23  }
0x11: {  	s13 =	simm.s32 $0x1000;
	[dreg:$0xf] =	wrdreg s24;
	s14 =	simm.s32 $0x5000  }
0x12: {  	s16 =	simm.s32 $0x2;
	s17 =	simm.s32 $0xB80;
	s18 =	simm.s32 $0x400  }
0x13: {  	s20 =	simm.s32 $0xC00;
	s21 =	simm.s32 $0xC80;
	s22 =	simm.s32 $0x500  }
0x14: {  	s23 =	simm.s32 $0x580;
	s24 =	simm.s32 $0xD00;
	s10 =	sadd.s32 s5, s0  }
0x15: {  	s25 =	sshrl.u32 s6, $0x1;
	s12 =	sshrl.u32 s26, $0x2;
	s26 =	simm.s32 $0xB00  }
0x16: {  	s7 =	sadd.s32 s7, s8;
	s1 =	sadd.s32 s9, s1;
	s9 =	ssub.s32 s6, s25  }
0x17: {  	s10 =	sadd.s32 $0x3600, s10;
	s6 =	sadd.s32 s12, s2;
	s12 =	simm.s32 $0x80  }
0x18: {  	s25 =	simm.s32 $0x380;
	[dreg:$0x11] =	wrdreg s26;
	s26 =	simm.s32 $0x600  }
0x19: {  	s0 =	sadd.s32 s7, s0;
	s1 =	sadd.s32 s5, s1;
	[dreg:$0x5] =	wrdreg s10  }
0x1a: {  	s7 =	sor.u32 $0x1C03, s15;
	s19 =	smax.u32 s9, $0x1;
	[dreg:$0x10] =	wrdreg s25  }
0x1b: {  	s8 =	sshrl.u32 s6, $0x3;
	s10 =	simm.s32 $0x3;
	[dreg:$0x4] =	wrdreg s1  }
0x1c: {  	s15 =	simm.s32 $0x1;
	s25 =	simm.s32 $0xD80;
	[dreg:$0x15] =	wrdreg s19  }
0x1d: {  	s5 =	simm.s32 $0xF80;
	s9 =	simm.s32 $0x0;
	[dreg:$0x13] =	wrdreg s7  }
0x1e: {  	s0 =	sadd.s32 $0x68E00, s0;
	s19 =	simm.s32 $0x480;
	[dreg:$0x16] =	wrdreg s8  }
0x1f: {  	s1 =	simm.s32 $0xF00;
	[dreg:$0x14] =	wrdreg s0;
	s0 =	simm.s32 $0x780  }
.LBB2_1:
0x20: {  	[dreg:$0x17] =	wrdreg s9  }
0x21: {  	s6 =	rddreg [dreg:$0x12]  }
0x22: {  	[spmem:s8], [sflag:s7] =	dma.local [hbm:s6], $0x2780  }
0x23: {  	_ =	swait.ge [sflag:s10], $0x2780  }
0x24: {  	[sflag:s10] =	ssyncset.done $0x0  }
0x25: {  	[sflag:s10] =	ssyncadd.s32 $0xFFFFD880  }
0x26: {  	[bflag:$0x0] =	sbarrier.arrive $0xFFFF  }
0x27: {  	s9 =	rddreg [dreg:$0x4]  }
0x28: {  	s6 =	sadd.s32 $0x0, s9  }
0x29: {  	[tilespmem:s3], [sflag:$0x3] =	stream.linear.gather [hbm4b:s6+s3], $0x800, $0x38;
	[tilespmem:$0x1CC00] =	vst v63  }
0x2a: {  	_ =	swait.ge [sflag:s10], $0x800  }
0x2b: {  	s7 =	rddreg [dreg:$0x5];
	[sflag:s10] =	ssyncset.done $0x0  }
0x2c: {  	[sflag:s10] =	ssyncadd.s32 $0xFFFFF800;
	s6 =	sadd.s32 $0x0, s7  }
0x2d: {  	[tilespmem:s11], [sflag:$0x3] =	stream.linear.gather [hbm4b:s6+s3], $0x800, $0x38;
	[tilespmem:$0x1CC00] =	vst v63  }
0x2e: {  	_ =	swait.ge [sflag:s10], $0x800  }
0x2f: {  	[sflag:s10] =	ssyncset.done $0x0  }
0x30: {  	[sflag:s10] =	ssyncadd.s32 $0xFFFFF800  }
0x31: {  	[tilespmem:s13], [sflag:$0x1] =	stream.indirect.gather [hbm4b:s4+s12], $0x80, s3, s12, $0xb8;
	[tilespmem:$0x1CC00] =	vst v63  }
0x32: {  	_ = 	snop  }
0x33: {  	[tilespmem:s14], [sflag:$0x2] =	stream.indirect.gather [hbm4b:s4+s12], $0x80, s12, s12, $0xb8;
	[tilespmem:$0x1CC00] =	vst v63  }
0x34: {  	_ =	swait.ge [sflag:s15], $0x4000  }
0x35: {  	[sflag:s15] =	ssyncset.done $0x0  }
0x36: {  	[sflag:s15] =	ssyncadd.s32 $0xFFFFC000  }
0x37: {  	[spmem:s2] =	stream.indirect.scatter.add.f32 [tilespmem:s13], [sflag:$0x3], $0x80, s11, s12, $0xb8;
	[tilespmem:$0x1CC00] =	vst v63  }
0x38: {  	_ =	swait.ge [sflag:s10], $0x4000  }
0x39: {  	[sflag:s10] =	ssyncset.done $0x0  }
0x3a: {  	[sflag:s10] =	ssyncadd.s32 $0xFFFFC000  }
0x3b: {  	_ =	swait.ge [sflag:s16], $0x4000  }
0x3c: {  	[sflag:s16] =	ssyncset.done $0x0  }
0x3d: {  	s8 =	rddreg [dreg:$0x6];
	[sflag:s16] =	ssyncadd.s32 $0xFFFFC000  }
0x3e: {  	[spmem:s2] =	stream.indirect.scatter.add.f32 [tilespmem:s14], [sflag:$0x3], $0x80, s8, s12, $0xb8;
	[tilespmem:$0x1CC00] =	vst v63  }
0x3f: {  	_ =	swait.ge [sflag:s10], $0x4000  }
0x40: {  	[sflag:s10] =	ssyncset.done $0x0  }
0x41: {  	s9 =	rddreg [dreg:$0x7];
	[sflag:s10] =	ssyncadd.s32 $0xFFFFC000  }
0x42: {  	[tilespmem:s13], [sflag:$0x1] =	stream.indirect.gather [hbm4b:s4+s12], $0x80, s9, s12, $0xb8;
	[tilespmem:$0x1CC00] =	vst v63  }
0x43: {  	s7 =	rddreg [dreg:$0x8]  }
0x44: {  	[tilespmem:s14], [sflag:$0x2] =	stream.indirect.gather [hbm4b:s4+s12], $0x80, s7, s12, $0xb8;
	[tilespmem:$0x1CC00] =	vst v63  }
0x45: {  	_ =	swait.ge [sflag:s15], $0x4000  }
0x46: {  	[sflag:s15] =	ssyncset.done $0x0  }
0x47: {  	s9 =	rddreg [dreg:$0x9];
	[sflag:s15] =	ssyncadd.s32 $0xFFFFC000  }
0x48: {  	[spmem:s2] =	stream.indirect.scatter.add.f32 [tilespmem:s13], [sflag:$0x3], $0x80, s9, s12, $0xb8;
	[tilespmem:$0x1CC00] =	vst v63  }
0x49: {  	_ =	swait.ge [sflag:s10], $0x4000  }
0x4a: {  	[sflag:s10] =	ssyncset.done $0x0  }
0x4b: {  	[sflag:s10] =	ssyncadd.s32 $0xFFFFC000  }
0x4c: {  	_ =	swait.ge [sflag:s16], $0x4000  }
0x4d: {  	[sflag:s16] =	ssyncset.done $0x0  }
0x4e: {  	s7 =	rddreg [dreg:$0xa];
	[sflag:s16] =	ssyncadd.s32 $0xFFFFC000  }
0x4f: {  	[spmem:s2] =	stream.indirect.scatter.add.f32 [tilespmem:s14], [sflag:$0x3], $0x80, s7, s12, $0xb8;
	[tilespmem:$0x1CC00] =	vst v63  }
0x50: {  	_ =	swait.ge [sflag:s10], $0x4000  }
0x51: {  	[sflag:s10] =	ssyncset.done $0x0  }
0x52: {  	s8 =	rddreg [dreg:$0xb];
	[sflag:s10] =	ssyncadd.s32 $0xFFFFC000  }
0x53: {  	[tilespmem:s13], [sflag:$0x1] =	stream.indirect.gather [hbm4b:s4+s12], $0x80, s8, s12, $0xb8;
	[tilespmem:$0x1CC00] =	vst v63  }
0x54: {  	s9 =	rddreg [dreg:$0xc]  }
0x55: {  	[tilespmem:s14], [sflag:$0x2] =	stream.indirect.gather [hbm4b:s4+s12], $0x80, s9, s12, $0xb8;
	[tilespmem:$0x1CC00] =	vst v63  }
0x56: {  	_ =	swait.ge [sflag:s15], $0x4000  }
0x57: {  	[sflag:s15] =	ssyncset.done $0x0  }
0x58: {  	s7 =	rddreg [dreg:$0xd];
	[sflag:s15] =	ssyncadd.s32 $0xFFFFC000  }
0x59: {  	[spmem:s2] =	stream.indirect.scatter.add.f32 [tilespmem:s13], [sflag:$0x3], $0x80, s7, s12, $0xb8;
	[tilespmem:$0x1CC00] =	vst v63  }
0x5a: {  	_ =	swait.ge [sflag:s10], $0x4000  }
0x5b: {  	[sflag:s10] =	ssyncset.done $0x0  }
0x5c: {  	[sflag:s10] =	ssyncadd.s32 $0xFFFFC000  }
0x5d: {  	_ =	swait.ge [sflag:s16], $0x4000  }
0x5e: {  	[sflag:s16] =	ssyncset.done $0x0  }
0x5f: {  	s8 =	rddreg [dreg:$0xe];
	[sflag:s16] =	ssyncadd.s32 $0xFFFFC000  }
0x60: {  	[spmem:s2] =	stream.indirect.scatter.add.f32 [tilespmem:s14], [sflag:$0x3], $0x80, s8, s12, $0xb8;
	[tilespmem:$0x1CC00] =	vst v63  }
0x61: {  	_ =	swait.ge [sflag:s10], $0x4000  }
0x62: {  	[sflag:s10] =	ssyncset.done $0x0  }
0x63: {  	s9 =	rddreg [dreg:$0xf];
	[sflag:s10] =	ssyncadd.s32 $0xFFFFC000  }
0x64: {  	[tilespmem:s13], [sflag:$0x1] =	stream.indirect.gather [hbm4b:s4+s12], $0x80, s9, s12, $0xb8;
	[tilespmem:$0x1CC00] =	vst v63  }
0x65: {  	s7 =	rddreg [dreg:$0x10]  }
0x66: {  	[tilespmem:s14], [sflag:$0x2] =	stream.indirect.gather [hbm4b:s4+s12], $0x80, s7, s12, $0xb8;
	[tilespmem:$0x1CC00] =	vst v63  }
0x67: {  	_ =	swait.ge [sflag:s15], $0x4000  }
0x68: {  	[sflag:s15] =	ssyncset.done $0x0  }
0x69: {  	s9 =	rddreg [dreg:$0x11];
	[sflag:s15] =	ssyncadd.s32 $0xFFFFC000  }
0x6a: {  	[spmem:s2] =	stream.indirect.scatter.add.f32 [tilespmem:s13], [sflag:$0x3], $0x80, s9, s12, $0xb8;
	[tilespmem:$0x1CC00] =	vst v63  }
0x6b: {  	_ =	swait.ge [sflag:s10], $0x4000  }
0x6c: {  	[sflag:s10] =	ssyncset.done $0x0  }
0x6d: {  	[sflag:s10] =	ssyncadd.s32 $0xFFFFC000  }
0x6e: {  	_ =	swait.ge [sflag:s16], $0x4000  }
0x6f: {  	[sflag:s16] =	ssyncset.done $0x0  }
0x70: {  	[sflag:s16] =	ssyncadd.s32 $0xFFFFC000  }
0x71: {  	[spmem:s2] =	stream.indirect.scatter.add.f32 [tilespmem:s14], [sflag:$0x3], $0x80, s17, s12, $0xb8;
	[tilespmem:$0x1CC00] =	vst v63  }
0x72: {  	_ =	swait.ge [sflag:s10], $0x4000  }
0x73: {  	[sflag:s10] =	ssyncset.done $0x0  }
0x74: {  	[sflag:s10] =	ssyncadd.s32 $0xFFFFC000  }
0x75: {  	[tilespmem:s13], [sflag:$0x1] =	stream.indirect.gather [hbm4b:s4+s12], $0x80, s18, s12, $0xb8;
	[tilespmem:$0x1CC00] =	vst v63  }
0x76: {  	_ = 	snop  }
0x77: {  	[tilespmem:s14], [sflag:$0x2] =	stream.indirect.gather [hbm4b:s4+s12], $0x80, s19, s12, $0xb8;
	[tilespmem:$0x1CC00] =	vst v63  }
0x78: {  	_ =	swait.ge [sflag:s15], $0x4000  }
0x79: {  	[sflag:s15] =	ssyncset.done $0x0  }
0x7a: {  	[sflag:s15] =	ssyncadd.s32 $0xFFFFC000  }
0x7b: {  	[spmem:s2] =	stream.indirect.scatter.add.f32 [tilespmem:s13], [sflag:$0x3], $0x80, s20, s12, $0xb8;
	[tilespmem:$0x1CC00] =	vst v63  }
0x7c: {  	_ =	swait.ge [sflag:s10], $0x4000  }
0x7d: {  	[sflag:s10] =	ssyncset.done $0x0  }
0x7e: {  	[sflag:s10] =	ssyncadd.s32 $0xFFFFC000  }
0x7f: {  	_ =	swait.ge [sflag:s16], $0x4000  }
0x80: {  	[sflag:s16] =	ssyncset.done $0x0  }
0x81: {  	[sflag:s16] =	ssyncadd.s32 $0xFFFFC000  }
0x82: {  	[spmem:s2] =	stream.indirect.scatter.add.f32 [tilespmem:s14], [sflag:$0x3], $0x80, s21, s12, $0xb8;
	[tilespmem:$0x1CC00] =	vst v63  }
0x83: {  	_ =	swait.ge [sflag:s10], $0x4000  }
0x84: {  	[sflag:s10] =	ssyncset.done $0x0  }
0x85: {  	[sflag:s10] =	ssyncadd.s32 $0xFFFFC000  }
0x86: {  	[tilespmem:s13], [sflag:$0x1] =	stream.indirect.gather [hbm4b:s4+s12], $0x80, s22, s12, $0xb8;
	[tilespmem:$0x1CC00] =	vst v63  }
0x87: {  	_ = 	snop  }
0x88: {  	[tilespmem:s14], [sflag:$0x2] =	stream.indirect.gather [hbm4b:s4+s12], $0x80, s23, s12, $0xb8;
	[tilespmem:$0x1CC00] =	vst v63  }
0x89: {  	_ =	swait.ge [sflag:s15], $0x4000  }
0x8a: {  	[sflag:s15] =	ssyncset.done $0x0  }
0x8b: {  	[sflag:s15] =	ssyncadd.s32 $0xFFFFC000  }
0x8c: {  	[spmem:s2] =	stream.indirect.scatter.add.f32 [tilespmem:s13], [sflag:$0x3], $0x80, s24, s12, $0xb8;
	[tilespmem:$0x1CC00] =	vst v63  }
0x8d: {  	_ =	swait.ge [sflag:s10], $0x4000  }
0x8e: {  	[sflag:s10] =	ssyncset.done $0x0  }
0x8f: {  	[sflag:s10] =	ssyncadd.s32 $0xFFFFC000  }
0x90: {  	_ =	swait.ge [sflag:s16], $0x4000  }
0x91: {  	[sflag:s16] =	ssyncset.done $0x0  }
0x92: {  	[sflag:s16] =	ssyncadd.s32 $0xFFFFC000  }
0x93: {  	[spmem:s2] =	stream.indirect.scatter.add.f32 [tilespmem:s14], [sflag:$0x3], $0x80, s25, s12, $0xb8;
	[tilespmem:$0x1CC00] =	vst v63  }
0x94: {  	_ =	swait.ge [sflag:s10], $0x4000  }
0x95: {  	[sflag:s10] =	ssyncset.done $0x0  }
0x96: {  	[sflag:s10] =	ssyncadd.s32 $0xFFFFC000  }
0x97: {  	[tilespmem:s13], [sflag:$0x1] =	stream.indirect.gather [hbm4b:s4+s12], $0x80, s26, s12, $0xb8;
	[tilespmem:$0x1CC00] =	vst v63  }
0x98: {  	_ = 	snop  }
0x99: {  	[tilespmem:s14], [sflag:$0x2] =	stream.indirect.gather [hbm4b:s4+s12], $0x80, s28, s12, $0xb8;
	[tilespmem:$0x1CC00] =	vst v63  }
0x9a: {  	_ =	swait.ge [sflag:s15], $0x4000  }
0x9b: {  	[sflag:s15] =	ssyncset.done $0x0  }
0x9c: {  	[sflag:s15] =	ssyncadd.s32 $0xFFFFC000  }
0x9d: {  	[spmem:s2] =	stream.indirect.scatter.add.f32 [tilespmem:s13], [sflag:$0x3], $0x80, s29, s12, $0xb8;
	[tilespmem:$0x1CC00] =	vst v63  }
0x9e: {  	_ =	swait.ge [sflag:s10], $0x4000  }
0x9f: {  	[sflag:s10] =	ssyncset.done $0x0  }
0xa0: {  	[sflag:s10] =	ssyncadd.s32 $0xFFFFC000  }
0xa1: {  	_ =	swait.ge [sflag:s16], $0x4000  }
0xa2: {  	[sflag:s16] =	ssyncset.done $0x0  }
0xa3: {  	[sflag:s16] =	ssyncadd.s32 $0xFFFFC000  }
0xa4: {  	[spmem:s2] =	stream.indirect.scatter.add.f32 [tilespmem:s14], [sflag:$0x3], $0x80, s30, s12, $0xb8;
	[tilespmem:$0x1CC00] =	vst v63  }
0xa5: {  	_ =	swait.ge [sflag:s10], $0x4000  }
0xa6: {  	[sflag:s10] =	ssyncset.done $0x0  }
0xa7: {  	[sflag:s10] =	ssyncadd.s32 $0xFFFFC000  }
0xa8: {  	[tilespmem:s13], [sflag:$0x1] =	stream.indirect.gather [hbm4b:s4+s12], $0x80, s31, s12, $0xb8;
	[tilespmem:$0x1CC00] =	vst v63  }
0xa9: {  	_ = 	snop  }
0xaa: {  	[tilespmem:s14], [sflag:$0x2] =	stream.indirect.gather [hbm4b:s4+s12], $0x80, s0, s12, $0xb8;
	[tilespmem:$0x1CC00] =	vst v63  }
0xab: {  	_ =	swait.ge [sflag:s15], $0x4000  }
0xac: {  	[sflag:s15] =	ssyncset.done $0x0  }
0xad: {  	[sflag:s15] =	ssyncadd.s32 $0xFFFFC000  }
0xae: {  	[spmem:s2] =	stream.indirect.scatter.add.f32 [tilespmem:s13], [sflag:$0x3], $0x80, s1, s12, $0xb8;
	[tilespmem:$0x1CC00] =	vst v63  }
0xaf: {  	_ =	swait.ge [sflag:s10], $0x4000  }
0xb0: {  	[sflag:s10] =	ssyncset.done $0x0  }
0xb1: {  	[sflag:s10] =	ssyncadd.s32 $0xFFFFC000  }
0xb2: {  	_ =	swait.ge [sflag:s16], $0x4000  }
0xb3: {  	[sflag:s16] =	ssyncset.done $0x0  }
0xb4: {  	[sflag:s16] =	ssyncadd.s32 $0xFFFFC000  }
0xb5: {  	[spmem:s2] =	stream.indirect.scatter.add.f32 [tilespmem:s14], [sflag:$0x3], $0x80, s5, s12, $0xb8;
	[tilespmem:$0x1CC00] =	vst v63  }
0xb6: {  	s6 =	simm.s32 $0x200;
	_ =	swait.ge [sflag:s10], $0x4000  }
0xb7: {  	s8 =	simm.s32 $0x100;
	s9 =	rddreg [dreg:$0x4];
	[sflag:s10] =	ssyncset.done $0x0  }
.LBB2_2:
0xb8: {  	[sflag:s10] =	ssyncadd.s32 $0xFFFFC000;
	s9 =	sadd.s32 s8, s9  }
0xb9: {  	[tilespmem:s3], [sflag:$0x3] =	stream.linear.gather [hbm4b:s9+s3], $0x800, $0x38;
	[tilespmem:$0x1CC00] =	vst v63  }
0xba: {  	_ =	swait.ge [sflag:s10], $0x800  }
0xbb: {  	s9 =	rddreg [dreg:$0x5];
	[sflag:s10] =	ssyncset.done $0x0  }
0xbc: {  	[sflag:s10] =	ssyncadd.s32 $0xFFFFF800;
	s9 =	sadd.s32 s8, s9  }
0xbd: {  	[tilespmem:s11], [sflag:$0x3] =	stream.linear.gather [hbm4b:s9+s3], $0x800, $0x38;
	[tilespmem:$0x1CC00] =	vst v63  }
0xbe: {  	_ =	swait.ge [sflag:s10], $0x800  }
0xbf: {  	[sflag:s10] =	ssyncset.done $0x0  }
0xc0: {  	[sflag:s10] =	ssyncadd.s32 $0xFFFFF800  }
0xc1: {  	[tilespmem:s13], [sflag:$0x1] =	stream.indirect.gather [hbm4b:s4+s12], $0x80, s3, s12, $0xb8;
	[tilespmem:$0x1CC00] =	vst v63  }
0xc2: {  	_ = 	snop  }
0xc3: {  	[tilespmem:s14], [sflag:$0x2] =	stream.indirect.gather [hbm4b:s4+s12], $0x80, s12, s12, $0xb8;
	[tilespmem:$0x1CC00] =	vst v63  }
0xc4: {  	_ =	swait.ge [sflag:s15], $0x4000  }
0xc5: {  	[sflag:s15] =	ssyncset.done $0x0  }
0xc6: {  	[sflag:s15] =	ssyncadd.s32 $0xFFFFC000  }
0xc7: {  	[spmem:s2] =	stream.indirect.scatter.add.f32 [tilespmem:s13], [sflag:$0x3], $0x80, s11, s12, $0xb8;
	[tilespmem:$0x1CC00] =	vst v63  }
0xc8: {  	_ =	swait.ge [sflag:s10], $0x4000  }
0xc9: {  	[sflag:s10] =	ssyncset.done $0x0  }
0xca: {  	[sflag:s10] =	ssyncadd.s32 $0xFFFFC000  }
0xcb: {  	_ =	swait.ge [sflag:s16], $0x4000  }
0xcc: {  	[sflag:s16] =	ssyncset.done $0x0  }
0xcd: {  	s9 =	rddreg [dreg:$0x6];
	[sflag:s16] =	ssyncadd.s32 $0xFFFFC000  }
0xce: {  	[spmem:s2] =	stream.indirect.scatter.add.f32 [tilespmem:s14], [sflag:$0x3], $0x80, s9, s12, $0xb8;
	[tilespmem:$0x1CC00] =	vst v63  }
0xcf: {  	_ =	swait.ge [sflag:s10], $0x4000  }
0xd0: {  	s7 =	smov.u32 s6;
	[sflag:s10] =	ssyncset.done $0x0  }
0xd1: {  	s8 =	smov.u32 s7;
	s7 =	rddreg [dreg:$0x7];
	[sflag:s10] =	ssyncadd.s32 $0xFFFFC000  }
0xd2: {  	[tilespmem:s13], [sflag:$0x1] =	stream.indirect.gather [hbm4b:s4+s12], $0x80, s7, s12, $0xb8;
	[tilespmem:$0x1CC00] =	vst v63  }
0xd3: {  	s9 =	rddreg [dreg:$0x8]  }
0xd4: {  	[tilespmem:s14], [sflag:$0x2] =	stream.indirect.gather [hbm4b:s4+s12], $0x80, s9, s12, $0xb8;
	[tilespmem:$0x1CC00] =	vst v63  }
0xd5: {  	_ =	swait.ge [sflag:s15], $0x4000  }
0xd6: {  	[sflag:s15] =	ssyncset.done $0x0  }
0xd7: {  	s9 =	rddreg [dreg:$0x9];
	[sflag:s15] =	ssyncadd.s32 $0xFFFFC000  }
0xd8: {  	[spmem:s2] =	stream.indirect.scatter.add.f32 [tilespmem:s13], [sflag:$0x3], $0x80, s9, s12, $0xb8;
	[tilespmem:$0x1CC00] =	vst v63  }
0xd9: {  	_ =	swait.ge [sflag:s10], $0x4000  }
0xda: {  	[sflag:s10] =	ssyncset.done $0x0  }
0xdb: {  	[sflag:s10] =	ssyncadd.s32 $0xFFFFC000  }
0xdc: {  	_ =	swait.ge [sflag:s16], $0x4000  }
0xdd: {  	[sflag:s16] =	ssyncset.done $0x0  }
0xde: {  	s9 =	rddreg [dreg:$0xa];
	[sflag:s16] =	ssyncadd.s32 $0xFFFFC000  }
0xdf: {  	[spmem:s2] =	stream.indirect.scatter.add.f32 [tilespmem:s14], [sflag:$0x3], $0x80, s9, s12, $0xb8;
	[tilespmem:$0x1CC00] =	vst v63  }
0xe0: {  	_ =	swait.ge [sflag:s10], $0x4000  }
0xe1: {  	[sflag:s10] =	ssyncset.done $0x0  }
0xe2: {  	s7 =	rddreg [dreg:$0xb];
	[sflag:s10] =	ssyncadd.s32 $0xFFFFC000  }
0xe3: {  	[tilespmem:s13], [sflag:$0x1] =	stream.indirect.gather [hbm4b:s4+s12], $0x80, s7, s12, $0xb8;
	[tilespmem:$0x1CC00] =	vst v63  }
0xe4: {  	s9 =	rddreg [dreg:$0xc]  }
0xe5: {  	[tilespmem:s14], [sflag:$0x2] =	stream.indirect.gather [hbm4b:s4+s12], $0x80, s9, s12, $0xb8;
	[tilespmem:$0x1CC00] =	vst v63  }
0xe6: {  	_ =	swait.ge [sflag:s15], $0x4000  }
0xe7: {  	[sflag:s15] =	ssyncset.done $0x0  }
0xe8: {  	s9 =	rddreg [dreg:$0xd];
	[sflag:s15] =	ssyncadd.s32 $0xFFFFC000  }
0xe9: {  	[spmem:s2] =	stream.indirect.scatter.add.f32 [tilespmem:s13], [sflag:$0x3], $0x80, s9, s12, $0xb8;
	[tilespmem:$0x1CC00] =	vst v63  }
0xea: {  	_ =	swait.ge [sflag:s10], $0x4000  }
0xeb: {  	[sflag:s10] =	ssyncset.done $0x0  }
0xec: {  	[sflag:s10] =	ssyncadd.s32 $0xFFFFC000  }
0xed: {  	_ =	swait.ge [sflag:s16], $0x4000  }
0xee: {  	[sflag:s16] =	ssyncset.done $0x0  }
0xef: {  	s9 =	rddreg [dreg:$0xe];
	[sflag:s16] =	ssyncadd.s32 $0xFFFFC000  }
0xf0: {  	[spmem:s2] =	stream.indirect.scatter.add.f32 [tilespmem:s14], [sflag:$0x3], $0x80, s9, s12, $0xb8;
	[tilespmem:$0x1CC00] =	vst v63  }
0xf1: {  	_ =	swait.ge [sflag:s10], $0x4000  }
0xf2: {  	[sflag:s10] =	ssyncset.done $0x0  }
0xf3: {  	s7 =	rddreg [dreg:$0xf];
	[sflag:s10] =	ssyncadd.s32 $0xFFFFC000  }
0xf4: {  	[tilespmem:s13], [sflag:$0x1] =	stream.indirect.gather [hbm4b:s4+s12], $0x80, s7, s12, $0xb8;
	[tilespmem:$0x1CC00] =	vst v63  }
0xf5: {  	s9 =	rddreg [dreg:$0x10]  }
0xf6: {  	[tilespmem:s14], [sflag:$0x2] =	stream.indirect.gather [hbm4b:s4+s12], $0x80, s9, s12, $0xb8;
	[tilespmem:$0x1CC00] =	vst v63  }
0xf7: {  	_ =	swait.ge [sflag:s15], $0x4000  }
0xf8: {  	[sflag:s15] =	ssyncset.done $0x0  }
0xf9: {  	s9 =	rddreg [dreg:$0x11];
	[sflag:s15] =	ssyncadd.s32 $0xFFFFC000  }
0xfa: {  	[spmem:s2] =	stream.indirect.scatter.add.f32 [tilespmem:s13], [sflag:$0x3], $0x80, s9, s12, $0xb8;
	[tilespmem:$0x1CC00] =	vst v63  }
0xfb: {  	_ =	swait.ge [sflag:s10], $0x4000  }
0xfc: {  	[sflag:s10] =	ssyncset.done $0x0  }
0xfd: {  	[sflag:s10] =	ssyncadd.s32 $0xFFFFC000  }
0xfe: {  	_ =	swait.ge [sflag:s16], $0x4000  }
0xff: {  	[sflag:s16] =	ssyncset.done $0x0  }
0x100: {  	[sflag:s16] =	ssyncadd.s32 $0xFFFFC000  }
0x101: {  	[spmem:s2] =	stream.indirect.scatter.add.f32 [tilespmem:s14], [sflag:$0x3], $0x80, s17, s12, $0xb8;
	[tilespmem:$0x1CC00] =	vst v63  }
0x102: {  	_ =	swait.ge [sflag:s10], $0x4000  }
0x103: {  	[sflag:s10] =	ssyncset.done $0x0  }
0x104: {  	[sflag:s10] =	ssyncadd.s32 $0xFFFFC000  }
0x105: {  	[tilespmem:s13], [sflag:$0x1] =	stream.indirect.gather [hbm4b:s4+s12], $0x80, s18, s12, $0xb8;
	[tilespmem:$0x1CC00] =	vst v63  }
0x106: {  	_ = 	snop  }
0x107: {  	[tilespmem:s14], [sflag:$0x2] =	stream.indirect.gather [hbm4b:s4+s12], $0x80, s19, s12, $0xb8;
	[tilespmem:$0x1CC00] =	vst v63  }
0x108: {  	_ =	swait.ge [sflag:s15], $0x4000  }
0x109: {  	[sflag:s15] =	ssyncset.done $0x0  }
0x10a: {  	[sflag:s15] =	ssyncadd.s32 $0xFFFFC000  }
0x10b: {  	[spmem:s2] =	stream.indirect.scatter.add.f32 [tilespmem:s13], [sflag:$0x3], $0x80, s20, s12, $0xb8;
	[tilespmem:$0x1CC00] =	vst v63  }
0x10c: {  	_ =	swait.ge [sflag:s10], $0x4000  }
0x10d: {  	[sflag:s10] =	ssyncset.done $0x0  }
0x10e: {  	[sflag:s10] =	ssyncadd.s32 $0xFFFFC000  }
0x10f: {  	_ =	swait.ge [sflag:s16], $0x4000  }
0x110: {  	[sflag:s16] =	ssyncset.done $0x0  }
0x111: {  	[sflag:s16] =	ssyncadd.s32 $0xFFFFC000  }
0x112: {  	[spmem:s2] =	stream.indirect.scatter.add.f32 [tilespmem:s14], [sflag:$0x3], $0x80, s21, s12, $0xb8;
	[tilespmem:$0x1CC00] =	vst v63  }
0x113: {  	_ =	swait.ge [sflag:s10], $0x4000  }
0x114: {  	[sflag:s10] =	ssyncset.done $0x0  }
0x115: {  	[sflag:s10] =	ssyncadd.s32 $0xFFFFC000  }
0x116: {  	[tilespmem:s13], [sflag:$0x1] =	stream.indirect.gather [hbm4b:s4+s12], $0x80, s22, s12, $0xb8;
	[tilespmem:$0x1CC00] =	vst v63  }
0x117: {  	_ = 	snop  }
0x118: {  	[tilespmem:s14], [sflag:$0x2] =	stream.indirect.gather [hbm4b:s4+s12], $0x80, s23, s12, $0xb8;
	[tilespmem:$0x1CC00] =	vst v63  }
0x119: {  	_ =	swait.ge [sflag:s15], $0x4000  }
0x11a: {  	[sflag:s15] =	ssyncset.done $0x0  }
0x11b: {  	[sflag:s15] =	ssyncadd.s32 $0xFFFFC000  }
0x11c: {  	[spmem:s2] =	stream.indirect.scatter.add.f32 [tilespmem:s13], [sflag:$0x3], $0x80, s24, s12, $0xb8;
	[tilespmem:$0x1CC00] =	vst v63  }
0x11d: {  	_ =	swait.ge [sflag:s10], $0x4000  }
0x11e: {  	[sflag:s10] =	ssyncset.done $0x0  }
0x11f: {  	[sflag:s10] =	ssyncadd.s32 $0xFFFFC000  }
0x120: {  	_ =	swait.ge [sflag:s16], $0x4000  }
0x121: {  	[sflag:s16] =	ssyncset.done $0x0  }
0x122: {  	[sflag:s16] =	ssyncadd.s32 $0xFFFFC000  }
0x123: {  	[spmem:s2] =	stream.indirect.scatter.add.f32 [tilespmem:s14], [sflag:$0x3], $0x80, s25, s12, $0xb8;
	[tilespmem:$0x1CC00] =	vst v63  }
0x124: {  	_ =	swait.ge [sflag:s10], $0x4000  }
0x125: {  	[sflag:s10] =	ssyncset.done $0x0  }
0x126: {  	[sflag:s10] =	ssyncadd.s32 $0xFFFFC000  }
0x127: {  	[tilespmem:s13], [sflag:$0x1] =	stream.indirect.gather [hbm4b:s4+s12], $0x80, s26, s12, $0xb8;
	[tilespmem:$0x1CC00] =	vst v63  }
0x128: {  	_ = 	snop  }
0x129: {  	[tilespmem:s14], [sflag:$0x2] =	stream.indirect.gather [hbm4b:s4+s12], $0x80, s28, s12, $0xb8;
	[tilespmem:$0x1CC00] =	vst v63  }
0x12a: {  	_ =	swait.ge [sflag:s15], $0x4000  }
0x12b: {  	[sflag:s15] =	ssyncset.done $0x0  }
0x12c: {  	[sflag:s15] =	ssyncadd.s32 $0xFFFFC000  }
0x12d: {  	[spmem:s2] =	stream.indirect.scatter.add.f32 [tilespmem:s13], [sflag:$0x3], $0x80, s29, s12, $0xb8;
	[tilespmem:$0x1CC00] =	vst v63  }
0x12e: {  	_ =	swait.ge [sflag:s10], $0x4000  }
0x12f: {  	[sflag:s10] =	ssyncset.done $0x0  }
0x130: {  	[sflag:s10] =	ssyncadd.s32 $0xFFFFC000  }
0x131: {  	_ =	swait.ge [sflag:s16], $0x4000  }
0x132: {  	[sflag:s16] =	ssyncset.done $0x0  }
0x133: {  	[sflag:s16] =	ssyncadd.s32 $0xFFFFC000  }
0x134: {  	[spmem:s2] =	stream.indirect.scatter.add.f32 [tilespmem:s14], [sflag:$0x3], $0x80, s30, s12, $0xb8;
	[tilespmem:$0x1CC00] =	vst v63  }
0x135: {  	_ =	swait.ge [sflag:s10], $0x4000  }
0x136: {  	[sflag:s10] =	ssyncset.done $0x0  }
0x137: {  	[sflag:s10] =	ssyncadd.s32 $0xFFFFC000  }
0x138: {  	[tilespmem:s13], [sflag:$0x1] =	stream.indirect.gather [hbm4b:s4+s12], $0x80, s31, s12, $0xb8;
	[tilespmem:$0x1CC00] =	vst v63  }
0x139: {  	_ = 	snop  }
0x13a: {  	[tilespmem:s14], [sflag:$0x2] =	stream.indirect.gather [hbm4b:s4+s12], $0x80, s0, s12, $0xb8;
	[tilespmem:$0x1CC00] =	vst v63  }
0x13b: {  	_ =	swait.ge [sflag:s15], $0x4000  }
0x13c: {  	[sflag:s15] =	ssyncset.done $0x0  }
0x13d: {  	[sflag:s15] =	ssyncadd.s32 $0xFFFFC000  }
0x13e: {  	[spmem:s2] =	stream.indirect.scatter.add.f32 [tilespmem:s13], [sflag:$0x3], $0x80, s1, s12, $0xb8;
	[tilespmem:$0x1CC00] =	vst v63  }
0x13f: {  	_ =	swait.ge [sflag:s10], $0x4000  }
0x140: {  	[sflag:s10] =	ssyncset.done $0x0  }
0x141: {  	[sflag:s10] =	ssyncadd.s32 $0xFFFFC000  }
0x142: {  	p0 =	sne.s32 s6, $0x900;
	_ =	swait.ge [sflag:s16], $0x4000  }
.Ltmp0:
0x143: {  	[sflag:s16] =	ssyncset.done $0x0;
	(pc) =	sbr.rel @p0 .LBB2_2-.Ltmp0, $4  }
0x144: {  	[sflag:s16] =	ssyncadd.s32 $0xFFFFC000  }
0x145: {  	[spmem:s2] =	stream.indirect.scatter.add.f32 [tilespmem:s14], [sflag:$0x3], $0x80, s5, s12, $0xb8;
	[tilespmem:$0x1CC00] =	vst v63  }
0x146: {  	_ =	swait.ge [sflag:s10], $0x4000  }
0x147: {  	s6 =	sadd.s32 $0x100, s6;
	s9 =	rddreg [dreg:$0x4];
	[sflag:s10] =	ssyncset.done $0x0  }
0x148: {  	[sflag:s10] =	ssyncadd.s32 $0xFFFFC000;
	s6 =	sadd.s32 s8, s9  }
0x149: {  	[tilespmem:s3], [sflag:$0x3] =	stream.linear.gather [hbm4b:s6+s3], $0x800, $0x38;
	[tilespmem:$0x1CC00] =	vst v63  }
0x14a: {  	_ =	swait.ge [sflag:s10], $0x800  }
0x14b: {  	s7 =	rddreg [dreg:$0x5];
	[sflag:s10] =	ssyncset.done $0x0  }
0x14c: {  	[sflag:s10] =	ssyncadd.s32 $0xFFFFF800;
	s6 =	sadd.s32 s8, s7  }
0x14d: {  	[tilespmem:s11], [sflag:$0x3] =	stream.linear.gather [hbm4b:s6+s3], $0x800, $0x38;
	[tilespmem:$0x1CC00] =	vst v63  }
0x14e: {  	_ =	swait.ge [sflag:s10], $0x800  }
0x14f: {  	[sflag:s10] =	ssyncset.done $0x0  }
0x150: {  	[sflag:s10] =	ssyncadd.s32 $0xFFFFF800  }
0x151: {  	[tilespmem:s13], [sflag:$0x1] =	stream.indirect.gather [hbm4b:s4+s12], $0x80, s3, s12, $0xb8;
	[tilespmem:$0x1CC00] =	vst v63  }
0x152: {  	_ = 	snop  }
0x153: {  	[tilespmem:s14], [sflag:$0x2] =	stream.indirect.gather [hbm4b:s4+s12], $0x80, s12, s12, $0xb8;
	[tilespmem:$0x1CC00] =	vst v63  }
0x154: {  	_ =	swait.ge [sflag:s15], $0x4000  }
0x155: {  	[sflag:s15] =	ssyncset.done $0x0  }
0x156: {  	[sflag:s15] =	ssyncadd.s32 $0xFFFFC000  }
0x157: {  	[spmem:s2] =	stream.indirect.scatter.add.f32 [tilespmem:s13], [sflag:$0x3], $0x80, s11, s12, $0xb8;
	[tilespmem:$0x1CC00] =	vst v63  }
0x158: {  	_ =	swait.ge [sflag:s10], $0x4000  }
0x159: {  	[sflag:s10] =	ssyncset.done $0x0  }
0x15a: {  	[sflag:s10] =	ssyncadd.s32 $0xFFFFC000  }
0x15b: {  	_ =	swait.ge [sflag:s16], $0x4000  }
0x15c: {  	[sflag:s16] =	ssyncset.done $0x0  }
0x15d: {  	s8 =	rddreg [dreg:$0x6];
	[sflag:s16] =	ssyncadd.s32 $0xFFFFC000  }
0x15e: {  	[spmem:s2] =	stream.indirect.scatter.add.f32 [tilespmem:s14], [sflag:$0x3], $0x80, s8, s12, $0xb8;
	[tilespmem:$0x1CC00] =	vst v63  }
0x15f: {  	_ =	swait.ge [sflag:s10], $0x4000  }
0x160: {  	[sflag:s10] =	ssyncset.done $0x0  }
0x161: {  	s9 =	rddreg [dreg:$0x7];
	[sflag:s10] =	ssyncadd.s32 $0xFFFFC000  }
0x162: {  	[tilespmem:s13], [sflag:$0x1] =	stream.indirect.gather [hbm4b:s4+s12], $0x80, s9, s12, $0xb8;
	[tilespmem:$0x1CC00] =	vst v63  }
0x163: {  	s7 =	rddreg [dreg:$0x8]  }
0x164: {  	[tilespmem:s14], [sflag:$0x2] =	stream.indirect.gather [hbm4b:s4+s12], $0x80, s7, s12, $0xb8;
	[tilespmem:$0x1CC00] =	vst v63  }
0x165: {  	_ =	swait.ge [sflag:s15], $0x4000  }
0x166: {  	[sflag:s15] =	ssyncset.done $0x0  }
0x167: {  	s8 =	rddreg [dreg:$0x9];
	[sflag:s15] =	ssyncadd.s32 $0xFFFFC000  }
0x168: {  	[spmem:s2] =	stream.indirect.scatter.add.f32 [tilespmem:s13], [sflag:$0x3], $0x80, s8, s12, $0xb8;
	[tilespmem:$0x1CC00] =	vst v63  }
0x169: {  	_ =	swait.ge [sflag:s10], $0x4000  }
0x16a: {  	[sflag:s10] =	ssyncset.done $0x0  }
0x16b: {  	[sflag:s10] =	ssyncadd.s32 $0xFFFFC000  }
0x16c: {  	_ =	swait.ge [sflag:s16], $0x4000  }
0x16d: {  	[sflag:s16] =	ssyncset.done $0x0  }
0x16e: {  	s9 =	rddreg [dreg:$0xa];
	[sflag:s16] =	ssyncadd.s32 $0xFFFFC000  }
0x16f: {  	[spmem:s2] =	stream.indirect.scatter.add.f32 [tilespmem:s14], [sflag:$0x3], $0x80, s9, s12, $0xb8;
	[tilespmem:$0x1CC00] =	vst v63  }
0x170: {  	_ =	swait.ge [sflag:s10], $0x4000  }
0x171: {  	[sflag:s10] =	ssyncset.done $0x0  }
0x172: {  	s7 =	rddreg [dreg:$0xb];
	[sflag:s10] =	ssyncadd.s32 $0xFFFFC000  }
0x173: {  	[tilespmem:s13], [sflag:$0x1] =	stream.indirect.gather [hbm4b:s4+s12], $0x80, s7, s12, $0xb8;
	[tilespmem:$0x1CC00] =	vst v63  }
0x174: {  	s8 =	rddreg [dreg:$0xc]  }
0x175: {  	[tilespmem:s14], [sflag:$0x2] =	stream.indirect.gather [hbm4b:s4+s12], $0x80, s8, s12, $0xb8;
	[tilespmem:$0x1CC00] =	vst v63  }
0x176: {  	_ =	swait.ge [sflag:s15], $0x4000  }
0x177: {  	[sflag:s15] =	ssyncset.done $0x0  }
0x178: {  	s9 =	rddreg [dreg:$0xd];
	[sflag:s15] =	ssyncadd.s32 $0xFFFFC000  }
0x179: {  	[spmem:s2] =	stream.indirect.scatter.add.f32 [tilespmem:s13], [sflag:$0x3], $0x80, s9, s12, $0xb8;
	[tilespmem:$0x1CC00] =	vst v63  }
0x17a: {  	_ =	swait.ge [sflag:s10], $0x4000  }
0x17b: {  	[sflag:s10] =	ssyncset.done $0x0  }
0x17c: {  	[sflag:s10] =	ssyncadd.s32 $0xFFFFC000  }
0x17d: {  	_ =	swait.ge [sflag:s16], $0x4000  }
0x17e: {  	[sflag:s16] =	ssyncset.done $0x0  }
0x17f: {  	s7 =	rddreg [dreg:$0xe];
	[sflag:s16] =	ssyncadd.s32 $0xFFFFC000  }
0x180: {  	[spmem:s2] =	stream.indirect.scatter.add.f32 [tilespmem:s14], [sflag:$0x3], $0x80, s7, s12, $0xb8;
	[tilespmem:$0x1CC00] =	vst v63  }
0x181: {  	_ =	swait.ge [sflag:s10], $0x4000  }
0x182: {  	[sflag:s10] =	ssyncset.done $0x0  }
0x183: {  	s8 =	rddreg [dreg:$0xf];
	[sflag:s10] =	ssyncadd.s32 $0xFFFFC000  }
0x184: {  	[tilespmem:s13], [sflag:$0x1] =	stream.indirect.gather [hbm4b:s4+s12], $0x80, s8, s12, $0xb8;
	[tilespmem:$0x1CC00] =	vst v63  }
0x185: {  	s9 =	rddreg [dreg:$0x10]  }
0x186: {  	[tilespmem:s14], [sflag:$0x2] =	stream.indirect.gather [hbm4b:s4+s12], $0x80, s9, s12, $0xb8;
	[tilespmem:$0x1CC00] =	vst v63  }
0x187: {  	_ =	swait.ge [sflag:s15], $0x4000  }
0x188: {  	[sflag:s15] =	ssyncset.done $0x0  }
0x189: {  	s8 =	rddreg [dreg:$0x11];
	[sflag:s15] =	ssyncadd.s32 $0xFFFFC000  }
0x18a: {  	[spmem:s2] =	stream.indirect.scatter.add.f32 [tilespmem:s13], [sflag:$0x3], $0x80, s8, s12, $0xb8;
	[tilespmem:$0x1CC00] =	vst v63  }
0x18b: {  	_ =	swait.ge [sflag:s10], $0x4000  }
0x18c: {  	[sflag:s10] =	ssyncset.done $0x0  }
0x18d: {  	[sflag:s10] =	ssyncadd.s32 $0xFFFFC000  }
0x18e: {  	_ =	swait.ge [sflag:s16], $0x4000  }
0x18f: {  	[sflag:s16] =	ssyncset.done $0x0  }
0x190: {  	[sflag:s16] =	ssyncadd.s32 $0xFFFFC000  }
0x191: {  	[spmem:s2] =	stream.indirect.scatter.add.f32 [tilespmem:s14], [sflag:$0x3], $0x80, s17, s12, $0xb8;
	[tilespmem:$0x1CC00] =	vst v63  }
0x192: {  	_ =	swait.ge [sflag:s10], $0x4000  }
0x193: {  	[sflag:s10] =	ssyncset.done $0x0  }
0x194: {  	[sflag:s10] =	ssyncadd.s32 $0xFFFFC000  }
0x195: {  	[tilespmem:s13], [sflag:$0x1] =	stream.indirect.gather [hbm4b:s4+s12], $0x80, s18, s12, $0xb8;
	[tilespmem:$0x1CC00] =	vst v63  }
0x196: {  	_ = 	snop  }
0x197: {  	[tilespmem:s14], [sflag:$0x2] =	stream.indirect.gather [hbm4b:s4+s12], $0x80, s19, s12, $0xb8;
	[tilespmem:$0x1CC00] =	vst v63  }
0x198: {  	_ =	swait.ge [sflag:s15], $0x4000  }
0x199: {  	[sflag:s15] =	ssyncset.done $0x0  }
0x19a: {  	[sflag:s15] =	ssyncadd.s32 $0xFFFFC000  }
0x19b: {  	[spmem:s2] =	stream.indirect.scatter.add.f32 [tilespmem:s13], [sflag:$0x3], $0x80, s20, s12, $0xb8;
	[tilespmem:$0x1CC00] =	vst v63  }
0x19c: {  	_ =	swait.ge [sflag:s10], $0x4000  }
0x19d: {  	[sflag:s10] =	ssyncset.done $0x0  }
0x19e: {  	[sflag:s10] =	ssyncadd.s32 $0xFFFFC000  }
0x19f: {  	_ =	swait.ge [sflag:s16], $0x4000  }
0x1a0: {  	[sflag:s16] =	ssyncset.done $0x0  }
0x1a1: {  	[sflag:s16] =	ssyncadd.s32 $0xFFFFC000  }
0x1a2: {  	[spmem:s2] =	stream.indirect.scatter.add.f32 [tilespmem:s14], [sflag:$0x3], $0x80, s21, s12, $0xb8;
	[tilespmem:$0x1CC00] =	vst v63  }
0x1a3: {  	_ =	swait.ge [sflag:s10], $0x4000  }
0x1a4: {  	[sflag:s10] =	ssyncset.done $0x0  }
0x1a5: {  	[sflag:s10] =	ssyncadd.s32 $0xFFFFC000  }
0x1a6: {  	[tilespmem:s13], [sflag:$0x1] =	stream.indirect.gather [hbm4b:s4+s12], $0x80, s22, s12, $0xb8;
	[tilespmem:$0x1CC00] =	vst v63  }
0x1a7: {  	_ = 	snop  }
0x1a8: {  	[tilespmem:s14], [sflag:$0x2] =	stream.indirect.gather [hbm4b:s4+s12], $0x80, s23, s12, $0xb8;
	[tilespmem:$0x1CC00] =	vst v63  }
0x1a9: {  	_ =	swait.ge [sflag:s15], $0x4000  }
0x1aa: {  	[sflag:s15] =	ssyncset.done $0x0  }
0x1ab: {  	[sflag:s15] =	ssyncadd.s32 $0xFFFFC000  }
0x1ac: {  	[spmem:s2] =	stream.indirect.scatter.add.f32 [tilespmem:s13], [sflag:$0x3], $0x80, s24, s12, $0xb8;
	[tilespmem:$0x1CC00] =	vst v63  }
0x1ad: {  	_ =	swait.ge [sflag:s10], $0x4000  }
0x1ae: {  	[sflag:s10] =	ssyncset.done $0x0  }
0x1af: {  	[sflag:s10] =	ssyncadd.s32 $0xFFFFC000  }
0x1b0: {  	_ =	swait.ge [sflag:s16], $0x4000  }
0x1b1: {  	[sflag:s16] =	ssyncset.done $0x0  }
0x1b2: {  	[sflag:s16] =	ssyncadd.s32 $0xFFFFC000  }
0x1b3: {  	[spmem:s2] =	stream.indirect.scatter.add.f32 [tilespmem:s14], [sflag:$0x3], $0x80, s25, s12, $0xb8;
	[tilespmem:$0x1CC00] =	vst v63  }
0x1b4: {  	_ =	swait.ge [sflag:s10], $0x4000  }
0x1b5: {  	[sflag:s10] =	ssyncset.done $0x0  }
0x1b6: {  	[sflag:s10] =	ssyncadd.s32 $0xFFFFC000  }
0x1b7: {  	[tilespmem:s13], [sflag:$0x1] =	stream.indirect.gather [hbm4b:s4+s12], $0x80, s26, s12, $0xb8;
	[tilespmem:$0x1CC00] =	vst v63  }
0x1b8: {  	_ = 	snop  }
0x1b9: {  	[tilespmem:s14], [sflag:$0x2] =	stream.indirect.gather [hbm4b:s4+s12], $0x80, s28, s12, $0xb8;
	[tilespmem:$0x1CC00] =	vst v63  }
0x1ba: {  	_ =	swait.ge [sflag:s15], $0x4000  }
0x1bb: {  	[sflag:s15] =	ssyncset.done $0x0  }
0x1bc: {  	[sflag:s15] =	ssyncadd.s32 $0xFFFFC000  }
0x1bd: {  	[spmem:s2] =	stream.indirect.scatter.add.f32 [tilespmem:s13], [sflag:$0x3], $0x80, s29, s12, $0xb8;
	[tilespmem:$0x1CC00] =	vst v63  }
0x1be: {  	_ =	swait.ge [sflag:s10], $0x4000  }
0x1bf: {  	[sflag:s10] =	ssyncset.done $0x0  }
0x1c0: {  	[sflag:s10] =	ssyncadd.s32 $0xFFFFC000  }
0x1c1: {  	_ =	swait.ge [sflag:s16], $0x4000  }
0x1c2: {  	[sflag:s16] =	ssyncset.done $0x0  }
0x1c3: {  	[sflag:s16] =	ssyncadd.s32 $0xFFFFC000  }
0x1c4: {  	[spmem:s2] =	stream.indirect.scatter.add.f32 [tilespmem:s14], [sflag:$0x3], $0x80, s30, s12, $0xb8;
	[tilespmem:$0x1CC00] =	vst v63  }
0x1c5: {  	_ =	swait.ge [sflag:s10], $0x4000  }
0x1c6: {  	[sflag:s10] =	ssyncset.done $0x0  }
0x1c7: {  	[sflag:s10] =	ssyncadd.s32 $0xFFFFC000  }
0x1c8: {  	[tilespmem:s13], [sflag:$0x1] =	stream.indirect.gather [hbm4b:s4+s12], $0x80, s31, s12, $0xb8;
	[tilespmem:$0x1CC00] =	vst v63  }
0x1c9: {  	_ = 	snop  }
0x1ca: {  	[tilespmem:s14], [sflag:$0x2] =	stream.indirect.gather [hbm4b:s4+s12], $0x80, s0, s12, $0xb8;
	[tilespmem:$0x1CC00] =	vst v63  }
0x1cb: {  	_ =	swait.ge [sflag:s15], $0x4000  }
0x1cc: {  	[sflag:s15] =	ssyncset.done $0x0  }
0x1cd: {  	[sflag:s15] =	ssyncadd.s32 $0xFFFFC000  }
0x1ce: {  	[spmem:s2] =	stream.indirect.scatter.add.f32 [tilespmem:s13], [sflag:$0x3], $0x80, s1, s12, $0xb8;
	[tilespmem:$0x1CC00] =	vst v63  }
0x1cf: {  	_ =	swait.ge [sflag:s10], $0x4000  }
0x1d0: {  	[sflag:s10] =	ssyncset.done $0x0  }
0x1d1: {  	[sflag:s10] =	ssyncadd.s32 $0xFFFFC000  }
0x1d2: {  	_ =	swait.ge [sflag:s16], $0x4000  }
0x1d3: {  	[sflag:s16] =	ssyncset.done $0x0  }
0x1d4: {  	[sflag:s16] =	ssyncadd.s32 $0xFFFFC000  }
0x1d5: {  	[spmem:s2] =	stream.indirect.scatter.add.f32 [tilespmem:s14], [sflag:$0x3], $0x80, s5, s12, $0xb8;
	[tilespmem:$0x1CC00] =	vst v63  }
0x1d6: {  	_ =	swait.ge [sflag:s10], $0x4000  }
0x1d7: {  	[sflag:s10] =	ssyncset.done $0x0  }
0x1d8: {  	[sflag:s10] =	ssyncadd.s32 $0xFFFFC000  }
0x1d9: {  	[bflag:$0x0] =	sbarrier.arrive $0xFFFF  }
0x1da: {  	s7 =	rddreg [dreg:$0x13]  }
0x1db: {  	s9 =	rddreg [dreg:$0x14]  }
0x1dc: {  	s8 =	rddreg [dreg:$0x16]  }
0x1dd: {  	[hbm:s9], [sflag:s7] =	dma.local [spmem:s8], $0x2780  }
0x1de: {  	_ =	swait.ge [sflag:s10], $0x2780  }
0x1df: {  	s6 =	rddreg [dreg:$0x17]  }
0x1e0: {  	s9 =	sadd.s32 $0x1, s6;
	s6 =	rddreg [dreg:$0x15]  }
0x1e1: {  	p0 =	sne.s32 s9, s6  }
.Ltmp1:
0x1e2: {  	_ = 	snop;
	(pc) =	sbr.rel @p0 .LBB2_1-.Ltmp1, $3  }
0x1e3: {  	_ =	sdelay $0x1  }
0x1e4: {  	[sflag:s10] =	ssyncset.done $0x0  }
0x1e5: {  	[sflag:s10] =	ssyncadd.s32 $0xFFFFD880  }
0x1e6: {  	_ =	sfence.sel $0x180000  }
0x1e7: {  	[bflag:$0x0] =	sbarrier.arrive $0xFFFF  }
0x1e8: {  	_ =	strace $0x9000004A  }
0x1e9: {  	s0 =	stileid.u32;
	[bflag:$0x2] =	sbarrier.arrive $0xFFFF  }
0x1ea: {  	p0 =	sne.s32 s0, $0x0;
	s0 =	rddreg [dreg:$0x3]  }
0x1eb: {  	s0 =	sadd.s32 @!p0 $0x100000, s0  }
0x1ec: {  	[sflag:s0] =	ssyncadd.tile.s32 @!p0 $0x1;
	_ =	shalt  }
.Lfunc_end2:
_tile_overlayer_lowered:
.L_overlay_start_2:
0x1ed: {  	(tag) =	ssettag $0x2  }
0x1ee: {  	s0 =	rddreg [dreg:$0x0];
	s2 =	stileid.u32  }
0x1ef: {  	s1 =	rddreg [dreg:$0x1];
	p0 =	sne.s32 s2, $0x0  }
0x1f0: {  	s3 =	rddreg [dreg:$0x2];
	[bflag:$0x3] =	sbarrier.arrive $0xFFFF;
	s2 =	simm.s32 @!p0 $0x1C03  }
0x1f1: {  	[timem:s3], [sflag:s2] =	dma.local @!p0 [hbm:s0], s1  }
0x1f2: {  	s0 =	simm.s32 @!p0 $0x3  }
0x1f3: {  	_ =	swait.ge @!p0 [sflag:s0], s1  }
0x1f4: {  	s1 =	ssub.s32 @!p0 $0x0, s1;
	[sflag:s0] =	ssyncset.done @!p0 $0x0  }
0x1f5: {  	[sflag:s0] =	ssyncadd.s32 @!p0 s1  }
0x1f6: {  	[bflag:$0x3] =	sbarrier.arrive $0xFFFF  }
0x1f7: {  	_ =	shalt  }

// kernel: kernel.16.cloned.1.call-start
scs
__scs_entry_jumppad:
0x0: {  	(pc) =	sbr.rel $0x88, $3  }
0x1: {  	(tag) =	ssettag $0x0;
	lr =	simm.s32 $0x1  }
0x2: {  	[smem:$0x3F93] =	sst lr;
	_ =	strace $0xD0000000  }
0x3: {  	_ = 	snop  }
0x4: {  	_ = 	snop  }
0x5: {  	_ = 	snop  }
0x6: {  	_ = 	snop  }
0x7: {  	_ = 	snop  }
__scs_overlays_trampoline_lowered:
0x8: {  	[smem:$0x3FA2] =	sst s0  }
0x9: {  	[smem:$0x3FA3] =	sst s1  }
0xa: {  	[smem:$0x3FA4] =	sst s2  }
0xb: {  	[smem:$0x3FA5] =	sst s3  }
0xc: {  	[smem:$0x3FA6] =	sst s4  }
0xd: {  	[smem:$0x3FA7] =	sst s5  }
0xe: {  	[smem:$0x3FA8] =	sst s6  }
0xf: {  	[smem:$0x3FA9] =	sst s7  }
0x10: {  	[smem:$0x3FAA] =	sst s8  }
0x11: {  	[smem:$0x3FAB] =	sst s9;
	s0 =	simm.s32 @!p0 $0x0  }
0x12: {  	s1 =	sld [smem:$0x3F91];
	s0 =	simm.s32 @p0 $0x1  }
0x13: {  	[smem:$0x3FAC] =	sst s0;
	s0 =	simm.s32 @!p1 $0x0  }
0x14: {  	s2 =	sld [smem:$0x3F90];
	s0 =	simm.s32 @p1 $0x1  }
0x15: {  	[smem:$0x3FAD] =	sst s0;
	s0 =	simm.s32 @!p2 $0x0  }
0x16: {  	s3 =	sld [smem:$0x3FDB];
	s0 =	simm.s32 @p2 $0x1  }
0x17: {  	s4 =	simm.s32 $0x1BF5;
	[smem:$0x3FAF] =	sst s0  }
0x18: {  	s0 =	sld [smem:$0x3F92];
	_ =	swait.ge [sflag:s4], $0x0  }
0x19: {  	s7 =	sld [smem:$0x3F93]  }
0x1a: {  	s8 =	sadd.s32 $0xFFFFE003, lr  }
0x1b: {  	s9 =	sadd.s32 $0xFFFFFEF7, lr;
	s5 =	simm.s32 $0xFFFFFFFF;
	p2 =	slt.u32 s8, $0xFFFFF086  }
0x1c: {  	p1 =	slt.u32 s9, $0xF7A;
	s5 =	simm.s32 @!p2 $0x0  }
0x1d: {  	s5 =	simm.s32 @p1 $0x1;
	p0 =	seq.s32 s7, s2  }
0x1e: {  	s7 =	smul.u32 @!p0 $0xF7A, s2;
	p2 =	seq.s32 @!p0 s5, $0x0  }
0x1f: {  	s9 =	smul.u32 $0xF7A, s1;
	s8 =	simm.s32 @!p0 $0x1BF5;
	p2 =	por !p2, p0  }
0x20: {  	[sflag:s8] =	ssyncset.s32 @!p0 $0xFFFFF086;
	s6 =	sadd.s32 @!p0 s3, s7;
	s7 =	simm.s32 @!p0 $0x108  }
0x21: {  	s3 =	sadd.s32 s3, s9;
	s6 =	sadd.s32 @!p0 $0x88, s6;
	s7 =	simm.s32 @p2 $0x1082  }
0x22: {  	[simem:s7], [sflag:s8] =	dma.local @!p0 [hbm:s6], $0xF7A  }
0x23: {  	s9 =	sor.u32 $0xD0000000, s2;
	s6 =	simm.s32 $0x108;
	_ =	swait.ge @!p0 [sflag:s8], $0x0  }
0x24: {  	s3 =	sadd.s32 $0x88, s3;
	s6 =	simm.s32 @!p1 $0x1082;
	[sflag:s4] =	ssyncset.s32 $0xFFFFF086  }
0x25: {  	[simem:s6], [sflag:s4] =	dma.local [hbm:s3], $0xF7A  }
0x26: {  	[smem:$0x3F93] =	sst s1;
	(tag) =	ssettag s2;
	_ =	strace s9  }
0x27: {  	s1 =	sld [smem:$0x3FA3]  }
0x28: {  	s2 =	sld [smem:$0x3FA4]  }
0x29: {  	s4 =	sld [smem:$0x3FA6]  }
0x2a: {  	p0 =	seq.s32 s5, $0x0;
	s5 =	sld [smem:$0x3FA7]  }
0x2b: {  	s6 =	sld [smem:$0x3FA8]  }
0x2c: {  	s7 =	sld [smem:$0x3FA9]  }
0x2d: {  	s3 =	simm.s32 $0x108;
	s8 =	sld [smem:$0x3FAA]  }
0x2e: {  	s3 =	simm.s32 @!p0 $0x1082;
	s9 =	sld [smem:$0x3FAB]  }
0x2f: {  	lr =	sadd.s32 s0, s3;
	s0 =	sld [smem:$0x3FA2]  }
0x30: {  	s3 =	sld [smem:$0x3FA5]  }
0x31: {  	[smem:$0x3FAE] =	sst s10  }
0x32: {  	s10 =	sld [smem:$0x3FAC];
	_ =	sdelay $0x3  }
0x33: {  	p0 =	seq.s32 s10, $0x1;
	s10 =	sld [smem:$0x3FAE];
	_ =	sdelay $0x3  }
0x34: {  	[smem:$0x3FAE] =	sst s10  }
0x35: {  	s10 =	sld [smem:$0x3FAD];
	_ =	sdelay $0x3  }
0x36: {  	p1 =	seq.s32 s10, $0x1;
	s10 =	sld [smem:$0x3FAE];
	_ =	sdelay $0x3  }
0x37: {  	[smem:$0x3FAE] =	sst s10  }
0x38: {  	s10 =	sld [smem:$0x3FAF]  }
0x39: {  	_ = 	snop;
	(pc) =	sbr.ind lr, $3  }
0x3a: {  	_ = 	snop  }
0x3b: {  	_ = 	snop  }
0x3c: {  	p2 =	seq.s32 s10, $0x1;
	s10 =	sld [smem:$0x3FAE]  }
0x3d: {  	_ =	shalt  }
0x3e: {  	_ =	shalt  }
0x3f: {  	_ =	shalt  }
0x40: {  	_ =	shalt  }
0x41: {  	_ =	shalt  }
0x42: {  	_ =	shalt  }
0x43: {  	_ =	shalt  }
0x44: {  	_ =	shalt  }
0x45: {  	_ =	shalt  }
0x46: {  	_ =	shalt  }
0x47: {  	_ =	shalt  }
0x48: {  	_ =	shalt  }
0x49: {  	_ =	shalt  }
0x4a: {  	_ =	shalt  }
0x4b: {  	_ =	shalt  }
0x4c: {  	_ =	shalt  }
0x4d: {  	_ =	shalt  }
0x4e: {  	_ =	shalt  }
0x4f: {  	_ =	shalt  }
0x50: {  	_ =	shalt  }
0x51: {  	_ =	shalt  }
0x52: {  	_ =	shalt  }
0x53: {  	_ =	shalt  }
0x54: {  	_ =	shalt  }
0x55: {  	_ =	shalt  }
0x56: {  	_ =	shalt  }
0x57: {  	_ =	shalt  }
0x58: {  	_ =	shalt  }
0x59: {  	_ =	shalt  }
0x5a: {  	_ =	shalt  }
0x5b: {  	_ =	shalt  }
0x5c: {  	_ =	shalt  }
0x5d: {  	_ =	shalt  }
0x5e: {  	_ =	shalt  }
0x5f: {  	_ =	shalt  }
0x60: {  	_ =	shalt  }
0x61: {  	_ =	shalt  }
0x62: {  	_ =	shalt  }
0x63: {  	_ =	shalt  }
0x64: {  	_ =	shalt  }
0x65: {  	_ =	shalt  }
0x66: {  	_ =	shalt  }
0x67: {  	_ =	shalt  }
0x68: {  	_ =	shalt  }
0x69: {  	_ =	shalt  }
0x6a: {  	_ =	shalt  }
0x6b: {  	_ =	shalt  }
0x6c: {  	_ =	shalt  }
0x6d: {  	_ =	shalt  }
0x6e: {  	_ =	shalt  }
0x6f: {  	_ =	shalt  }
0x70: {  	_ =	shalt  }
0x71: {  	_ =	shalt  }
0x72: {  	_ =	shalt  }
0x73: {  	_ =	shalt  }
0x74: {  	_ =	shalt  }
0x75: {  	_ =	shalt  }
0x76: {  	_ =	shalt  }
0x77: {  	_ =	shalt  }
0x78: {  	_ =	shalt  }
0x79: {  	_ =	shalt  }
0x7a: {  	_ =	shalt  }
0x7b: {  	_ =	shalt  }
0x7c: {  	_ =	shalt  }
0x7d: {  	_ =	shalt  }
0x7e: {  	_ =	shalt  }
0x7f: {  	_ =	shalt  }
0x80: {  	_ =	shalt  }
0x81: {  	_ =	shalt  }
0x82: {  	_ =	shalt  }
0x83: {  	_ =	shalt  }
0x84: {  	_ =	shalt  }
0x85: {  	_ =	shalt  }
0x86: {  	_ =	shalt  }
0x87: {  	_ =	shalt  }
.Lfunc_end0:
.L_simem_size_0:
called_computation.2_lowered:
.L_overlay_start_0:
0x88: {  	s2 =	sld [smem:$0x3FD9]  }
0x89: {  	s3 =	sld [smem:$0x3FFE];
	_ =	sdelay $0x1  }
0x8a: {  	s1 =	srdreg.scid  }
0x8b: {  	s0 =	sand.u32 $0x1, s1  }
0x8c: {  	s17 =	sshll.u32 s0, $0xA;
	s2 =	sadd.s32 s3, s2  }
0x8d: {  	s2 =	sadd.s32 s2, s17  }
0x8e: {  	[smem:$0x3FBA] =	sst s2  }
0x8f: {  	_ = 	snop  }
0x90: {  	s2 =	sld [smem:$0x3FD0];
	(tm) =	ssettm $0x1  }
0x91: {  	s18 =	sld [smem:$0x3FFB];
	_ =	sdelay $0x3  }
0x92: {  	_ =	strace s18  }
0x93: {  	s3 =	sld [smem:$0x3FFC];
	_ =	sdelay $0x3  }
0x94: {  	_ =	strace s3  }
0x95: {  	s3 =	sld [smem:$0x3FFD];
	_ =	sdelay $0x3  }
0x96: {  	_ =	strace s3  }
0x97: {  	_ =	strace $0x8FFFFFFF  }
0x98: {  	s19 =	sld [smem:$0x3FDB];
	_ =	sdelay $0x1  }
0x99: {  	s4 =	simm.s32 $_scs_section_size  }
0x9a: {  	s5 =	simm.s32 $_size__tile_overlayer_lowered;
	s6 =	simm.s32 $_tile_overlayer_lowered  }
0x9b: {  	s22 =	simm.s32 $0x1BFF;
	s21 =	sshll.u32 s6, $0x1;
	s3 =	sadd.s32 s4, s19  }
0x9c: {  	s7 =	simm.s32 $0x0;
	s20 =	sshll.u32 s5, $0x1;
	s5 =	sadd.s32 s21, s3  }
0x9d: {  	[timem:s7], [sflag:s22] =	dma.local [hbm:s5], s20  }
0x9e: {  	_ =	swait.ge [sflag:s22], s20  }
0x9f: {  	s4 =	ssub.s32 $0x0, s20;
	[sflag:s22] =	ssyncset.done $0x0  }
0xa0: {  	[sflag:s22] =	ssyncadd.s32 s4;
	_ =	sdelay $0x1  }
0xa1: {  	s23 =	simm.s32 $0x1B8B  }
0xa2: {  	_ =	swait.ge [sflag:s23], $0x1  }
0xa3: {  	[sflag:s23] =	ssyncset.done $0x0  }
0xa4: {  	s25 =	simm.s32 $0x1B8E;
	s24 =	sld [smem:$0x3FFE];
	[sflag:s23] =	ssyncadd.s32 $0xFFFFFFFF  }
0xa5: {  	s26 =	simm.s32 $execute0_lowered;
	[smem:$0x3FD2] =	sst s25  }
0xa6: {  	s5 =	sshll.u32 s26, $0x1;
	_ =	strace $0x8000004C;
	[dreg:$0x1] =	wrdreg $0xFFFFFFFF  }
0xa7: {  	s28 =	simm.s32 $_size_execute0_lowered;
	s3 =	sadd.s32 s3, s5;
	[dreg:$0x0] =	wrdreg $0x0  }
0xa8: {  	s5 =	sshll.u32 s28, $0x1;
	[dreg:$0x2] =	wrdreg s3  }
0xa9: {  	[dreg:$0x3] =	wrdreg s5  }
0xaa: {  	[dreg:$0x4] =	wrdreg $0xC0  }
0xab: {  	_ =	task [dreg:s7], $0x5FFFF  }
0xac: {  	[dreg:$0x1] =	wrdreg $0xFFFFFFFF  }
0xad: {  	[dreg:$0x0] =	wrdreg $0x60  }
0xae: {  	[dreg:$0x2] =	wrdreg s24  }
0xaf: {  	[dreg:$0x3] =	wrdreg s2  }
0xb0: {  	[dreg:$0x4] =	wrdreg $0x90000  }
0xb1: {  	[dreg:$0x5] =	wrdreg $0x9  }
0xb2: {  	_ =	task.clear_ibuf [dreg:s7], $0x6FFFF;
	_ =	strace $0x9000004C  }
0xb3: {  	s29 =	simm.s32 $0x9;
	_ =	strace $0x8000004E  }
0xb4: {  	_ =	swait.ge [sflag:s29], $0x1  }
0xb5: {  	[sflag:s29] =	ssyncadd.s32 $0xFFFFFFFF  }
0xb6: {  	_ =	strace $0x9000004E  }
0xb7: {  	_ =	sfence  }
0xb8: {  	s30 =	sld [smem:$0x0];
	_ =	sdelay $0x2  }
0xb9: {  	s31 =	sshll.u32 s1, $0xD;
	s1 =	sshrl.u32 s1, $0x2  }
0xba: {  	s3 =	sand.u32 $0x4000, s31;
	s1 =	sadd.s32 s1, s30  }
0xbb: {  	s0 =	sor.u32 s3, s0;
	s1 =	sshll.u32 s1, $0x11  }
0xbc: {  	s0 =	sor.u32 s1, s0  }
0xbd: {  	s0 =	sadd.s32 $0x8F2B, s0  }
0xbe: {  	[sflag:s0] =	ssyncadd.remote.s32 $0x1  }
0xbf: {  	_ =	sfence.sel $0xFFFF  }
0xc0: {  	[dreg:$0x0] =	wrdreg $0xFFFFFFFF;
	(pc) =	sbr.abs _section_cstart, $3  }
0xc1: {  	[dreg:$0x1] =	wrdreg $0xFFFFFFFF  }
0xc2: {  	_ =	task.clear_ibuf [dreg:s7], $0x2FFFF;
	_ =	strace $0x9FFFFFFF  }
0xc3: {  	(tm) =	ssettm $0x7FFFFFFF  }
tec
execute0_lowered:
.L_overlay_start_1:
0x0: {  	(tag) =	ssettag $0x1  }
0x1: {  	s0 =	rddreg [dreg:$0x0]  }
0x2: {  	s1 =	rddreg [dreg:$0x1]  }
0x3: {  	s2 =	rddreg [dreg:$0x2];
	s11 =	stileid.u32  }
0x4: {  	s4 =	srdreg.scid;
	s3 =	simm.s32 $0x0;
	s13 =	simm.s32 $0x880  }
0x5: {  	s14 =	simm.s32 $0x100;
	s16 =	simm.s32 $0x180;
	s17 =	simm.s32 $0x900  }
0x6: {  	s18 =	simm.s32 $0x980;
	[smem:$0x7FF] =	sst s3;
	s12 =	sadd.s32 $0x66600, s0  }
0x7: {  	s20 =	simm.s32 $0x200;
	_ =	strace $0x8000004D;
	[dreg:$0x12] =	wrdreg s12  }
0x8: {  	s21 =	simm.s32 $0x280;
	s22 =	simm.s32 $0xA00;
	[dreg:$0x6] =	wrdreg s13  }
0x9: {  	s23 =	simm.s32 $0xA80;
	s24 =	simm.s32 $0x300;
	[dreg:$0x7] =	wrdreg s14  }
0xa: {  	s28 =	simm.s32 $0x680;
	s29 =	simm.s32 $0xE00;
	[dreg:$0x8] =	wrdreg s16  }
0xb: {  	s30 =	simm.s32 $0xE80;
	s31 =	simm.s32 $0x700;
	[dreg:$0x9] =	wrdreg s17  }
0xc: {  	s5 =	smul.u32 $0xA00, s11;
	s6 =	sand.u32 $0x1, s4;
	[dreg:$0xa] =	wrdreg s18  }
0xd: {  	s7 =	smul.u32 $0x2780, s11;
	s4 =	sadd.s32 $0x17600, s0;
	[dreg:$0xb] =	wrdreg s20  }
0xe: {  	s26 =	smul.u32 $0x4F000, s11;
	s15 =	sshll.u32 s11, $0x6;
	[dreg:$0xc] =	wrdreg s21  }
0xf: {  	s11 =	simm.s32 $0x800;
	s8 =	smul.u32 $0x27800, s6;
	[dreg:$0xd] =	wrdreg s22  }
0x10: {  	s9 =	smul.u32 $0xA000, s6;
	s6 =	ssub.s32 $0x2, s6;
	[dreg:$0xe] =	wrdreg s23  }
0x11: {  	s13 =	simm.s32 $0x1000;
	[dreg:$0xf] =	wrdreg s24;
	s14 =	simm.s32 $0x5000  }
0x12: {  	s16 =	simm.s32 $0x2;
	s17 =	simm.s32 $0xB80;
	s18 =	simm.s32 $0x400  }
0x13: {  	s20 =	simm.s32 $0xC00;
	s21 =	simm.s32 $0xC80;
	s22 =	simm.s32 $0x500  }
0x14: {  	s23 =	simm.s32 $0x580;
	s24 =	simm.s32 $0xD00;
	s10 =	sadd.s32 s5, s0  }
0x15: {  	s25 =	sshrl.u32 s6, $0x1;
	s12 =	sshrl.u32 s26, $0x2;
	s26 =	simm.s32 $0xB00  }
0x16: {  	s7 =	sadd.s32 s7, s8;
	s1 =	sadd.s32 s9, s1;
	s9 =	ssub.s32 s6, s25  }
0x17: {  	s10 =	sadd.s32 $0x3600, s10;
	s6 =	sadd.s32 s12, s2;
	s12 =	simm.s32 $0x80  }
0x18: {  	s25 =	simm.s32 $0x380;
	[dreg:$0x11] =	wrdreg s26;
	s26 =	simm.s32 $0x600  }
0x19: {  	s0 =	sadd.s32 s7, s0;
	s1 =	sadd.s32 s5, s1;
	[dreg:$0x5] =	wrdreg s10  }
0x1a: {  	s7 =	sor.u32 $0x1C03, s15;
	s19 =	smax.u32 s9, $0x1;
	[dreg:$0x10] =	wrdreg s25  }
0x1b: {  	s8 =	sshrl.u32 s6, $0x3;
	s10 =	simm.s32 $0x3;
	[dreg:$0x4] =	wrdreg s1  }
0x1c: {  	s15 =	simm.s32 $0x1;
	s25 =	simm.s32 $0xD80;
	[dreg:$0x15] =	wrdreg s19  }
0x1d: {  	s5 =	simm.s32 $0xF80;
	s9 =	simm.s32 $0x0;
	[dreg:$0x13] =	wrdreg s7  }
0x1e: {  	s0 =	sadd.s32 $0x68E00, s0;
	s19 =	simm.s32 $0x480;
	[dreg:$0x16] =	wrdreg s8  }
0x1f: {  	s1 =	simm.s32 $0xF00;
	[dreg:$0x14] =	wrdreg s0;
	s0 =	simm.s32 $0x780  }
.LBB2_1:
0x20: {  	[dreg:$0x17] =	wrdreg s9  }
0x21: {  	s6 =	rddreg [dreg:$0x12]  }
0x22: {  	[spmem:s8], [sflag:s7] =	dma.local [hbm:s6], $0x2780  }
0x23: {  	_ =	swait.ge [sflag:s10], $0x2780  }
0x24: {  	[sflag:s10] =	ssyncset.done $0x0  }
0x25: {  	[sflag:s10] =	ssyncadd.s32 $0xFFFFD880  }
0x26: {  	[bflag:$0x0] =	sbarrier.arrive $0xFFFF  }
0x27: {  	s9 =	rddreg [dreg:$0x4]  }
0x28: {  	s6 =	sadd.s32 $0x0, s9  }
0x29: {  	[tilespmem:s3], [sflag:$0x3] =	stream.linear.gather [hbm4b:s6+s3], $0x800, $0x38;
	[tilespmem:$0x1CC00] =	vst v63  }
0x2a: {  	_ =	swait.ge [sflag:s10], $0x800  }
0x2b: {  	s7 =	rddreg [dreg:$0x5];
	[sflag:s10] =	ssyncset.done $0x0  }
0x2c: {  	[sflag:s10] =	ssyncadd.s32 $0xFFFFF800;
	s6 =	sadd.s32 $0x0, s7  }
0x2d: {  	[tilespmem:s11], [sflag:$0x3] =	stream.linear.gather [hbm4b:s6+s3], $0x800, $0x38;
	[tilespmem:$0x1CC00] =	vst v63  }
0x2e: {  	_ =	swait.ge [sflag:s10], $0x800  }
0x2f: {  	[sflag:s10] =	ssyncset.done $0x0  }
0x30: {  	[sflag:s10] =	ssyncadd.s32 $0xFFFFF800  }
0x31: {  	[tilespmem:s13], [sflag:$0x1] =	stream.indirect.gather [hbm4b:s4+s12], $0x80, s3, s12, $0xb8;
	[tilespmem:$0x1CC00] =	vst v63  }
0x32: {  	_ = 	snop  }
0x33: {  	[tilespmem:s14], [sflag:$0x2] =	stream.indirect.gather [hbm4b:s4+s12], $0x80, s12, s12, $0xb8;
	[tilespmem:$0x1CC00] =	vst v63  }
0x34: {  	_ =	swait.ge [sflag:s15], $0x4000  }
0x35: {  	[sflag:s15] =	ssyncset.done $0x0  }
0x36: {  	[sflag:s15] =	ssyncadd.s32 $0xFFFFC000  }
0x37: {  	[spmem:s2] =	stream.indirect.scatter.add.f32 [tilespmem:s13], [sflag:$0x3], $0x80, s11, s12, $0xb8;
	[tilespmem:$0x1CC00] =	vst v63  }
0x38: {  	_ =	swait.ge [sflag:s10], $0x4000  }
0x39: {  	[sflag:s10] =	ssyncset.done $0x0  }
0x3a: {  	[sflag:s10] =	ssyncadd.s32 $0xFFFFC000  }
0x3b: {  	_ =	swait.ge [sflag:s16], $0x4000  }
0x3c: {  	[sflag:s16] =	ssyncset.done $0x0  }
0x3d: {  	s8 =	rddreg [dreg:$0x6];
	[sflag:s16] =	ssyncadd.s32 $0xFFFFC000  }
0x3e: {  	[spmem:s2] =	stream.indirect.scatter.add.f32 [tilespmem:s14], [sflag:$0x3], $0x80, s8, s12, $0xb8;
	[tilespmem:$0x1CC00] =	vst v63  }
0x3f: {  	_ =	swait.ge [sflag:s10], $0x4000  }
0x40: {  	[sflag:s10] =	ssyncset.done $0x0  }
0x41: {  	s9 =	rddreg [dreg:$0x7];
	[sflag:s10] =	ssyncadd.s32 $0xFFFFC000  }
0x42: {  	[tilespmem:s13], [sflag:$0x1] =	stream.indirect.gather [hbm4b:s4+s12], $0x80, s9, s12, $0xb8;
	[tilespmem:$0x1CC00] =	vst v63  }
0x43: {  	s7 =	rddreg [dreg:$0x8]  }
0x44: {  	[tilespmem:s14], [sflag:$0x2] =	stream.indirect.gather [hbm4b:s4+s12], $0x80, s7, s12, $0xb8;
	[tilespmem:$0x1CC00] =	vst v63  }
0x45: {  	_ =	swait.ge [sflag:s15], $0x4000  }
0x46: {  	[sflag:s15] =	ssyncset.done $0x0  }
0x47: {  	s9 =	rddreg [dreg:$0x9];
	[sflag:s15] =	ssyncadd.s32 $0xFFFFC000  }
0x48: {  	[spmem:s2] =	stream.indirect.scatter.add.f32 [tilespmem:s13], [sflag:$0x3], $0x80, s9, s12, $0xb8;
	[tilespmem:$0x1CC00] =	vst v63  }
0x49: {  	_ =	swait.ge [sflag:s10], $0x4000  }
0x4a: {  	[sflag:s10] =	ssyncset.done $0x0  }
0x4b: {  	[sflag:s10] =	ssyncadd.s32 $0xFFFFC000  }
0x4c: {  	_ =	swait.ge [sflag:s16], $0x4000  }
0x4d: {  	[sflag:s16] =	ssyncset.done $0x0  }
0x4e: {  	s7 =	rddreg [dreg:$0xa];
	[sflag:s16] =	ssyncadd.s32 $0xFFFFC000  }
0x4f: {  	[spmem:s2] =	stream.indirect.scatter.add.f32 [tilespmem:s14], [sflag:$0x3], $0x80, s7, s12, $0xb8;
	[tilespmem:$0x1CC00] =	vst v63  }
0x50: {  	_ =	swait.ge [sflag:s10], $0x4000  }
0x51: {  	[sflag:s10] =	ssyncset.done $0x0  }
0x52: {  	s8 =	rddreg [dreg:$0xb];
	[sflag:s10] =	ssyncadd.s32 $0xFFFFC000  }
0x53: {  	[tilespmem:s13], [sflag:$0x1] =	stream.indirect.gather [hbm4b:s4+s12], $0x80, s8, s12, $0xb8;
	[tilespmem:$0x1CC00] =	vst v63  }
0x54: {  	s9 =	rddreg [dreg:$0xc]  }
0x55: {  	[tilespmem:s14], [sflag:$0x2] =	stream.indirect.gather [hbm4b:s4+s12], $0x80, s9, s12, $0xb8;
	[tilespmem:$0x1CC00] =	vst v63  }
0x56: {  	_ =	swait.ge [sflag:s15], $0x4000  }
0x57: {  	[sflag:s15] =	ssyncset.done $0x0  }
0x58: {  	s7 =	rddreg [dreg:$0xd];
	[sflag:s15] =	ssyncadd.s32 $0xFFFFC000  }
0x59: {  	[spmem:s2] =	stream.indirect.scatter.add.f32 [tilespmem:s13], [sflag:$0x3], $0x80, s7, s12, $0xb8;
	[tilespmem:$0x1CC00] =	vst v63  }
0x5a: {  	_ =	swait.ge [sflag:s10], $0x4000  }
0x5b: {  	[sflag:s10] =	ssyncset.done $0x0  }
0x5c: {  	[sflag:s10] =	ssyncadd.s32 $0xFFFFC000  }
0x5d: {  	_ =	swait.ge [sflag:s16], $0x4000  }
0x5e: {  	[sflag:s16] =	ssyncset.done $0x0  }
0x5f: {  	s8 =	rddreg [dreg:$0xe];
	[sflag:s16] =	ssyncadd.s32 $0xFFFFC000  }
0x60: {  	[spmem:s2] =	stream.indirect.scatter.add.f32 [tilespmem:s14], [sflag:$0x3], $0x80, s8, s12, $0xb8;
	[tilespmem:$0x1CC00] =	vst v63  }
0x61: {  	_ =	swait.ge [sflag:s10], $0x4000  }
0x62: {  	[sflag:s10] =	ssyncset.done $0x0  }
0x63: {  	s9 =	rddreg [dreg:$0xf];
	[sflag:s10] =	ssyncadd.s32 $0xFFFFC000  }
0x64: {  	[tilespmem:s13], [sflag:$0x1] =	stream.indirect.gather [hbm4b:s4+s12], $0x80, s9, s12, $0xb8;
	[tilespmem:$0x1CC00] =	vst v63  }
0x65: {  	s7 =	rddreg [dreg:$0x10]  }
0x66: {  	[tilespmem:s14], [sflag:$0x2] =	stream.indirect.gather [hbm4b:s4+s12], $0x80, s7, s12, $0xb8;
	[tilespmem:$0x1CC00] =	vst v63  }
0x67: {  	_ =	swait.ge [sflag:s15], $0x4000  }
0x68: {  	[sflag:s15] =	ssyncset.done $0x0  }
0x69: {  	s9 =	rddreg [dreg:$0x11];
	[sflag:s15] =	ssyncadd.s32 $0xFFFFC000  }
0x6a: {  	[spmem:s2] =	stream.indirect.scatter.add.f32 [tilespmem:s13], [sflag:$0x3], $0x80, s9, s12, $0xb8;
	[tilespmem:$0x1CC00] =	vst v63  }
0x6b: {  	_ =	swait.ge [sflag:s10], $0x4000  }
0x6c: {  	[sflag:s10] =	ssyncset.done $0x0  }
0x6d: {  	[sflag:s10] =	ssyncadd.s32 $0xFFFFC000  }
0x6e: {  	_ =	swait.ge [sflag:s16], $0x4000  }
0x6f: {  	[sflag:s16] =	ssyncset.done $0x0  }
0x70: {  	[sflag:s16] =	ssyncadd.s32 $0xFFFFC000  }
0x71: {  	[spmem:s2] =	stream.indirect.scatter.add.f32 [tilespmem:s14], [sflag:$0x3], $0x80, s17, s12, $0xb8;
	[tilespmem:$0x1CC00] =	vst v63  }
0x72: {  	_ =	swait.ge [sflag:s10], $0x4000  }
0x73: {  	[sflag:s10] =	ssyncset.done $0x0  }
0x74: {  	[sflag:s10] =	ssyncadd.s32 $0xFFFFC000  }
0x75: {  	[tilespmem:s13], [sflag:$0x1] =	stream.indirect.gather [hbm4b:s4+s12], $0x80, s18, s12, $0xb8;
	[tilespmem:$0x1CC00] =	vst v63  }
0x76: {  	_ = 	snop  }
0x77: {  	[tilespmem:s14], [sflag:$0x2] =	stream.indirect.gather [hbm4b:s4+s12], $0x80, s19, s12, $0xb8;
	[tilespmem:$0x1CC00] =	vst v63  }
0x78: {  	_ =	swait.ge [sflag:s15], $0x4000  }
0x79: {  	[sflag:s15] =	ssyncset.done $0x0  }
0x7a: {  	[sflag:s15] =	ssyncadd.s32 $0xFFFFC000  }
0x7b: {  	[spmem:s2] =	stream.indirect.scatter.add.f32 [tilespmem:s13], [sflag:$0x3], $0x80, s20, s12, $0xb8;
	[tilespmem:$0x1CC00] =	vst v63  }
0x7c: {  	_ =	swait.ge [sflag:s10], $0x4000  }
0x7d: {  	[sflag:s10] =	ssyncset.done $0x0  }
0x7e: {  	[sflag:s10] =	ssyncadd.s32 $0xFFFFC000  }
0x7f: {  	_ =	swait.ge [sflag:s16], $0x4000  }
0x80: {  	[sflag:s16] =	ssyncset.done $0x0  }
0x81: {  	[sflag:s16] =	ssyncadd.s32 $0xFFFFC000  }
0x82: {  	[spmem:s2] =	stream.indirect.scatter.add.f32 [tilespmem:s14], [sflag:$0x3], $0x80, s21, s12, $0xb8;
	[tilespmem:$0x1CC00] =	vst v63  }
0x83: {  	_ =	swait.ge [sflag:s10], $0x4000  }
0x84: {  	[sflag:s10] =	ssyncset.done $0x0  }
0x85: {  	[sflag:s10] =	ssyncadd.s32 $0xFFFFC000  }
0x86: {  	[tilespmem:s13], [sflag:$0x1] =	stream.indirect.gather [hbm4b:s4+s12], $0x80, s22, s12, $0xb8;
	[tilespmem:$0x1CC00] =	vst v63  }
0x87: {  	_ = 	snop  }
0x88: {  	[tilespmem:s14], [sflag:$0x2] =	stream.indirect.gather [hbm4b:s4+s12], $0x80, s23, s12, $0xb8;
	[tilespmem:$0x1CC00] =	vst v63  }
0x89: {  	_ =	swait.ge [sflag:s15], $0x4000  }
0x8a: {  	[sflag:s15] =	ssyncset.done $0x0  }
0x8b: {  	[sflag:s15] =	ssyncadd.s32 $0xFFFFC000  }
0x8c: {  	[spmem:s2] =	stream.indirect.scatter.add.f32 [tilespmem:s13], [sflag:$0x3], $0x80, s24, s12, $0xb8;
	[tilespmem:$0x1CC00] =	vst v63  }
0x8d: {  	_ =	swait.ge [sflag:s10], $0x4000  }
0x8e: {  	[sflag:s10] =	ssyncset.done $0x0  }
0x8f: {  	[sflag:s10] =	ssyncadd.s32 $0xFFFFC000  }
0x90: {  	_ =	swait.ge [sflag:s16], $0x4000  }
0x91: {  	[sflag:s16] =	ssyncset.done $0x0  }
0x92: {  	[sflag:s16] =	ssyncadd.s32 $0xFFFFC000  }
0x93: {  	[spmem:s2] =	stream.indirect.scatter.add.f32 [tilespmem:s14], [sflag:$0x3], $0x80, s25, s12, $0xb8;
	[tilespmem:$0x1CC00] =	vst v63  }
0x94: {  	_ =	swait.ge [sflag:s10], $0x4000  }
0x95: {  	[sflag:s10] =	ssyncset.done $0x0  }
0x96: {  	[sflag:s10] =	ssyncadd.s32 $0xFFFFC000  }
0x97: {  	[tilespmem:s13], [sflag:$0x1] =	stream.indirect.gather [hbm4b:s4+s12], $0x80, s26, s12, $0xb8;
	[tilespmem:$0x1CC00] =	vst v63  }
0x98: {  	_ = 	snop  }
0x99: {  	[tilespmem:s14], [sflag:$0x2] =	stream.indirect.gather [hbm4b:s4+s12], $0x80, s28, s12, $0xb8;
	[tilespmem:$0x1CC00] =	vst v63  }
0x9a: {  	_ =	swait.ge [sflag:s15], $0x4000  }
0x9b: {  	[sflag:s15] =	ssyncset.done $0x0  }
0x9c: {  	[sflag:s15] =	ssyncadd.s32 $0xFFFFC000  }
0x9d: {  	[spmem:s2] =	stream.indirect.scatter.add.f32 [tilespmem:s13], [sflag:$0x3], $0x80, s29, s12, $0xb8;
	[tilespmem:$0x1CC00] =	vst v63  }
0x9e: {  	_ =	swait.ge [sflag:s10], $0x4000  }
0x9f: {  	[sflag:s10] =	ssyncset.done $0x0  }
0xa0: {  	[sflag:s10] =	ssyncadd.s32 $0xFFFFC000  }
0xa1: {  	_ =	swait.ge [sflag:s16], $0x4000  }
0xa2: {  	[sflag:s16] =	ssyncset.done $0x0  }
0xa3: {  	[sflag:s16] =	ssyncadd.s32 $0xFFFFC000  }
0xa4: {  	[spmem:s2] =	stream.indirect.scatter.add.f32 [tilespmem:s14], [sflag:$0x3], $0x80, s30, s12, $0xb8;
	[tilespmem:$0x1CC00] =	vst v63  }
0xa5: {  	_ =	swait.ge [sflag:s10], $0x4000  }
0xa6: {  	[sflag:s10] =	ssyncset.done $0x0  }
0xa7: {  	[sflag:s10] =	ssyncadd.s32 $0xFFFFC000  }
0xa8: {  	[tilespmem:s13], [sflag:$0x1] =	stream.indirect.gather [hbm4b:s4+s12], $0x80, s31, s12, $0xb8;
	[tilespmem:$0x1CC00] =	vst v63  }
0xa9: {  	_ = 	snop  }
0xaa: {  	[tilespmem:s14], [sflag:$0x2] =	stream.indirect.gather [hbm4b:s4+s12], $0x80, s0, s12, $0xb8;
	[tilespmem:$0x1CC00] =	vst v63  }
0xab: {  	_ =	swait.ge [sflag:s15], $0x4000  }
0xac: {  	[sflag:s15] =	ssyncset.done $0x0  }
0xad: {  	[sflag:s15] =	ssyncadd.s32 $0xFFFFC000  }
0xae: {  	[spmem:s2] =	stream.indirect.scatter.add.f32 [tilespmem:s13], [sflag:$0x3], $0x80, s1, s12, $0xb8;
	[tilespmem:$0x1CC00] =	vst v63  }
0xaf: {  	_ =	swait.ge [sflag:s10], $0x4000  }
0xb0: {  	[sflag:s10] =	ssyncset.done $0x0  }
0xb1: {  	[sflag:s10] =	ssyncadd.s32 $0xFFFFC000  }
0xb2: {  	_ =	swait.ge [sflag:s16], $0x4000  }
0xb3: {  	[sflag:s16] =	ssyncset.done $0x0  }
0xb4: {  	[sflag:s16] =	ssyncadd.s32 $0xFFFFC000  }
0xb5: {  	[spmem:s2] =	stream.indirect.scatter.add.f32 [tilespmem:s14], [sflag:$0x3], $0x80, s5, s12, $0xb8;
	[tilespmem:$0x1CC00] =	vst v63  }
0xb6: {  	s6 =	simm.s32 $0x200;
	_ =	swait.ge [sflag:s10], $0x4000  }
0xb7: {  	s8 =	simm.s32 $0x100;
	s9 =	rddreg [dreg:$0x4];
	[sflag:s10] =	ssyncset.done $0x0  }
.LBB2_2:
0xb8: {  	[sflag:s10] =	ssyncadd.s32 $0xFFFFC000;
	s9 =	sadd.s32 s8, s9  }
0xb9: {  	[tilespmem:s3], [sflag:$0x3] =	stream.linear.gather [hbm4b:s9+s3], $0x800, $0x38;
	[tilespmem:$0x1CC00] =	vst v63  }
0xba: {  	_ =	swait.ge [sflag:s10], $0x800  }
0xbb: {  	s9 =	rddreg [dreg:$0x5];
	[sflag:s10] =	ssyncset.done $0x0  }
0xbc: {  	[sflag:s10] =	ssyncadd.s32 $0xFFFFF800;
	s9 =	sadd.s32 s8, s9  }
0xbd: {  	[tilespmem:s11], [sflag:$0x3] =	stream.linear.gather [hbm4b:s9+s3], $0x800, $0x38;
	[tilespmem:$0x1CC00] =	vst v63  }
0xbe: {  	_ =	swait.ge [sflag:s10], $0x800  }
0xbf: {  	[sflag:s10] =	ssyncset.done $0x0  }
0xc0: {  	[sflag:s10] =	ssyncadd.s32 $0xFFFFF800  }
0xc1: {  	[tilespmem:s13], [sflag:$0x1] =	stream.indirect.gather [hbm4b:s4+s12], $0x80, s3, s12, $0xb8;
	[tilespmem:$0x1CC00] =	vst v63  }
0xc2: {  	_ = 	snop  }
0xc3: {  	[tilespmem:s14], [sflag:$0x2] =	stream.indirect.gather [hbm4b:s4+s12], $0x80, s12, s12, $0xb8;
	[tilespmem:$0x1CC00] =	vst v63  }
0xc4: {  	_ =	swait.ge [sflag:s15], $0x4000  }
0xc5: {  	[sflag:s15] =	ssyncset.done $0x0  }
0xc6: {  	[sflag:s15] =	ssyncadd.s32 $0xFFFFC000  }
0xc7: {  	[spmem:s2] =	stream.indirect.scatter.add.f32 [tilespmem:s13], [sflag:$0x3], $0x80, s11, s12, $0xb8;
	[tilespmem:$0x1CC00] =	vst v63  }
0xc8: {  	_ =	swait.ge [sflag:s10], $0x4000  }
0xc9: {  	[sflag:s10] =	ssyncset.done $0x0  }
0xca: {  	[sflag:s10] =	ssyncadd.s32 $0xFFFFC000  }
0xcb: {  	_ =	swait.ge [sflag:s16], $0x4000  }
0xcc: {  	[sflag:s16] =	ssyncset.done $0x0  }
0xcd: {  	s9 =	rddreg [dreg:$0x6];
	[sflag:s16] =	ssyncadd.s32 $0xFFFFC000  }
0xce: {  	[spmem:s2] =	stream.indirect.scatter.add.f32 [tilespmem:s14], [sflag:$0x3], $0x80, s9, s12, $0xb8;
	[tilespmem:$0x1CC00] =	vst v63  }
0xcf: {  	_ =	swait.ge [sflag:s10], $0x4000  }
0xd0: {  	s7 =	smov.u32 s6;
	[sflag:s10] =	ssyncset.done $0x0  }
0xd1: {  	s8 =	smov.u32 s7;
	s7 =	rddreg [dreg:$0x7];
	[sflag:s10] =	ssyncadd.s32 $0xFFFFC000  }
0xd2: {  	[tilespmem:s13], [sflag:$0x1] =	stream.indirect.gather [hbm4b:s4+s12], $0x80, s7, s12, $0xb8;
	[tilespmem:$0x1CC00] =	vst v63  }
0xd3: {  	s9 =	rddreg [dreg:$0x8]  }
0xd4: {  	[tilespmem:s14], [sflag:$0x2] =	stream.indirect.gather [hbm4b:s4+s12], $0x80, s9, s12, $0xb8;
	[tilespmem:$0x1CC00] =	vst v63  }
0xd5: {  	_ =	swait.ge [sflag:s15], $0x4000  }
0xd6: {  	[sflag:s15] =	ssyncset.done $0x0  }
0xd7: {  	s9 =	rddreg [dreg:$0x9];
	[sflag:s15] =	ssyncadd.s32 $0xFFFFC000  }
0xd8: {  	[spmem:s2] =	stream.indirect.scatter.add.f32 [tilespmem:s13], [sflag:$0x3], $0x80, s9, s12, $0xb8;
	[tilespmem:$0x1CC00] =	vst v63  }
0xd9: {  	_ =	swait.ge [sflag:s10], $0x4000  }
0xda: {  	[sflag:s10] =	ssyncset.done $0x0  }
0xdb: {  	[sflag:s10] =	ssyncadd.s32 $0xFFFFC000  }
0xdc: {  	_ =	swait.ge [sflag:s16], $0x4000  }
0xdd: {  	[sflag:s16] =	ssyncset.done $0x0  }
0xde: {  	s9 =	rddreg [dreg:$0xa];
	[sflag:s16] =	ssyncadd.s32 $0xFFFFC000  }
0xdf: {  	[spmem:s2] =	stream.indirect.scatter.add.f32 [tilespmem:s14], [sflag:$0x3], $0x80, s9, s12, $0xb8;
	[tilespmem:$0x1CC00] =	vst v63  }
0xe0: {  	_ =	swait.ge [sflag:s10], $0x4000  }
0xe1: {  	[sflag:s10] =	ssyncset.done $0x0  }
0xe2: {  	s7 =	rddreg [dreg:$0xb];
	[sflag:s10] =	ssyncadd.s32 $0xFFFFC000  }
0xe3: {  	[tilespmem:s13], [sflag:$0x1] =	stream.indirect.gather [hbm4b:s4+s12], $0x80, s7, s12, $0xb8;
	[tilespmem:$0x1CC00] =	vst v63  }
0xe4: {  	s9 =	rddreg [dreg:$0xc]  }
0xe5: {  	[tilespmem:s14], [sflag:$0x2] =	stream.indirect.gather [hbm4b:s4+s12], $0x80, s9, s12, $0xb8;
	[tilespmem:$0x1CC00] =	vst v63  }
0xe6: {  	_ =	swait.ge [sflag:s15], $0x4000  }
0xe7: {  	[sflag:s15] =	ssyncset.done $0x0  }
0xe8: {  	s9 =	rddreg [dreg:$0xd];
	[sflag:s15] =	ssyncadd.s32 $0xFFFFC000  }
0xe9: {  	[spmem:s2] =	stream.indirect.scatter.add.f32 [tilespmem:s13], [sflag:$0x3], $0x80, s9, s12, $0xb8;
	[tilespmem:$0x1CC00] =	vst v63  }
0xea: {  	_ =	swait.ge [sflag:s10], $0x4000  }
0xeb: {  	[sflag:s10] =	ssyncset.done $0x0  }
0xec: {  	[sflag:s10] =	ssyncadd.s32 $0xFFFFC000  }
0xed: {  	_ =	swait.ge [sflag:s16], $0x4000  }
0xee: {  	[sflag:s16] =	ssyncset.done $0x0  }
0xef: {  	s9 =	rddreg [dreg:$0xe];
	[sflag:s16] =	ssyncadd.s32 $0xFFFFC000  }
0xf0: {  	[spmem:s2] =	stream.indirect.scatter.add.f32 [tilespmem:s14], [sflag:$0x3], $0x80, s9, s12, $0xb8;
	[tilespmem:$0x1CC00] =	vst v63  }
0xf1: {  	_ =	swait.ge [sflag:s10], $0x4000  }
0xf2: {  	[sflag:s10] =	ssyncset.done $0x0  }
0xf3: {  	s7 =	rddreg [dreg:$0xf];
	[sflag:s10] =	ssyncadd.s32 $0xFFFFC000  }
0xf4: {  	[tilespmem:s13], [sflag:$0x1] =	stream.indirect.gather [hbm4b:s4+s12], $0x80, s7, s12, $0xb8;
	[tilespmem:$0x1CC00] =	vst v63  }
0xf5: {  	s9 =	rddreg [dreg:$0x10]  }
0xf6: {  	[tilespmem:s14], [sflag:$0x2] =	stream.indirect.gather [hbm4b:s4+s12], $0x80, s9, s12, $0xb8;
	[tilespmem:$0x1CC00] =	vst v63  }
0xf7: {  	_ =	swait.ge [sflag:s15], $0x4000  }
0xf8: {  	[sflag:s15] =	ssyncset.done $0x0  }
0xf9: {  	s9 =	rddreg [dreg:$0x11];
	[sflag:s15] =	ssyncadd.s32 $0xFFFFC000  }
0xfa: {  	[spmem:s2] =	stream.indirect.scatter.add.f32 [tilespmem:s13], [sflag:$0x3], $0x80, s9, s12, $0xb8;
	[tilespmem:$0x1CC00] =	vst v63  }
0xfb: {  	_ =	swait.ge [sflag:s10], $0x4000  }
0xfc: {  	[sflag:s10] =	ssyncset.done $0x0  }
0xfd: {  	[sflag:s10] =	ssyncadd.s32 $0xFFFFC000  }
0xfe: {  	_ =	swait.ge [sflag:s16], $0x4000  }
0xff: {  	[sflag:s16] =	ssyncset.done $0x0  }
0x100: {  	[sflag:s16] =	ssyncadd.s32 $0xFFFFC000  }
0x101: {  	[spmem:s2] =	stream.indirect.scatter.add.f32 [tilespmem:s14], [sflag:$0x3], $0x80, s17, s12, $0xb8;
	[tilespmem:$0x1CC00] =	vst v63  }
0x102: {  	_ =	swait.ge [sflag:s10], $0x4000  }
0x103: {  	[sflag:s10] =	ssyncset.done $0x0  }
0x104: {  	[sflag:s10] =	ssyncadd.s32 $0xFFFFC000  }
0x105: {  	[tilespmem:s13], [sflag:$0x1] =	stream.indirect.gather [hbm4b:s4+s12], $0x80, s18, s12, $0xb8;
	[tilespmem:$0x1CC00] =	vst v63  }
0x106: {  	_ = 	snop  }
0x107: {  	[tilespmem:s14], [sflag:$0x2] =	stream.indirect.gather [hbm4b:s4+s12], $0x80, s19, s12, $0xb8;
	[tilespmem:$0x1CC00] =	vst v63  }
0x108: {  	_ =	swait.ge [sflag:s15], $0x4000  }
0x109: {  	[sflag:s15] =	ssyncset.done $0x0  }
0x10a: {  	[sflag:s15] =	ssyncadd.s32 $0xFFFFC000  }
0x10b: {  	[spmem:s2] =	stream.indirect.scatter.add.f32 [tilespmem:s13], [sflag:$0x3], $0x80, s20, s12, $0xb8;
	[tilespmem:$0x1CC00] =	vst v63  }
0x10c: {  	_ =	swait.ge [sflag:s10], $0x4000  }
0x10d: {  	[sflag:s10] =	ssyncset.done $0x0  }
0x10e: {  	[sflag:s10] =	ssyncadd.s32 $0xFFFFC000  }
0x10f: {  	_ =	swait.ge [sflag:s16], $0x4000  }
0x110: {  	[sflag:s16] =	ssyncset.done $0x0  }
0x111: {  	[sflag:s16] =	ssyncadd.s32 $0xFFFFC000  }
0x112: {  	[spmem:s2] =	stream.indirect.scatter.add.f32 [tilespmem:s14], [sflag:$0x3], $0x80, s21, s12, $0xb8;
	[tilespmem:$0x1CC00] =	vst v63  }
0x113: {  	_ =	swait.ge [sflag:s10], $0x4000  }
0x114: {  	[sflag:s10] =	ssyncset.done $0x0  }
0x115: {  	[sflag:s10] =	ssyncadd.s32 $0xFFFFC000  }
0x116: {  	[tilespmem:s13], [sflag:$0x1] =	stream.indirect.gather [hbm4b:s4+s12], $0x80, s22, s12, $0xb8;
	[tilespmem:$0x1CC00] =	vst v63  }
0x117: {  	_ = 	snop  }
0x118: {  	[tilespmem:s14], [sflag:$0x2] =	stream.indirect.gather [hbm4b:s4+s12], $0x80, s23, s12, $0xb8;
	[tilespmem:$0x1CC00] =	vst v63  }
0x119: {  	_ =	swait.ge [sflag:s15], $0x4000  }
0x11a: {  	[sflag:s15] =	ssyncset.done $0x0  }
0x11b: {  	[sflag:s15] =	ssyncadd.s32 $0xFFFFC000  }
0x11c: {  	[spmem:s2] =	stream.indirect.scatter.add.f32 [tilespmem:s13], [sflag:$0x3], $0x80, s24, s12, $0xb8;
	[tilespmem:$0x1CC00] =	vst v63  }
0x11d: {  	_ =	swait.ge [sflag:s10], $0x4000  }
0x11e: {  	[sflag:s10] =	ssyncset.done $0x0  }
0x11f: {  	[sflag:s10] =	ssyncadd.s32 $0xFFFFC000  }
0x120: {  	_ =	swait.ge [sflag:s16], $0x4000  }
0x121: {  	[sflag:s16] =	ssyncset.done $0x0  }
0x122: {  	[sflag:s16] =	ssyncadd.s32 $0xFFFFC000  }
0x123: {  	[spmem:s2] =	stream.indirect.scatter.add.f32 [tilespmem:s14], [sflag:$0x3], $0x80, s25, s12, $0xb8;
	[tilespmem:$0x1CC00] =	vst v63  }
0x124: {  	_ =	swait.ge [sflag:s10], $0x4000  }
0x125: {  	[sflag:s10] =	ssyncset.done $0x0  }
0x126: {  	[sflag:s10] =	ssyncadd.s32 $0xFFFFC000  }
0x127: {  	[tilespmem:s13], [sflag:$0x1] =	stream.indirect.gather [hbm4b:s4+s12], $0x80, s26, s12, $0xb8;
	[tilespmem:$0x1CC00] =	vst v63  }
0x128: {  	_ = 	snop  }
0x129: {  	[tilespmem:s14], [sflag:$0x2] =	stream.indirect.gather [hbm4b:s4+s12], $0x80, s28, s12, $0xb8;
	[tilespmem:$0x1CC00] =	vst v63  }
0x12a: {  	_ =	swait.ge [sflag:s15], $0x4000  }
0x12b: {  	[sflag:s15] =	ssyncset.done $0x0  }
0x12c: {  	[sflag:s15] =	ssyncadd.s32 $0xFFFFC000  }
0x12d: {  	[spmem:s2] =	stream.indirect.scatter.add.f32 [tilespmem:s13], [sflag:$0x3], $0x80, s29, s12, $0xb8;
	[tilespmem:$0x1CC00] =	vst v63  }
0x12e: {  	_ =	swait.ge [sflag:s10], $0x4000  }
0x12f: {  	[sflag:s10] =	ssyncset.done $0x0  }
0x130: {  	[sflag:s10] =	ssyncadd.s32 $0xFFFFC000  }
0x131: {  	_ =	swait.ge [sflag:s16], $0x4000  }
0x132: {  	[sflag:s16] =	ssyncset.done $0x0  }
0x133: {  	[sflag:s16] =	ssyncadd.s32 $0xFFFFC000  }
0x134: {  	[spmem:s2] =	stream.indirect.scatter.add.f32 [tilespmem:s14], [sflag:$0x3], $0x80, s30, s12, $0xb8;
	[tilespmem:$0x1CC00] =	vst v63  }
0x135: {  	_ =	swait.ge [sflag:s10], $0x4000  }
0x136: {  	[sflag:s10] =	ssyncset.done $0x0  }
0x137: {  	[sflag:s10] =	ssyncadd.s32 $0xFFFFC000  }
0x138: {  	[tilespmem:s13], [sflag:$0x1] =	stream.indirect.gather [hbm4b:s4+s12], $0x80, s31, s12, $0xb8;
	[tilespmem:$0x1CC00] =	vst v63  }
0x139: {  	_ = 	snop  }
0x13a: {  	[tilespmem:s14], [sflag:$0x2] =	stream.indirect.gather [hbm4b:s4+s12], $0x80, s0, s12, $0xb8;
	[tilespmem:$0x1CC00] =	vst v63  }
0x13b: {  	_ =	swait.ge [sflag:s15], $0x4000  }
0x13c: {  	[sflag:s15] =	ssyncset.done $0x0  }
0x13d: {  	[sflag:s15] =	ssyncadd.s32 $0xFFFFC000  }
0x13e: {  	[spmem:s2] =	stream.indirect.scatter.add.f32 [tilespmem:s13], [sflag:$0x3], $0x80, s1, s12, $0xb8;
	[tilespmem:$0x1CC00] =	vst v63  }
0x13f: {  	_ =	swait.ge [sflag:s10], $0x4000  }
0x140: {  	[sflag:s10] =	ssyncset.done $0x0  }
0x141: {  	[sflag:s10] =	ssyncadd.s32 $0xFFFFC000  }
0x142: {  	p0 =	sne.s32 s6, $0x900;
	_ =	swait.ge [sflag:s16], $0x4000  }
.Ltmp0:
0x143: {  	[sflag:s16] =	ssyncset.done $0x0;
	(pc) =	sbr.rel @p0 .LBB2_2-.Ltmp0, $4  }
0x144: {  	[sflag:s16] =	ssyncadd.s32 $0xFFFFC000  }
0x145: {  	[spmem:s2] =	stream.indirect.scatter.add.f32 [tilespmem:s14], [sflag:$0x3], $0x80, s5, s12, $0xb8;
	[tilespmem:$0x1CC00] =	vst v63  }
0x146: {  	_ =	swait.ge [sflag:s10], $0x4000  }
0x147: {  	s6 =	sadd.s32 $0x100, s6;
	s9 =	rddreg [dreg:$0x4];
	[sflag:s10] =	ssyncset.done $0x0  }
0x148: {  	[sflag:s10] =	ssyncadd.s32 $0xFFFFC000;
	s6 =	sadd.s32 s8, s9  }
0x149: {  	[tilespmem:s3], [sflag:$0x3] =	stream.linear.gather [hbm4b:s6+s3], $0x800, $0x38;
	[tilespmem:$0x1CC00] =	vst v63  }
0x14a: {  	_ =	swait.ge [sflag:s10], $0x800  }
0x14b: {  	s7 =	rddreg [dreg:$0x5];
	[sflag:s10] =	ssyncset.done $0x0  }
0x14c: {  	[sflag:s10] =	ssyncadd.s32 $0xFFFFF800;
	s6 =	sadd.s32 s8, s7  }
0x14d: {  	[tilespmem:s11], [sflag:$0x3] =	stream.linear.gather [hbm4b:s6+s3], $0x800, $0x38;
	[tilespmem:$0x1CC00] =	vst v63  }
0x14e: {  	_ =	swait.ge [sflag:s10], $0x800  }
0x14f: {  	[sflag:s10] =	ssyncset.done $0x0  }
0x150: {  	[sflag:s10] =	ssyncadd.s32 $0xFFFFF800  }
0x151: {  	[tilespmem:s13], [sflag:$0x1] =	stream.indirect.gather [hbm4b:s4+s12], $0x80, s3, s12, $0xb8;
	[tilespmem:$0x1CC00] =	vst v63  }
0x152: {  	_ = 	snop  }
0x153: {  	[tilespmem:s14], [sflag:$0x2] =	stream.indirect.gather [hbm4b:s4+s12], $0x80, s12, s12, $0xb8;
	[tilespmem:$0x1CC00] =	vst v63  }
0x154: {  	_ =	swait.ge [sflag:s15], $0x4000  }
0x155: {  	[sflag:s15] =	ssyncset.done $0x0  }
0x156: {  	[sflag:s15] =	ssyncadd.s32 $0xFFFFC000  }
0x157: {  	[spmem:s2] =	stream.indirect.scatter.add.f32 [tilespmem:s13], [sflag:$0x3], $0x80, s11, s12, $0xb8;
	[tilespmem:$0x1CC00] =	vst v63  }
0x158: {  	_ =	swait.ge [sflag:s10], $0x4000  }
0x159: {  	[sflag:s10] =	ssyncset.done $0x0  }
0x15a: {  	[sflag:s10] =	ssyncadd.s32 $0xFFFFC000  }
0x15b: {  	_ =	swait.ge [sflag:s16], $0x4000  }
0x15c: {  	[sflag:s16] =	ssyncset.done $0x0  }
0x15d: {  	s8 =	rddreg [dreg:$0x6];
	[sflag:s16] =	ssyncadd.s32 $0xFFFFC000  }
0x15e: {  	[spmem:s2] =	stream.indirect.scatter.add.f32 [tilespmem:s14], [sflag:$0x3], $0x80, s8, s12, $0xb8;
	[tilespmem:$0x1CC00] =	vst v63  }
0x15f: {  	_ =	swait.ge [sflag:s10], $0x4000  }
0x160: {  	[sflag:s10] =	ssyncset.done $0x0  }
0x161: {  	s9 =	rddreg [dreg:$0x7];
	[sflag:s10] =	ssyncadd.s32 $0xFFFFC000  }
0x162: {  	[tilespmem:s13], [sflag:$0x1] =	stream.indirect.gather [hbm4b:s4+s12], $0x80, s9, s12, $0xb8;
	[tilespmem:$0x1CC00] =	vst v63  }
0x163: {  	s7 =	rddreg [dreg:$0x8]  }
0x164: {  	[tilespmem:s14], [sflag:$0x2] =	stream.indirect.gather [hbm4b:s4+s12], $0x80, s7, s12, $0xb8;
	[tilespmem:$0x1CC00] =	vst v63  }
0x165: {  	_ =	swait.ge [sflag:s15], $0x4000  }
0x166: {  	[sflag:s15] =	ssyncset.done $0x0  }
0x167: {  	s8 =	rddreg [dreg:$0x9];
	[sflag:s15] =	ssyncadd.s32 $0xFFFFC000  }
0x168: {  	[spmem:s2] =	stream.indirect.scatter.add.f32 [tilespmem:s13], [sflag:$0x3], $0x80, s8, s12, $0xb8;
	[tilespmem:$0x1CC00] =	vst v63  }
0x169: {  	_ =	swait.ge [sflag:s10], $0x4000  }
0x16a: {  	[sflag:s10] =	ssyncset.done $0x0  }
0x16b: {  	[sflag:s10] =	ssyncadd.s32 $0xFFFFC000  }
0x16c: {  	_ =	swait.ge [sflag:s16], $0x4000  }
0x16d: {  	[sflag:s16] =	ssyncset.done $0x0  }
0x16e: {  	s9 =	rddreg [dreg:$0xa];
	[sflag:s16] =	ssyncadd.s32 $0xFFFFC000  }
0x16f: {  	[spmem:s2] =	stream.indirect.scatter.add.f32 [tilespmem:s14], [sflag:$0x3], $0x80, s9, s12, $0xb8;
	[tilespmem:$0x1CC00] =	vst v63  }
0x170: {  	_ =	swait.ge [sflag:s10], $0x4000  }
0x171: {  	[sflag:s10] =	ssyncset.done $0x0  }
0x172: {  	s7 =	rddreg [dreg:$0xb];
	[sflag:s10] =	ssyncadd.s32 $0xFFFFC000  }
0x173: {  	[tilespmem:s13], [sflag:$0x1] =	stream.indirect.gather [hbm4b:s4+s12], $0x80, s7, s12, $0xb8;
	[tilespmem:$0x1CC00] =	vst v63  }
0x174: {  	s8 =	rddreg [dreg:$0xc]  }
0x175: {  	[tilespmem:s14], [sflag:$0x2] =	stream.indirect.gather [hbm4b:s4+s12], $0x80, s8, s12, $0xb8;
	[tilespmem:$0x1CC00] =	vst v63  }
0x176: {  	_ =	swait.ge [sflag:s15], $0x4000  }
0x177: {  	[sflag:s15] =	ssyncset.done $0x0  }
0x178: {  	s9 =	rddreg [dreg:$0xd];
	[sflag:s15] =	ssyncadd.s32 $0xFFFFC000  }
0x179: {  	[spmem:s2] =	stream.indirect.scatter.add.f32 [tilespmem:s13], [sflag:$0x3], $0x80, s9, s12, $0xb8;
	[tilespmem:$0x1CC00] =	vst v63  }
0x17a: {  	_ =	swait.ge [sflag:s10], $0x4000  }
0x17b: {  	[sflag:s10] =	ssyncset.done $0x0  }
0x17c: {  	[sflag:s10] =	ssyncadd.s32 $0xFFFFC000  }
0x17d: {  	_ =	swait.ge [sflag:s16], $0x4000  }
0x17e: {  	[sflag:s16] =	ssyncset.done $0x0  }
0x17f: {  	s7 =	rddreg [dreg:$0xe];
	[sflag:s16] =	ssyncadd.s32 $0xFFFFC000  }
0x180: {  	[spmem:s2] =	stream.indirect.scatter.add.f32 [tilespmem:s14], [sflag:$0x3], $0x80, s7, s12, $0xb8;
	[tilespmem:$0x1CC00] =	vst v63  }
0x181: {  	_ =	swait.ge [sflag:s10], $0x4000  }
0x182: {  	[sflag:s10] =	ssyncset.done $0x0  }
0x183: {  	s8 =	rddreg [dreg:$0xf];
	[sflag:s10] =	ssyncadd.s32 $0xFFFFC000  }
0x184: {  	[tilespmem:s13], [sflag:$0x1] =	stream.indirect.gather [hbm4b:s4+s12], $0x80, s8, s12, $0xb8;
	[tilespmem:$0x1CC00] =	vst v63  }
0x185: {  	s9 =	rddreg [dreg:$0x10]  }
0x186: {  	[tilespmem:s14], [sflag:$0x2] =	stream.indirect.gather [hbm4b:s4+s12], $0x80, s9, s12, $0xb8;
	[tilespmem:$0x1CC00] =	vst v63  }
0x187: {  	_ =	swait.ge [sflag:s15], $0x4000  }
0x188: {  	[sflag:s15] =	ssyncset.done $0x0  }
0x189: {  	s8 =	rddreg [dreg:$0x11];
	[sflag:s15] =	ssyncadd.s32 $0xFFFFC000  }
0x18a: {  	[spmem:s2] =	stream.indirect.scatter.add.f32 [tilespmem:s13], [sflag:$0x3], $0x80, s8, s12, $0xb8;
	[tilespmem:$0x1CC00] =	vst v63  }
0x18b: {  	_ =	swait.ge [sflag:s10], $0x4000  }
0x18c: {  	[sflag:s10] =	ssyncset.done $0x0  }
0x18d: {  	[sflag:s10] =	ssyncadd.s32 $0xFFFFC000  }
0x18e: {  	_ =	swait.ge [sflag:s16], $0x4000  }
0x18f: {  	[sflag:s16] =	ssyncset.done $0x0  }
0x190: {  	[sflag:s16] =	ssyncadd.s32 $0xFFFFC000  }
0x191: {  	[spmem:s2] =	stream.indirect.scatter.add.f32 [tilespmem:s14], [sflag:$0x3], $0x80, s17, s12, $0xb8;
	[tilespmem:$0x1CC00] =	vst v63  }
0x192: {  	_ =	swait.ge [sflag:s10], $0x4000  }
0x193: {  	[sflag:s10] =	ssyncset.done $0x0  }
0x194: {  	[sflag:s10] =	ssyncadd.s32 $0xFFFFC000  }
0x195: {  	[tilespmem:s13], [sflag:$0x1] =	stream.indirect.gather [hbm4b:s4+s12], $0x80, s18, s12, $0xb8;
	[tilespmem:$0x1CC00] =	vst v63  }
0x196: {  	_ = 	snop  }
0x197: {  	[tilespmem:s14], [sflag:$0x2] =	stream.indirect.gather [hbm4b:s4+s12], $0x80, s19, s12, $0xb8;
	[tilespmem:$0x1CC00] =	vst v63  }
0x198: {  	_ =	swait.ge [sflag:s15], $0x4000  }
0x199: {  	[sflag:s15] =	ssyncset.done $0x0  }
0x19a: {  	[sflag:s15] =	ssyncadd.s32 $0xFFFFC000  }
0x19b: {  	[spmem:s2] =	stream.indirect.scatter.add.f32 [tilespmem:s13], [sflag:$0x3], $0x80, s20, s12, $0xb8;
	[tilespmem:$0x1CC00] =	vst v63  }
0x19c: {  	_ =	swait.ge [sflag:s10], $0x4000  }
0x19d: {  	[sflag:s10] =	ssyncset.done $0x0  }
0x19e: {  	[sflag:s10] =	ssyncadd.s32 $0xFFFFC000  }
0x19f: {  	_ =	swait.ge [sflag:s16], $0x4000  }
0x1a0: {  	[sflag:s16] =	ssyncset.done $0x0  }
0x1a1: {  	[sflag:s16] =	ssyncadd.s32 $0xFFFFC000  }
0x1a2: {  	[spmem:s2] =	stream.indirect.scatter.add.f32 [tilespmem:s14], [sflag:$0x3], $0x80, s21, s12, $0xb8;
	[tilespmem:$0x1CC00] =	vst v63  }
0x1a3: {  	_ =	swait.ge [sflag:s10], $0x4000  }
0x1a4: {  	[sflag:s10] =	ssyncset.done $0x0  }
0x1a5: {  	[sflag:s10] =	ssyncadd.s32 $0xFFFFC000  }
0x1a6: {  	[tilespmem:s13], [sflag:$0x1] =	stream.indirect.gather [hbm4b:s4+s12], $0x80, s22, s12, $0xb8;
	[tilespmem:$0x1CC00] =	vst v63  }
0x1a7: {  	_ = 	snop  }
0x1a8: {  	[tilespmem:s14], [sflag:$0x2] =	stream.indirect.gather [hbm4b:s4+s12], $0x80, s23, s12, $0xb8;
	[tilespmem:$0x1CC00] =	vst v63  }
0x1a9: {  	_ =	swait.ge [sflag:s15], $0x4000  }
0x1aa: {  	[sflag:s15] =	ssyncset.done $0x0  }
0x1ab: {  	[sflag:s15] =	ssyncadd.s32 $0xFFFFC000  }
0x1ac: {  	[spmem:s2] =	stream.indirect.scatter.add.f32 [tilespmem:s13], [sflag:$0x3], $0x80, s24, s12, $0xb8;
	[tilespmem:$0x1CC00] =	vst v63  }
0x1ad: {  	_ =	swait.ge [sflag:s10], $0x4000  }
0x1ae: {  	[sflag:s10] =	ssyncset.done $0x0  }
0x1af: {  	[sflag:s10] =	ssyncadd.s32 $0xFFFFC000  }
0x1b0: {  	_ =	swait.ge [sflag:s16], $0x4000  }
0x1b1: {  	[sflag:s16] =	ssyncset.done $0x0  }
0x1b2: {  	[sflag:s16] =	ssyncadd.s32 $0xFFFFC000  }
0x1b3: {  	[spmem:s2] =	stream.indirect.scatter.add.f32 [tilespmem:s14], [sflag:$0x3], $0x80, s25, s12, $0xb8;
	[tilespmem:$0x1CC00] =	vst v63  }
0x1b4: {  	_ =	swait.ge [sflag:s10], $0x4000  }
0x1b5: {  	[sflag:s10] =	ssyncset.done $0x0  }
0x1b6: {  	[sflag:s10] =	ssyncadd.s32 $0xFFFFC000  }
0x1b7: {  	[tilespmem:s13], [sflag:$0x1] =	stream.indirect.gather [hbm4b:s4+s12], $0x80, s26, s12, $0xb8;
	[tilespmem:$0x1CC00] =	vst v63  }
0x1b8: {  	_ = 	snop  }
0x1b9: {  	[tilespmem:s14], [sflag:$0x2] =	stream.indirect.gather [hbm4b:s4+s12], $0x80, s28, s12, $0xb8;
	[tilespmem:$0x1CC00] =	vst v63  }
0x1ba: {  	_ =	swait.ge [sflag:s15], $0x4000  }
0x1bb: {  	[sflag:s15] =	ssyncset.done $0x0  }
0x1bc: {  	[sflag:s15] =	ssyncadd.s32 $0xFFFFC000  }
0x1bd: {  	[spmem:s2] =	stream.indirect.scatter.add.f32 [tilespmem:s13], [sflag:$0x3], $0x80, s29, s12, $0xb8;
	[tilespmem:$0x1CC00] =	vst v63  }
0x1be: {  	_ =	swait.ge [sflag:s10], $0x4000  }
0x1bf: {  	[sflag:s10] =	ssyncset.done $0x0  }
0x1c0: {  	[sflag:s10] =	ssyncadd.s32 $0xFFFFC000  }
0x1c1: {  	_ =	swait.ge [sflag:s16], $0x4000  }
0x1c2: {  	[sflag:s16] =	ssyncset.done $0x0  }
0x1c3: {  	[sflag:s16] =	ssyncadd.s32 $0xFFFFC000  }
0x1c4: {  	[spmem:s2] =	stream.indirect.scatter.add.f32 [tilespmem:s14], [sflag:$0x3], $0x80, s30, s12, $0xb8;
	[tilespmem:$0x1CC00] =	vst v63  }
0x1c5: {  	_ =	swait.ge [sflag:s10], $0x4000  }
0x1c6: {  	[sflag:s10] =	ssyncset.done $0x0  }
0x1c7: {  	[sflag:s10] =	ssyncadd.s32 $0xFFFFC000  }
0x1c8: {  	[tilespmem:s13], [sflag:$0x1] =	stream.indirect.gather [hbm4b:s4+s12], $0x80, s31, s12, $0xb8;
	[tilespmem:$0x1CC00] =	vst v63  }
0x1c9: {  	_ = 	snop  }
0x1ca: {  	[tilespmem:s14], [sflag:$0x2] =	stream.indirect.gather [hbm4b:s4+s12], $0x80, s0, s12, $0xb8;
	[tilespmem:$0x1CC00] =	vst v63  }
0x1cb: {  	_ =	swait.ge [sflag:s15], $0x4000  }
0x1cc: {  	[sflag:s15] =	ssyncset.done $0x0  }
0x1cd: {  	[sflag:s15] =	ssyncadd.s32 $0xFFFFC000  }
0x1ce: {  	[spmem:s2] =	stream.indirect.scatter.add.f32 [tilespmem:s13], [sflag:$0x3], $0x80, s1, s12, $0xb8;
	[tilespmem:$0x1CC00] =	vst v63  }
0x1cf: {  	_ =	swait.ge [sflag:s10], $0x4000  }
0x1d0: {  	[sflag:s10] =	ssyncset.done $0x0  }
0x1d1: {  	[sflag:s10] =	ssyncadd.s32 $0xFFFFC000  }
0x1d2: {  	_ =	swait.ge [sflag:s16], $0x4000  }
0x1d3: {  	[sflag:s16] =	ssyncset.done $0x0  }
0x1d4: {  	[sflag:s16] =	ssyncadd.s32 $0xFFFFC000  }
0x1d5: {  	[spmem:s2] =	stream.indirect.scatter.add.f32 [tilespmem:s14], [sflag:$0x3], $0x80, s5, s12, $0xb8;
	[tilespmem:$0x1CC00] =	vst v63  }
0x1d6: {  	_ =	swait.ge [sflag:s10], $0x4000  }
0x1d7: {  	[sflag:s10] =	ssyncset.done $0x0  }
0x1d8: {  	[sflag:s10] =	ssyncadd.s32 $0xFFFFC000  }
0x1d9: {  	[bflag:$0x0] =	sbarrier.arrive $0xFFFF  }
0x1da: {  	s7 =	rddreg [dreg:$0x13]  }
0x1db: {  	s9 =	rddreg [dreg:$0x14]  }
0x1dc: {  	s8 =	rddreg [dreg:$0x16]  }
0x1dd: {  	[hbm:s9], [sflag:s7] =	dma.local [spmem:s8], $0x2780  }
0x1de: {  	_ =	swait.ge [sflag:s10], $0x2780  }
0x1df: {  	s6 =	rddreg [dreg:$0x17]  }
0x1e0: {  	s9 =	sadd.s32 $0x1, s6;
	s6 =	rddreg [dreg:$0x15]  }
0x1e1: {  	p0 =	sne.s32 s9, s6  }
.Ltmp1:
0x1e2: {  	_ = 	snop;
	(pc) =	sbr.rel @p0 .LBB2_1-.Ltmp1, $3  }
0x1e3: {  	_ =	sdelay $0x1  }
0x1e4: {  	[sflag:s10] =	ssyncset.done $0x0  }
0x1e5: {  	[sflag:s10] =	ssyncadd.s32 $0xFFFFD880  }
0x1e6: {  	_ =	sfence.sel $0x180000  }
0x1e7: {  	[bflag:$0x0] =	sbarrier.arrive $0xFFFF  }
0x1e8: {  	_ =	strace $0x9000004D  }
0x1e9: {  	s0 =	stileid.u32;
	[bflag:$0x2] =	sbarrier.arrive $0xFFFF  }
0x1ea: {  	p0 =	sne.s32 s0, $0x0;
	s0 =	rddreg [dreg:$0x3]  }
0x1eb: {  	s0 =	sadd.s32 @!p0 $0x100000, s0  }
0x1ec: {  	[sflag:s0] =	ssyncadd.tile.s32 @!p0 $0x1;
	_ =	shalt  }
.Lfunc_end2:
_tile_overlayer_lowered:
.L_overlay_start_2:
0x1ed: {  	(tag) =	ssettag $0x2  }
0x1ee: {  	s0 =	rddreg [dreg:$0x0];
	s2 =	stileid.u32  }
0x1ef: {  	s1 =	rddreg [dreg:$0x1];
	p0 =	sne.s32 s2, $0x0  }
0x1f0: {  	s3 =	rddreg [dreg:$0x2];
	[bflag:$0x3] =	sbarrier.arrive $0xFFFF;
	s2 =	simm.s32 @!p0 $0x1C03  }
0x1f1: {  	[timem:s3], [sflag:s2] =	dma.local @!p0 [hbm:s0], s1  }
0x1f2: {  	s0 =	simm.s32 @!p0 $0x3  }
0x1f3: {  	_ =	swait.ge @!p0 [sflag:s0], s1  }
0x1f4: {  	s1 =	ssub.s32 @!p0 $0x0, s1;
	[sflag:s0] =	ssyncset.done @!p0 $0x0  }
0x1f5: {  	[sflag:s0] =	ssyncadd.s32 @!p0 s1  }
0x1f6: {  	[bflag:$0x3] =	sbarrier.arrive $0xFFFF  }
0x1f7: {  	_ =	shalt  }

// kernel: kernel.19.cloned.1.call-start
scs
__scs_entry_jumppad:
0x0: {  	(pc) =	sbr.rel $0x88, $3  }
0x1: {  	(tag) =	ssettag $0x0;
	lr =	simm.s32 $0x1  }
0x2: {  	[smem:$0x3F93] =	sst lr;
	_ =	strace $0xD0000000  }
0x3: {  	_ = 	snop  }
0x4: {  	_ = 	snop  }
0x5: {  	_ = 	snop  }
0x6: {  	_ = 	snop  }
0x7: {  	_ = 	snop  }
__scs_overlays_trampoline_lowered:
0x8: {  	[smem:$0x3FA2] =	sst s0  }
0x9: {  	[smem:$0x3FA3] =	sst s1  }
0xa: {  	[smem:$0x3FA4] =	sst s2  }
0xb: {  	[smem:$0x3FA5] =	sst s3  }
0xc: {  	[smem:$0x3FA6] =	sst s4  }
0xd: {  	[smem:$0x3FA7] =	sst s5  }
0xe: {  	[smem:$0x3FA8] =	sst s6  }
0xf: {  	[smem:$0x3FA9] =	sst s7  }
0x10: {  	[smem:$0x3FAA] =	sst s8  }
0x11: {  	[smem:$0x3FAB] =	sst s9;
	s0 =	simm.s32 @!p0 $0x0  }
0x12: {  	s1 =	sld [smem:$0x3F91];
	s0 =	simm.s32 @p0 $0x1  }
0x13: {  	[smem:$0x3FAC] =	sst s0;
	s0 =	simm.s32 @!p1 $0x0  }
0x14: {  	s2 =	sld [smem:$0x3F90];
	s0 =	simm.s32 @p1 $0x1  }
0x15: {  	[smem:$0x3FAD] =	sst s0;
	s0 =	simm.s32 @!p2 $0x0  }
0x16: {  	s3 =	sld [smem:$0x3FDB];
	s0 =	simm.s32 @p2 $0x1  }
0x17: {  	s4 =	simm.s32 $0x1BF5;
	[smem:$0x3FAF] =	sst s0  }
0x18: {  	s0 =	sld [smem:$0x3F92];
	_ =	swait.ge [sflag:s4], $0x0  }
0x19: {  	s7 =	sld [smem:$0x3F93]  }
0x1a: {  	s8 =	sadd.s32 $0xFFFFE003, lr  }
0x1b: {  	s9 =	sadd.s32 $0xFFFFFEF7, lr;
	s5 =	simm.s32 $0xFFFFFFFF;
	p2 =	slt.u32 s8, $0xFFFFF086  }
0x1c: {  	p1 =	slt.u32 s9, $0xF7A;
	s5 =	simm.s32 @!p2 $0x0  }
0x1d: {  	s5 =	simm.s32 @p1 $0x1;
	p0 =	seq.s32 s7, s2  }
0x1e: {  	s7 =	smul.u32 @!p0 $0xF7A, s2;
	p2 =	seq.s32 @!p0 s5, $0x0  }
0x1f: {  	s9 =	smul.u32 $0xF7A, s1;
	s8 =	simm.s32 @!p0 $0x1BF5;
	p2 =	por !p2, p0  }
0x20: {  	[sflag:s8] =	ssyncset.s32 @!p0 $0xFFFFF086;
	s6 =	sadd.s32 @!p0 s3, s7;
	s7 =	simm.s32 @!p0 $0x108  }
0x21: {  	s3 =	sadd.s32 s3, s9;
	s6 =	sadd.s32 @!p0 $0x88, s6;
	s7 =	simm.s32 @p2 $0x1082  }
0x22: {  	[simem:s7], [sflag:s8] =	dma.local @!p0 [hbm:s6], $0xF7A  }
0x23: {  	s9 =	sor.u32 $0xD0000000, s2;
	s6 =	simm.s32 $0x108;
	_ =	swait.ge @!p0 [sflag:s8], $0x0  }
0x24: {  	s3 =	sadd.s32 $0x88, s3;
	s6 =	simm.s32 @!p1 $0x1082;
	[sflag:s4] =	ssyncset.s32 $0xFFFFF086  }
0x25: {  	[simem:s6], [sflag:s4] =	dma.local [hbm:s3], $0xF7A  }
0x26: {  	[smem:$0x3F93] =	sst s1;
	(tag) =	ssettag s2;
	_ =	strace s9  }
0x27: {  	s1 =	sld [smem:$0x3FA3]  }
0x28: {  	s2 =	sld [smem:$0x3FA4]  }
0x29: {  	s4 =	sld [smem:$0x3FA6]  }
0x2a: {  	p0 =	seq.s32 s5, $0x0;
	s5 =	sld [smem:$0x3FA7]  }
0x2b: {  	s6 =	sld [smem:$0x3FA8]  }
0x2c: {  	s7 =	sld [smem:$0x3FA9]  }
0x2d: {  	s3 =	simm.s32 $0x108;
	s8 =	sld [smem:$0x3FAA]  }
0x2e: {  	s3 =	simm.s32 @!p0 $0x1082;
	s9 =	sld [smem:$0x3FAB]  }
0x2f: {  	lr =	sadd.s32 s0, s3;
	s0 =	sld [smem:$0x3FA2]  }
0x30: {  	s3 =	sld [smem:$0x3FA5]  }
0x31: {  	[smem:$0x3FAE] =	sst s10  }
0x32: {  	s10 =	sld [smem:$0x3FAC];
	_ =	sdelay $0x3  }
0x33: {  	p0 =	seq.s32 s10, $0x1;
	s10 =	sld [smem:$0x3FAE];
	_ =	sdelay $0x3  }
0x34: {  	[smem:$0x3FAE] =	sst s10  }
0x35: {  	s10 =	sld [smem:$0x3FAD];
	_ =	sdelay $0x3  }
0x36: {  	p1 =	seq.s32 s10, $0x1;
	s10 =	sld [smem:$0x3FAE];
	_ =	sdelay $0x3  }
0x37: {  	[smem:$0x3FAE] =	sst s10  }
0x38: {  	s10 =	sld [smem:$0x3FAF]  }
0x39: {  	_ = 	snop;
	(pc) =	sbr.ind lr, $3  }
0x3a: {  	_ = 	snop  }
0x3b: {  	_ = 	snop  }
0x3c: {  	p2 =	seq.s32 s10, $0x1;
	s10 =	sld [smem:$0x3FAE]  }
0x3d: {  	_ =	shalt  }
0x3e: {  	_ =	shalt  }
0x3f: {  	_ =	shalt  }
0x40: {  	_ =	shalt  }
0x41: {  	_ =	shalt  }
0x42: {  	_ =	shalt  }
0x43: {  	_ =	shalt  }
0x44: {  	_ =	shalt  }
0x45: {  	_ =	shalt  }
0x46: {  	_ =	shalt  }
0x47: {  	_ =	shalt  }
0x48: {  	_ =	shalt  }
0x49: {  	_ =	shalt  }
0x4a: {  	_ =	shalt  }
0x4b: {  	_ =	shalt  }
0x4c: {  	_ =	shalt  }
0x4d: {  	_ =	shalt  }
0x4e: {  	_ =	shalt  }
0x4f: {  	_ =	shalt  }
0x50: {  	_ =	shalt  }
0x51: {  	_ =	shalt  }
0x52: {  	_ =	shalt  }
0x53: {  	_ =	shalt  }
0x54: {  	_ =	shalt  }
0x55: {  	_ =	shalt  }
0x56: {  	_ =	shalt  }
0x57: {  	_ =	shalt  }
0x58: {  	_ =	shalt  }
0x59: {  	_ =	shalt  }
0x5a: {  	_ =	shalt  }
0x5b: {  	_ =	shalt  }
0x5c: {  	_ =	shalt  }
0x5d: {  	_ =	shalt  }
0x5e: {  	_ =	shalt  }
0x5f: {  	_ =	shalt  }
0x60: {  	_ =	shalt  }
0x61: {  	_ =	shalt  }
0x62: {  	_ =	shalt  }
0x63: {  	_ =	shalt  }
0x64: {  	_ =	shalt  }
0x65: {  	_ =	shalt  }
0x66: {  	_ =	shalt  }
0x67: {  	_ =	shalt  }
0x68: {  	_ =	shalt  }
0x69: {  	_ =	shalt  }
0x6a: {  	_ =	shalt  }
0x6b: {  	_ =	shalt  }
0x6c: {  	_ =	shalt  }
0x6d: {  	_ =	shalt  }
0x6e: {  	_ =	shalt  }
0x6f: {  	_ =	shalt  }
0x70: {  	_ =	shalt  }
0x71: {  	_ =	shalt  }
0x72: {  	_ =	shalt  }
0x73: {  	_ =	shalt  }
0x74: {  	_ =	shalt  }
0x75: {  	_ =	shalt  }
0x76: {  	_ =	shalt  }
0x77: {  	_ =	shalt  }
0x78: {  	_ =	shalt  }
0x79: {  	_ =	shalt  }
0x7a: {  	_ =	shalt  }
0x7b: {  	_ =	shalt  }
0x7c: {  	_ =	shalt  }
0x7d: {  	_ =	shalt  }
0x7e: {  	_ =	shalt  }
0x7f: {  	_ =	shalt  }
0x80: {  	_ =	shalt  }
0x81: {  	_ =	shalt  }
0x82: {  	_ =	shalt  }
0x83: {  	_ =	shalt  }
0x84: {  	_ =	shalt  }
0x85: {  	_ =	shalt  }
0x86: {  	_ =	shalt  }
0x87: {  	_ =	shalt  }
.Lfunc_end0:
.L_simem_size_0:
called_computation.3_lowered:
.L_overlay_start_0:
0x88: {  	s2 =	sld [smem:$0x3FD9]  }
0x89: {  	s3 =	sld [smem:$0x3FFE];
	_ =	sdelay $0x1  }
0x8a: {  	s1 =	srdreg.scid  }
0x8b: {  	s0 =	sand.u32 $0x1, s1  }
0x8c: {  	s16 =	sshll.u32 s0, $0xA;
	s2 =	sadd.s32 s3, s2  }
0x8d: {  	s2 =	sadd.s32 s2, s16  }
0x8e: {  	[smem:$0x3FBA] =	sst s2  }
0x8f: {  	_ = 	snop  }
0x90: {  	(tm) =	ssettm $0x1  }
0x91: {  	s17 =	sld [smem:$0x3FFB];
	_ =	sdelay $0x3  }
0x92: {  	_ =	strace s17  }
0x93: {  	s2 =	sld [smem:$0x3FFC];
	_ =	sdelay $0x3  }
0x94: {  	_ =	strace s2  }
0x95: {  	s2 =	sld [smem:$0x3FFD];
	_ =	sdelay $0x3  }
0x96: {  	_ =	strace s2  }
0x97: {  	_ =	strace $0x8FFFFFFF  }
0x98: {  	s18 =	sld [smem:$0x3FDB];
	_ =	sdelay $0x1  }
0x99: {  	s19 =	simm.s32 $_scs_section_size  }
0x9a: {  	s4 =	simm.s32 $_size__tile_overlayer_lowered;
	s5 =	simm.s32 $_tile_overlayer_lowered  }
0x9b: {  	s22 =	simm.s32 $0x1BFF;
	s21 =	sshll.u32 s5, $0x1;
	s2 =	sadd.s32 s19, s18  }
0x9c: {  	s6 =	simm.s32 $0x0;
	s20 =	sshll.u32 s4, $0x1;
	s4 =	sadd.s32 s21, s2  }
0x9d: {  	[timem:s6], [sflag:s22] =	dma.local [hbm:s4], s20  }
0x9e: {  	_ =	swait.ge [sflag:s22], s20  }
0x9f: {  	s3 =	ssub.s32 $0x0, s20;
	[sflag:s22] =	ssyncset.done $0x0  }
0xa0: {  	[sflag:s22] =	ssyncadd.s32 s3;
	_ =	sdelay $0x1  }
0xa1: {  	s23 =	simm.s32 $0x1B8B  }
0xa2: {  	_ =	swait.ge [sflag:s23], $0x1  }
0xa3: {  	[sflag:s23] =	ssyncset.done $0x0  }
0xa4: {  	s25 =	simm.s32 $0x1B8E;
	s24 =	sld [smem:$0x3FFE];
	[sflag:s23] =	ssyncadd.s32 $0xFFFFFFFF  }
0xa5: {  	s26 =	simm.s32 $execute0_lowered;
	[smem:$0x3FD2] =	sst s25  }
0xa6: {  	s4 =	sshll.u32 s26, $0x1;
	_ =	strace $0x8000004F;
	[dreg:$0x1] =	wrdreg $0xFFFFFFFF  }
0xa7: {  	s28 =	simm.s32 $_size_execute0_lowered;
	s2 =	sadd.s32 s2, s4;
	[dreg:$0x0] =	wrdreg $0x0  }
0xa8: {  	s4 =	sshll.u32 s28, $0x1;
	[dreg:$0x2] =	wrdreg s2  }
0xa9: {  	[dreg:$0x3] =	wrdreg s4  }
0xaa: {  	[dreg:$0x4] =	wrdreg $0xC0  }
0xab: {  	_ =	task [dreg:s6], $0x5FFFF  }
0xac: {  	[dreg:$0x1] =	wrdreg $0xFFFFFFFF  }
0xad: {  	[dreg:$0x0] =	wrdreg $0x60  }
0xae: {  	[dreg:$0x2] =	wrdreg s24  }
0xaf: {  	[dreg:$0x3] =	wrdreg $0x90000  }
0xb0: {  	[dreg:$0x4] =	wrdreg $0x9  }
0xb1: {  	_ =	task.clear_ibuf [dreg:s6], $0x5FFFF;
	_ =	strace $0x9000004F  }
0xb2: {  	s29 =	simm.s32 $0x9;
	_ =	strace $0x80000051  }
0xb3: {  	_ =	swait.ge [sflag:s29], $0x1  }
0xb4: {  	[sflag:s29] =	ssyncadd.s32 $0xFFFFFFFF  }
0xb5: {  	_ =	strace $0x90000051  }
0xb6: {  	_ =	sfence  }
0xb7: {  	s30 =	sld [smem:$0x0];
	_ =	sdelay $0x2  }
0xb8: {  	s31 =	sshll.u32 s1, $0xD;
	s1 =	sshrl.u32 s1, $0x2  }
0xb9: {  	s3 =	sand.u32 $0x4000, s31;
	s1 =	sadd.s32 s1, s30  }
0xba: {  	s0 =	sor.u32 s3, s0;
	s1 =	sshll.u32 s1, $0x11  }
0xbb: {  	s0 =	sor.u32 s1, s0  }
0xbc: {  	s0 =	sadd.s32 $0x8F2B, s0  }
0xbd: {  	[sflag:s0] =	ssyncadd.remote.s32 $0x1  }
0xbe: {  	_ =	sfence.sel $0xFFFF  }
0xbf: {  	[dreg:$0x0] =	wrdreg $0xFFFFFFFF;
	(pc) =	sbr.abs _section_cstart, $3  }
0xc0: {  	[dreg:$0x1] =	wrdreg $0xFFFFFFFF  }
0xc1: {  	_ =	task.clear_ibuf [dreg:s6], $0x2FFFF;
	_ =	strace $0x9FFFFFFF  }
0xc2: {  	(tm) =	ssettm $0x7FFFFFFF  }
0xc3: {  	_ =	shalt  }
tec
execute0_lowered:
.L_overlay_start_1:
0x0: {  	(tag) =	ssettag $0x1  }
0x1: {  	s0 =	srdreg.scid;
	s1 =	rddreg [dreg:$0x0]  }
0x2: {  	s9 =	stileid.u32;
	s2 =	rddreg [dreg:$0x1]  }
0x3: {  	s3 =	simm.s32 $0x0;
	s14 =	simm.s32 $0x880;
	s15 =	simm.s32 $0x100  }
0x4: {  	s17 =	simm.s32 $0x180;
	[smem:$0x7FF] =	sst s3;
	s10 =	sadd.s32 $0x66600, s1  }
0x5: {  	s18 =	simm.s32 $0x900;
	_ =	strace $0x80000050;
	[dreg:$0x11] =	wrdreg s10  }
0x6: {  	s19 =	simm.s32 $0x980;
	s20 =	simm.s32 $0x200;
	[dreg:$0x5] =	wrdreg s14  }
0x7: {  	s21 =	simm.s32 $0x280;
	s22 =	simm.s32 $0xA00;
	[dreg:$0x6] =	wrdreg s15  }
0x8: {  	s23 =	simm.s32 $0xA80;
	s24 =	simm.s32 $0x300;
	[dreg:$0x7] =	wrdreg s17  }
0x9: {  	s25 =	simm.s32 $0x380;
	s26 =	simm.s32 $0xB00;
	[dreg:$0x8] =	wrdreg s18  }
0xa: {  	s28 =	simm.s32 $0x680;
	s29 =	simm.s32 $0xE00;
	[dreg:$0x9] =	wrdreg s19  }
0xb: {  	s30 =	simm.s32 $0xE80;
	s4 =	smul.u32 $0x5000, s9;
	[dreg:$0xa] =	wrdreg s20  }
0xc: {  	s31 =	simm.s32 $0x700;
	s6 =	smul.u32 $0x2780, s9;
	[dreg:$0xb] =	wrdreg s21  }
0xd: {  	s0 =	sand.u32 $0x1, s0;
	s12 =	smul.u32 $0x4F000, s9;
	[dreg:$0xc] =	wrdreg s22  }
0xe: {  	s16 =	sshll.u32 s9, $0x6;
	s5 =	smul.u32 $0x2800, s0;
	[dreg:$0xd] =	wrdreg s23  }
0xf: {  	s9 =	simm.s32 $0x0;
	s8 =	smul.u32 $0x27800, s0;
	[dreg:$0xe] =	wrdreg s24  }
0x10: {  	s0 =	ssub.s32 $0x2, s0;
	s10 =	simm.s32 $0x3;
	[dreg:$0xf] =	wrdreg s25  }
0x11: {  	s14 =	simm.s32 $0x5000;
	s15 =	simm.s32 $0x1;
	[dreg:$0x10] =	wrdreg s26  }
0x12: {  	s17 =	simm.s32 $0xB80;
	s18 =	simm.s32 $0x400;
	s19 =	simm.s32 $0x480  }
0x13: {  	s20 =	simm.s32 $0xC00;
	s21 =	simm.s32 $0xC80;
	s22 =	simm.s32 $0x500  }
0x14: {  	s23 =	simm.s32 $0x580;
	s24 =	simm.s32 $0xD00;
	s25 =	simm.s32 $0xD80  }
0x15: {  	s26 =	simm.s32 $0x600;
	s11 =	sshrl.u32 s0, $0x1;
	s4 =	sadd.s32 s5, s4  }
0x16: {  	s5 =	sadd.s32 s6, s8;
	s0 =	ssub.s32 s0, s11;
	s6 =	sshrl.u32 s12, $0x2  }
0x17: {  	s11 =	simm.s32 $0x800;
	s12 =	simm.s32 $0x80;
	s7 =	sshrl.u32 s4, $0x3  }
0x18: {  	s4 =	sadd.s32 $0x17600, s1;
	s0 =	smax.u32 s0, $0x1;
	s7 =	sadd.s32 s7, s1  }
0x19: {  	s6 =	sadd.s32 s6, s2;
	[dreg:$0x14] =	wrdreg s0;
	s8 =	sadd.s32 $0x3600, s7  }
0x1a: {  	s1 =	sadd.s32 s5, s1;
	s13 =	sadd.s32 $0xD600, s7;
	[dreg:$0x3] =	wrdreg s8  }
0x1b: {  	s0 =	simm.s32 $0xF00;
	s1 =	sadd.s32 $0x68E00, s1;
	[dreg:$0x4] =	wrdreg s13  }
0x1c: {  	s5 =	simm.s32 $0xF80;
	s7 =	sor.u32 $0x1C03, s16;
	[dreg:$0x13] =	wrdreg s1  }
0x1d: {  	s16 =	simm.s32 $0x2;
	s8 =	sshrl.u32 s6, $0x3;
	[dreg:$0x12] =	wrdreg s7  }
0x1e: {  	s13 =	simm.s32 $0x1000;
	s1 =	simm.s32 $0x780;
	[dreg:$0x15] =	wrdreg s8  }
.LBB2_1:
0x1f: {  	[dreg:$0x16] =	wrdreg s9  }
0x20: {  	s6 =	rddreg [dreg:$0x11]  }
0x21: {  	[spmem:s8], [sflag:s7] =	dma.local [hbm:s6], $0x2780  }
0x22: {  	_ =	swait.ge [sflag:s10], $0x2780  }
0x23: {  	[sflag:s10] =	ssyncset.done $0x0  }
0x24: {  	[sflag:s10] =	ssyncadd.s32 $0xFFFFD880  }
0x25: {  	[bflag:$0x0] =	sbarrier.arrive $0xFFFF  }
0x26: {  	s9 =	rddreg [dreg:$0x4]  }
0x27: {  	s6 =	sadd.s32 $0x0, s9  }
0x28: {  	[tilespmem:s3], [sflag:$0x3] =	stream.linear.gather [hbm4b:s6+s3], $0x800, $0x38;
	[tilespmem:$0x1CC00] =	vst v63  }
0x29: {  	_ =	swait.ge [sflag:s10], $0x800  }
0x2a: {  	s7 =	rddreg [dreg:$0x3];
	[sflag:s10] =	ssyncset.done $0x0  }
0x2b: {  	[sflag:s10] =	ssyncadd.s32 $0xFFFFF800;
	s6 =	sadd.s32 $0x0, s7  }
0x2c: {  	[tilespmem:s11], [sflag:$0x3] =	stream.linear.gather [hbm4b:s6+s3], $0x800, $0x38;
	[tilespmem:$0x1CC00] =	vst v63  }
0x2d: {  	_ =	swait.ge [sflag:s10], $0x800  }
0x2e: {  	[sflag:s10] =	ssyncset.done $0x0  }
0x2f: {  	[sflag:s10] =	ssyncadd.s32 $0xFFFFF800  }
0x30: {  	[tilespmem:s13], [sflag:$0x1] =	stream.indirect.gather [hbm4b:s4+s12], $0x80, s3, s12, $0xb8;
	[tilespmem:$0x1CC00] =	vst v63  }
0x31: {  	_ = 	snop  }
0x32: {  	[tilespmem:s14], [sflag:$0x2] =	stream.indirect.gather [hbm4b:s4+s12], $0x80, s12, s12, $0xb8;
	[tilespmem:$0x1CC00] =	vst v63  }
0x33: {  	_ =	swait.ge [sflag:s15], $0x4000  }
0x34: {  	[sflag:s15] =	ssyncset.done $0x0  }
0x35: {  	[sflag:s15] =	ssyncadd.s32 $0xFFFFC000  }
0x36: {  	[spmem:s2] =	stream.indirect.scatter.add.f32 [tilespmem:s13], [sflag:$0x3], $0x80, s11, s12, $0xb8;
	[tilespmem:$0x1CC00] =	vst v63  }
0x37: {  	_ =	swait.ge [sflag:s10], $0x4000  }
0x38: {  	[sflag:s10] =	ssyncset.done $0x0  }
0x39: {  	[sflag:s10] =	ssyncadd.s32 $0xFFFFC000  }
0x3a: {  	_ =	swait.ge [sflag:s16], $0x4000  }
0x3b: {  	[sflag:s16] =	ssyncset.done $0x0  }
0x3c: {  	s8 =	rddreg [dreg:$0x5];
	[sflag:s16] =	ssyncadd.s32 $0xFFFFC000  }
0x3d: {  	[spmem:s2] =	stream.indirect.scatter.add.f32 [tilespmem:s14], [sflag:$0x3], $0x80, s8, s12, $0xb8;
	[tilespmem:$0x1CC00] =	vst v63  }
0x3e: {  	_ =	swait.ge [sflag:s10], $0x4000  }
0x3f: {  	[sflag:s10] =	ssyncset.done $0x0  }
0x40: {  	s9 =	rddreg [dreg:$0x6];
	[sflag:s10] =	ssyncadd.s32 $0xFFFFC000  }
0x41: {  	[tilespmem:s13], [sflag:$0x1] =	stream.indirect.gather [hbm4b:s4+s12], $0x80, s9, s12, $0xb8;
	[tilespmem:$0x1CC00] =	vst v63  }
0x42: {  	s7 =	rddreg [dreg:$0x7]  }
0x43: {  	[tilespmem:s14], [sflag:$0x2] =	stream.indirect.gather [hbm4b:s4+s12], $0x80, s7, s12, $0xb8;
	[tilespmem:$0x1CC00] =	vst v63  }
0x44: {  	_ =	swait.ge [sflag:s15], $0x4000  }
0x45: {  	[sflag:s15] =	ssyncset.done $0x0  }
0x46: {  	s9 =	rddreg [dreg:$0x8];
	[sflag:s15] =	ssyncadd.s32 $0xFFFFC000  }
0x47: {  	[spmem:s2] =	stream.indirect.scatter.add.f32 [tilespmem:s13], [sflag:$0x3], $0x80, s9, s12, $0xb8;
	[tilespmem:$0x1CC00] =	vst v63  }
0x48: {  	_ =	swait.ge [sflag:s10], $0x4000  }
0x49: {  	[sflag:s10] =	ssyncset.done $0x0  }
0x4a: {  	[sflag:s10] =	ssyncadd.s32 $0xFFFFC000  }
0x4b: {  	_ =	swait.ge [sflag:s16], $0x4000  }
0x4c: {  	[sflag:s16] =	ssyncset.done $0x0  }
0x4d: {  	s7 =	rddreg [dreg:$0x9];
	[sflag:s16] =	ssyncadd.s32 $0xFFFFC000  }
0x4e: {  	[spmem:s2] =	stream.indirect.scatter.add.f32 [tilespmem:s14], [sflag:$0x3], $0x80, s7, s12, $0xb8;
	[tilespmem:$0x1CC00] =	vst v63  }
0x4f: {  	_ =	swait.ge [sflag:s10], $0x4000  }
0x50: {  	[sflag:s10] =	ssyncset.done $0x0  }
0x51: {  	s8 =	rddreg [dreg:$0xa];
	[sflag:s10] =	ssyncadd.s32 $0xFFFFC000  }
0x52: {  	[tilespmem:s13], [sflag:$0x1] =	stream.indirect.gather [hbm4b:s4+s12], $0x80, s8, s12, $0xb8;
	[tilespmem:$0x1CC00] =	vst v63  }
0x53: {  	s9 =	rddreg [dreg:$0xb]  }
0x54: {  	[tilespmem:s14], [sflag:$0x2] =	stream.indirect.gather [hbm4b:s4+s12], $0x80, s9, s12, $0xb8;
	[tilespmem:$0x1CC00] =	vst v63  }
0x55: {  	_ =	swait.ge [sflag:s15], $0x4000  }
0x56: {  	[sflag:s15] =	ssyncset.done $0x0  }
0x57: {  	s7 =	rddreg [dreg:$0xc];
	[sflag:s15] =	ssyncadd.s32 $0xFFFFC000  }
0x58: {  	[spmem:s2] =	stream.indirect.scatter.add.f32 [tilespmem:s13], [sflag:$0x3], $0x80, s7, s12, $0xb8;
	[tilespmem:$0x1CC00] =	vst v63  }
0x59: {  	_ =	swait.ge [sflag:s10], $0x4000  }
0x5a: {  	[sflag:s10] =	ssyncset.done $0x0  }
0x5b: {  	[sflag:s10] =	ssyncadd.s32 $0xFFFFC000  }
0x5c: {  	_ =	swait.ge [sflag:s16], $0x4000  }
0x5d: {  	[sflag:s16] =	ssyncset.done $0x0  }
0x5e: {  	s8 =	rddreg [dreg:$0xd];
	[sflag:s16] =	ssyncadd.s32 $0xFFFFC000  }
0x5f: {  	[spmem:s2] =	stream.indirect.scatter.add.f32 [tilespmem:s14], [sflag:$0x3], $0x80, s8, s12, $0xb8;
	[tilespmem:$0x1CC00] =	vst v63  }
0x60: {  	_ =	swait.ge [sflag:s10], $0x4000  }
0x61: {  	[sflag:s10] =	ssyncset.done $0x0  }
0x62: {  	s9 =	rddreg [dreg:$0xe];
	[sflag:s10] =	ssyncadd.s32 $0xFFFFC000  }
0x63: {  	[tilespmem:s13], [sflag:$0x1] =	stream.indirect.gather [hbm4b:s4+s12], $0x80, s9, s12, $0xb8;
	[tilespmem:$0x1CC00] =	vst v63  }
0x64: {  	s7 =	rddreg [dreg:$0xf]  }
0x65: {  	[tilespmem:s14], [sflag:$0x2] =	stream.indirect.gather [hbm4b:s4+s12], $0x80, s7, s12, $0xb8;
	[tilespmem:$0x1CC00] =	vst v63  }
0x66: {  	_ =	swait.ge [sflag:s15], $0x4000  }
0x67: {  	[sflag:s15] =	ssyncset.done $0x0  }
0x68: {  	s9 =	rddreg [dreg:$0x10];
	[sflag:s15] =	ssyncadd.s32 $0xFFFFC000  }
0x69: {  	[spmem:s2] =	stream.indirect.scatter.add.f32 [tilespmem:s13], [sflag:$0x3], $0x80, s9, s12, $0xb8;
	[tilespmem:$0x1CC00] =	vst v63  }
0x6a: {  	_ =	swait.ge [sflag:s10], $0x4000  }
0x6b: {  	[sflag:s10] =	ssyncset.done $0x0  }
0x6c: {  	[sflag:s10] =	ssyncadd.s32 $0xFFFFC000  }
0x6d: {  	_ =	swait.ge [sflag:s16], $0x4000  }
0x6e: {  	[sflag:s16] =	ssyncset.done $0x0  }
0x6f: {  	[sflag:s16] =	ssyncadd.s32 $0xFFFFC000  }
0x70: {  	[spmem:s2] =	stream.indirect.scatter.add.f32 [tilespmem:s14], [sflag:$0x3], $0x80, s17, s12, $0xb8;
	[tilespmem:$0x1CC00] =	vst v63  }
0x71: {  	_ =	swait.ge [sflag:s10], $0x4000  }
0x72: {  	[sflag:s10] =	ssyncset.done $0x0  }
0x73: {  	[sflag:s10] =	ssyncadd.s32 $0xFFFFC000  }
0x74: {  	[tilespmem:s13], [sflag:$0x1] =	stream.indirect.gather [hbm4b:s4+s12], $0x80, s18, s12, $0xb8;
	[tilespmem:$0x1CC00] =	vst v63  }
0x75: {  	_ = 	snop  }
0x76: {  	[tilespmem:s14], [sflag:$0x2] =	stream.indirect.gather [hbm4b:s4+s12], $0x80, s19, s12, $0xb8;
	[tilespmem:$0x1CC00] =	vst v63  }
0x77: {  	_ =	swait.ge [sflag:s15], $0x4000  }
0x78: {  	[sflag:s15] =	ssyncset.done $0x0  }
0x79: {  	[sflag:s15] =	ssyncadd.s32 $0xFFFFC000  }
0x7a: {  	[spmem:s2] =	stream.indirect.scatter.add.f32 [tilespmem:s13], [sflag:$0x3], $0x80, s20, s12, $0xb8;
	[tilespmem:$0x1CC00] =	vst v63  }
0x7b: {  	_ =	swait.ge [sflag:s10], $0x4000  }
0x7c: {  	[sflag:s10] =	ssyncset.done $0x0  }
0x7d: {  	[sflag:s10] =	ssyncadd.s32 $0xFFFFC000  }
0x7e: {  	_ =	swait.ge [sflag:s16], $0x4000  }
0x7f: {  	[sflag:s16] =	ssyncset.done $0x0  }
0x80: {  	[sflag:s16] =	ssyncadd.s32 $0xFFFFC000  }
0x81: {  	[spmem:s2] =	stream.indirect.scatter.add.f32 [tilespmem:s14], [sflag:$0x3], $0x80, s21, s12, $0xb8;
	[tilespmem:$0x1CC00] =	vst v63  }
0x82: {  	_ =	swait.ge [sflag:s10], $0x4000  }
0x83: {  	[sflag:s10] =	ssyncset.done $0x0  }
0x84: {  	[sflag:s10] =	ssyncadd.s32 $0xFFFFC000  }
0x85: {  	[tilespmem:s13], [sflag:$0x1] =	stream.indirect.gather [hbm4b:s4+s12], $0x80, s22, s12, $0xb8;
	[tilespmem:$0x1CC00] =	vst v63  }
0x86: {  	_ = 	snop  }
0x87: {  	[tilespmem:s14], [sflag:$0x2] =	stream.indirect.gather [hbm4b:s4+s12], $0x80, s23, s12, $0xb8;
	[tilespmem:$0x1CC00] =	vst v63  }
0x88: {  	_ =	swait.ge [sflag:s15], $0x4000  }
0x89: {  	[sflag:s15] =	ssyncset.done $0x0  }
0x8a: {  	[sflag:s15] =	ssyncadd.s32 $0xFFFFC000  }
0x8b: {  	[spmem:s2] =	stream.indirect.scatter.add.f32 [tilespmem:s13], [sflag:$0x3], $0x80, s24, s12, $0xb8;
	[tilespmem:$0x1CC00] =	vst v63  }
0x8c: {  	_ =	swait.ge [sflag:s10], $0x4000  }
0x8d: {  	[sflag:s10] =	ssyncset.done $0x0  }
0x8e: {  	[sflag:s10] =	ssyncadd.s32 $0xFFFFC000  }
0x8f: {  	_ =	swait.ge [sflag:s16], $0x4000  }
0x90: {  	[sflag:s16] =	ssyncset.done $0x0  }
0x91: {  	[sflag:s16] =	ssyncadd.s32 $0xFFFFC000  }
0x92: {  	[spmem:s2] =	stream.indirect.scatter.add.f32 [tilespmem:s14], [sflag:$0x3], $0x80, s25, s12, $0xb8;
	[tilespmem:$0x1CC00] =	vst v63  }
0x93: {  	_ =	swait.ge [sflag:s10], $0x4000  }
0x94: {  	[sflag:s10] =	ssyncset.done $0x0  }
0x95: {  	[sflag:s10] =	ssyncadd.s32 $0xFFFFC000  }
0x96: {  	[tilespmem:s13], [sflag:$0x1] =	stream.indirect.gather [hbm4b:s4+s12], $0x80, s26, s12, $0xb8;
	[tilespmem:$0x1CC00] =	vst v63  }
0x97: {  	_ = 	snop  }
0x98: {  	[tilespmem:s14], [sflag:$0x2] =	stream.indirect.gather [hbm4b:s4+s12], $0x80, s28, s12, $0xb8;
	[tilespmem:$0x1CC00] =	vst v63  }
0x99: {  	_ =	swait.ge [sflag:s15], $0x4000  }
0x9a: {  	[sflag:s15] =	ssyncset.done $0x0  }
0x9b: {  	[sflag:s15] =	ssyncadd.s32 $0xFFFFC000  }
0x9c: {  	[spmem:s2] =	stream.indirect.scatter.add.f32 [tilespmem:s13], [sflag:$0x3], $0x80, s29, s12, $0xb8;
	[tilespmem:$0x1CC00] =	vst v63  }
0x9d: {  	_ =	swait.ge [sflag:s10], $0x4000  }
0x9e: {  	[sflag:s10] =	ssyncset.done $0x0  }
0x9f: {  	[sflag:s10] =	ssyncadd.s32 $0xFFFFC000  }
0xa0: {  	_ =	swait.ge [sflag:s16], $0x4000  }
0xa1: {  	[sflag:s16] =	ssyncset.done $0x0  }
0xa2: {  	[sflag:s16] =	ssyncadd.s32 $0xFFFFC000  }
0xa3: {  	[spmem:s2] =	stream.indirect.scatter.add.f32 [tilespmem:s14], [sflag:$0x3], $0x80, s30, s12, $0xb8;
	[tilespmem:$0x1CC00] =	vst v63  }
0xa4: {  	_ =	swait.ge [sflag:s10], $0x4000  }
0xa5: {  	[sflag:s10] =	ssyncset.done $0x0  }
0xa6: {  	[sflag:s10] =	ssyncadd.s32 $0xFFFFC000  }
0xa7: {  	[tilespmem:s13], [sflag:$0x1] =	stream.indirect.gather [hbm4b:s4+s12], $0x80, s31, s12, $0xb8;
	[tilespmem:$0x1CC00] =	vst v63  }
0xa8: {  	_ = 	snop  }
0xa9: {  	[tilespmem:s14], [sflag:$0x2] =	stream.indirect.gather [hbm4b:s4+s12], $0x80, s1, s12, $0xb8;
	[tilespmem:$0x1CC00] =	vst v63  }
0xaa: {  	_ =	swait.ge [sflag:s15], $0x4000  }
0xab: {  	[sflag:s15] =	ssyncset.done $0x0  }
0xac: {  	[sflag:s15] =	ssyncadd.s32 $0xFFFFC000  }
0xad: {  	[spmem:s2] =	stream.indirect.scatter.add.f32 [tilespmem:s13], [sflag:$0x3], $0x80, s0, s12, $0xb8;
	[tilespmem:$0x1CC00] =	vst v63  }
0xae: {  	_ =	swait.ge [sflag:s10], $0x4000  }
0xaf: {  	[sflag:s10] =	ssyncset.done $0x0  }
0xb0: {  	[sflag:s10] =	ssyncadd.s32 $0xFFFFC000  }
0xb1: {  	_ =	swait.ge [sflag:s16], $0x4000  }
0xb2: {  	[sflag:s16] =	ssyncset.done $0x0  }
0xb3: {  	[sflag:s16] =	ssyncadd.s32 $0xFFFFC000  }
0xb4: {  	[spmem:s2] =	stream.indirect.scatter.add.f32 [tilespmem:s14], [sflag:$0x3], $0x80, s5, s12, $0xb8;
	[tilespmem:$0x1CC00] =	vst v63  }
0xb5: {  	s6 =	simm.s32 $0x200;
	_ =	swait.ge [sflag:s10], $0x4000  }
0xb6: {  	s8 =	simm.s32 $0x100;
	s9 =	rddreg [dreg:$0x4];
	[sflag:s10] =	ssyncset.done $0x0  }
.LBB2_2:
0xb7: {  	[sflag:s10] =	ssyncadd.s32 $0xFFFFC000;
	s9 =	sadd.s32 s8, s9  }
0xb8: {  	[tilespmem:s3], [sflag:$0x3] =	stream.linear.gather [hbm4b:s9+s3], $0x800, $0x38;
	[tilespmem:$0x1CC00] =	vst v63  }
0xb9: {  	_ =	swait.ge [sflag:s10], $0x800  }
0xba: {  	s9 =	rddreg [dreg:$0x3];
	[sflag:s10] =	ssyncset.done $0x0  }
0xbb: {  	[sflag:s10] =	ssyncadd.s32 $0xFFFFF800;
	s9 =	sadd.s32 s8, s9  }
0xbc: {  	[tilespmem:s11], [sflag:$0x3] =	stream.linear.gather [hbm4b:s9+s3], $0x800, $0x38;
	[tilespmem:$0x1CC00] =	vst v63  }
0xbd: {  	_ =	swait.ge [sflag:s10], $0x800  }
0xbe: {  	[sflag:s10] =	ssyncset.done $0x0  }
0xbf: {  	[sflag:s10] =	ssyncadd.s32 $0xFFFFF800  }
0xc0: {  	[tilespmem:s13], [sflag:$0x1] =	stream.indirect.gather [hbm4b:s4+s12], $0x80, s3, s12, $0xb8;
	[tilespmem:$0x1CC00] =	vst v63  }
0xc1: {  	_ = 	snop  }
0xc2: {  	[tilespmem:s14], [sflag:$0x2] =	stream.indirect.gather [hbm4b:s4+s12], $0x80, s12, s12, $0xb8;
	[tilespmem:$0x1CC00] =	vst v63  }
0xc3: {  	_ =	swait.ge [sflag:s15], $0x4000  }
0xc4: {  	[sflag:s15] =	ssyncset.done $0x0  }
0xc5: {  	[sflag:s15] =	ssyncadd.s32 $0xFFFFC000  }
0xc6: {  	[spmem:s2] =	stream.indirect.scatter.add.f32 [tilespmem:s13], [sflag:$0x3], $0x80, s11, s12, $0xb8;
	[tilespmem:$0x1CC00] =	vst v63  }
0xc7: {  	_ =	swait.ge [sflag:s10], $0x4000  }
0xc8: {  	[sflag:s10] =	ssyncset.done $0x0  }
0xc9: {  	[sflag:s10] =	ssyncadd.s32 $0xFFFFC000  }
0xca: {  	_ =	swait.ge [sflag:s16], $0x4000  }
0xcb: {  	[sflag:s16] =	ssyncset.done $0x0  }
0xcc: {  	s9 =	rddreg [dreg:$0x5];
	[sflag:s16] =	ssyncadd.s32 $0xFFFFC000  }
0xcd: {  	[spmem:s2] =	stream.indirect.scatter.add.f32 [tilespmem:s14], [sflag:$0x3], $0x80, s9, s12, $0xb8;
	[tilespmem:$0x1CC00] =	vst v63  }
0xce: {  	_ =	swait.ge [sflag:s10], $0x4000  }
0xcf: {  	s7 =	smov.u32 s6;
	[sflag:s10] =	ssyncset.done $0x0  }
0xd0: {  	s8 =	smov.u32 s7;
	s7 =	rddreg [dreg:$0x6];
	[sflag:s10] =	ssyncadd.s32 $0xFFFFC000  }
0xd1: {  	[tilespmem:s13], [sflag:$0x1] =	stream.indirect.gather [hbm4b:s4+s12], $0x80, s7, s12, $0xb8;
	[tilespmem:$0x1CC00] =	vst v63  }
0xd2: {  	s9 =	rddreg [dreg:$0x7]  }
0xd3: {  	[tilespmem:s14], [sflag:$0x2] =	stream.indirect.gather [hbm4b:s4+s12], $0x80, s9, s12, $0xb8;
	[tilespmem:$0x1CC00] =	vst v63  }
0xd4: {  	_ =	swait.ge [sflag:s15], $0x4000  }
0xd5: {  	[sflag:s15] =	ssyncset.done $0x0  }
0xd6: {  	s9 =	rddreg [dreg:$0x8];
	[sflag:s15] =	ssyncadd.s32 $0xFFFFC000  }
0xd7: {  	[spmem:s2] =	stream.indirect.scatter.add.f32 [tilespmem:s13], [sflag:$0x3], $0x80, s9, s12, $0xb8;
	[tilespmem:$0x1CC00] =	vst v63  }
0xd8: {  	_ =	swait.ge [sflag:s10], $0x4000  }
0xd9: {  	[sflag:s10] =	ssyncset.done $0x0  }
0xda: {  	[sflag:s10] =	ssyncadd.s32 $0xFFFFC000  }
0xdb: {  	_ =	swait.ge [sflag:s16], $0x4000  }
0xdc: {  	[sflag:s16] =	ssyncset.done $0x0  }
0xdd: {  	s9 =	rddreg [dreg:$0x9];
	[sflag:s16] =	ssyncadd.s32 $0xFFFFC000  }
0xde: {  	[spmem:s2] =	stream.indirect.scatter.add.f32 [tilespmem:s14], [sflag:$0x3], $0x80, s9, s12, $0xb8;
	[tilespmem:$0x1CC00] =	vst v63  }
0xdf: {  	_ =	swait.ge [sflag:s10], $0x4000  }
0xe0: {  	[sflag:s10] =	ssyncset.done $0x0  }
0xe1: {  	s7 =	rddreg [dreg:$0xa];
	[sflag:s10] =	ssyncadd.s32 $0xFFFFC000  }
0xe2: {  	[tilespmem:s13], [sflag:$0x1] =	stream.indirect.gather [hbm4b:s4+s12], $0x80, s7, s12, $0xb8;
	[tilespmem:$0x1CC00] =	vst v63  }
0xe3: {  	s9 =	rddreg [dreg:$0xb]  }
0xe4: {  	[tilespmem:s14], [sflag:$0x2] =	stream.indirect.gather [hbm4b:s4+s12], $0x80, s9, s12, $0xb8;
	[tilespmem:$0x1CC00] =	vst v63  }
0xe5: {  	_ =	swait.ge [sflag:s15], $0x4000  }
0xe6: {  	[sflag:s15] =	ssyncset.done $0x0  }
0xe7: {  	s9 =	rddreg [dreg:$0xc];
	[sflag:s15] =	ssyncadd.s32 $0xFFFFC000  }
0xe8: {  	[spmem:s2] =	stream.indirect.scatter.add.f32 [tilespmem:s13], [sflag:$0x3], $0x80, s9, s12, $0xb8;
	[tilespmem:$0x1CC00] =	vst v63  }
0xe9: {  	_ =	swait.ge [sflag:s10], $0x4000  }
0xea: {  	[sflag:s10] =	ssyncset.done $0x0  }
0xeb: {  	[sflag:s10] =	ssyncadd.s32 $0xFFFFC000  }
0xec: {  	_ =	swait.ge [sflag:s16], $0x4000  }
0xed: {  	[sflag:s16] =	ssyncset.done $0x0  }
0xee: {  	s9 =	rddreg [dreg:$0xd];
	[sflag:s16] =	ssyncadd.s32 $0xFFFFC000  }
0xef: {  	[spmem:s2] =	stream.indirect.scatter.add.f32 [tilespmem:s14], [sflag:$0x3], $0x80, s9, s12, $0xb8;
	[tilespmem:$0x1CC00] =	vst v63  }
0xf0: {  	_ =	swait.ge [sflag:s10], $0x4000  }
0xf1: {  	[sflag:s10] =	ssyncset.done $0x0  }
0xf2: {  	s7 =	rddreg [dreg:$0xe];
	[sflag:s10] =	ssyncadd.s32 $0xFFFFC000  }
0xf3: {  	[tilespmem:s13], [sflag:$0x1] =	stream.indirect.gather [hbm4b:s4+s12], $0x80, s7, s12, $0xb8;
	[tilespmem:$0x1CC00] =	vst v63  }
0xf4: {  	s9 =	rddreg [dreg:$0xf]  }
0xf5: {  	[tilespmem:s14], [sflag:$0x2] =	stream.indirect.gather [hbm4b:s4+s12], $0x80, s9, s12, $0xb8;
	[tilespmem:$0x1CC00] =	vst v63  }
0xf6: {  	_ =	swait.ge [sflag:s15], $0x4000  }
0xf7: {  	[sflag:s15] =	ssyncset.done $0x0  }
0xf8: {  	s9 =	rddreg [dreg:$0x10];
	[sflag:s15] =	ssyncadd.s32 $0xFFFFC000  }
0xf9: {  	[spmem:s2] =	stream.indirect.scatter.add.f32 [tilespmem:s13], [sflag:$0x3], $0x80, s9, s12, $0xb8;
	[tilespmem:$0x1CC00] =	vst v63  }
0xfa: {  	_ =	swait.ge [sflag:s10], $0x4000  }
0xfb: {  	[sflag:s10] =	ssyncset.done $0x0  }
0xfc: {  	[sflag:s10] =	ssyncadd.s32 $0xFFFFC000  }
0xfd: {  	_ =	swait.ge [sflag:s16], $0x4000  }
0xfe: {  	[sflag:s16] =	ssyncset.done $0x0  }
0xff: {  	[sflag:s16] =	ssyncadd.s32 $0xFFFFC000  }
0x100: {  	[spmem:s2] =	stream.indirect.scatter.add.f32 [tilespmem:s14], [sflag:$0x3], $0x80, s17, s12, $0xb8;
	[tilespmem:$0x1CC00] =	vst v63  }
0x101: {  	_ =	swait.ge [sflag:s10], $0x4000  }
0x102: {  	[sflag:s10] =	ssyncset.done $0x0  }
0x103: {  	[sflag:s10] =	ssyncadd.s32 $0xFFFFC000  }
0x104: {  	[tilespmem:s13], [sflag:$0x1] =	stream.indirect.gather [hbm4b:s4+s12], $0x80, s18, s12, $0xb8;
	[tilespmem:$0x1CC00] =	vst v63  }
0x105: {  	_ = 	snop  }
0x106: {  	[tilespmem:s14], [sflag:$0x2] =	stream.indirect.gather [hbm4b:s4+s12], $0x80, s19, s12, $0xb8;
	[tilespmem:$0x1CC00] =	vst v63  }
0x107: {  	_ =	swait.ge [sflag:s15], $0x4000  }
0x108: {  	[sflag:s15] =	ssyncset.done $0x0  }
0x109: {  	[sflag:s15] =	ssyncadd.s32 $0xFFFFC000  }
0x10a: {  	[spmem:s2] =	stream.indirect.scatter.add.f32 [tilespmem:s13], [sflag:$0x3], $0x80, s20, s12, $0xb8;
	[tilespmem:$0x1CC00] =	vst v63  }
0x10b: {  	_ =	swait.ge [sflag:s10], $0x4000  }
0x10c: {  	[sflag:s10] =	ssyncset.done $0x0  }
0x10d: {  	[sflag:s10] =	ssyncadd.s32 $0xFFFFC000  }
0x10e: {  	_ =	swait.ge [sflag:s16], $0x4000  }
0x10f: {  	[sflag:s16] =	ssyncset.done $0x0  }
0x110: {  	[sflag:s16] =	ssyncadd.s32 $0xFFFFC000  }
0x111: {  	[spmem:s2] =	stream.indirect.scatter.add.f32 [tilespmem:s14], [sflag:$0x3], $0x80, s21, s12, $0xb8;
	[tilespmem:$0x1CC00] =	vst v63  }
0x112: {  	_ =	swait.ge [sflag:s10], $0x4000  }
0x113: {  	[sflag:s10] =	ssyncset.done $0x0  }
0x114: {  	[sflag:s10] =	ssyncadd.s32 $0xFFFFC000  }
0x115: {  	[tilespmem:s13], [sflag:$0x1] =	stream.indirect.gather [hbm4b:s4+s12], $0x80, s22, s12, $0xb8;
	[tilespmem:$0x1CC00] =	vst v63  }
0x116: {  	_ = 	snop  }
0x117: {  	[tilespmem:s14], [sflag:$0x2] =	stream.indirect.gather [hbm4b:s4+s12], $0x80, s23, s12, $0xb8;
	[tilespmem:$0x1CC00] =	vst v63  }
0x118: {  	_ =	swait.ge [sflag:s15], $0x4000  }
0x119: {  	[sflag:s15] =	ssyncset.done $0x0  }
0x11a: {  	[sflag:s15] =	ssyncadd.s32 $0xFFFFC000  }
0x11b: {  	[spmem:s2] =	stream.indirect.scatter.add.f32 [tilespmem:s13], [sflag:$0x3], $0x80, s24, s12, $0xb8;
	[tilespmem:$0x1CC00] =	vst v63  }
0x11c: {  	_ =	swait.ge [sflag:s10], $0x4000  }
0x11d: {  	[sflag:s10] =	ssyncset.done $0x0  }
0x11e: {  	[sflag:s10] =	ssyncadd.s32 $0xFFFFC000  }
0x11f: {  	_ =	swait.ge [sflag:s16], $0x4000  }
0x120: {  	[sflag:s16] =	ssyncset.done $0x0  }
0x121: {  	[sflag:s16] =	ssyncadd.s32 $0xFFFFC000  }
0x122: {  	[spmem:s2] =	stream.indirect.scatter.add.f32 [tilespmem:s14], [sflag:$0x3], $0x80, s25, s12, $0xb8;
	[tilespmem:$0x1CC00] =	vst v63  }
0x123: {  	_ =	swait.ge [sflag:s10], $0x4000  }
0x124: {  	[sflag:s10] =	ssyncset.done $0x0  }
0x125: {  	[sflag:s10] =	ssyncadd.s32 $0xFFFFC000  }
0x126: {  	[tilespmem:s13], [sflag:$0x1] =	stream.indirect.gather [hbm4b:s4+s12], $0x80, s26, s12, $0xb8;
	[tilespmem:$0x1CC00] =	vst v63  }
0x127: {  	_ = 	snop  }
0x128: {  	[tilespmem:s14], [sflag:$0x2] =	stream.indirect.gather [hbm4b:s4+s12], $0x80, s28, s12, $0xb8;
	[tilespmem:$0x1CC00] =	vst v63  }
0x129: {  	_ =	swait.ge [sflag:s15], $0x4000  }
0x12a: {  	[sflag:s15] =	ssyncset.done $0x0  }
0x12b: {  	[sflag:s15] =	ssyncadd.s32 $0xFFFFC000  }
0x12c: {  	[spmem:s2] =	stream.indirect.scatter.add.f32 [tilespmem:s13], [sflag:$0x3], $0x80, s29, s12, $0xb8;
	[tilespmem:$0x1CC00] =	vst v63  }
0x12d: {  	_ =	swait.ge [sflag:s10], $0x4000  }
0x12e: {  	[sflag:s10] =	ssyncset.done $0x0  }
0x12f: {  	[sflag:s10] =	ssyncadd.s32 $0xFFFFC000  }
0x130: {  	_ =	swait.ge [sflag:s16], $0x4000  }
0x131: {  	[sflag:s16] =	ssyncset.done $0x0  }
0x132: {  	[sflag:s16] =	ssyncadd.s32 $0xFFFFC000  }
0x133: {  	[spmem:s2] =	stream.indirect.scatter.add.f32 [tilespmem:s14], [sflag:$0x3], $0x80, s30, s12, $0xb8;
	[tilespmem:$0x1CC00] =	vst v63  }
0x134: {  	_ =	swait.ge [sflag:s10], $0x4000  }
0x135: {  	[sflag:s10] =	ssyncset.done $0x0  }
0x136: {  	[sflag:s10] =	ssyncadd.s32 $0xFFFFC000  }
0x137: {  	[tilespmem:s13], [sflag:$0x1] =	stream.indirect.gather [hbm4b:s4+s12], $0x80, s31, s12, $0xb8;
	[tilespmem:$0x1CC00] =	vst v63  }
0x138: {  	_ = 	snop  }
0x139: {  	[tilespmem:s14], [sflag:$0x2] =	stream.indirect.gather [hbm4b:s4+s12], $0x80, s1, s12, $0xb8;
	[tilespmem:$0x1CC00] =	vst v63  }
0x13a: {  	_ =	swait.ge [sflag:s15], $0x4000  }
0x13b: {  	[sflag:s15] =	ssyncset.done $0x0  }
0x13c: {  	[sflag:s15] =	ssyncadd.s32 $0xFFFFC000  }
0x13d: {  	[spmem:s2] =	stream.indirect.scatter.add.f32 [tilespmem:s13], [sflag:$0x3], $0x80, s0, s12, $0xb8;
	[tilespmem:$0x1CC00] =	vst v63  }
0x13e: {  	_ =	swait.ge [sflag:s10], $0x4000  }
0x13f: {  	[sflag:s10] =	ssyncset.done $0x0  }
0x140: {  	[sflag:s10] =	ssyncadd.s32 $0xFFFFC000  }
0x141: {  	p0 =	sne.s32 s6, $0x400;
	_ =	swait.ge [sflag:s16], $0x4000  }
.Ltmp0:
0x142: {  	[sflag:s16] =	ssyncset.done $0x0;
	(pc) =	sbr.rel @p0 .LBB2_2-.Ltmp0, $4  }
0x143: {  	[sflag:s16] =	ssyncadd.s32 $0xFFFFC000  }
0x144: {  	[spmem:s2] =	stream.indirect.scatter.add.f32 [tilespmem:s14], [sflag:$0x3], $0x80, s5, s12, $0xb8;
	[tilespmem:$0x1CC00] =	vst v63  }
0x145: {  	_ =	swait.ge [sflag:s10], $0x4000  }
0x146: {  	s6 =	sadd.s32 $0x100, s6;
	s9 =	rddreg [dreg:$0x4];
	[sflag:s10] =	ssyncset.done $0x0  }
0x147: {  	[sflag:s10] =	ssyncadd.s32 $0xFFFFC000;
	s6 =	sadd.s32 s8, s9  }
0x148: {  	[tilespmem:s3], [sflag:$0x3] =	stream.linear.gather [hbm4b:s6+s3], $0x800, $0x38;
	[tilespmem:$0x1CC00] =	vst v63  }
0x149: {  	_ =	swait.ge [sflag:s10], $0x800  }
0x14a: {  	s7 =	rddreg [dreg:$0x3];
	[sflag:s10] =	ssyncset.done $0x0  }
0x14b: {  	[sflag:s10] =	ssyncadd.s32 $0xFFFFF800;
	s6 =	sadd.s32 s8, s7  }
0x14c: {  	[tilespmem:s11], [sflag:$0x3] =	stream.linear.gather [hbm4b:s6+s3], $0x800, $0x38;
	[tilespmem:$0x1CC00] =	vst v63  }
0x14d: {  	_ =	swait.ge [sflag:s10], $0x800  }
0x14e: {  	[sflag:s10] =	ssyncset.done $0x0  }
0x14f: {  	[sflag:s10] =	ssyncadd.s32 $0xFFFFF800  }
0x150: {  	[tilespmem:s13], [sflag:$0x1] =	stream.indirect.gather [hbm4b:s4+s12], $0x80, s3, s12, $0xb8;
	[tilespmem:$0x1CC00] =	vst v63  }
0x151: {  	_ = 	snop  }
0x152: {  	[tilespmem:s14], [sflag:$0x2] =	stream.indirect.gather [hbm4b:s4+s12], $0x80, s12, s12, $0xb8;
	[tilespmem:$0x1CC00] =	vst v63  }
0x153: {  	_ =	swait.ge [sflag:s15], $0x4000  }
0x154: {  	[sflag:s15] =	ssyncset.done $0x0  }
0x155: {  	[sflag:s15] =	ssyncadd.s32 $0xFFFFC000  }
0x156: {  	[spmem:s2] =	stream.indirect.scatter.add.f32 [tilespmem:s13], [sflag:$0x3], $0x80, s11, s12, $0xb8;
	[tilespmem:$0x1CC00] =	vst v63  }
0x157: {  	_ =	swait.ge [sflag:s10], $0x4000  }
0x158: {  	[sflag:s10] =	ssyncset.done $0x0  }
0x159: {  	[sflag:s10] =	ssyncadd.s32 $0xFFFFC000  }
0x15a: {  	_ =	swait.ge [sflag:s16], $0x4000  }
0x15b: {  	[sflag:s16] =	ssyncset.done $0x0  }
0x15c: {  	s8 =	rddreg [dreg:$0x5];
	[sflag:s16] =	ssyncadd.s32 $0xFFFFC000  }
0x15d: {  	[spmem:s2] =	stream.indirect.scatter.add.f32 [tilespmem:s14], [sflag:$0x3], $0x80, s8, s12, $0xb8;
	[tilespmem:$0x1CC00] =	vst v63  }
0x15e: {  	_ =	swait.ge [sflag:s10], $0x4000  }
0x15f: {  	[sflag:s10] =	ssyncset.done $0x0  }
0x160: {  	s9 =	rddreg [dreg:$0x6];
	[sflag:s10] =	ssyncadd.s32 $0xFFFFC000  }
0x161: {  	[tilespmem:s13], [sflag:$0x1] =	stream.indirect.gather [hbm4b:s4+s12], $0x80, s9, s12, $0xb8;
	[tilespmem:$0x1CC00] =	vst v63  }
0x162: {  	s7 =	rddreg [dreg:$0x7]  }
0x163: {  	[tilespmem:s14], [sflag:$0x2] =	stream.indirect.gather [hbm4b:s4+s12], $0x80, s7, s12, $0xb8;
	[tilespmem:$0x1CC00] =	vst v63  }
0x164: {  	_ =	swait.ge [sflag:s15], $0x4000  }
0x165: {  	[sflag:s15] =	ssyncset.done $0x0  }
0x166: {  	s8 =	rddreg [dreg:$0x8];
	[sflag:s15] =	ssyncadd.s32 $0xFFFFC000  }
0x167: {  	[spmem:s2] =	stream.indirect.scatter.add.f32 [tilespmem:s13], [sflag:$0x3], $0x80, s8, s12, $0xb8;
	[tilespmem:$0x1CC00] =	vst v63  }
0x168: {  	_ =	swait.ge [sflag:s10], $0x4000  }
0x169: {  	[sflag:s10] =	ssyncset.done $0x0  }
0x16a: {  	[sflag:s10] =	ssyncadd.s32 $0xFFFFC000  }
0x16b: {  	_ =	swait.ge [sflag:s16], $0x4000  }
0x16c: {  	[sflag:s16] =	ssyncset.done $0x0  }
0x16d: {  	s9 =	rddreg [dreg:$0x9];
	[sflag:s16] =	ssyncadd.s32 $0xFFFFC000  }
0x16e: {  	[spmem:s2] =	stream.indirect.scatter.add.f32 [tilespmem:s14], [sflag:$0x3], $0x80, s9, s12, $0xb8;
	[tilespmem:$0x1CC00] =	vst v63  }
0x16f: {  	_ =	swait.ge [sflag:s10], $0x4000  }
0x170: {  	[sflag:s10] =	ssyncset.done $0x0  }
0x171: {  	s7 =	rddreg [dreg:$0xa];
	[sflag:s10] =	ssyncadd.s32 $0xFFFFC000  }
0x172: {  	[tilespmem:s13], [sflag:$0x1] =	stream.indirect.gather [hbm4b:s4+s12], $0x80, s7, s12, $0xb8;
	[tilespmem:$0x1CC00] =	vst v63  }
0x173: {  	s8 =	rddreg [dreg:$0xb]  }
0x174: {  	[tilespmem:s14], [sflag:$0x2] =	stream.indirect.gather [hbm4b:s4+s12], $0x80, s8, s12, $0xb8;
	[tilespmem:$0x1CC00] =	vst v63  }
0x175: {  	_ =	swait.ge [sflag:s15], $0x4000  }
0x176: {  	[sflag:s15] =	ssyncset.done $0x0  }
0x177: {  	s9 =	rddreg [dreg:$0xc];
	[sflag:s15] =	ssyncadd.s32 $0xFFFFC000  }
0x178: {  	[spmem:s2] =	stream.indirect.scatter.add.f32 [tilespmem:s13], [sflag:$0x3], $0x80, s9, s12, $0xb8;
	[tilespmem:$0x1CC00] =	vst v63  }
0x179: {  	_ =	swait.ge [sflag:s10], $0x4000  }
0x17a: {  	[sflag:s10] =	ssyncset.done $0x0  }
0x17b: {  	[sflag:s10] =	ssyncadd.s32 $0xFFFFC000  }
0x17c: {  	_ =	swait.ge [sflag:s16], $0x4000  }
0x17d: {  	[sflag:s16] =	ssyncset.done $0x0  }
0x17e: {  	s7 =	rddreg [dreg:$0xd];
	[sflag:s16] =	ssyncadd.s32 $0xFFFFC000  }
0x17f: {  	[spmem:s2] =	stream.indirect.scatter.add.f32 [tilespmem:s14], [sflag:$0x3], $0x80, s7, s12, $0xb8;
	[tilespmem:$0x1CC00] =	vst v63  }
0x180: {  	_ =	swait.ge [sflag:s10], $0x4000  }
0x181: {  	[sflag:s10] =	ssyncset.done $0x0  }
0x182: {  	s8 =	rddreg [dreg:$0xe];
	[sflag:s10] =	ssyncadd.s32 $0xFFFFC000  }
0x183: {  	[tilespmem:s13], [sflag:$0x1] =	stream.indirect.gather [hbm4b:s4+s12], $0x80, s8, s12, $0xb8;
	[tilespmem:$0x1CC00] =	vst v63  }
0x184: {  	s9 =	rddreg [dreg:$0xf]  }
0x185: {  	[tilespmem:s14], [sflag:$0x2] =	stream.indirect.gather [hbm4b:s4+s12], $0x80, s9, s12, $0xb8;
	[tilespmem:$0x1CC00] =	vst v63  }
0x186: {  	_ =	swait.ge [sflag:s15], $0x4000  }
0x187: {  	[sflag:s15] =	ssyncset.done $0x0  }
0x188: {  	s8 =	rddreg [dreg:$0x10];
	[sflag:s15] =	ssyncadd.s32 $0xFFFFC000  }
0x189: {  	[spmem:s2] =	stream.indirect.scatter.add.f32 [tilespmem:s13], [sflag:$0x3], $0x80, s8, s12, $0xb8;
	[tilespmem:$0x1CC00] =	vst v63  }
0x18a: {  	_ =	swait.ge [sflag:s10], $0x4000  }
0x18b: {  	[sflag:s10] =	ssyncset.done $0x0  }
0x18c: {  	[sflag:s10] =	ssyncadd.s32 $0xFFFFC000  }
0x18d: {  	_ =	swait.ge [sflag:s16], $0x4000  }
0x18e: {  	[sflag:s16] =	ssyncset.done $0x0  }
0x18f: {  	[sflag:s16] =	ssyncadd.s32 $0xFFFFC000  }
0x190: {  	[spmem:s2] =	stream.indirect.scatter.add.f32 [tilespmem:s14], [sflag:$0x3], $0x80, s17, s12, $0xb8;
	[tilespmem:$0x1CC00] =	vst v63  }
0x191: {  	_ =	swait.ge [sflag:s10], $0x4000  }
0x192: {  	[sflag:s10] =	ssyncset.done $0x0  }
0x193: {  	[sflag:s10] =	ssyncadd.s32 $0xFFFFC000  }
0x194: {  	[tilespmem:s13], [sflag:$0x1] =	stream.indirect.gather [hbm4b:s4+s12], $0x80, s18, s12, $0xb8;
	[tilespmem:$0x1CC00] =	vst v63  }
0x195: {  	_ = 	snop  }
0x196: {  	[tilespmem:s14], [sflag:$0x2] =	stream.indirect.gather [hbm4b:s4+s12], $0x80, s19, s12, $0xb8;
	[tilespmem:$0x1CC00] =	vst v63  }
0x197: {  	_ =	swait.ge [sflag:s15], $0x4000  }
0x198: {  	[sflag:s15] =	ssyncset.done $0x0  }
0x199: {  	[sflag:s15] =	ssyncadd.s32 $0xFFFFC000  }
0x19a: {  	[spmem:s2] =	stream.indirect.scatter.add.f32 [tilespmem:s13], [sflag:$0x3], $0x80, s20, s12, $0xb8;
	[tilespmem:$0x1CC00] =	vst v63  }
0x19b: {  	_ =	swait.ge [sflag:s10], $0x4000  }
0x19c: {  	[sflag:s10] =	ssyncset.done $0x0  }
0x19d: {  	[sflag:s10] =	ssyncadd.s32 $0xFFFFC000  }
0x19e: {  	_ =	swait.ge [sflag:s16], $0x4000  }
0x19f: {  	[sflag:s16] =	ssyncset.done $0x0  }
0x1a0: {  	[sflag:s16] =	ssyncadd.s32 $0xFFFFC000  }
0x1a1: {  	[spmem:s2] =	stream.indirect.scatter.add.f32 [tilespmem:s14], [sflag:$0x3], $0x80, s21, s12, $0xb8;
	[tilespmem:$0x1CC00] =	vst v63  }
0x1a2: {  	_ =	swait.ge [sflag:s10], $0x4000  }
0x1a3: {  	[sflag:s10] =	ssyncset.done $0x0  }
0x1a4: {  	[sflag:s10] =	ssyncadd.s32 $0xFFFFC000  }
0x1a5: {  	[tilespmem:s13], [sflag:$0x1] =	stream.indirect.gather [hbm4b:s4+s12], $0x80, s22, s12, $0xb8;
	[tilespmem:$0x1CC00] =	vst v63  }
0x1a6: {  	_ = 	snop  }
0x1a7: {  	[tilespmem:s14], [sflag:$0x2] =	stream.indirect.gather [hbm4b:s4+s12], $0x80, s23, s12, $0xb8;
	[tilespmem:$0x1CC00] =	vst v63  }
0x1a8: {  	_ =	swait.ge [sflag:s15], $0x4000  }
0x1a9: {  	[sflag:s15] =	ssyncset.done $0x0  }
0x1aa: {  	[sflag:s15] =	ssyncadd.s32 $0xFFFFC000  }
0x1ab: {  	[spmem:s2] =	stream.indirect.scatter.add.f32 [tilespmem:s13], [sflag:$0x3], $0x80, s24, s12, $0xb8;
	[tilespmem:$0x1CC00] =	vst v63  }
0x1ac: {  	_ =	swait.ge [sflag:s10], $0x4000  }
0x1ad: {  	[sflag:s10] =	ssyncset.done $0x0  }
0x1ae: {  	[sflag:s10] =	ssyncadd.s32 $0xFFFFC000  }
0x1af: {  	_ =	swait.ge [sflag:s16], $0x4000  }
0x1b0: {  	[sflag:s16] =	ssyncset.done $0x0  }
0x1b1: {  	[sflag:s16] =	ssyncadd.s32 $0xFFFFC000  }
0x1b2: {  	[spmem:s2] =	stream.indirect.scatter.add.f32 [tilespmem:s14], [sflag:$0x3], $0x80, s25, s12, $0xb8;
	[tilespmem:$0x1CC00] =	vst v63  }
0x1b3: {  	_ =	swait.ge [sflag:s10], $0x4000  }
0x1b4: {  	[sflag:s10] =	ssyncset.done $0x0  }
0x1b5: {  	[sflag:s10] =	ssyncadd.s32 $0xFFFFC000  }
0x1b6: {  	[tilespmem:s13], [sflag:$0x1] =	stream.indirect.gather [hbm4b:s4+s12], $0x80, s26, s12, $0xb8;
	[tilespmem:$0x1CC00] =	vst v63  }
0x1b7: {  	_ = 	snop  }
0x1b8: {  	[tilespmem:s14], [sflag:$0x2] =	stream.indirect.gather [hbm4b:s4+s12], $0x80, s28, s12, $0xb8;
	[tilespmem:$0x1CC00] =	vst v63  }
0x1b9: {  	_ =	swait.ge [sflag:s15], $0x4000  }
0x1ba: {  	[sflag:s15] =	ssyncset.done $0x0  }
0x1bb: {  	[sflag:s15] =	ssyncadd.s32 $0xFFFFC000  }
0x1bc: {  	[spmem:s2] =	stream.indirect.scatter.add.f32 [tilespmem:s13], [sflag:$0x3], $0x80, s29, s12, $0xb8;
	[tilespmem:$0x1CC00] =	vst v63  }
0x1bd: {  	_ =	swait.ge [sflag:s10], $0x4000  }
0x1be: {  	[sflag:s10] =	ssyncset.done $0x0  }
0x1bf: {  	[sflag:s10] =	ssyncadd.s32 $0xFFFFC000  }
0x1c0: {  	_ =	swait.ge [sflag:s16], $0x4000  }
0x1c1: {  	[sflag:s16] =	ssyncset.done $0x0  }
0x1c2: {  	[sflag:s16] =	ssyncadd.s32 $0xFFFFC000  }
0x1c3: {  	[spmem:s2] =	stream.indirect.scatter.add.f32 [tilespmem:s14], [sflag:$0x3], $0x80, s30, s12, $0xb8;
	[tilespmem:$0x1CC00] =	vst v63  }
0x1c4: {  	_ =	swait.ge [sflag:s10], $0x4000  }
0x1c5: {  	[sflag:s10] =	ssyncset.done $0x0  }
0x1c6: {  	[sflag:s10] =	ssyncadd.s32 $0xFFFFC000  }
0x1c7: {  	[tilespmem:s13], [sflag:$0x1] =	stream.indirect.gather [hbm4b:s4+s12], $0x80, s31, s12, $0xb8;
	[tilespmem:$0x1CC00] =	vst v63  }
0x1c8: {  	_ = 	snop  }
0x1c9: {  	[tilespmem:s14], [sflag:$0x2] =	stream.indirect.gather [hbm4b:s4+s12], $0x80, s1, s12, $0xb8;
	[tilespmem:$0x1CC00] =	vst v63  }
0x1ca: {  	_ =	swait.ge [sflag:s15], $0x4000  }
0x1cb: {  	[sflag:s15] =	ssyncset.done $0x0  }
0x1cc: {  	[sflag:s15] =	ssyncadd.s32 $0xFFFFC000  }
0x1cd: {  	[spmem:s2] =	stream.indirect.scatter.add.f32 [tilespmem:s13], [sflag:$0x3], $0x80, s0, s12, $0xb8;
	[tilespmem:$0x1CC00] =	vst v63  }
0x1ce: {  	_ =	swait.ge [sflag:s10], $0x4000  }
0x1cf: {  	[sflag:s10] =	ssyncset.done $0x0  }
0x1d0: {  	[sflag:s10] =	ssyncadd.s32 $0xFFFFC000  }
0x1d1: {  	_ =	swait.ge [sflag:s16], $0x4000  }
0x1d2: {  	[sflag:s16] =	ssyncset.done $0x0  }
0x1d3: {  	[sflag:s16] =	ssyncadd.s32 $0xFFFFC000  }
0x1d4: {  	[spmem:s2] =	stream.indirect.scatter.add.f32 [tilespmem:s14], [sflag:$0x3], $0x80, s5, s12, $0xb8;
	[tilespmem:$0x1CC00] =	vst v63  }
0x1d5: {  	_ =	swait.ge [sflag:s10], $0x4000  }
0x1d6: {  	[sflag:s10] =	ssyncset.done $0x0  }
0x1d7: {  	[sflag:s10] =	ssyncadd.s32 $0xFFFFC000  }
0x1d8: {  	[bflag:$0x0] =	sbarrier.arrive $0xFFFF  }
0x1d9: {  	s7 =	rddreg [dreg:$0x12]  }
0x1da: {  	s9 =	rddreg [dreg:$0x13]  }
0x1db: {  	s8 =	rddreg [dreg:$0x15]  }
0x1dc: {  	[hbm:s9], [sflag:s7] =	dma.local [spmem:s8], $0x2780  }
0x1dd: {  	_ =	swait.ge [sflag:s10], $0x2780  }
0x1de: {  	s6 =	rddreg [dreg:$0x16]  }
0x1df: {  	s9 =	sadd.s32 $0x1, s6;
	s6 =	rddreg [dreg:$0x14]  }
0x1e0: {  	p0 =	sne.s32 s9, s6  }
.Ltmp1:
0x1e1: {  	_ = 	snop;
	(pc) =	sbr.rel @p0 .LBB2_1-.Ltmp1, $3  }
0x1e2: {  	_ =	sdelay $0x1  }
0x1e3: {  	[sflag:s10] =	ssyncset.done $0x0  }
0x1e4: {  	[sflag:s10] =	ssyncadd.s32 $0xFFFFD880  }
0x1e5: {  	_ =	sfence.sel $0x180000  }
0x1e6: {  	[bflag:$0x0] =	sbarrier.arrive $0xFFFF  }
0x1e7: {  	_ =	strace $0x90000050  }
0x1e8: {  	s0 =	stileid.u32;
	[bflag:$0x2] =	sbarrier.arrive $0xFFFF  }
0x1e9: {  	p0 =	sne.s32 s0, $0x0;
	s0 =	rddreg [dreg:$0x2]  }
0x1ea: {  	s0 =	sadd.s32 @!p0 $0x100000, s0  }
0x1eb: {  	[sflag:s0] =	ssyncadd.tile.s32 @!p0 $0x1;
	_ =	shalt  }
.Lfunc_end2:
_tile_overlayer_lowered:
.L_overlay_start_2:
0x1ec: {  	(tag) =	ssettag $0x2  }
0x1ed: {  	s0 =	rddreg [dreg:$0x0];
	s2 =	stileid.u32  }
0x1ee: {  	s1 =	rddreg [dreg:$0x1];
	p0 =	sne.s32 s2, $0x0  }
0x1ef: {  	s3 =	rddreg [dreg:$0x2];
	[bflag:$0x3] =	sbarrier.arrive $0xFFFF;
	s2 =	simm.s32 @!p0 $0x1C03  }
0x1f0: {  	[timem:s3], [sflag:s2] =	dma.local @!p0 [hbm:s0], s1  }
0x1f1: {  	s0 =	simm.s32 @!p0 $0x3  }
0x1f2: {  	_ =	swait.ge @!p0 [sflag:s0], s1  }
0x1f3: {  	s1 =	ssub.s32 @!p0 $0x0, s1;
	[sflag:s0] =	ssyncset.done @!p0 $0x0  }
0x1f4: {  	[sflag:s0] =	ssyncadd.s32 @!p0 s1  }
0x1f5: {  	[bflag:$0x3] =	sbarrier.arrive $0xFFFF  }
0x1f6: {  	_ =	shalt  }

</sc_bundles>
